<compile_context>
chip_gen: v7x
topology: tpu7x:2x2x1
jax: 0.10.2.dev20260603
libtpu: 0.0.44.dev20260713+nightly
codegen_flags: <defaults>
</compile_context>

<pallas_src>
import jax
import jax.numpy as jnp
from jax import lax
from jax.experimental import pallas as pl
from jax.experimental.pallas import tpu as pltpu
from jax.experimental.pallas import tpu_sc as plsc

N = 10000
E = 320000
FD = 256
D = 128
NR = 200

NC = 2
NS = 16

EPW = 20480
NCH = EPW // 128
ROWS_A = 10112
SLAB = ROWS_A // NS
TRASH = 10016
GREL_PAD = 500


GRP = 40


def _stream_pass(table, idxs, dsts, rbase, acc,
                 sidx, didx, gbuf0, gbuf1, sem0, sem1):
    for grp in range(NCH // GRP):
        pltpu.sync_copy(idxs.at[pl.ds(rbase + grp * GRP, GRP)], sidx)
        pltpu.sync_copy(dsts.at[pl.ds(rbase + grp * GRP, GRP)], didx)
        pltpu.async_copy(table.at[sidx.at[0]], gbuf0, sem0)
        pltpu.async_copy(table.at[sidx.at[1]], gbuf1, sem1)

        def body(i, carry):
            k0 = 2 * i
            k1 = 2 * i + 1
            pltpu.make_async_copy(table.at[sidx.at[k0]], gbuf0, sem0).wait()
            pltpu.sync_copy(gbuf0, acc.at[didx.at[k0]], add=True)

            @pl.when(k0 + 2 < GRP)
            def _():
                pltpu.async_copy(table.at[sidx.at[k0 + 2]], gbuf0, sem0)

            pltpu.make_async_copy(table.at[sidx.at[k1]], gbuf1, sem1).wait()
            pltpu.sync_copy(gbuf1, acc.at[didx.at[k1]], add=True)

            @pl.when(k1 + 2 < GRP)
            def _():
                pltpu.async_copy(table.at[sidx.at[k1 + 2]], gbuf1, sem1)

            return carry

        lax.fori_loop(0, GRP // 2, body, 0)


def _sc_pre_kernel(h, srcs, dsts, cols, grel, ones_tab, zeros_a,
                   outr, outc, outa,
                   acc, tab, sidx, didx, gbuf0, gbuf1, sem0, sem1):
    c = lax.axis_index("c")
    s = lax.axis_index("s")
    rbase = (c * NS + s) * NCH
    ob = c * ROWS_A + s * SLAB

    def zero_acc():
        pltpu.sync_copy(zeros_a.at[pl.ds(s * SLAB, SLAB)],
                        acc.at[pl.ds(s * SLAB, SLAB)])

    def dump(out):
        pltpu.sync_copy(acc.at[pl.ds(s * SLAB, SLAB)], out.at[pl.ds(ob, SLAB)])

    zero_acc()

    @pl.when(s == 0)
    def _():
        pltpu.sync_copy(grel, tab)

    plsc.subcore_barrier()
    _stream_pass(tab, cols, dsts, rbase, acc,
                 sidx, didx, gbuf0, gbuf1, sem0, sem1)
    plsc.subcore_barrier()
    dump(outr)
    plsc.subcore_barrier()

    zero_acc()
    pltpu.sync_copy(ones_tab.at[pl.ds(0, 128)], gbuf0)
    plsc.subcore_barrier()

    def fire(j, carry):
        pltpu.async_copy(gbuf0, acc.at[didx.at[j]], sem0, add=True)
        return carry

    def drain(j, carry):
        pltpu.make_async_copy(gbuf0, acc.at[didx.at[0]], sem0).wait()
        return carry

    for grp in range(NCH // GRP):
        pltpu.sync_copy(dsts.at[pl.ds(rbase + grp * GRP, GRP)], didx)
        lax.fori_loop(0, GRP, fire, 0)
        lax.fori_loop(0, GRP, drain, 0)
    plsc.subcore_barrier()
    dump(outc)
    plsc.subcore_barrier()

    zero_acc()
    plsc.subcore_barrier()
    _stream_pass(h, srcs, dsts, rbase, acc,
                 sidx, didx, gbuf0, gbuf1, sem0, sem1)
    plsc.subcore_barrier()
    dump(outa)


def _sc_pre(h, srcs, dsts, cols, grel, ones_tab, zeros_a):
    return pl.kernel(
        _sc_pre_kernel,
        out_type=(
            jax.ShapeDtypeStruct((2 * ROWS_A, D), jnp.float32),
            jax.ShapeDtypeStruct((2 * ROWS_A, D), jnp.float32),
            jax.ShapeDtypeStruct((2 * ROWS_A, D), jnp.float32),
        ),
        mesh=plsc.VectorSubcoreMesh(core_axis_name="c", subcore_axis_name="s"),
        scratch_types=[
            pltpu.VMEM_SHARED((ROWS_A, D), jnp.float32),
            pltpu.VMEM_SHARED((512, D), jnp.float32),
            pltpu.VMEM((GRP, 128), jnp.int32),
            pltpu.VMEM((GRP, 128), jnp.int32),
            pltpu.VMEM((128, D), jnp.float32),
            pltpu.VMEM((128, D), jnp.float32),
            pltpu.SemaphoreType.DMA,
            pltpu.SemaphoreType.DMA,
        ],
    )(h, srcs, dsts, cols, grel, ones_tab, zeros_a)


def _sc_accum_kernel(h, srcs, dsts, zeros_a, out, acc,
                     sidx, didx, gbuf0, gbuf1, sem0, sem1):
    c = lax.axis_index("c")
    s = lax.axis_index("s")

    pltpu.sync_copy(zeros_a.at[pl.ds(s * SLAB, SLAB)],
                    acc.at[pl.ds(s * SLAB, SLAB)])
    rbase = (c * NS + s) * NCH
    plsc.subcore_barrier()
    _stream_pass(h, srcs, dsts, rbase, acc,
                 sidx, didx, gbuf0, gbuf1, sem0, sem1)
    plsc.subcore_barrier()

    ob = c * ROWS_A + s * SLAB
    pltpu.sync_copy(acc.at[pl.ds(s * SLAB, SLAB)], out.at[pl.ds(ob, SLAB)])


def _sc_accum(h, srcs, dsts, zeros_a):
    return pl.kernel(
        _sc_accum_kernel,
        out_type=jax.ShapeDtypeStruct((2 * ROWS_A, D), jnp.float32),
        mesh=plsc.VectorSubcoreMesh(core_axis_name="c", subcore_axis_name="s"),
        scratch_types=[
            pltpu.VMEM_SHARED((ROWS_A, D), jnp.float32),
            pltpu.VMEM((GRP, 128), jnp.int32),
            pltpu.VMEM((GRP, 128), jnp.int32),
            pltpu.VMEM((128, D), jnp.float32),
            pltpu.VMEM((128, D), jnp.float32),
            pltpu.SemaphoreType.DMA,
            pltpu.SemaphoreType.DMA,
        ],
    )(h, srcs, dsts, zeros_a)



def _feat_kernel(x_ref, w_ref, b_ref, ra0_ref, wr0_ref, wr1_ref, l1_ref,
                 h_ref, ra1_ref, rout_ref):
    h_ref[...] = jnp.dot(x_ref[...], w_ref[...],
                         preferred_element_type=jnp.float32) + b_ref[0:1, :]
    ra1 = jnp.dot(ra0_ref[...], wr0_ref[...], preferred_element_type=jnp.float32)
    rows = lax.broadcasted_iota(jnp.int32, ra1.shape, 0)
    ra1 = jnp.where(rows == 401, l1_ref[0:1, :], ra1)
    ra1_ref[...] = ra1
    rout_ref[...] = jnp.dot(ra1, wr1_ref[...], preferred_element_type=jnp.float32)


def _combine_kernel(ain_ref, aout_ref, rin_ref, rout_ref, cin_ref, cout_ref,
                    h_ref, win_ref, wout_ref, wloop_ref,
                    sm_ref, pre_ref, stats_ref, acc):
    i = pl.program_id(0)

    @pl.when(i == 0)
    def _():
        acc[...] = jnp.zeros_like(acc)

    ni = jnp.maximum(cin_ref[:, 0:1], 1.0)
    no = jnp.maximum(cout_ref[:, 0:1], 1.0)
    in_res = jnp.dot((ain_ref[...] - rin_ref[...]) / ni, win_ref[...],
                     preferred_element_type=jnp.float32)
    out_res = jnp.dot((aout_ref[...] - rout_ref[...]) / no, wout_ref[...],
                      preferred_element_type=jnp.float32)
    loop_res = jnp.dot(h_ref[...] - sm_ref[0:1, :], wloop_ref[...],
                       preferred_element_type=jnp.float32)
    pre = (in_res + out_res + loop_res) / 3.0 + sm_ref[1:2, :]
    pre_ref[...] = pre
    acc[0:1, :] += jnp.sum(pre, axis=0, keepdims=True)
    acc[1:2, :] += jnp.sum(pre * pre, axis=0, keepdims=True)

    @pl.when(i == pl.num_programs(0) - 1)
    def _():
        stats_ref[...] = acc[...]


def _relstep_kernel(r_ref, w_ref, o_ref):
    o_ref[...] = jnp.dot(r_ref[...], w_ref[...],
                         preferred_element_type=jnp.float32)


def _bn_kernel(pre_ref, stats_ref, sm_ref, h_ref):
    mu = stats_ref[0:1, :] / float(N)
    ex2 = stats_ref[1:2, :] / float(N)
    var = ex2 - mu * mu
    inv = lax.rsqrt(var + 1e-5)
    h = (pre_ref[...] - mu) * inv * sm_ref[2:3, :] + sm_ref[3:4, :]
    h_ref[...] = jnp.maximum(h, 0.0)


def _tc_feat(x, feat_W, featb8, ra0p, wr0, wr1, l18):
    return pl.pallas_call(
        _feat_kernel,
        out_shape=(
            jax.ShapeDtypeStruct((N, D), jnp.float32),
            jax.ShapeDtypeStruct((408, D), jnp.float32),
            jax.ShapeDtypeStruct((408, D), jnp.float32),
        ),
    )(x, feat_W, featb8, ra0p, wr0, wr1, l18)


def _tc_combine(ain, aout, rin, rout, cin, cout, h, win, wout, wloop, sm):
    nb = 10
    blk = N // nb
    row = lambda i: (i, 0)
    full = lambda i: (0, 0)
    return pl.pallas_call(
        _combine_kernel,
        grid=(nb,),
        in_specs=[
            pl.BlockSpec((blk, D), row),
            pl.BlockSpec((blk, D), row),
            pl.BlockSpec((blk, D), row),
            pl.BlockSpec((blk, D), row),
            pl.BlockSpec((blk, D), row),
            pl.BlockSpec((blk, D), row),
            pl.BlockSpec((blk, D), row),
            pl.BlockSpec((D, D), full),
            pl.BlockSpec((D, D), full),
            pl.BlockSpec((D, D), full),
            pl.BlockSpec((8, D), full),
        ],
        out_specs=[
            pl.BlockSpec((blk, D), row),
            pl.BlockSpec((8, D), full),
        ],
        out_shape=(
            jax.ShapeDtypeStruct((N, D), jnp.float32),
            jax.ShapeDtypeStruct((8, D), jnp.float32),
        ),
        scratch_shapes=[pltpu.VMEM((8, D), jnp.float32)],
    )(ain, aout, rin, rout, cin, cout, h, win, wout, wloop, sm)


def _tc_relstep(r2, w):
    return pl.pallas_call(
        _relstep_kernel,
        out_shape=jax.ShapeDtypeStruct((2 * ROWS_A, D), jnp.float32),
    )(r2, w)


def _tc_bn(pre, stats, sm):
    return pl.pallas_call(
        _bn_kernel,
        out_shape=jax.ShapeDtypeStruct((N, D), jnp.float32),
    )(pre, stats, sm)


def _pack8(*rows):
    out = [jnp.reshape(r, (1, D)) for r in rows]
    out += [jnp.zeros((1, D), jnp.float32)] * (8 - len(out))
    return jnp.concatenate(out, axis=0)


def kernel(x, edge_index, edge_type, quals, feat_W, feat_b, init_rel,
           conv0_w_in, conv0_w_out, conv0_w_loop, conv0_w_rel, conv0_loop_rel,
           conv0_bias, conv0_gamma, conv0_beta,
           conv1_w_in, conv1_w_out, conv1_w_loop, conv1_w_rel, conv1_loop_rel,
           conv1_bias, conv1_gamma, conv1_beta):
    del quals
    ei0 = edge_index[0].astype(jnp.int32)
    ei1 = edge_index[1].astype(jnp.int32)
    et = edge_type.astype(jnp.int32)

    pad = EPW * NS - E
    z_pad = jnp.zeros((pad,), jnp.int32)
    t_pad = jnp.full((pad,), TRASH, jnp.int32)
    c_pad = jnp.full((pad,), GREL_PAD, jnp.int32)
    srcs = jnp.concatenate([ei0, z_pad, ei1, z_pad]).reshape(2 * NS * NCH, 128)
    dsts = jnp.concatenate([ei1, t_pad, ei0, t_pad]).reshape(2 * NS * NCH, 128)
    cols = jnp.concatenate([et, c_pad, et + 256, c_pad]).reshape(2 * NS * NCH, 128)

    zeros_a = jnp.zeros((ROWS_A, D), jnp.float32)
    ones_tab = jnp.ones((512, D), jnp.float32)

    ra0p = jnp.concatenate(
        [init_rel, conv0_loop_rel, jnp.zeros((6, D), jnp.float32)], axis=0)
    zrow56 = jnp.zeros((56, D), jnp.float32)
    grel = jnp.concatenate([ra0p[:200], zrow56, ra0p[200:400], zrow56], axis=0)
    featb8 = _pack8(feat_b)
    l18 = _pack8(conv1_loop_rel[0])

    h0, ra1p, routp = _tc_feat(x, feat_W, featb8, ra0p, conv0_w_rel,
                               conv1_w_rel, l18)

    r0, cnt, a0 = _sc_pre(h0, srcs, dsts, cols, grel, ones_tab, zeros_a)
    r1 = _tc_relstep(r0, conv0_w_rel)

    rins = (r0[:N], r1[:N])
    routs = (r0[ROWS_A:ROWS_A + N], r1[ROWS_A:ROWS_A + N])
    cin = cnt[:N]
    cout = cnt[ROWS_A:ROWS_A + N]

    h = h0
    params = [
        (conv0_w_in, conv0_w_out, conv0_w_loop, conv0_loop_rel, conv0_bias,
         conv0_gamma, conv0_beta),
        (conv1_w_in, conv1_w_out, conv1_w_loop, conv1_loop_rel,
         conv1_bias, conv1_gamma, conv1_beta),
    ]
    for li, (w_in, w_out, w_loop, loop_rel, bias, gamma, beta) in enumerate(params):
        a = a0 if li == 0 else _sc_accum(h, srcs, dsts, zeros_a)
        ain = a[:N]
        aout = a[ROWS_A:ROWS_A + N]
        sm = _pack8(loop_rel[0], bias, gamma, beta)
        pre, stats = _tc_combine(ain, aout, rins[li], routs[li], cin, cout, h,
                                 w_in, w_out, w_loop, sm)
        h = _tc_bn(pre, stats, sm)

    return (h, routp[:401])

# --- scband reference (transcript-rebuilt; emitter-appended) ---
"""Pipeline reference for scband-star-e-py-g-encoder-54589034332743 (READ-ONLY COPY).

The authoritative reference and input builder live on the scoring server;
editing this copy changes nothing except your own understanding.
"""

import jax, jax.numpy as jnp
import numpy as np

N = 10000
E = 320000
FD = 256
D = 128
NR = 200


def setup_inputs(seed: int = 0) -> dict:
    key = jax.random.key(seed)
    k = [jax.random.fold_in(key, i) for i in range(64)]
    inp = {}
    inp["x"] = jax.random.normal(k[0], (N, FD), dtype=jnp.float32)
    inp["edge_index"] = jax.random.randint(k[1], (2, E), 0, N)
    inp["edge_type"] = jax.random.randint(k[2], (E,), 0, NR)
    inp["quals"] = jax.random.randint(k[3], (3, 10000), 0, 2 * NR)
    inp["feat_W"] = jax.random.normal(k[4], (FD, D), dtype=jnp.float32) * 0.05
    inp["feat_b"] = jnp.zeros((D,), dtype=jnp.float32)
    ir = jax.random.normal(k[5], (2 * NR + 1, D), dtype=jnp.float32) * 0.05
    inp["init_rel"] = ir.at[-1].set(0.0)  # padding_idx row
    ki = 6
    for l in range(2):
        for pname in ["w_in", "w_out", "w_loop", "w_rel"]:
            inp[f"conv{l}_{pname}"] = jax.random.normal(k[ki], (D, D), dtype=jnp.float32) * 0.05
            ki += 1
        inp[f"conv{l}_loop_rel"] = jax.random.normal(k[ki], (1, D), dtype=jnp.float32) * 0.05
        ki += 1
        inp[f"conv{l}_bias"] = jnp.zeros((D,), dtype=jnp.float32)
        inp[f"conv{l}_gamma"] = jnp.ones((D,), dtype=jnp.float32)
        inp[f"conv{l}_beta"] = jnp.zeros((D,), dtype=jnp.float32)
    return inp


def _stare_conv(x, edge_index, edge_type, rel_embed, w_in, w_out, w_loop, w_rel, loop_rel, bias, gamma, beta):
    n = x.shape[0]
    rel_all = jnp.concatenate([rel_embed, loop_rel], axis=0)
    half = edge_index.shape[1] // 2

    def prop(idx, typ, w):
        src = idx[0]
        dst = idx[1]
        # 'sub' composition (CompGCN): phi(e_s, e_r) = e_s - e_r, then linear transform
        msg = (x[src] - rel_all[typ]) @ w
        agg = jax.ops.segment_sum(msg, dst, num_segments=n)
        cnt = jax.ops.segment_sum(jnp.ones((idx.shape[1],), dtype=msg.dtype), dst, num_segments=n)
        return agg / jnp.maximum(cnt, 1.0)[:, None]

    in_res = prop(edge_index[:, :half], edge_type[:half], w_in)
    out_res = prop(edge_index[:, half:], edge_type[half:], w_out)
    loop_res = (x - loop_rel) @ w_loop
    out = (in_res + out_res + loop_res) / 3.0 + bias
    # BatchNorm1d with batch statistics (training-mode semantics)
    mu = out.mean(axis=0)
    var = out.var(axis=0)
    out = (out - mu) / jnp.sqrt(var + 1e-5) * gamma + beta
    out = jax.nn.relu(out)
    r_new = (rel_all @ w_rel)[:-1]
    return out, r_new


def reference(x, edge_index, edge_type, quals, feat_W, feat_b, init_rel,
              conv0_w_in, conv0_w_out, conv0_w_loop, conv0_w_rel, conv0_loop_rel, conv0_bias, conv0_gamma, conv0_beta,
              conv1_w_in, conv1_w_out, conv1_w_loop, conv1_w_rel, conv1_loop_rel, conv1_bias, conv1_gamma, conv1_beta):
    # add reverse edges with shifted relation types (forward_base)
    rev = jnp.stack([edge_index[1], edge_index[0]], axis=0)
    ei = jnp.concatenate([edge_index, rev], axis=1)
    et = jnp.concatenate([edge_type, edge_type + NR], axis=0)
    # USE_FEATURES=True -> feature_reduction linear
    h = x @ feat_W + feat_b
    r = init_rel
    # triple mode (STATEMENT_LEN=3): quals unused; dropout is identity (eval)
    h, r = _stare_conv(h, ei, et, r, conv0_w_in, conv0_w_out, conv0_w_loop, conv0_w_rel, conv0_loop_rel, conv0_bias, conv0_gamma, conv0_beta)
    h, r = _stare_conv(h, ei, et, r, conv1_w_in, conv1_w_out, conv1_w_loop, conv1_w_rel, conv1_loop_rel, conv1_bias, conv1_gamma, conv1_beta)
    return (h, r)

if __name__ == "__main__":
    import jax
    _d = setup_inputs()
    print(jax.jit(kernel)(*tuple(_d.values())))

</pallas_src>

<mosaic_0001>
#map = affine_map<(d0, d1) -> (0, 0)>
module attributes {stable_mosaic.version = 14 : i64} {
  func.func @_sc_pre_kernel(%arg0: i32, %arg1: i32, %arg2: memref<10000x128xf32, #tpu.memory_space<hbm>>, %arg3: memref<5120x128xi32, #tpu.memory_space<hbm>>, %arg4: memref<5120x128xi32, #tpu.memory_space<hbm>>, %arg5: memref<5120x128xi32, #tpu.memory_space<hbm>>, %arg6: memref<512x128xf32, #tpu.memory_space<hbm>>, %arg7: memref<512x128xf32, #tpu.memory_space<hbm>>, %arg8: memref<10112x128xf32, #tpu.memory_space<hbm>>, %arg9: memref<20224x128xf32, #tpu.memory_space<hbm>>, %arg10: memref<20224x128xf32, #tpu.memory_space<hbm>>, %arg11: memref<20224x128xf32, #tpu.memory_space<hbm>>, %arg12: memref<10112x128xf32, #tpu.memory_space<vmem_shared>>, %arg13: memref<512x128xf32, #tpu.memory_space<vmem_shared>>, %arg14: memref<40x128xi32, #tpu.memory_space<vmem>>, %arg15: memref<40x128xi32, #tpu.memory_space<vmem>>, %arg16: memref<128x128xf32, #tpu.memory_space<vmem>>, %arg17: memref<128x128xf32, #tpu.memory_space<vmem>>, %arg18: memref<!tpu.dma_semaphore, #tpu.memory_space<semaphore_mem>>, %arg19: memref<!tpu.dma_semaphore, #tpu.memory_space<semaphore_mem>>) attributes {dimension_semantics = [#tpu.dimension_semantics<core_parallel>, #tpu.dimension_semantics<subcore_parallel>], iteration_bounds = array<i64: 2, 16>, scalar_prefetch = 0 : i64, scratch_operands = 8 : i64, tpu.core_type = #tpu.core_type<sc_vector_subcore>, window_params = [{transform_indices = #map}, {transform_indices = #map}, {transform_indices = #map}, {transform_indices = #map}, {transform_indices = #map}, {transform_indices = #map}, {transform_indices = #map}, {transform_indices = #map}, {transform_indices = #map}, {transform_indices = #map}]} {
    %mul3A = arith.constant 16 : i32
    %mul3A_0 = arith.muli %arg0, %mul3A : i32
    %add3A = arith.addi %mul3A_0, %arg1 : i32
    %mul3A_1 = arith.constant 160 : i32
    %mul3A_2 = arith.muli %add3A, %mul3A_1 : i32
    %mul3A_3 = arith.constant 10112 : i32
    %mul3A_4 = arith.muli %arg0, %mul3A_3 : i32
    %mul3A_5 = arith.constant 632 : i32
    %mul3A_6 = arith.muli %arg1, %mul3A_5 : i32
    %add3A_7 = arith.addi %mul3A_4, %mul3A_6 : i32
    %mul3A_8 = arith.constant 632 : i32
    %mul3A_9 = arith.muli %arg1, %mul3A_8 : i32
    %mul3A_10 = arith.constant 632 : i32
    %mul3A_11 = arith.muli %arg1, %mul3A_10 : i32
    "tpu.region"() ({
      %run_scoped3A = tpu.sem_alloc : memref<!tpu.dma_semaphore, #tpu.memory_space<semaphore_mem>>
      %dma_start3A_281 = arith.constant 0 : i32
      %dma_start3A_282 = tpu.memref_slice %arg12[%mul3A_11, %dma_start3A_281] : memref<10112x128xf32, #tpu.memory_space<vmem_shared>> -> memref<632x128xf32, #tpu.memory_space<vmem_shared>>
      %dma_start3A_283 = arith.constant 0 : i32
      %dma_start3A_284 = tpu.memref_slice %arg8[%mul3A_9, %dma_start3A_283] : memref<10112x128xf32, #tpu.memory_space<hbm>> -> memref<632x128xf32, #tpu.memory_space<hbm>>
      tpu.enqueue_dma source(%dma_start3A_284 : memref<632x128xf32, #tpu.memory_space<hbm>>) target(%dma_start3A_282 : memref<632x128xf32, #tpu.memory_space<vmem_shared>>) target_semaphore(%run_scoped3A : memref<!tpu.dma_semaphore, #tpu.memory_space<semaphore_mem>>)
      %dma_wait3A = arith.constant 0 : i32
      %dma_wait3A_285 = tpu.memref_slice %arg12[%mul3A_11, %dma_wait3A] : memref<10112x128xf32, #tpu.memory_space<vmem_shared>> -> memref<632x128xf32, #tpu.memory_space<vmem_shared>>
      %dma_wait3A_286 = arith.constant 0 : i32
      %dma_wait3A_287 = tpu.memref_slice %arg8[%mul3A_9, %dma_wait3A_286] : memref<10112x128xf32, #tpu.memory_space<hbm>> -> memref<632x128xf32, #tpu.memory_space<hbm>>
      tpu.wait_dma2 semaphore(%run_scoped3A : memref<!tpu.dma_semaphore, #tpu.memory_space<semaphore_mem>>) src(%dma_wait3A_287 : memref<632x128xf32, #tpu.memory_space<hbm>>) dst(%dma_wait3A_285 : memref<632x128xf32, #tpu.memory_space<vmem_shared>>)
      tpu.yield
    }) : () -> ()
    %eq3A = arith.constant 0 : i32
    %eq3A_12 = arith.cmpi eq, %arg1, %eq3A : i32
    %convert_element_type3A = arith.extui %eq3A_12 : i1 to i32
    %cond3A = arith.constant 0 : i32
    %cond3A_13 = arith.cmpi ne, %convert_element_type3A, %cond3A : i32
    scf.if %cond3A_13 {
      "tpu.region"() ({
        %run_scoped3A = tpu.sem_alloc : memref<!tpu.dma_semaphore, #tpu.memory_space<semaphore_mem>>
        tpu.enqueue_dma source(%arg6 : memref<512x128xf32, #tpu.memory_space<hbm>>) target(%arg13 : memref<512x128xf32, #tpu.memory_space<vmem_shared>>) target_semaphore(%run_scoped3A : memref<!tpu.dma_semaphore, #tpu.memory_space<semaphore_mem>>)
        tpu.wait_dma2 semaphore(%run_scoped3A : memref<!tpu.dma_semaphore, #tpu.memory_space<semaphore_mem>>) src(%arg6 : memref<512x128xf32, #tpu.memory_space<hbm>>) dst(%arg13 : memref<512x128xf32, #tpu.memory_space<vmem_shared>>)
        tpu.yield
      }) : () -> ()
    } else {
    }
    %barrier3A = arith.constant 0 : index
    tpu.barrier barrier_id(%barrier3A)
    %add3A_14 = arith.constant 0 : i32
    %add3A_15 = arith.addi %mul3A_2, %add3A_14 : i32
    "tpu.region"() ({
      %run_scoped3A = tpu.sem_alloc : memref<!tpu.dma_semaphore, #tpu.memory_space<semaphore_mem>>
      %dma_start3A_281 = arith.constant 0 : i32
      %dma_start3A_282 = tpu.memref_slice %arg5[%add3A_15, %dma_start3A_281] : memref<5120x128xi32, #tpu.memory_space<hbm>> -> memref<40x128xi32, #tpu.memory_space<hbm>>
      %dma_start3A_283 = arith.constant 0 : i32
      %dma_start3A_284 = tpu.memref_slice %arg5[%add3A_15, %dma_start3A_283] : memref<5120x128xi32, #tpu.memory_space<hbm>> -> memref<40x128xi32, #tpu.memory_space<hbm>>
      tpu.enqueue_dma source(%dma_start3A_284 : memref<40x128xi32, #tpu.memory_space<hbm>>) target(%arg14 : memref<40x128xi32, #tpu.memory_space<vmem>>) target_semaphore(%run_scoped3A : memref<!tpu.dma_semaphore, #tpu.memory_space<semaphore_mem>>)
      %dma_wait3A = arith.constant 0 : i32
      %dma_wait3A_285 = tpu.memref_slice %arg5[%add3A_15, %dma_wait3A] : memref<5120x128xi32, #tpu.memory_space<hbm>> -> memref<40x128xi32, #tpu.memory_space<hbm>>
      %dma_wait3A_286 = arith.constant 0 : i32
      %dma_wait3A_287 = tpu.memref_slice %arg5[%add3A_15, %dma_wait3A_286] : memref<5120x128xi32, #tpu.memory_space<hbm>> -> memref<40x128xi32, #tpu.memory_space<hbm>>
      tpu.wait_dma2 semaphore(%run_scoped3A : memref<!tpu.dma_semaphore, #tpu.memory_space<semaphore_mem>>) src(%dma_wait3A_287 : memref<40x128xi32, #tpu.memory_space<hbm>>) dst(%arg14 : memref<40x128xi32, #tpu.memory_space<vmem>>)
      tpu.yield
    }) : () -> ()
    %add3A_16 = arith.constant 0 : i32
    %add3A_17 = arith.addi %mul3A_2, %add3A_16 : i32
    "tpu.region"() ({
      %run_scoped3A = tpu.sem_alloc : memref<!tpu.dma_semaphore, #tpu.memory_space<semaphore_mem>>
      %dma_start3A_281 = arith.constant 0 : i32
      %dma_start3A_282 = tpu.memref_slice %arg4[%add3A_17, %dma_start3A_281] : memref<5120x128xi32, #tpu.memory_space<hbm>> -> memref<40x128xi32, #tpu.memory_space<hbm>>
      %dma_start3A_283 = arith.constant 0 : i32
      %dma_start3A_284 = tpu.memref_slice %arg4[%add3A_17, %dma_start3A_283] : memref<5120x128xi32, #tpu.memory_space<hbm>> -> memref<40x128xi32, #tpu.memory_space<hbm>>
      tpu.enqueue_dma source(%dma_start3A_284 : memref<40x128xi32, #tpu.memory_space<hbm>>) target(%arg15 : memref<40x128xi32, #tpu.memory_space<vmem>>) target_semaphore(%run_scoped3A : memref<!tpu.dma_semaphore, #tpu.memory_space<semaphore_mem>>)
      %dma_wait3A = arith.constant 0 : i32
      %dma_wait3A_285 = tpu.memref_slice %arg4[%add3A_17, %dma_wait3A] : memref<5120x128xi32, #tpu.memory_space<hbm>> -> memref<40x128xi32, #tpu.memory_space<hbm>>
      %dma_wait3A_286 = arith.constant 0 : i32
      %dma_wait3A_287 = tpu.memref_slice %arg4[%add3A_17, %dma_wait3A_286] : memref<5120x128xi32, #tpu.memory_space<hbm>> -> memref<40x128xi32, #tpu.memory_space<hbm>>
      tpu.wait_dma2 semaphore(%run_scoped3A : memref<!tpu.dma_semaphore, #tpu.memory_space<semaphore_mem>>) src(%dma_wait3A_287 : memref<40x128xi32, #tpu.memory_space<hbm>>) dst(%arg15 : memref<40x128xi32, #tpu.memory_space<vmem>>)
      tpu.yield
    }) : () -> ()
    %dma_start3A = arith.constant 0 : i32
    %dma_start3A_18 = arith.constant 0 : i32
    %dma_start3A_19 = tpu.memref_slice %arg14[%dma_start3A, %dma_start3A_18] : memref<40x128xi32, #tpu.memory_space<vmem>> -> memref<1x128xi32, #tpu.memory_space<vmem>>
    %dma_start3A_20 = tpu.memref_squeeze %dma_start3A_19 : memref<1x128xi32, #tpu.memory_space<vmem>> -> memref<128xi32, #tpu.memory_space<vmem>>
    %dma_start3A_21 = arith.constant 0 : i32
    %dma_start3A_22 = arith.constant 0 : i32
    %dma_start3A_23 = tpu.memref_slice %arg13[%dma_start3A_21, %dma_start3A_22] : memref<512x128xf32, #tpu.memory_space<vmem_shared>> -> memref<512x128xf32, #tpu.memory_space<vmem_shared>>
    tpu.enqueue_indirect_dma source(%dma_start3A_23 : memref<512x128xf32, #tpu.memory_space<vmem_shared>>) target(%arg16 : memref<128x128xf32, #tpu.memory_space<vmem>>) offsets(%dma_start3A_20 : memref<128xi32, #tpu.memory_space<vmem>>) semaphore(%arg18 : memref<!tpu.dma_semaphore, #tpu.memory_space<semaphore_mem>>)
    %dma_start3A_24 = arith.constant 1 : i32
    %dma_start3A_25 = arith.constant 0 : i32
    %dma_start3A_26 = tpu.memref_slice %arg14[%dma_start3A_24, %dma_start3A_25] : memref<40x128xi32, #tpu.memory_space<vmem>> -> memref<1x128xi32, #tpu.memory_space<vmem>>
    %dma_start3A_27 = tpu.memref_squeeze %dma_start3A_26 : memref<1x128xi32, #tpu.memory_space<vmem>> -> memref<128xi32, #tpu.memory_space<vmem>>
    %dma_start3A_28 = arith.constant 0 : i32
    %dma_start3A_29 = arith.constant 0 : i32
    %dma_start3A_30 = tpu.memref_slice %arg13[%dma_start3A_28, %dma_start3A_29] : memref<512x128xf32, #tpu.memory_space<vmem_shared>> -> memref<512x128xf32, #tpu.memory_space<vmem_shared>>
    tpu.enqueue_indirect_dma source(%dma_start3A_30 : memref<512x128xf32, #tpu.memory_space<vmem_shared>>) target(%arg17 : memref<128x128xf32, #tpu.memory_space<vmem>>) offsets(%dma_start3A_27 : memref<128xi32, #tpu.memory_space<vmem>>) semaphore(%arg19 : memref<!tpu.dma_semaphore, #tpu.memory_space<semaphore_mem>>)
    %scan3A = arith.constant 0 : i32
    %scan3A_31 = arith.constant 0 : i32
    %scan3A_32 = arith.constant 20 : i32
    %scan3A_33 = arith.addi %scan3A_31, %scan3A_32 : i32
    %scan3A_34 = arith.constant 1 : i32
    scf.for %scan3A_281 = %scan3A_31 to %scan3A_33 step %scan3A_34  : i32 {
      %mul3A_282 = arith.constant 2 : i32
      %mul3A_283 = arith.muli %mul3A_282, %scan3A_281 : i32
      %mul3A_284 = arith.constant 2 : i32
      %mul3A_285 = arith.muli %mul3A_284, %scan3A_281 : i32
      %add3A_286 = arith.constant 1 : i32
      %add3A_287 = arith.addi %mul3A_285, %add3A_286 : i32
      %dma_wait3A = arith.constant 0 : i32
      %dma_wait3A_288 = tpu.memref_slice %arg14[%mul3A_283, %dma_wait3A] : memref<40x128xi32, #tpu.memory_space<vmem>> -> memref<1x128xi32, #tpu.memory_space<vmem>>
      %dma_wait3A_289 = tpu.memref_squeeze %dma_wait3A_288 : memref<1x128xi32, #tpu.memory_space<vmem>> -> memref<128xi32, #tpu.memory_space<vmem>>
      %dma_wait3A_290 = arith.constant 0 : i32
      %dma_wait3A_291 = arith.constant 0 : i32
      %dma_wait3A_292 = tpu.memref_slice %arg13[%dma_wait3A_290, %dma_wait3A_291] : memref<512x128xf32, #tpu.memory_space<vmem_shared>> -> memref<512x128xf32, #tpu.memory_space<vmem_shared>>
      tpu.wait_indirect_dma semaphore(%arg18 : memref<!tpu.dma_semaphore, #tpu.memory_space<semaphore_mem>>) src(%dma_wait3A_292 : memref<512x128xf32, #tpu.memory_space<vmem_shared>>) dst(%arg16 : memref<128x128xf32, #tpu.memory_space<vmem>>)
      "tpu.region"() ({
        %run_scoped3A = tpu.sem_alloc : memref<!tpu.dma_semaphore, #tpu.memory_space<semaphore_mem>>
        %dma_start3A_312 = arith.constant 0 : i32
        %dma_start3A_313 = tpu.memref_slice %arg15[%mul3A_283, %dma_start3A_312] : memref<40x128xi32, #tpu.memory_space<vmem>> -> memref<1x128xi32, #tpu.memory_space<vmem>>
        %dma_start3A_314 = tpu.memref_squeeze %dma_start3A_313 : memref<1x128xi32, #tpu.memory_space<vmem>> -> memref<128xi32, #tpu.memory_space<vmem>>
        %dma_start3A_315 = arith.constant 0 : i32
        %dma_start3A_316 = arith.constant 0 : i32
        %dma_start3A_317 = tpu.memref_slice %arg12[%dma_start3A_315, %dma_start3A_316] : memref<10112x128xf32, #tpu.memory_space<vmem_shared>> -> memref<10112x128xf32, #tpu.memory_space<vmem_shared>>
        tpu.enqueue_indirect_dma source(%arg16 : memref<128x128xf32, #tpu.memory_space<vmem>>) target(%dma_start3A_317 : memref<10112x128xf32, #tpu.memory_space<vmem_shared>>) offsets(%dma_start3A_314 : memref<128xi32, #tpu.memory_space<vmem>>) semaphore(%run_scoped3A : memref<!tpu.dma_semaphore, #tpu.memory_space<semaphore_mem>>) {add = true}
        %dma_wait3A_318 = arith.constant 0 : i32
        %dma_wait3A_319 = tpu.memref_slice %arg15[%mul3A_283, %dma_wait3A_318] : memref<40x128xi32, #tpu.memory_space<vmem>> -> memref<1x128xi32, #tpu.memory_space<vmem>>
        %dma_wait3A_320 = tpu.memref_squeeze %dma_wait3A_319 : memref<1x128xi32, #tpu.memory_space<vmem>> -> memref<128xi32, #tpu.memory_space<vmem>>
        %dma_wait3A_321 = arith.constant 0 : i32
        %dma_wait3A_322 = arith.constant 0 : i32
        %dma_wait3A_323 = tpu.memref_slice %arg12[%dma_wait3A_321, %dma_wait3A_322] : memref<10112x128xf32, #tpu.memory_space<vmem_shared>> -> memref<10112x128xf32, #tpu.memory_space<vmem_shared>>
        tpu.wait_indirect_dma semaphore(%run_scoped3A : memref<!tpu.dma_semaphore, #tpu.memory_space<semaphore_mem>>) src(%arg16 : memref<128x128xf32, #tpu.memory_space<vmem>>) dst(%dma_wait3A_323 : memref<10112x128xf32, #tpu.memory_space<vmem_shared>>)
        tpu.yield
      }) : () -> ()
      %add3A_293 = arith.constant 2 : i32
      %add3A_294 = arith.addi %mul3A_283, %add3A_293 : i32
      %lt3A = arith.constant 40 : i32
      %lt3A_295 = arith.cmpi slt, %add3A_294, %lt3A : i32
      %convert_element_type3A_296 = arith.extui %lt3A_295 : i1 to i32
      %cond3A_297 = arith.constant 0 : i32
      %cond3A_298 = arith.cmpi ne, %convert_element_type3A_296, %cond3A_297 : i32
      scf.if %cond3A_298 {
        %add3A_312 = arith.constant 2 : i32
        %add3A_313 = arith.addi %mul3A_283, %add3A_312 : i32
        %dma_start3A_314 = arith.constant 0 : i32
        %dma_start3A_315 = tpu.memref_slice %arg14[%add3A_313, %dma_start3A_314] : memref<40x128xi32, #tpu.memory_space<vmem>> -> memref<1x128xi32, #tpu.memory_space<vmem>>
        %dma_start3A_316 = tpu.memref_squeeze %dma_start3A_315 : memref<1x128xi32, #tpu.memory_space<vmem>> -> memref<128xi32, #tpu.memory_space<vmem>>
        %dma_start3A_317 = arith.constant 0 : i32
        %dma_start3A_318 = arith.constant 0 : i32
        %dma_start3A_319 = tpu.memref_slice %arg13[%dma_start3A_317, %dma_start3A_318] : memref<512x128xf32, #tpu.memory_space<vmem_shared>> -> memref<512x128xf32, #tpu.memory_space<vmem_shared>>
        tpu.enqueue_indirect_dma source(%dma_start3A_319 : memref<512x128xf32, #tpu.memory_space<vmem_shared>>) target(%arg16 : memref<128x128xf32, #tpu.memory_space<vmem>>) offsets(%dma_start3A_316 : memref<128xi32, #tpu.memory_space<vmem>>) semaphore(%arg18 : memref<!tpu.dma_semaphore, #tpu.memory_space<semaphore_mem>>)
      } else {
      }
      %dma_wait3A_299 = arith.constant 0 : i32
      %dma_wait3A_300 = tpu.memref_slice %arg14[%add3A_287, %dma_wait3A_299] : memref<40x128xi32, #tpu.memory_space<vmem>> -> memref<1x128xi32, #tpu.memory_space<vmem>>
      %dma_wait3A_301 = tpu.memref_squeeze %dma_wait3A_300 : memref<1x128xi32, #tpu.memory_space<vmem>> -> memref<128xi32, #tpu.memory_space<vmem>>
      %dma_wait3A_302 = arith.constant 0 : i32
      %dma_wait3A_303 = arith.constant 0 : i32
      %dma_wait3A_304 = tpu.memref_slice %arg13[%dma_wait3A_302, %dma_wait3A_303] : memref<512x128xf32, #tpu.memory_space<vmem_shared>> -> memref<512x128xf32, #tpu.memory_space<vmem_shared>>
      tpu.wait_indirect_dma semaphore(%arg19 : memref<!tpu.dma_semaphore, #tpu.memory_space<semaphore_mem>>) src(%dma_wait3A_304 : memref<512x128xf32, #tpu.memory_space<vmem_shared>>) dst(%arg17 : memref<128x128xf32, #tpu.memory_space<vmem>>)
      "tpu.region"() ({
        %run_scoped3A = tpu.sem_alloc : memref<!tpu.dma_semaphore, #tpu.memory_space<semaphore_mem>>
        %dma_start3A_312 = arith.constant 0 : i32
        %dma_start3A_313 = tpu.memref_slice %arg15[%add3A_287, %dma_start3A_312] : memref<40x128xi32, #tpu.memory_space<vmem>> -> memref<1x128xi32, #tpu.memory_space<vmem>>
        %dma_start3A_314 = tpu.memref_squeeze %dma_start3A_313 : memref<1x128xi32, #tpu.memory_space<vmem>> -> memref<128xi32, #tpu.memory_space<vmem>>
        %dma_start3A_315 = arith.constant 0 : i32
        %dma_start3A_316 = arith.constant 0 : i32
        %dma_start3A_317 = tpu.memref_slice %arg12[%dma_start3A_315, %dma_start3A_316] : memref<10112x128xf32, #tpu.memory_space<vmem_shared>> -> memref<10112x128xf32, #tpu.memory_space<vmem_shared>>
        tpu.enqueue_indirect_dma source(%arg17 : memref<128x128xf32, #tpu.memory_space<vmem>>) target(%dma_start3A_317 : memref<10112x128xf32, #tpu.memory_space<vmem_shared>>) offsets(%dma_start3A_314 : memref<128xi32, #tpu.memory_space<vmem>>) semaphore(%run_scoped3A : memref<!tpu.dma_semaphore, #tpu.memory_space<semaphore_mem>>) {add = true}
        %dma_wait3A_318 = arith.constant 0 : i32
        %dma_wait3A_319 = tpu.memref_slice %arg15[%add3A_287, %dma_wait3A_318] : memref<40x128xi32, #tpu.memory_space<vmem>> -> memref<1x128xi32, #tpu.memory_space<vmem>>
        %dma_wait3A_320 = tpu.memref_squeeze %dma_wait3A_319 : memref<1x128xi32, #tpu.memory_space<vmem>> -> memref<128xi32, #tpu.memory_space<vmem>>
        %dma_wait3A_321 = arith.constant 0 : i32
        %dma_wait3A_322 = arith.constant 0 : i32
        %dma_wait3A_323 = tpu.memref_slice %arg12[%dma_wait3A_321, %dma_wait3A_322] : memref<10112x128xf32, #tpu.memory_space<vmem_shared>> -> memref<10112x128xf32, #tpu.memory_space<vmem_shared>>
        tpu.wait_indirect_dma semaphore(%run_scoped3A : memref<!tpu.dma_semaphore, #tpu.memory_space<semaphore_mem>>) src(%arg17 : memref<128x128xf32, #tpu.memory_space<vmem>>) dst(%dma_wait3A_323 : memref<10112x128xf32, #tpu.memory_space<vmem_shared>>)
        tpu.yield
      }) : () -> ()
      %add3A_305 = arith.constant 2 : i32
      %add3A_306 = arith.addi %add3A_287, %add3A_305 : i32
      %lt3A_307 = arith.constant 40 : i32
      %lt3A_308 = arith.cmpi slt, %add3A_306, %lt3A_307 : i32
      %convert_element_type3A_309 = arith.extui %lt3A_308 : i1 to i32
      %cond3A_310 = arith.constant 0 : i32
      %cond3A_311 = arith.cmpi ne, %convert_element_type3A_309, %cond3A_310 : i32
      scf.if %cond3A_311 {
        %add3A_312 = arith.constant 2 : i32
        %add3A_313 = arith.addi %add3A_287, %add3A_312 : i32
        %dma_start3A_314 = arith.constant 0 : i32
        %dma_start3A_315 = tpu.memref_slice %arg14[%add3A_313, %dma_start3A_314] : memref<40x128xi32, #tpu.memory_space<vmem>> -> memref<1x128xi32, #tpu.memory_space<vmem>>
        %dma_start3A_316 = tpu.memref_squeeze %dma_start3A_315 : memref<1x128xi32, #tpu.memory_space<vmem>> -> memref<128xi32, #tpu.memory_space<vmem>>
        %dma_start3A_317 = arith.constant 0 : i32
        %dma_start3A_318 = arith.constant 0 : i32
        %dma_start3A_319 = tpu.memref_slice %arg13[%dma_start3A_317, %dma_start3A_318] : memref<512x128xf32, #tpu.memory_space<vmem_shared>> -> memref<512x128xf32, #tpu.memory_space<vmem_shared>>
        tpu.enqueue_indirect_dma source(%dma_start3A_319 : memref<512x128xf32, #tpu.memory_space<vmem_shared>>) target(%arg17 : memref<128x128xf32, #tpu.memory_space<vmem>>) offsets(%dma_start3A_316 : memref<128xi32, #tpu.memory_space<vmem>>) semaphore(%arg19 : memref<!tpu.dma_semaphore, #tpu.memory_space<semaphore_mem>>)
      } else {
      }
    }
    %scan3A_35 = arith.constant 20 : i32
    %add3A_36 = arith.constant 40 : i32
    %add3A_37 = arith.addi %mul3A_2, %add3A_36 : i32
    "tpu.region"() ({
      %run_scoped3A = tpu.sem_alloc : memref<!tpu.dma_semaphore, #tpu.memory_space<semaphore_mem>>
      %dma_start3A_281 = arith.constant 0 : i32
      %dma_start3A_282 = tpu.memref_slice %arg5[%add3A_37, %dma_start3A_281] : memref<5120x128xi32, #tpu.memory_space<hbm>> -> memref<40x128xi32, #tpu.memory_space<hbm>>
      %dma_start3A_283 = arith.constant 0 : i32
      %dma_start3A_284 = tpu.memref_slice %arg5[%add3A_37, %dma_start3A_283] : memref<5120x128xi32, #tpu.memory_space<hbm>> -> memref<40x128xi32, #tpu.memory_space<hbm>>
      tpu.enqueue_dma source(%dma_start3A_284 : memref<40x128xi32, #tpu.memory_space<hbm>>) target(%arg14 : memref<40x128xi32, #tpu.memory_space<vmem>>) target_semaphore(%run_scoped3A : memref<!tpu.dma_semaphore, #tpu.memory_space<semaphore_mem>>)
      %dma_wait3A = arith.constant 0 : i32
      %dma_wait3A_285 = tpu.memref_slice %arg5[%add3A_37, %dma_wait3A] : memref<5120x128xi32, #tpu.memory_space<hbm>> -> memref<40x128xi32, #tpu.memory_space<hbm>>
      %dma_wait3A_286 = arith.constant 0 : i32
      %dma_wait3A_287 = tpu.memref_slice %arg5[%add3A_37, %dma_wait3A_286] : memref<5120x128xi32, #tpu.memory_space<hbm>> -> memref<40x128xi32, #tpu.memory_space<hbm>>
      tpu.wait_dma2 semaphore(%run_scoped3A : memref<!tpu.dma_semaphore, #tpu.memory_space<semaphore_mem>>) src(%dma_wait3A_287 : memref<40x128xi32, #tpu.memory_space<hbm>>) dst(%arg14 : memref<40x128xi32, #tpu.memory_space<vmem>>)
      tpu.yield
    }) : () -> ()
    %add3A_38 = arith.constant 40 : i32
    %add3A_39 = arith.addi %mul3A_2, %add3A_38 : i32
    "tpu.region"() ({
      %run_scoped3A = tpu.sem_alloc : memref<!tpu.dma_semaphore, #tpu.memory_space<semaphore_mem>>
      %dma_start3A_281 = arith.constant 0 : i32
      %dma_start3A_282 = tpu.memref_slice %arg4[%add3A_39, %dma_start3A_281] : memref<5120x128xi32, #tpu.memory_space<hbm>> -> memref<40x128xi32, #tpu.memory_space<hbm>>
      %dma_start3A_283 = arith.constant 0 : i32
      %dma_start3A_284 = tpu.memref_slice %arg4[%add3A_39, %dma_start3A_283] : memref<5120x128xi32, #tpu.memory_space<hbm>> -> memref<40x128xi32, #tpu.memory_space<hbm>>
      tpu.enqueue_dma source(%dma_start3A_284 : memref<40x128xi32, #tpu.memory_space<hbm>>) target(%arg15 : memref<40x128xi32, #tpu.memory_space<vmem>>) target_semaphore(%run_scoped3A : memref<!tpu.dma_semaphore, #tpu.memory_space<semaphore_mem>>)
      %dma_wait3A = arith.constant 0 : i32
      %dma_wait3A_285 = tpu.memref_slice %arg4[%add3A_39, %dma_wait3A] : memref<5120x128xi32, #tpu.memory_space<hbm>> -> memref<40x128xi32, #tpu.memory_space<hbm>>
      %dma_wait3A_286 = arith.constant 0 : i32
      %dma_wait3A_287 = tpu.memref_slice %arg4[%add3A_39, %dma_wait3A_286] : memref<5120x128xi32, #tpu.memory_space<hbm>> -> memref<40x128xi32, #tpu.memory_space<hbm>>
      tpu.wait_dma2 semaphore(%run_scoped3A : memref<!tpu.dma_semaphore, #tpu.memory_space<semaphore_mem>>) src(%dma_wait3A_287 : memref<40x128xi32, #tpu.memory_space<hbm>>) dst(%arg15 : memref<40x128xi32, #tpu.memory_space<vmem>>)
      tpu.yield
    }) : () -> ()
    %dma_start3A_40 = arith.constant 0 : i32
    %dma_start3A_41 = arith.constant 0 : i32
    %dma_start3A_42 = tpu.memref_slice %arg14[%dma_start3A_40, %dma_start3A_41] : memref<40x128xi32, #tpu.memory_space<vmem>> -> memref<1x128xi32, #tpu.memory_space<vmem>>
    %dma_start3A_43 = tpu.memref_squeeze %dma_start3A_42 : memref<1x128xi32, #tpu.memory_space<vmem>> -> memref<128xi32, #tpu.memory_space<vmem>>
    %dma_start3A_44 = arith.constant 0 : i32
    %dma_start3A_45 = arith.constant 0 : i32
    %dma_start3A_46 = tpu.memref_slice %arg13[%dma_start3A_44, %dma_start3A_45] : memref<512x128xf32, #tpu.memory_space<vmem_shared>> -> memref<512x128xf32, #tpu.memory_space<vmem_shared>>
    tpu.enqueue_indirect_dma source(%dma_start3A_46 : memref<512x128xf32, #tpu.memory_space<vmem_shared>>) target(%arg16 : memref<128x128xf32, #tpu.memory_space<vmem>>) offsets(%dma_start3A_43 : memref<128xi32, #tpu.memory_space<vmem>>) semaphore(%arg18 : memref<!tpu.dma_semaphore, #tpu.memory_space<semaphore_mem>>)
    %dma_start3A_47 = arith.constant 1 : i32
    %dma_start3A_48 = arith.constant 0 : i32
    %dma_start3A_49 = tpu.memref_slice %arg14[%dma_start3A_47, %dma_start3A_48] : memref<40x128xi32, #tpu.memory_space<vmem>> -> memref<1x128xi32, #tpu.memory_space<vmem>>
    %dma_start3A_50 = tpu.memref_squeeze %dma_start3A_49 : memref<1x128xi32, #tpu.memory_space<vmem>> -> memref<128xi32, #tpu.memory_space<vmem>>
    %dma_start3A_51 = arith.constant 0 : i32
    %dma_start3A_52 = arith.constant 0 : i32
    %dma_start3A_53 = tpu.memref_slice %arg13[%dma_start3A_51, %dma_start3A_52] : memref<512x128xf32, #tpu.memory_space<vmem_shared>> -> memref<512x128xf32, #tpu.memory_space<vmem_shared>>
    tpu.enqueue_indirect_dma source(%dma_start3A_53 : memref<512x128xf32, #tpu.memory_space<vmem_shared>>) target(%arg17 : memref<128x128xf32, #tpu.memory_space<vmem>>) offsets(%dma_start3A_50 : memref<128xi32, #tpu.memory_space<vmem>>) semaphore(%arg19 : memref<!tpu.dma_semaphore, #tpu.memory_space<semaphore_mem>>)
    %scan3A_54 = arith.constant 0 : i32
    %scan3A_55 = arith.constant 0 : i32
    %scan3A_56 = arith.constant 20 : i32
    %scan3A_57 = arith.addi %scan3A_55, %scan3A_56 : i32
    %scan3A_58 = arith.constant 1 : i32
    scf.for %scan3A_281 = %scan3A_55 to %scan3A_57 step %scan3A_58  : i32 {
      %mul3A_282 = arith.constant 2 : i32
      %mul3A_283 = arith.muli %mul3A_282, %scan3A_281 : i32
      %mul3A_284 = arith.constant 2 : i32
      %mul3A_285 = arith.muli %mul3A_284, %scan3A_281 : i32
      %add3A_286 = arith.constant 1 : i32
      %add3A_287 = arith.addi %mul3A_285, %add3A_286 : i32
      %dma_wait3A = arith.constant 0 : i32
      %dma_wait3A_288 = tpu.memref_slice %arg14[%mul3A_283, %dma_wait3A] : memref<40x128xi32, #tpu.memory_space<vmem>> -> memref<1x128xi32, #tpu.memory_space<vmem>>
      %dma_wait3A_289 = tpu.memref_squeeze %dma_wait3A_288 : memref<1x128xi32, #tpu.memory_space<vmem>> -> memref<128xi32, #tpu.memory_space<vmem>>
      %dma_wait3A_290 = arith.constant 0 : i32
      %dma_wait3A_291 = arith.constant 0 : i32
      %dma_wait3A_292 = tpu.memref_slice %arg13[%dma_wait3A_290, %dma_wait3A_291] : memref<512x128xf32, #tpu.memory_space<vmem_shared>> -> memref<512x128xf32, #tpu.memory_space<vmem_shared>>
      tpu.wait_indirect_dma semaphore(%arg18 : memref<!tpu.dma_semaphore, #tpu.memory_space<semaphore_mem>>) src(%dma_wait3A_292 : memref<512x128xf32, #tpu.memory_space<vmem_shared>>) dst(%arg16 : memref<128x128xf32, #tpu.memory_space<vmem>>)
      "tpu.region"() ({
        %run_scoped3A = tpu.sem_alloc : memref<!tpu.dma_semaphore, #tpu.memory_space<semaphore_mem>>
        %dma_start3A_312 = arith.constant 0 : i32
        %dma_start3A_313 = tpu.memref_slice %arg15[%mul3A_283, %dma_start3A_312] : memref<40x128xi32, #tpu.memory_space<vmem>> -> memref<1x128xi32, #tpu.memory_space<vmem>>
        %dma_start3A_314 = tpu.memref_squeeze %dma_start3A_313 : memref<1x128xi32, #tpu.memory_space<vmem>> -> memref<128xi32, #tpu.memory_space<vmem>>
        %dma_start3A_315 = arith.constant 0 : i32
        %dma_start3A_316 = arith.constant 0 : i32
        %dma_start3A_317 = tpu.memref_slice %arg12[%dma_start3A_315, %dma_start3A_316] : memref<10112x128xf32, #tpu.memory_space<vmem_shared>> -> memref<10112x128xf32, #tpu.memory_space<vmem_shared>>
        tpu.enqueue_indirect_dma source(%arg16 : memref<128x128xf32, #tpu.memory_space<vmem>>) target(%dma_start3A_317 : memref<10112x128xf32, #tpu.memory_space<vmem_shared>>) offsets(%dma_start3A_314 : memref<128xi32, #tpu.memory_space<vmem>>) semaphore(%run_scoped3A : memref<!tpu.dma_semaphore, #tpu.memory_space<semaphore_mem>>) {add = true}
        %dma_wait3A_318 = arith.constant 0 : i32
        %dma_wait3A_319 = tpu.memref_slice %arg15[%mul3A_283, %dma_wait3A_318] : memref<40x128xi32, #tpu.memory_space<vmem>> -> memref<1x128xi32, #tpu.memory_space<vmem>>
        %dma_wait3A_320 = tpu.memref_squeeze %dma_wait3A_319 : memref<1x128xi32, #tpu.memory_space<vmem>> -> memref<128xi32, #tpu.memory_space<vmem>>
        %dma_wait3A_321 = arith.constant 0 : i32
        %dma_wait3A_322 = arith.constant 0 : i32
        %dma_wait3A_323 = tpu.memref_slice %arg12[%dma_wait3A_321, %dma_wait3A_322] : memref<10112x128xf32, #tpu.memory_space<vmem_shared>> -> memref<10112x128xf32, #tpu.memory_space<vmem_shared>>
        tpu.wait_indirect_dma semaphore(%run_scoped3A : memref<!tpu.dma_semaphore, #tpu.memory_space<semaphore_mem>>) src(%arg16 : memref<128x128xf32, #tpu.memory_space<vmem>>) dst(%dma_wait3A_323 : memref<10112x128xf32, #tpu.memory_space<vmem_shared>>)
        tpu.yield
      }) : () -> ()
      %add3A_293 = arith.constant 2 : i32
      %add3A_294 = arith.addi %mul3A_283, %add3A_293 : i32
      %lt3A = arith.constant 40 : i32
      %lt3A_295 = arith.cmpi slt, %add3A_294, %lt3A : i32
      %convert_element_type3A_296 = arith.extui %lt3A_295 : i1 to i32
      %cond3A_297 = arith.constant 0 : i32
      %cond3A_298 = arith.cmpi ne, %convert_element_type3A_296, %cond3A_297 : i32
      scf.if %cond3A_298 {
        %add3A_312 = arith.constant 2 : i32
        %add3A_313 = arith.addi %mul3A_283, %add3A_312 : i32
        %dma_start3A_314 = arith.constant 0 : i32
        %dma_start3A_315 = tpu.memref_slice %arg14[%add3A_313, %dma_start3A_314] : memref<40x128xi32, #tpu.memory_space<vmem>> -> memref<1x128xi32, #tpu.memory_space<vmem>>
        %dma_start3A_316 = tpu.memref_squeeze %dma_start3A_315 : memref<1x128xi32, #tpu.memory_space<vmem>> -> memref<128xi32, #tpu.memory_space<vmem>>
        %dma_start3A_317 = arith.constant 0 : i32
        %dma_start3A_318 = arith.constant 0 : i32
        %dma_start3A_319 = tpu.memref_slice %arg13[%dma_start3A_317, %dma_start3A_318] : memref<512x128xf32, #tpu.memory_space<vmem_shared>> -> memref<512x128xf32, #tpu.memory_space<vmem_shared>>
        tpu.enqueue_indirect_dma source(%dma_start3A_319 : memref<512x128xf32, #tpu.memory_space<vmem_shared>>) target(%arg16 : memref<128x128xf32, #tpu.memory_space<vmem>>) offsets(%dma_start3A_316 : memref<128xi32, #tpu.memory_space<vmem>>) semaphore(%arg18 : memref<!tpu.dma_semaphore, #tpu.memory_space<semaphore_mem>>)
      } else {
      }
      %dma_wait3A_299 = arith.constant 0 : i32
      %dma_wait3A_300 = tpu.memref_slice %arg14[%add3A_287, %dma_wait3A_299] : memref<40x128xi32, #tpu.memory_space<vmem>> -> memref<1x128xi32, #tpu.memory_space<vmem>>
      %dma_wait3A_301 = tpu.memref_squeeze %dma_wait3A_300 : memref<1x128xi32, #tpu.memory_space<vmem>> -> memref<128xi32, #tpu.memory_space<vmem>>
      %dma_wait3A_302 = arith.constant 0 : i32
      %dma_wait3A_303 = arith.constant 0 : i32
      %dma_wait3A_304 = tpu.memref_slice %arg13[%dma_wait3A_302, %dma_wait3A_303] : memref<512x128xf32, #tpu.memory_space<vmem_shared>> -> memref<512x128xf32, #tpu.memory_space<vmem_shared>>
      tpu.wait_indirect_dma semaphore(%arg19 : memref<!tpu.dma_semaphore, #tpu.memory_space<semaphore_mem>>) src(%dma_wait3A_304 : memref<512x128xf32, #tpu.memory_space<vmem_shared>>) dst(%arg17 : memref<128x128xf32, #tpu.memory_space<vmem>>)
      "tpu.region"() ({
        %run_scoped3A = tpu.sem_alloc : memref<!tpu.dma_semaphore, #tpu.memory_space<semaphore_mem>>
        %dma_start3A_312 = arith.constant 0 : i32
        %dma_start3A_313 = tpu.memref_slice %arg15[%add3A_287, %dma_start3A_312] : memref<40x128xi32, #tpu.memory_space<vmem>> -> memref<1x128xi32, #tpu.memory_space<vmem>>
        %dma_start3A_314 = tpu.memref_squeeze %dma_start3A_313 : memref<1x128xi32, #tpu.memory_space<vmem>> -> memref<128xi32, #tpu.memory_space<vmem>>
        %dma_start3A_315 = arith.constant 0 : i32
        %dma_start3A_316 = arith.constant 0 : i32
        %dma_start3A_317 = tpu.memref_slice %arg12[%dma_start3A_315, %dma_start3A_316] : memref<10112x128xf32, #tpu.memory_space<vmem_shared>> -> memref<10112x128xf32, #tpu.memory_space<vmem_shared>>
        tpu.enqueue_indirect_dma source(%arg17 : memref<128x128xf32, #tpu.memory_space<vmem>>) target(%dma_start3A_317 : memref<10112x128xf32, #tpu.memory_space<vmem_shared>>) offsets(%dma_start3A_314 : memref<128xi32, #tpu.memory_space<vmem>>) semaphore(%run_scoped3A : memref<!tpu.dma_semaphore, #tpu.memory_space<semaphore_mem>>) {add = true}
        %dma_wait3A_318 = arith.constant 0 : i32
        %dma_wait3A_319 = tpu.memref_slice %arg15[%add3A_287, %dma_wait3A_318] : memref<40x128xi32, #tpu.memory_space<vmem>> -> memref<1x128xi32, #tpu.memory_space<vmem>>
        %dma_wait3A_320 = tpu.memref_squeeze %dma_wait3A_319 : memref<1x128xi32, #tpu.memory_space<vmem>> -> memref<128xi32, #tpu.memory_space<vmem>>
        %dma_wait3A_321 = arith.constant 0 : i32
        %dma_wait3A_322 = arith.constant 0 : i32
        %dma_wait3A_323 = tpu.memref_slice %arg12[%dma_wait3A_321, %dma_wait3A_322] : memref<10112x128xf32, #tpu.memory_space<vmem_shared>> -> memref<10112x128xf32, #tpu.memory_space<vmem_shared>>
        tpu.wait_indirect_dma semaphore(%run_scoped3A : memref<!tpu.dma_semaphore, #tpu.memory_space<semaphore_mem>>) src(%arg17 : memref<128x128xf32, #tpu.memory_space<vmem>>) dst(%dma_wait3A_323 : memref<10112x128xf32, #tpu.memory_space<vmem_shared>>)
        tpu.yield
      }) : () -> ()
      %add3A_305 = arith.constant 2 : i32
      %add3A_306 = arith.addi %add3A_287, %add3A_305 : i32
      %lt3A_307 = arith.constant 40 : i32
      %lt3A_308 = arith.cmpi slt, %add3A_306, %lt3A_307 : i32
      %convert_element_type3A_309 = arith.extui %lt3A_308 : i1 to i32
      %cond3A_310 = arith.constant 0 : i32
      %cond3A_311 = arith.cmpi ne, %convert_element_type3A_309, %cond3A_310 : i32
      scf.if %cond3A_311 {
        %add3A_312 = arith.constant 2 : i32
        %add3A_313 = arith.addi %add3A_287, %add3A_312 : i32
        %dma_start3A_314 = arith.constant 0 : i32
        %dma_start3A_315 = tpu.memref_slice %arg14[%add3A_313, %dma_start3A_314] : memref<40x128xi32, #tpu.memory_space<vmem>> -> memref<1x128xi32, #tpu.memory_space<vmem>>
        %dma_start3A_316 = tpu.memref_squeeze %dma_start3A_315 : memref<1x128xi32, #tpu.memory_space<vmem>> -> memref<128xi32, #tpu.memory_space<vmem>>
        %dma_start3A_317 = arith.constant 0 : i32
        %dma_start3A_318 = arith.constant 0 : i32
        %dma_start3A_319 = tpu.memref_slice %arg13[%dma_start3A_317, %dma_start3A_318] : memref<512x128xf32, #tpu.memory_space<vmem_shared>> -> memref<512x128xf32, #tpu.memory_space<vmem_shared>>
        tpu.enqueue_indirect_dma source(%dma_start3A_319 : memref<512x128xf32, #tpu.memory_space<vmem_shared>>) target(%arg17 : memref<128x128xf32, #tpu.memory_space<vmem>>) offsets(%dma_start3A_316 : memref<128xi32, #tpu.memory_space<vmem>>) semaphore(%arg19 : memref<!tpu.dma_semaphore, #tpu.memory_space<semaphore_mem>>)
      } else {
      }
    }
    %scan3A_59 = arith.constant 20 : i32
    %add3A_60 = arith.constant 80 : i32
    %add3A_61 = arith.addi %mul3A_2, %add3A_60 : i32
    "tpu.region"() ({
      %run_scoped3A = tpu.sem_alloc : memref<!tpu.dma_semaphore, #tpu.memory_space<semaphore_mem>>
      %dma_start3A_281 = arith.constant 0 : i32
      %dma_start3A_282 = tpu.memref_slice %arg5[%add3A_61, %dma_start3A_281] : memref<5120x128xi32, #tpu.memory_space<hbm>> -> memref<40x128xi32, #tpu.memory_space<hbm>>
      %dma_start3A_283 = arith.constant 0 : i32
      %dma_start3A_284 = tpu.memref_slice %arg5[%add3A_61, %dma_start3A_283] : memref<5120x128xi32, #tpu.memory_space<hbm>> -> memref<40x128xi32, #tpu.memory_space<hbm>>
      tpu.enqueue_dma source(%dma_start3A_284 : memref<40x128xi32, #tpu.memory_space<hbm>>) target(%arg14 : memref<40x128xi32, #tpu.memory_space<vmem>>) target_semaphore(%run_scoped3A : memref<!tpu.dma_semaphore, #tpu.memory_space<semaphore_mem>>)
      %dma_wait3A = arith.constant 0 : i32
      %dma_wait3A_285 = tpu.memref_slice %arg5[%add3A_61, %dma_wait3A] : memref<5120x128xi32, #tpu.memory_space<hbm>> -> memref<40x128xi32, #tpu.memory_space<hbm>>
      %dma_wait3A_286 = arith.constant 0 : i32
      %dma_wait3A_287 = tpu.memref_slice %arg5[%add3A_61, %dma_wait3A_286] : memref<5120x128xi32, #tpu.memory_space<hbm>> -> memref<40x128xi32, #tpu.memory_space<hbm>>
      tpu.wait_dma2 semaphore(%run_scoped3A : memref<!tpu.dma_semaphore, #tpu.memory_space<semaphore_mem>>) src(%dma_wait3A_287 : memref<40x128xi32, #tpu.memory_space<hbm>>) dst(%arg14 : memref<40x128xi32, #tpu.memory_space<vmem>>)
      tpu.yield
    }) : () -> ()
    %add3A_62 = arith.constant 80 : i32
    %add3A_63 = arith.addi %mul3A_2, %add3A_62 : i32
    "tpu.region"() ({
      %run_scoped3A = tpu.sem_alloc : memref<!tpu.dma_semaphore, #tpu.memory_space<semaphore_mem>>
      %dma_start3A_281 = arith.constant 0 : i32
      %dma_start3A_282 = tpu.memref_slice %arg4[%add3A_63, %dma_start3A_281] : memref<5120x128xi32, #tpu.memory_space<hbm>> -> memref<40x128xi32, #tpu.memory_space<hbm>>
      %dma_start3A_283 = arith.constant 0 : i32
      %dma_start3A_284 = tpu.memref_slice %arg4[%add3A_63, %dma_start3A_283] : memref<5120x128xi32, #tpu.memory_space<hbm>> -> memref<40x128xi32, #tpu.memory_space<hbm>>
      tpu.enqueue_dma source(%dma_start3A_284 : memref<40x128xi32, #tpu.memory_space<hbm>>) target(%arg15 : memref<40x128xi32, #tpu.memory_space<vmem>>) target_semaphore(%run_scoped3A : memref<!tpu.dma_semaphore, #tpu.memory_space<semaphore_mem>>)
      %dma_wait3A = arith.constant 0 : i32
      %dma_wait3A_285 = tpu.memref_slice %arg4[%add3A_63, %dma_wait3A] : memref<5120x128xi32, #tpu.memory_space<hbm>> -> memref<40x128xi32, #tpu.memory_space<hbm>>
      %dma_wait3A_286 = arith.constant 0 : i32
      %dma_wait3A_287 = tpu.memref_slice %arg4[%add3A_63, %dma_wait3A_286] : memref<5120x128xi32, #tpu.memory_space<hbm>> -> memref<40x128xi32, #tpu.memory_space<hbm>>
      tpu.wait_dma2 semaphore(%run_scoped3A : memref<!tpu.dma_semaphore, #tpu.memory_space<semaphore_mem>>) src(%dma_wait3A_287 : memref<40x128xi32, #tpu.memory_space<hbm>>) dst(%arg15 : memref<40x128xi32, #tpu.memory_space<vmem>>)
      tpu.yield
    }) : () -> ()
    %dma_start3A_64 = arith.constant 0 : i32
    %dma_start3A_65 = arith.constant 0 : i32
    %dma_start3A_66 = tpu.memref_slice %arg14[%dma_start3A_64, %dma_start3A_65] : memref<40x128xi32, #tpu.memory_space<vmem>> -> memref<1x128xi32, #tpu.memory_space<vmem>>
    %dma_start3A_67 = tpu.memref_squeeze %dma_start3A_66 : memref<1x128xi32, #tpu.memory_space<vmem>> -> memref<128xi32, #tpu.memory_space<vmem>>
    %dma_start3A_68 = arith.constant 0 : i32
    %dma_start3A_69 = arith.constant 0 : i32
    %dma_start3A_70 = tpu.memref_slice %arg13[%dma_start3A_68, %dma_start3A_69] : memref<512x128xf32, #tpu.memory_space<vmem_shared>> -> memref<512x128xf32, #tpu.memory_space<vmem_shared>>
    tpu.enqueue_indirect_dma source(%dma_start3A_70 : memref<512x128xf32, #tpu.memory_space<vmem_shared>>) target(%arg16 : memref<128x128xf32, #tpu.memory_space<vmem>>) offsets(%dma_start3A_67 : memref<128xi32, #tpu.memory_space<vmem>>) semaphore(%arg18 : memref<!tpu.dma_semaphore, #tpu.memory_space<semaphore_mem>>)
    %dma_start3A_71 = arith.constant 1 : i32
    %dma_start3A_72 = arith.constant 0 : i32
    %dma_start3A_73 = tpu.memref_slice %arg14[%dma_start3A_71, %dma_start3A_72] : memref<40x128xi32, #tpu.memory_space<vmem>> -> memref<1x128xi32, #tpu.memory_space<vmem>>
    %dma_start3A_74 = tpu.memref_squeeze %dma_start3A_73 : memref<1x128xi32, #tpu.memory_space<vmem>> -> memref<128xi32, #tpu.memory_space<vmem>>
    %dma_start3A_75 = arith.constant 0 : i32
    %dma_start3A_76 = arith.constant 0 : i32
    %dma_start3A_77 = tpu.memref_slice %arg13[%dma_start3A_75, %dma_start3A_76] : memref<512x128xf32, #tpu.memory_space<vmem_shared>> -> memref<512x128xf32, #tpu.memory_space<vmem_shared>>
    tpu.enqueue_indirect_dma source(%dma_start3A_77 : memref<512x128xf32, #tpu.memory_space<vmem_shared>>) target(%arg17 : memref<128x128xf32, #tpu.memory_space<vmem>>) offsets(%dma_start3A_74 : memref<128xi32, #tpu.memory_space<vmem>>) semaphore(%arg19 : memref<!tpu.dma_semaphore, #tpu.memory_space<semaphore_mem>>)
    %scan3A_78 = arith.constant 0 : i32
    %scan3A_79 = arith.constant 0 : i32
    %scan3A_80 = arith.constant 20 : i32
    %scan3A_81 = arith.addi %scan3A_79, %scan3A_80 : i32
    %scan3A_82 = arith.constant 1 : i32
    scf.for %scan3A_281 = %scan3A_79 to %scan3A_81 step %scan3A_82  : i32 {
      %mul3A_282 = arith.constant 2 : i32
      %mul3A_283 = arith.muli %mul3A_282, %scan3A_281 : i32
      %mul3A_284 = arith.constant 2 : i32
      %mul3A_285 = arith.muli %mul3A_284, %scan3A_281 : i32
      %add3A_286 = arith.constant 1 : i32
      %add3A_287 = arith.addi %mul3A_285, %add3A_286 : i32
      %dma_wait3A = arith.constant 0 : i32
      %dma_wait3A_288 = tpu.memref_slice %arg14[%mul3A_283, %dma_wait3A] : memref<40x128xi32, #tpu.memory_space<vmem>> -> memref<1x128xi32, #tpu.memory_space<vmem>>
      %dma_wait3A_289 = tpu.memref_squeeze %dma_wait3A_288 : memref<1x128xi32, #tpu.memory_space<vmem>> -> memref<128xi32, #tpu.memory_space<vmem>>
      %dma_wait3A_290 = arith.constant 0 : i32
      %dma_wait3A_291 = arith.constant 0 : i32
      %dma_wait3A_292 = tpu.memref_slice %arg13[%dma_wait3A_290, %dma_wait3A_291] : memref<512x128xf32, #tpu.memory_space<vmem_shared>> -> memref<512x128xf32, #tpu.memory_space<vmem_shared>>
      tpu.wait_indirect_dma semaphore(%arg18 : memref<!tpu.dma_semaphore, #tpu.memory_space<semaphore_mem>>) src(%dma_wait3A_292 : memref<512x128xf32, #tpu.memory_space<vmem_shared>>) dst(%arg16 : memref<128x128xf32, #tpu.memory_space<vmem>>)
      "tpu.region"() ({
        %run_scoped3A = tpu.sem_alloc : memref<!tpu.dma_semaphore, #tpu.memory_space<semaphore_mem>>
        %dma_start3A_312 = arith.constant 0 : i32
        %dma_start3A_313 = tpu.memref_slice %arg15[%mul3A_283, %dma_start3A_312] : memref<40x128xi32, #tpu.memory_space<vmem>> -> memref<1x128xi32, #tpu.memory_space<vmem>>
        %dma_start3A_314 = tpu.memref_squeeze %dma_start3A_313 : memref<1x128xi32, #tpu.memory_space<vmem>> -> memref<128xi32, #tpu.memory_space<vmem>>
        %dma_start3A_315 = arith.constant 0 : i32
        %dma_start3A_316 = arith.constant 0 : i32
        %dma_start3A_317 = tpu.memref_slice %arg12[%dma_start3A_315, %dma_start3A_316] : memref<10112x128xf32, #tpu.memory_space<vmem_shared>> -> memref<10112x128xf32, #tpu.memory_space<vmem_shared>>
        tpu.enqueue_indirect_dma source(%arg16 : memref<128x128xf32, #tpu.memory_space<vmem>>) target(%dma_start3A_317 : memref<10112x128xf32, #tpu.memory_space<vmem_shared>>) offsets(%dma_start3A_314 : memref<128xi32, #tpu.memory_space<vmem>>) semaphore(%run_scoped3A : memref<!tpu.dma_semaphore, #tpu.memory_space<semaphore_mem>>) {add = true}
        %dma_wait3A_318 = arith.constant 0 : i32
        %dma_wait3A_319 = tpu.memref_slice %arg15[%mul3A_283, %dma_wait3A_318] : memref<40x128xi32, #tpu.memory_space<vmem>> -> memref<1x128xi32, #tpu.memory_space<vmem>>
        %dma_wait3A_320 = tpu.memref_squeeze %dma_wait3A_319 : memref<1x128xi32, #tpu.memory_space<vmem>> -> memref<128xi32, #tpu.memory_space<vmem>>
        %dma_wait3A_321 = arith.constant 0 : i32
        %dma_wait3A_322 = arith.constant 0 : i32
        %dma_wait3A_323 = tpu.memref_slice %arg12[%dma_wait3A_321, %dma_wait3A_322] : memref<10112x128xf32, #tpu.memory_space<vmem_shared>> -> memref<10112x128xf32, #tpu.memory_space<vmem_shared>>
        tpu.wait_indirect_dma semaphore(%run_scoped3A : memref<!tpu.dma_semaphore, #tpu.memory_space<semaphore_mem>>) src(%arg16 : memref<128x128xf32, #tpu.memory_space<vmem>>) dst(%dma_wait3A_323 : memref<10112x128xf32, #tpu.memory_space<vmem_shared>>)
        tpu.yield
      }) : () -> ()
      %add3A_293 = arith.constant 2 : i32
      %add3A_294 = arith.addi %mul3A_283, %add3A_293 : i32
      %lt3A = arith.constant 40 : i32
      %lt3A_295 = arith.cmpi slt, %add3A_294, %lt3A : i32
      %convert_element_type3A_296 = arith.extui %lt3A_295 : i1 to i32
      %cond3A_297 = arith.constant 0 : i32
      %cond3A_298 = arith.cmpi ne, %convert_element_type3A_296, %cond3A_297 : i32
      scf.if %cond3A_298 {
        %add3A_312 = arith.constant 2 : i32
        %add3A_313 = arith.addi %mul3A_283, %add3A_312 : i32
        %dma_start3A_314 = arith.constant 0 : i32
        %dma_start3A_315 = tpu.memref_slice %arg14[%add3A_313, %dma_start3A_314] : memref<40x128xi32, #tpu.memory_space<vmem>> -> memref<1x128xi32, #tpu.memory_space<vmem>>
        %dma_start3A_316 = tpu.memref_squeeze %dma_start3A_315 : memref<1x128xi32, #tpu.memory_space<vmem>> -> memref<128xi32, #tpu.memory_space<vmem>>
        %dma_start3A_317 = arith.constant 0 : i32
        %dma_start3A_318 = arith.constant 0 : i32
        %dma_start3A_319 = tpu.memref_slice %arg13[%dma_start3A_317, %dma_start3A_318] : memref<512x128xf32, #tpu.memory_space<vmem_shared>> -> memref<512x128xf32, #tpu.memory_space<vmem_shared>>
        tpu.enqueue_indirect_dma source(%dma_start3A_319 : memref<512x128xf32, #tpu.memory_space<vmem_shared>>) target(%arg16 : memref<128x128xf32, #tpu.memory_space<vmem>>) offsets(%dma_start3A_316 : memref<128xi32, #tpu.memory_space<vmem>>) semaphore(%arg18 : memref<!tpu.dma_semaphore, #tpu.memory_space<semaphore_mem>>)
      } else {
      }
      %dma_wait3A_299 = arith.constant 0 : i32
      %dma_wait3A_300 = tpu.memref_slice %arg14[%add3A_287, %dma_wait3A_299] : memref<40x128xi32, #tpu.memory_space<vmem>> -> memref<1x128xi32, #tpu.memory_space<vmem>>
      %dma_wait3A_301 = tpu.memref_squeeze %dma_wait3A_300 : memref<1x128xi32, #tpu.memory_space<vmem>> -> memref<128xi32, #tpu.memory_space<vmem>>
      %dma_wait3A_302 = arith.constant 0 : i32
      %dma_wait3A_303 = arith.constant 0 : i32
      %dma_wait3A_304 = tpu.memref_slice %arg13[%dma_wait3A_302, %dma_wait3A_303] : memref<512x128xf32, #tpu.memory_space<vmem_shared>> -> memref<512x128xf32, #tpu.memory_space<vmem_shared>>
      tpu.wait_indirect_dma semaphore(%arg19 : memref<!tpu.dma_semaphore, #tpu.memory_space<semaphore_mem>>) src(%dma_wait3A_304 : memref<512x128xf32, #tpu.memory_space<vmem_shared>>) dst(%arg17 : memref<128x128xf32, #tpu.memory_space<vmem>>)
      "tpu.region"() ({
        %run_scoped3A = tpu.sem_alloc : memref<!tpu.dma_semaphore, #tpu.memory_space<semaphore_mem>>
        %dma_start3A_312 = arith.constant 0 : i32
        %dma_start3A_313 = tpu.memref_slice %arg15[%add3A_287, %dma_start3A_312] : memref<40x128xi32, #tpu.memory_space<vmem>> -> memref<1x128xi32, #tpu.memory_space<vmem>>
        %dma_start3A_314 = tpu.memref_squeeze %dma_start3A_313 : memref<1x128xi32, #tpu.memory_space<vmem>> -> memref<128xi32, #tpu.memory_space<vmem>>
        %dma_start3A_315 = arith.constant 0 : i32
        %dma_start3A_316 = arith.constant 0 : i32
        %dma_start3A_317 = tpu.memref_slice %arg12[%dma_start3A_315, %dma_start3A_316] : memref<10112x128xf32, #tpu.memory_space<vmem_shared>> -> memref<10112x128xf32, #tpu.memory_space<vmem_shared>>
        tpu.enqueue_indirect_dma source(%arg17 : memref<128x128xf32, #tpu.memory_space<vmem>>) target(%dma_start3A_317 : memref<10112x128xf32, #tpu.memory_space<vmem_shared>>) offsets(%dma_start3A_314 : memref<128xi32, #tpu.memory_space<vmem>>) semaphore(%run_scoped3A : memref<!tpu.dma_semaphore, #tpu.memory_space<semaphore_mem>>) {add = true}
        %dma_wait3A_318 = arith.constant 0 : i32
        %dma_wait3A_319 = tpu.memref_slice %arg15[%add3A_287, %dma_wait3A_318] : memref<40x128xi32, #tpu.memory_space<vmem>> -> memref<1x128xi32, #tpu.memory_space<vmem>>
        %dma_wait3A_320 = tpu.memref_squeeze %dma_wait3A_319 : memref<1x128xi32, #tpu.memory_space<vmem>> -> memref<128xi32, #tpu.memory_space<vmem>>
        %dma_wait3A_321 = arith.constant 0 : i32
        %dma_wait3A_322 = arith.constant 0 : i32
        %dma_wait3A_323 = tpu.memref_slice %arg12[%dma_wait3A_321, %dma_wait3A_322] : memref<10112x128xf32, #tpu.memory_space<vmem_shared>> -> memref<10112x128xf32, #tpu.memory_space<vmem_shared>>
        tpu.wait_indirect_dma semaphore(%run_scoped3A : memref<!tpu.dma_semaphore, #tpu.memory_space<semaphore_mem>>) src(%arg17 : memref<128x128xf32, #tpu.memory_space<vmem>>) dst(%dma_wait3A_323 : memref<10112x128xf32, #tpu.memory_space<vmem_shared>>)
        tpu.yield
      }) : () -> ()
      %add3A_305 = arith.constant 2 : i32
      %add3A_306 = arith.addi %add3A_287, %add3A_305 : i32
      %lt3A_307 = arith.constant 40 : i32
      %lt3A_308 = arith.cmpi slt, %add3A_306, %lt3A_307 : i32
      %convert_element_type3A_309 = arith.extui %lt3A_308 : i1 to i32
      %cond3A_310 = arith.constant 0 : i32
      %cond3A_311 = arith.cmpi ne, %convert_element_type3A_309, %cond3A_310 : i32
      scf.if %cond3A_311 {
        %add3A_312 = arith.constant 2 : i32
        %add3A_313 = arith.addi %add3A_287, %add3A_312 : i32
        %dma_start3A_314 = arith.constant 0 : i32
        %dma_start3A_315 = tpu.memref_slice %arg14[%add3A_313, %dma_start3A_314] : memref<40x128xi32, #tpu.memory_space<vmem>> -> memref<1x128xi32, #tpu.memory_space<vmem>>
        %dma_start3A_316 = tpu.memref_squeeze %dma_start3A_315 : memref<1x128xi32, #tpu.memory_space<vmem>> -> memref<128xi32, #tpu.memory_space<vmem>>
        %dma_start3A_317 = arith.constant 0 : i32
        %dma_start3A_318 = arith.constant 0 : i32
        %dma_start3A_319 = tpu.memref_slice %arg13[%dma_start3A_317, %dma_start3A_318] : memref<512x128xf32, #tpu.memory_space<vmem_shared>> -> memref<512x128xf32, #tpu.memory_space<vmem_shared>>
        tpu.enqueue_indirect_dma source(%dma_start3A_319 : memref<512x128xf32, #tpu.memory_space<vmem_shared>>) target(%arg17 : memref<128x128xf32, #tpu.memory_space<vmem>>) offsets(%dma_start3A_316 : memref<128xi32, #tpu.memory_space<vmem>>) semaphore(%arg19 : memref<!tpu.dma_semaphore, #tpu.memory_space<semaphore_mem>>)
      } else {
      }
    }
    %scan3A_83 = arith.constant 20 : i32
    %add3A_84 = arith.constant 120 : i32
    %add3A_85 = arith.addi %mul3A_2, %add3A_84 : i32
    "tpu.region"() ({
      %run_scoped3A = tpu.sem_alloc : memref<!tpu.dma_semaphore, #tpu.memory_space<semaphore_mem>>
      %dma_start3A_281 = arith.constant 0 : i32
      %dma_start3A_282 = tpu.memref_slice %arg5[%add3A_85, %dma_start3A_281] : memref<5120x128xi32, #tpu.memory_space<hbm>> -> memref<40x128xi32, #tpu.memory_space<hbm>>
      %dma_start3A_283 = arith.constant 0 : i32
      %dma_start3A_284 = tpu.memref_slice %arg5[%add3A_85, %dma_start3A_283] : memref<5120x128xi32, #tpu.memory_space<hbm>> -> memref<40x128xi32, #tpu.memory_space<hbm>>
      tpu.enqueue_dma source(%dma_start3A_284 : memref<40x128xi32, #tpu.memory_space<hbm>>) target(%arg14 : memref<40x128xi32, #tpu.memory_space<vmem>>) target_semaphore(%run_scoped3A : memref<!tpu.dma_semaphore, #tpu.memory_space<semaphore_mem>>)
      %dma_wait3A = arith.constant 0 : i32
      %dma_wait3A_285 = tpu.memref_slice %arg5[%add3A_85, %dma_wait3A] : memref<5120x128xi32, #tpu.memory_space<hbm>> -> memref<40x128xi32, #tpu.memory_space<hbm>>
      %dma_wait3A_286 = arith.constant 0 : i32
      %dma_wait3A_287 = tpu.memref_slice %arg5[%add3A_85, %dma_wait3A_286] : memref<5120x128xi32, #tpu.memory_space<hbm>> -> memref<40x128xi32, #tpu.memory_space<hbm>>
      tpu.wait_dma2 semaphore(%run_scoped3A : memref<!tpu.dma_semaphore, #tpu.memory_space<semaphore_mem>>) src(%dma_wait3A_287 : memref<40x128xi32, #tpu.memory_space<hbm>>) dst(%arg14 : memref<40x128xi32, #tpu.memory_space<vmem>>)
      tpu.yield
    }) : () -> ()
    %add3A_86 = arith.constant 120 : i32
    %add3A_87 = arith.addi %mul3A_2, %add3A_86 : i32
    "tpu.region"() ({
      %run_scoped3A = tpu.sem_alloc : memref<!tpu.dma_semaphore, #tpu.memory_space<semaphore_mem>>
      %dma_start3A_281 = arith.constant 0 : i32
      %dma_start3A_282 = tpu.memref_slice %arg4[%add3A_87, %dma_start3A_281] : memref<5120x128xi32, #tpu.memory_space<hbm>> -> memref<40x128xi32, #tpu.memory_space<hbm>>
      %dma_start3A_283 = arith.constant 0 : i32
      %dma_start3A_284 = tpu.memref_slice %arg4[%add3A_87, %dma_start3A_283] : memref<5120x128xi32, #tpu.memory_space<hbm>> -> memref<40x128xi32, #tpu.memory_space<hbm>>
      tpu.enqueue_dma source(%dma_start3A_284 : memref<40x128xi32, #tpu.memory_space<hbm>>) target(%arg15 : memref<40x128xi32, #tpu.memory_space<vmem>>) target_semaphore(%run_scoped3A : memref<!tpu.dma_semaphore, #tpu.memory_space<semaphore_mem>>)
      %dma_wait3A = arith.constant 0 : i32
      %dma_wait3A_285 = tpu.memref_slice %arg4[%add3A_87, %dma_wait3A] : memref<5120x128xi32, #tpu.memory_space<hbm>> -> memref<40x128xi32, #tpu.memory_space<hbm>>
      %dma_wait3A_286 = arith.constant 0 : i32
      %dma_wait3A_287 = tpu.memref_slice %arg4[%add3A_87, %dma_wait3A_286] : memref<5120x128xi32, #tpu.memory_space<hbm>> -> memref<40x128xi32, #tpu.memory_space<hbm>>
      tpu.wait_dma2 semaphore(%run_scoped3A : memref<!tpu.dma_semaphore, #tpu.memory_space<semaphore_mem>>) src(%dma_wait3A_287 : memref<40x128xi32, #tpu.memory_space<hbm>>) dst(%arg15 : memref<40x128xi32, #tpu.memory_space<vmem>>)
      tpu.yield
    }) : () -> ()
    %dma_start3A_88 = arith.constant 0 : i32
    %dma_start3A_89 = arith.constant 0 : i32
    %dma_start3A_90 = tpu.memref_slice %arg14[%dma_start3A_88, %dma_start3A_89] : memref<40x128xi32, #tpu.memory_space<vmem>> -> memref<1x128xi32, #tpu.memory_space<vmem>>
    %dma_start3A_91 = tpu.memref_squeeze %dma_start3A_90 : memref<1x128xi32, #tpu.memory_space<vmem>> -> memref<128xi32, #tpu.memory_space<vmem>>
    %dma_start3A_92 = arith.constant 0 : i32
    %dma_start3A_93 = arith.constant 0 : i32
    %dma_start3A_94 = tpu.memref_slice %arg13[%dma_start3A_92, %dma_start3A_93] : memref<512x128xf32, #tpu.memory_space<vmem_shared>> -> memref<512x128xf32, #tpu.memory_space<vmem_shared>>
    tpu.enqueue_indirect_dma source(%dma_start3A_94 : memref<512x128xf32, #tpu.memory_space<vmem_shared>>) target(%arg16 : memref<128x128xf32, #tpu.memory_space<vmem>>) offsets(%dma_start3A_91 : memref<128xi32, #tpu.memory_space<vmem>>) semaphore(%arg18 : memref<!tpu.dma_semaphore, #tpu.memory_space<semaphore_mem>>)
    %dma_start3A_95 = arith.constant 1 : i32
    %dma_start3A_96 = arith.constant 0 : i32
    %dma_start3A_97 = tpu.memref_slice %arg14[%dma_start3A_95, %dma_start3A_96] : memref<40x128xi32, #tpu.memory_space<vmem>> -> memref<1x128xi32, #tpu.memory_space<vmem>>
    %dma_start3A_98 = tpu.memref_squeeze %dma_start3A_97 : memref<1x128xi32, #tpu.memory_space<vmem>> -> memref<128xi32, #tpu.memory_space<vmem>>
    %dma_start3A_99 = arith.constant 0 : i32
    %dma_start3A_100 = arith.constant 0 : i32
    %dma_start3A_101 = tpu.memref_slice %arg13[%dma_start3A_99, %dma_start3A_100] : memref<512x128xf32, #tpu.memory_space<vmem_shared>> -> memref<512x128xf32, #tpu.memory_space<vmem_shared>>
    tpu.enqueue_indirect_dma source(%dma_start3A_101 : memref<512x128xf32, #tpu.memory_space<vmem_shared>>) target(%arg17 : memref<128x128xf32, #tpu.memory_space<vmem>>) offsets(%dma_start3A_98 : memref<128xi32, #tpu.memory_space<vmem>>) semaphore(%arg19 : memref<!tpu.dma_semaphore, #tpu.memory_space<semaphore_mem>>)
    %scan3A_102 = arith.constant 0 : i32
    %scan3A_103 = arith.constant 0 : i32
    %scan3A_104 = arith.constant 20 : i32
    %scan3A_105 = arith.addi %scan3A_103, %scan3A_104 : i32
    %scan3A_106 = arith.constant 1 : i32
    scf.for %scan3A_281 = %scan3A_103 to %scan3A_105 step %scan3A_106  : i32 {
      %mul3A_282 = arith.constant 2 : i32
      %mul3A_283 = arith.muli %mul3A_282, %scan3A_281 : i32
      %mul3A_284 = arith.constant 2 : i32
      %mul3A_285 = arith.muli %mul3A_284, %scan3A_281 : i32
      %add3A_286 = arith.constant 1 : i32
      %add3A_287 = arith.addi %mul3A_285, %add3A_286 : i32
      %dma_wait3A = arith.constant 0 : i32
      %dma_wait3A_288 = tpu.memref_slice %arg14[%mul3A_283, %dma_wait3A] : memref<40x128xi32, #tpu.memory_space<vmem>> -> memref<1x128xi32, #tpu.memory_space<vmem>>
      %dma_wait3A_289 = tpu.memref_squeeze %dma_wait3A_288 : memref<1x128xi32, #tpu.memory_space<vmem>> -> memref<128xi32, #tpu.memory_space<vmem>>
      %dma_wait3A_290 = arith.constant 0 : i32
      %dma_wait3A_291 = arith.constant 0 : i32
      %dma_wait3A_292 = tpu.memref_slice %arg13[%dma_wait3A_290, %dma_wait3A_291] : memref<512x128xf32, #tpu.memory_space<vmem_shared>> -> memref<512x128xf32, #tpu.memory_space<vmem_shared>>
      tpu.wait_indirect_dma semaphore(%arg18 : memref<!tpu.dma_semaphore, #tpu.memory_space<semaphore_mem>>) src(%dma_wait3A_292 : memref<512x128xf32, #tpu.memory_space<vmem_shared>>) dst(%arg16 : memref<128x128xf32, #tpu.memory_space<vmem>>)
      "tpu.region"() ({
        %run_scoped3A = tpu.sem_alloc : memref<!tpu.dma_semaphore, #tpu.memory_space<semaphore_mem>>
        %dma_start3A_312 = arith.constant 0 : i32
        %dma_start3A_313 = tpu.memref_slice %arg15[%mul3A_283, %dma_start3A_312] : memref<40x128xi32, #tpu.memory_space<vmem>> -> memref<1x128xi32, #tpu.memory_space<vmem>>
        %dma_start3A_314 = tpu.memref_squeeze %dma_start3A_313 : memref<1x128xi32, #tpu.memory_space<vmem>> -> memref<128xi32, #tpu.memory_space<vmem>>
        %dma_start3A_315 = arith.constant 0 : i32
        %dma_start3A_316 = arith.constant 0 : i32
        %dma_start3A_317 = tpu.memref_slice %arg12[%dma_start3A_315, %dma_start3A_316] : memref<10112x128xf32, #tpu.memory_space<vmem_shared>> -> memref<10112x128xf32, #tpu.memory_space<vmem_shared>>
        tpu.enqueue_indirect_dma source(%arg16 : memref<128x128xf32, #tpu.memory_space<vmem>>) target(%dma_start3A_317 : memref<10112x128xf32, #tpu.memory_space<vmem_shared>>) offsets(%dma_start3A_314 : memref<128xi32, #tpu.memory_space<vmem>>) semaphore(%run_scoped3A : memref<!tpu.dma_semaphore, #tpu.memory_space<semaphore_mem>>) {add = true}
        %dma_wait3A_318 = arith.constant 0 : i32
        %dma_wait3A_319 = tpu.memref_slice %arg15[%mul3A_283, %dma_wait3A_318] : memref<40x128xi32, #tpu.memory_space<vmem>> -> memref<1x128xi32, #tpu.memory_space<vmem>>
        %dma_wait3A_320 = tpu.memref_squeeze %dma_wait3A_319 : memref<1x128xi32, #tpu.memory_space<vmem>> -> memref<128xi32, #tpu.memory_space<vmem>>
        %dma_wait3A_321 = arith.constant 0 : i32
        %dma_wait3A_322 = arith.constant 0 : i32
        %dma_wait3A_323 = tpu.memref_slice %arg12[%dma_wait3A_321, %dma_wait3A_322] : memref<10112x128xf32, #tpu.memory_space<vmem_shared>> -> memref<10112x128xf32, #tpu.memory_space<vmem_shared>>
        tpu.wait_indirect_dma semaphore(%run_scoped3A : memref<!tpu.dma_semaphore, #tpu.memory_space<semaphore_mem>>) src(%arg16 : memref<128x128xf32, #tpu.memory_space<vmem>>) dst(%dma_wait3A_323 : memref<10112x128xf32, #tpu.memory_space<vmem_shared>>)
        tpu.yield
      }) : () -> ()
      %add3A_293 = arith.constant 2 : i32
      %add3A_294 = arith.addi %mul3A_283, %add3A_293 : i32
      %lt3A = arith.constant 40 : i32
      %lt3A_295 = arith.cmpi slt, %add3A_294, %lt3A : i32
      %convert_element_type3A_296 = arith.extui %lt3A_295 : i1 to i32
      %cond3A_297 = arith.constant 0 : i32
      %cond3A_298 = arith.cmpi ne, %convert_element_type3A_296, %cond3A_297 : i32
      scf.if %cond3A_298 {
        %add3A_312 = arith.constant 2 : i32
        %add3A_313 = arith.addi %mul3A_283, %add3A_312 : i32
        %dma_start3A_314 = arith.constant 0 : i32
        %dma_start3A_315 = tpu.memref_slice %arg14[%add3A_313, %dma_start3A_314] : memref<40x128xi32, #tpu.memory_space<vmem>> -> memref<1x128xi32, #tpu.memory_space<vmem>>
        %dma_start3A_316 = tpu.memref_squeeze %dma_start3A_315 : memref<1x128xi32, #tpu.memory_space<vmem>> -> memref<128xi32, #tpu.memory_space<vmem>>
        %dma_start3A_317 = arith.constant 0 : i32
        %dma_start3A_318 = arith.constant 0 : i32
        %dma_start3A_319 = tpu.memref_slice %arg13[%dma_start3A_317, %dma_start3A_318] : memref<512x128xf32, #tpu.memory_space<vmem_shared>> -> memref<512x128xf32, #tpu.memory_space<vmem_shared>>
        tpu.enqueue_indirect_dma source(%dma_start3A_319 : memref<512x128xf32, #tpu.memory_space<vmem_shared>>) target(%arg16 : memref<128x128xf32, #tpu.memory_space<vmem>>) offsets(%dma_start3A_316 : memref<128xi32, #tpu.memory_space<vmem>>) semaphore(%arg18 : memref<!tpu.dma_semaphore, #tpu.memory_space<semaphore_mem>>)
      } else {
      }
      %dma_wait3A_299 = arith.constant 0 : i32
      %dma_wait3A_300 = tpu.memref_slice %arg14[%add3A_287, %dma_wait3A_299] : memref<40x128xi32, #tpu.memory_space<vmem>> -> memref<1x128xi32, #tpu.memory_space<vmem>>
      %dma_wait3A_301 = tpu.memref_squeeze %dma_wait3A_300 : memref<1x128xi32, #tpu.memory_space<vmem>> -> memref<128xi32, #tpu.memory_space<vmem>>
      %dma_wait3A_302 = arith.constant 0 : i32
      %dma_wait3A_303 = arith.constant 0 : i32
      %dma_wait3A_304 = tpu.memref_slice %arg13[%dma_wait3A_302, %dma_wait3A_303] : memref<512x128xf32, #tpu.memory_space<vmem_shared>> -> memref<512x128xf32, #tpu.memory_space<vmem_shared>>
      tpu.wait_indirect_dma semaphore(%arg19 : memref<!tpu.dma_semaphore, #tpu.memory_space<semaphore_mem>>) src(%dma_wait3A_304 : memref<512x128xf32, #tpu.memory_space<vmem_shared>>) dst(%arg17 : memref<128x128xf32, #tpu.memory_space<vmem>>)
      "tpu.region"() ({
        %run_scoped3A = tpu.sem_alloc : memref<!tpu.dma_semaphore, #tpu.memory_space<semaphore_mem>>
        %dma_start3A_312 = arith.constant 0 : i32
        %dma_start3A_313 = tpu.memref_slice %arg15[%add3A_287, %dma_start3A_312] : memref<40x128xi32, #tpu.memory_space<vmem>> -> memref<1x128xi32, #tpu.memory_space<vmem>>
        %dma_start3A_314 = tpu.memref_squeeze %dma_start3A_313 : memref<1x128xi32, #tpu.memory_space<vmem>> -> memref<128xi32, #tpu.memory_space<vmem>>
        %dma_start3A_315 = arith.constant 0 : i32
        %dma_start3A_316 = arith.constant 0 : i32
        %dma_start3A_317 = tpu.memref_slice %arg12[%dma_start3A_315, %dma_start3A_316] : memref<10112x128xf32, #tpu.memory_space<vmem_shared>> -> memref<10112x128xf32, #tpu.memory_space<vmem_shared>>
        tpu.enqueue_indirect_dma source(%arg17 : memref<128x128xf32, #tpu.memory_space<vmem>>) target(%dma_start3A_317 : memref<10112x128xf32, #tpu.memory_space<vmem_shared>>) offsets(%dma_start3A_314 : memref<128xi32, #tpu.memory_space<vmem>>) semaphore(%run_scoped3A : memref<!tpu.dma_semaphore, #tpu.memory_space<semaphore_mem>>) {add = true}
        %dma_wait3A_318 = arith.constant 0 : i32
        %dma_wait3A_319 = tpu.memref_slice %arg15[%add3A_287, %dma_wait3A_318] : memref<40x128xi32, #tpu.memory_space<vmem>> -> memref<1x128xi32, #tpu.memory_space<vmem>>
        %dma_wait3A_320 = tpu.memref_squeeze %dma_wait3A_319 : memref<1x128xi32, #tpu.memory_space<vmem>> -> memref<128xi32, #tpu.memory_space<vmem>>
        %dma_wait3A_321 = arith.constant 0 : i32
        %dma_wait3A_322 = arith.constant 0 : i32
        %dma_wait3A_323 = tpu.memref_slice %arg12[%dma_wait3A_321, %dma_wait3A_322] : memref<10112x128xf32, #tpu.memory_space<vmem_shared>> -> memref<10112x128xf32, #tpu.memory_space<vmem_shared>>
        tpu.wait_indirect_dma semaphore(%run_scoped3A : memref<!tpu.dma_semaphore, #tpu.memory_space<semaphore_mem>>) src(%arg17 : memref<128x128xf32, #tpu.memory_space<vmem>>) dst(%dma_wait3A_323 : memref<10112x128xf32, #tpu.memory_space<vmem_shared>>)
        tpu.yield
      }) : () -> ()
      %add3A_305 = arith.constant 2 : i32
      %add3A_306 = arith.addi %add3A_287, %add3A_305 : i32
      %lt3A_307 = arith.constant 40 : i32
      %lt3A_308 = arith.cmpi slt, %add3A_306, %lt3A_307 : i32
      %convert_element_type3A_309 = arith.extui %lt3A_308 : i1 to i32
      %cond3A_310 = arith.constant 0 : i32
      %cond3A_311 = arith.cmpi ne, %convert_element_type3A_309, %cond3A_310 : i32
      scf.if %cond3A_311 {
        %add3A_312 = arith.constant 2 : i32
        %add3A_313 = arith.addi %add3A_287, %add3A_312 : i32
        %dma_start3A_314 = arith.constant 0 : i32
        %dma_start3A_315 = tpu.memref_slice %arg14[%add3A_313, %dma_start3A_314] : memref<40x128xi32, #tpu.memory_space<vmem>> -> memref<1x128xi32, #tpu.memory_space<vmem>>
        %dma_start3A_316 = tpu.memref_squeeze %dma_start3A_315 : memref<1x128xi32, #tpu.memory_space<vmem>> -> memref<128xi32, #tpu.memory_space<vmem>>
        %dma_start3A_317 = arith.constant 0 : i32
        %dma_start3A_318 = arith.constant 0 : i32
        %dma_start3A_319 = tpu.memref_slice %arg13[%dma_start3A_317, %dma_start3A_318] : memref<512x128xf32, #tpu.memory_space<vmem_shared>> -> memref<512x128xf32, #tpu.memory_space<vmem_shared>>
        tpu.enqueue_indirect_dma source(%dma_start3A_319 : memref<512x128xf32, #tpu.memory_space<vmem_shared>>) target(%arg17 : memref<128x128xf32, #tpu.memory_space<vmem>>) offsets(%dma_start3A_316 : memref<128xi32, #tpu.memory_space<vmem>>) semaphore(%arg19 : memref<!tpu.dma_semaphore, #tpu.memory_space<semaphore_mem>>)
      } else {
      }
    }
    %scan3A_107 = arith.constant 20 : i32
    %barrier3A_108 = arith.constant 0 : index
    tpu.barrier barrier_id(%barrier3A_108)
    %mul3A_109 = arith.constant 632 : i32
    %mul3A_110 = arith.muli %arg1, %mul3A_109 : i32
    "tpu.region"() ({
      %run_scoped3A = tpu.sem_alloc : memref<!tpu.dma_semaphore, #tpu.memory_space<semaphore_mem>>
      %dma_start3A_281 = arith.constant 0 : i32
      %dma_start3A_282 = tpu.memref_slice %arg9[%add3A_7, %dma_start3A_281] : memref<20224x128xf32, #tpu.memory_space<hbm>> -> memref<632x128xf32, #tpu.memory_space<hbm>>
      %dma_start3A_283 = arith.constant 0 : i32
      %dma_start3A_284 = tpu.memref_slice %arg12[%mul3A_110, %dma_start3A_283] : memref<10112x128xf32, #tpu.memory_space<vmem_shared>> -> memref<632x128xf32, #tpu.memory_space<vmem_shared>>
      tpu.enqueue_dma source(%dma_start3A_284 : memref<632x128xf32, #tpu.memory_space<vmem_shared>>) target(%dma_start3A_282 : memref<632x128xf32, #tpu.memory_space<hbm>>) target_semaphore(%run_scoped3A : memref<!tpu.dma_semaphore, #tpu.memory_space<semaphore_mem>>)
      %dma_wait3A = arith.constant 0 : i32
      %dma_wait3A_285 = tpu.memref_slice %arg9[%add3A_7, %dma_wait3A] : memref<20224x128xf32, #tpu.memory_space<hbm>> -> memref<632x128xf32, #tpu.memory_space<hbm>>
      %dma_wait3A_286 = arith.constant 0 : i32
      %dma_wait3A_287 = tpu.memref_slice %arg12[%mul3A_110, %dma_wait3A_286] : memref<10112x128xf32, #tpu.memory_space<vmem_shared>> -> memref<632x128xf32, #tpu.memory_space<vmem_shared>>
      tpu.wait_dma2 semaphore(%run_scoped3A : memref<!tpu.dma_semaphore, #tpu.memory_space<semaphore_mem>>) src(%dma_wait3A_287 : memref<632x128xf32, #tpu.memory_space<vmem_shared>>) dst(%dma_wait3A_285 : memref<632x128xf32, #tpu.memory_space<hbm>>)
      tpu.yield
    }) : () -> ()
    %barrier3A_111 = arith.constant 0 : index
    tpu.barrier barrier_id(%barrier3A_111)
    %mul3A_112 = arith.constant 632 : i32
    %mul3A_113 = arith.muli %arg1, %mul3A_112 : i32
    %mul3A_114 = arith.constant 632 : i32
    %mul3A_115 = arith.muli %arg1, %mul3A_114 : i32
    "tpu.region"() ({
      %run_scoped3A = tpu.sem_alloc : memref<!tpu.dma_semaphore, #tpu.memory_space<semaphore_mem>>
      %dma_start3A_281 = arith.constant 0 : i32
      %dma_start3A_282 = tpu.memref_slice %arg12[%mul3A_115, %dma_start3A_281] : memref<10112x128xf32, #tpu.memory_space<vmem_shared>> -> memref<632x128xf32, #tpu.memory_space<vmem_shared>>
      %dma_start3A_283 = arith.constant 0 : i32
      %dma_start3A_284 = tpu.memref_slice %arg8[%mul3A_113, %dma_start3A_283] : memref<10112x128xf32, #tpu.memory_space<hbm>> -> memref<632x128xf32, #tpu.memory_space<hbm>>
      tpu.enqueue_dma source(%dma_start3A_284 : memref<632x128xf32, #tpu.memory_space<hbm>>) target(%dma_start3A_282 : memref<632x128xf32, #tpu.memory_space<vmem_shared>>) target_semaphore(%run_scoped3A : memref<!tpu.dma_semaphore, #tpu.memory_space<semaphore_mem>>)
      %dma_wait3A = arith.constant 0 : i32
      %dma_wait3A_285 = tpu.memref_slice %arg12[%mul3A_115, %dma_wait3A] : memref<10112x128xf32, #tpu.memory_space<vmem_shared>> -> memref<632x128xf32, #tpu.memory_space<vmem_shared>>
      %dma_wait3A_286 = arith.constant 0 : i32
      %dma_wait3A_287 = tpu.memref_slice %arg8[%mul3A_113, %dma_wait3A_286] : memref<10112x128xf32, #tpu.memory_space<hbm>> -> memref<632x128xf32, #tpu.memory_space<hbm>>
      tpu.wait_dma2 semaphore(%run_scoped3A : memref<!tpu.dma_semaphore, #tpu.memory_space<semaphore_mem>>) src(%dma_wait3A_287 : memref<632x128xf32, #tpu.memory_space<hbm>>) dst(%dma_wait3A_285 : memref<632x128xf32, #tpu.memory_space<vmem_shared>>)
      tpu.yield
    }) : () -> ()
    "tpu.region"() ({
      %run_scoped3A = tpu.sem_alloc : memref<!tpu.dma_semaphore, #tpu.memory_space<semaphore_mem>>
      %dma_start3A_281 = arith.constant 0 : i32
      %dma_start3A_282 = arith.constant 0 : i32
      %dma_start3A_283 = tpu.memref_slice %arg7[%dma_start3A_281, %dma_start3A_282] : memref<512x128xf32, #tpu.memory_space<hbm>> -> memref<128x128xf32, #tpu.memory_space<hbm>>
      %dma_start3A_284 = arith.constant 0 : i32
      %dma_start3A_285 = arith.constant 0 : i32
      %dma_start3A_286 = tpu.memref_slice %arg7[%dma_start3A_284, %dma_start3A_285] : memref<512x128xf32, #tpu.memory_space<hbm>> -> memref<128x128xf32, #tpu.memory_space<hbm>>
      tpu.enqueue_dma source(%dma_start3A_286 : memref<128x128xf32, #tpu.memory_space<hbm>>) target(%arg16 : memref<128x128xf32, #tpu.memory_space<vmem>>) target_semaphore(%run_scoped3A : memref<!tpu.dma_semaphore, #tpu.memory_space<semaphore_mem>>)
      %dma_wait3A = arith.constant 0 : i32
      %dma_wait3A_287 = arith.constant 0 : i32
      %dma_wait3A_288 = tpu.memref_slice %arg7[%dma_wait3A, %dma_wait3A_287] : memref<512x128xf32, #tpu.memory_space<hbm>> -> memref<128x128xf32, #tpu.memory_space<hbm>>
      %dma_wait3A_289 = arith.constant 0 : i32
      %dma_wait3A_290 = arith.constant 0 : i32
      %dma_wait3A_291 = tpu.memref_slice %arg7[%dma_wait3A_289, %dma_wait3A_290] : memref<512x128xf32, #tpu.memory_space<hbm>> -> memref<128x128xf32, #tpu.memory_space<hbm>>
      tpu.wait_dma2 semaphore(%run_scoped3A : memref<!tpu.dma_semaphore, #tpu.memory_space<semaphore_mem>>) src(%dma_wait3A_291 : memref<128x128xf32, #tpu.memory_space<hbm>>) dst(%arg16 : memref<128x128xf32, #tpu.memory_space<vmem>>)
      tpu.yield
    }) : () -> ()
    %barrier3A_116 = arith.constant 0 : index
    tpu.barrier barrier_id(%barrier3A_116)
    %add3A_117 = arith.constant 0 : i32
    %add3A_118 = arith.addi %mul3A_2, %add3A_117 : i32
    "tpu.region"() ({
      %run_scoped3A = tpu.sem_alloc : memref<!tpu.dma_semaphore, #tpu.memory_space<semaphore_mem>>
      %dma_start3A_281 = arith.constant 0 : i32
      %dma_start3A_282 = tpu.memref_slice %arg4[%add3A_118, %dma_start3A_281] : memref<5120x128xi32, #tpu.memory_space<hbm>> -> memref<40x128xi32, #tpu.memory_space<hbm>>
      %dma_start3A_283 = arith.constant 0 : i32
      %dma_start3A_284 = tpu.memref_slice %arg4[%add3A_118, %dma_start3A_283] : memref<5120x128xi32, #tpu.memory_space<hbm>> -> memref<40x128xi32, #tpu.memory_space<hbm>>
      tpu.enqueue_dma source(%dma_start3A_284 : memref<40x128xi32, #tpu.memory_space<hbm>>) target(%arg15 : memref<40x128xi32, #tpu.memory_space<vmem>>) target_semaphore(%run_scoped3A : memref<!tpu.dma_semaphore, #tpu.memory_space<semaphore_mem>>)
      %dma_wait3A = arith.constant 0 : i32
      %dma_wait3A_285 = tpu.memref_slice %arg4[%add3A_118, %dma_wait3A] : memref<5120x128xi32, #tpu.memory_space<hbm>> -> memref<40x128xi32, #tpu.memory_space<hbm>>
      %dma_wait3A_286 = arith.constant 0 : i32
      %dma_wait3A_287 = tpu.memref_slice %arg4[%add3A_118, %dma_wait3A_286] : memref<5120x128xi32, #tpu.memory_space<hbm>> -> memref<40x128xi32, #tpu.memory_space<hbm>>
      tpu.wait_dma2 semaphore(%run_scoped3A : memref<!tpu.dma_semaphore, #tpu.memory_space<semaphore_mem>>) src(%dma_wait3A_287 : memref<40x128xi32, #tpu.memory_space<hbm>>) dst(%arg15 : memref<40x128xi32, #tpu.memory_space<vmem>>)
      tpu.yield
    }) : () -> ()
    %scan3A_119 = arith.constant 0 : i32
    %scan3A_120 = arith.constant 0 : i32
    %scan3A_121 = arith.constant 40 : i32
    %scan3A_122 = arith.addi %scan3A_120, %scan3A_121 : i32
    %scan3A_123 = arith.constant 1 : i32
    scf.for %scan3A_281 = %scan3A_120 to %scan3A_122 step %scan3A_123  : i32 {
      %dma_start3A_282 = arith.constant 0 : i32
      %dma_start3A_283 = tpu.memref_slice %arg15[%scan3A_281, %dma_start3A_282] : memref<40x128xi32, #tpu.memory_space<vmem>> -> memref<1x128xi32, #tpu.memory_space<vmem>>
      %dma_start3A_284 = tpu.memref_squeeze %dma_start3A_283 : memref<1x128xi32, #tpu.memory_space<vmem>> -> memref<128xi32, #tpu.memory_space<vmem>>
      %dma_start3A_285 = arith.constant 0 : i32
      %dma_start3A_286 = arith.constant 0 : i32
      %dma_start3A_287 = tpu.memref_slice %arg12[%dma_start3A_285, %dma_start3A_286] : memref<10112x128xf32, #tpu.memory_space<vmem_shared>> -> memref<10112x128xf32, #tpu.memory_space<vmem_shared>>
      tpu.enqueue_indirect_dma source(%arg16 : memref<128x128xf32, #tpu.memory_space<vmem>>) target(%dma_start3A_287 : memref<10112x128xf32, #tpu.memory_space<vmem_shared>>) offsets(%dma_start3A_284 : memref<128xi32, #tpu.memory_space<vmem>>) semaphore(%arg18 : memref<!tpu.dma_semaphore, #tpu.memory_space<semaphore_mem>>) {add = true}
    }
    %scan3A_124 = arith.constant 40 : i32
    %scan3A_125 = arith.constant 0 : i32
    %scan3A_126 = arith.constant 0 : i32
    %scan3A_127 = arith.constant 40 : i32
    %scan3A_128 = arith.addi %scan3A_126, %scan3A_127 : i32
    %scan3A_129 = arith.constant 1 : i32
    scf.for %scan3A_281 = %scan3A_126 to %scan3A_128 step %scan3A_129  : i32 {
      %dma_wait3A = arith.constant 0 : i32
      %dma_wait3A_282 = arith.constant 0 : i32
      %dma_wait3A_283 = tpu.memref_slice %arg15[%dma_wait3A, %dma_wait3A_282] : memref<40x128xi32, #tpu.memory_space<vmem>> -> memref<1x128xi32, #tpu.memory_space<vmem>>
      %dma_wait3A_284 = tpu.memref_squeeze %dma_wait3A_283 : memref<1x128xi32, #tpu.memory_space<vmem>> -> memref<128xi32, #tpu.memory_space<vmem>>
      %dma_wait3A_285 = arith.constant 0 : i32
      %dma_wait3A_286 = arith.constant 0 : i32
      %dma_wait3A_287 = tpu.memref_slice %arg12[%dma_wait3A_285, %dma_wait3A_286] : memref<10112x128xf32, #tpu.memory_space<vmem_shared>> -> memref<10112x128xf32, #tpu.memory_space<vmem_shared>>
      tpu.wait_indirect_dma semaphore(%arg18 : memref<!tpu.dma_semaphore, #tpu.memory_space<semaphore_mem>>) src(%arg16 : memref<128x128xf32, #tpu.memory_space<vmem>>) dst(%dma_wait3A_287 : memref<10112x128xf32, #tpu.memory_space<vmem_shared>>)
    }
    %scan3A_130 = arith.constant 40 : i32
    %add3A_131 = arith.constant 40 : i32
    %add3A_132 = arith.addi %mul3A_2, %add3A_131 : i32
    "tpu.region"() ({
      %run_scoped3A = tpu.sem_alloc : memref<!tpu.dma_semaphore, #tpu.memory_space<semaphore_mem>>
      %dma_start3A_281 = arith.constant 0 : i32
      %dma_start3A_282 = tpu.memref_slice %arg4[%add3A_132, %dma_start3A_281] : memref<5120x128xi32, #tpu.memory_space<hbm>> -> memref<40x128xi32, #tpu.memory_space<hbm>>
      %dma_start3A_283 = arith.constant 0 : i32
      %dma_start3A_284 = tpu.memref_slice %arg4[%add3A_132, %dma_start3A_283] : memref<5120x128xi32, #tpu.memory_space<hbm>> -> memref<40x128xi32, #tpu.memory_space<hbm>>
      tpu.enqueue_dma source(%dma_start3A_284 : memref<40x128xi32, #tpu.memory_space<hbm>>) target(%arg15 : memref<40x128xi32, #tpu.memory_space<vmem>>) target_semaphore(%run_scoped3A : memref<!tpu.dma_semaphore, #tpu.memory_space<semaphore_mem>>)
      %dma_wait3A = arith.constant 0 : i32
      %dma_wait3A_285 = tpu.memref_slice %arg4[%add3A_132, %dma_wait3A] : memref<5120x128xi32, #tpu.memory_space<hbm>> -> memref<40x128xi32, #tpu.memory_space<hbm>>
      %dma_wait3A_286 = arith.constant 0 : i32
      %dma_wait3A_287 = tpu.memref_slice %arg4[%add3A_132, %dma_wait3A_286] : memref<5120x128xi32, #tpu.memory_space<hbm>> -> memref<40x128xi32, #tpu.memory_space<hbm>>
      tpu.wait_dma2 semaphore(%run_scoped3A : memref<!tpu.dma_semaphore, #tpu.memory_space<semaphore_mem>>) src(%dma_wait3A_287 : memref<40x128xi32, #tpu.memory_space<hbm>>) dst(%arg15 : memref<40x128xi32, #tpu.memory_space<vmem>>)
      tpu.yield
    }) : () -> ()
    %scan3A_133 = arith.constant 0 : i32
    %scan3A_134 = arith.constant 0 : i32
    %scan3A_135 = arith.constant 40 : i32
    %scan3A_136 = arith.addi %scan3A_134, %scan3A_135 : i32
    %scan3A_137 = arith.constant 1 : i32
    scf.for %scan3A_281 = %scan3A_134 to %scan3A_136 step %scan3A_137  : i32 {
      %dma_start3A_282 = arith.constant 0 : i32
      %dma_start3A_283 = tpu.memref_slice %arg15[%scan3A_281, %dma_start3A_282] : memref<40x128xi32, #tpu.memory_space<vmem>> -> memref<1x128xi32, #tpu.memory_space<vmem>>
      %dma_start3A_284 = tpu.memref_squeeze %dma_start3A_283 : memref<1x128xi32, #tpu.memory_space<vmem>> -> memref<128xi32, #tpu.memory_space<vmem>>
      %dma_start3A_285 = arith.constant 0 : i32
      %dma_start3A_286 = arith.constant 0 : i32
      %dma_start3A_287 = tpu.memref_slice %arg12[%dma_start3A_285, %dma_start3A_286] : memref<10112x128xf32, #tpu.memory_space<vmem_shared>> -> memref<10112x128xf32, #tpu.memory_space<vmem_shared>>
      tpu.enqueue_indirect_dma source(%arg16 : memref<128x128xf32, #tpu.memory_space<vmem>>) target(%dma_start3A_287 : memref<10112x128xf32, #tpu.memory_space<vmem_shared>>) offsets(%dma_start3A_284 : memref<128xi32, #tpu.memory_space<vmem>>) semaphore(%arg18 : memref<!tpu.dma_semaphore, #tpu.memory_space<semaphore_mem>>) {add = true}
    }
    %scan3A_138 = arith.constant 40 : i32
    %scan3A_139 = arith.constant 0 : i32
    %scan3A_140 = arith.constant 0 : i32
    %scan3A_141 = arith.constant 40 : i32
    %scan3A_142 = arith.addi %scan3A_140, %scan3A_141 : i32
    %scan3A_143 = arith.constant 1 : i32
    scf.for %scan3A_281 = %scan3A_140 to %scan3A_142 step %scan3A_143  : i32 {
      %dma_wait3A = arith.constant 0 : i32
      %dma_wait3A_282 = arith.constant 0 : i32
      %dma_wait3A_283 = tpu.memref_slice %arg15[%dma_wait3A, %dma_wait3A_282] : memref<40x128xi32, #tpu.memory_space<vmem>> -> memref<1x128xi32, #tpu.memory_space<vmem>>
      %dma_wait3A_284 = tpu.memref_squeeze %dma_wait3A_283 : memref<1x128xi32, #tpu.memory_space<vmem>> -> memref<128xi32, #tpu.memory_space<vmem>>
      %dma_wait3A_285 = arith.constant 0 : i32
      %dma_wait3A_286 = arith.constant 0 : i32
      %dma_wait3A_287 = tpu.memref_slice %arg12[%dma_wait3A_285, %dma_wait3A_286] : memref<10112x128xf32, #tpu.memory_space<vmem_shared>> -> memref<10112x128xf32, #tpu.memory_space<vmem_shared>>
      tpu.wait_indirect_dma semaphore(%arg18 : memref<!tpu.dma_semaphore, #tpu.memory_space<semaphore_mem>>) src(%arg16 : memref<128x128xf32, #tpu.memory_space<vmem>>) dst(%dma_wait3A_287 : memref<10112x128xf32, #tpu.memory_space<vmem_shared>>)
    }
    %scan3A_144 = arith.constant 40 : i32
    %add3A_145 = arith.constant 80 : i32
    %add3A_146 = arith.addi %mul3A_2, %add3A_145 : i32
    "tpu.region"() ({
      %run_scoped3A = tpu.sem_alloc : memref<!tpu.dma_semaphore, #tpu.memory_space<semaphore_mem>>
      %dma_start3A_281 = arith.constant 0 : i32
      %dma_start3A_282 = tpu.memref_slice %arg4[%add3A_146, %dma_start3A_281] : memref<5120x128xi32, #tpu.memory_space<hbm>> -> memref<40x128xi32, #tpu.memory_space<hbm>>
      %dma_start3A_283 = arith.constant 0 : i32
      %dma_start3A_284 = tpu.memref_slice %arg4[%add3A_146, %dma_start3A_283] : memref<5120x128xi32, #tpu.memory_space<hbm>> -> memref<40x128xi32, #tpu.memory_space<hbm>>
      tpu.enqueue_dma source(%dma_start3A_284 : memref<40x128xi32, #tpu.memory_space<hbm>>) target(%arg15 : memref<40x128xi32, #tpu.memory_space<vmem>>) target_semaphore(%run_scoped3A : memref<!tpu.dma_semaphore, #tpu.memory_space<semaphore_mem>>)
      %dma_wait3A = arith.constant 0 : i32
      %dma_wait3A_285 = tpu.memref_slice %arg4[%add3A_146, %dma_wait3A] : memref<5120x128xi32, #tpu.memory_space<hbm>> -> memref<40x128xi32, #tpu.memory_space<hbm>>
      %dma_wait3A_286 = arith.constant 0 : i32
      %dma_wait3A_287 = tpu.memref_slice %arg4[%add3A_146, %dma_wait3A_286] : memref<5120x128xi32, #tpu.memory_space<hbm>> -> memref<40x128xi32, #tpu.memory_space<hbm>>
      tpu.wait_dma2 semaphore(%run_scoped3A : memref<!tpu.dma_semaphore, #tpu.memory_space<semaphore_mem>>) src(%dma_wait3A_287 : memref<40x128xi32, #tpu.memory_space<hbm>>) dst(%arg15 : memref<40x128xi32, #tpu.memory_space<vmem>>)
      tpu.yield
    }) : () -> ()
    %scan3A_147 = arith.constant 0 : i32
    %scan3A_148 = arith.constant 0 : i32
    %scan3A_149 = arith.constant 40 : i32
    %scan3A_150 = arith.addi %scan3A_148, %scan3A_149 : i32
    %scan3A_151 = arith.constant 1 : i32
    scf.for %scan3A_281 = %scan3A_148 to %scan3A_150 step %scan3A_151  : i32 {
      %dma_start3A_282 = arith.constant 0 : i32
      %dma_start3A_283 = tpu.memref_slice %arg15[%scan3A_281, %dma_start3A_282] : memref<40x128xi32, #tpu.memory_space<vmem>> -> memref<1x128xi32, #tpu.memory_space<vmem>>
      %dma_start3A_284 = tpu.memref_squeeze %dma_start3A_283 : memref<1x128xi32, #tpu.memory_space<vmem>> -> memref<128xi32, #tpu.memory_space<vmem>>
      %dma_start3A_285 = arith.constant 0 : i32
      %dma_start3A_286 = arith.constant 0 : i32
      %dma_start3A_287 = tpu.memref_slice %arg12[%dma_start3A_285, %dma_start3A_286] : memref<10112x128xf32, #tpu.memory_space<vmem_shared>> -> memref<10112x128xf32, #tpu.memory_space<vmem_shared>>
      tpu.enqueue_indirect_dma source(%arg16 : memref<128x128xf32, #tpu.memory_space<vmem>>) target(%dma_start3A_287 : memref<10112x128xf32, #tpu.memory_space<vmem_shared>>) offsets(%dma_start3A_284 : memref<128xi32, #tpu.memory_space<vmem>>) semaphore(%arg18 : memref<!tpu.dma_semaphore, #tpu.memory_space<semaphore_mem>>) {add = true}
    }
    %scan3A_152 = arith.constant 40 : i32
    %scan3A_153 = arith.constant 0 : i32
    %scan3A_154 = arith.constant 0 : i32
    %scan3A_155 = arith.constant 40 : i32
    %scan3A_156 = arith.addi %scan3A_154, %scan3A_155 : i32
    %scan3A_157 = arith.constant 1 : i32
    scf.for %scan3A_281 = %scan3A_154 to %scan3A_156 step %scan3A_157  : i32 {
      %dma_wait3A = arith.constant 0 : i32
      %dma_wait3A_282 = arith.constant 0 : i32
      %dma_wait3A_283 = tpu.memref_slice %arg15[%dma_wait3A, %dma_wait3A_282] : memref<40x128xi32, #tpu.memory_space<vmem>> -> memref<1x128xi32, #tpu.memory_space<vmem>>
      %dma_wait3A_284 = tpu.memref_squeeze %dma_wait3A_283 : memref<1x128xi32, #tpu.memory_space<vmem>> -> memref<128xi32, #tpu.memory_space<vmem>>
      %dma_wait3A_285 = arith.constant 0 : i32
      %dma_wait3A_286 = arith.constant 0 : i32
      %dma_wait3A_287 = tpu.memref_slice %arg12[%dma_wait3A_285, %dma_wait3A_286] : memref<10112x128xf32, #tpu.memory_space<vmem_shared>> -> memref<10112x128xf32, #tpu.memory_space<vmem_shared>>
      tpu.wait_indirect_dma semaphore(%arg18 : memref<!tpu.dma_semaphore, #tpu.memory_space<semaphore_mem>>) src(%arg16 : memref<128x128xf32, #tpu.memory_space<vmem>>) dst(%dma_wait3A_287 : memref<10112x128xf32, #tpu.memory_space<vmem_shared>>)
    }
    %scan3A_158 = arith.constant 40 : i32
    %add3A_159 = arith.constant 120 : i32
    %add3A_160 = arith.addi %mul3A_2, %add3A_159 : i32
    "tpu.region"() ({
      %run_scoped3A = tpu.sem_alloc : memref<!tpu.dma_semaphore, #tpu.memory_space<semaphore_mem>>
      %dma_start3A_281 = arith.constant 0 : i32
      %dma_start3A_282 = tpu.memref_slice %arg4[%add3A_160, %dma_start3A_281] : memref<5120x128xi32, #tpu.memory_space<hbm>> -> memref<40x128xi32, #tpu.memory_space<hbm>>
      %dma_start3A_283 = arith.constant 0 : i32
      %dma_start3A_284 = tpu.memref_slice %arg4[%add3A_160, %dma_start3A_283] : memref<5120x128xi32, #tpu.memory_space<hbm>> -> memref<40x128xi32, #tpu.memory_space<hbm>>
      tpu.enqueue_dma source(%dma_start3A_284 : memref<40x128xi32, #tpu.memory_space<hbm>>) target(%arg15 : memref<40x128xi32, #tpu.memory_space<vmem>>) target_semaphore(%run_scoped3A : memref<!tpu.dma_semaphore, #tpu.memory_space<semaphore_mem>>)
      %dma_wait3A = arith.constant 0 : i32
      %dma_wait3A_285 = tpu.memref_slice %arg4[%add3A_160, %dma_wait3A] : memref<5120x128xi32, #tpu.memory_space<hbm>> -> memref<40x128xi32, #tpu.memory_space<hbm>>
      %dma_wait3A_286 = arith.constant 0 : i32
      %dma_wait3A_287 = tpu.memref_slice %arg4[%add3A_160, %dma_wait3A_286] : memref<5120x128xi32, #tpu.memory_space<hbm>> -> memref<40x128xi32, #tpu.memory_space<hbm>>
      tpu.wait_dma2 semaphore(%run_scoped3A : memref<!tpu.dma_semaphore, #tpu.memory_space<semaphore_mem>>) src(%dma_wait3A_287 : memref<40x128xi32, #tpu.memory_space<hbm>>) dst(%arg15 : memref<40x128xi32, #tpu.memory_space<vmem>>)
      tpu.yield
    }) : () -> ()
    %scan3A_161 = arith.constant 0 : i32
    %scan3A_162 = arith.constant 0 : i32
    %scan3A_163 = arith.constant 40 : i32
    %scan3A_164 = arith.addi %scan3A_162, %scan3A_163 : i32
    %scan3A_165 = arith.constant 1 : i32
    scf.for %scan3A_281 = %scan3A_162 to %scan3A_164 step %scan3A_165  : i32 {
      %dma_start3A_282 = arith.constant 0 : i32
      %dma_start3A_283 = tpu.memref_slice %arg15[%scan3A_281, %dma_start3A_282] : memref<40x128xi32, #tpu.memory_space<vmem>> -> memref<1x128xi32, #tpu.memory_space<vmem>>
      %dma_start3A_284 = tpu.memref_squeeze %dma_start3A_283 : memref<1x128xi32, #tpu.memory_space<vmem>> -> memref<128xi32, #tpu.memory_space<vmem>>
      %dma_start3A_285 = arith.constant 0 : i32
      %dma_start3A_286 = arith.constant 0 : i32
      %dma_start3A_287 = tpu.memref_slice %arg12[%dma_start3A_285, %dma_start3A_286] : memref<10112x128xf32, #tpu.memory_space<vmem_shared>> -> memref<10112x128xf32, #tpu.memory_space<vmem_shared>>
      tpu.enqueue_indirect_dma source(%arg16 : memref<128x128xf32, #tpu.memory_space<vmem>>) target(%dma_start3A_287 : memref<10112x128xf32, #tpu.memory_space<vmem_shared>>) offsets(%dma_start3A_284 : memref<128xi32, #tpu.memory_space<vmem>>) semaphore(%arg18 : memref<!tpu.dma_semaphore, #tpu.memory_space<semaphore_mem>>) {add = true}
    }
    %scan3A_166 = arith.constant 40 : i32
    %scan3A_167 = arith.constant 0 : i32
    %scan3A_168 = arith.constant 0 : i32
    %scan3A_169 = arith.constant 40 : i32
    %scan3A_170 = arith.addi %scan3A_168, %scan3A_169 : i32
    %scan3A_171 = arith.constant 1 : i32
    scf.for %scan3A_281 = %scan3A_168 to %scan3A_170 step %scan3A_171  : i32 {
      %dma_wait3A = arith.constant 0 : i32
      %dma_wait3A_282 = arith.constant 0 : i32
      %dma_wait3A_283 = tpu.memref_slice %arg15[%dma_wait3A, %dma_wait3A_282] : memref<40x128xi32, #tpu.memory_space<vmem>> -> memref<1x128xi32, #tpu.memory_space<vmem>>
      %dma_wait3A_284 = tpu.memref_squeeze %dma_wait3A_283 : memref<1x128xi32, #tpu.memory_space<vmem>> -> memref<128xi32, #tpu.memory_space<vmem>>
      %dma_wait3A_285 = arith.constant 0 : i32
      %dma_wait3A_286 = arith.constant 0 : i32
      %dma_wait3A_287 = tpu.memref_slice %arg12[%dma_wait3A_285, %dma_wait3A_286] : memref<10112x128xf32, #tpu.memory_space<vmem_shared>> -> memref<10112x128xf32, #tpu.memory_space<vmem_shared>>
      tpu.wait_indirect_dma semaphore(%arg18 : memref<!tpu.dma_semaphore, #tpu.memory_space<semaphore_mem>>) src(%arg16 : memref<128x128xf32, #tpu.memory_space<vmem>>) dst(%dma_wait3A_287 : memref<10112x128xf32, #tpu.memory_space<vmem_shared>>)
    }
    %scan3A_172 = arith.constant 40 : i32
    %barrier3A_173 = arith.constant 0 : index
    tpu.barrier barrier_id(%barrier3A_173)
    %mul3A_174 = arith.constant 632 : i32
    %mul3A_175 = arith.muli %arg1, %mul3A_174 : i32
    "tpu.region"() ({
      %run_scoped3A = tpu.sem_alloc : memref<!tpu.dma_semaphore, #tpu.memory_space<semaphore_mem>>
      %dma_start3A_281 = arith.constant 0 : i32
      %dma_start3A_282 = tpu.memref_slice %arg10[%add3A_7, %dma_start3A_281] : memref<20224x128xf32, #tpu.memory_space<hbm>> -> memref<632x128xf32, #tpu.memory_space<hbm>>
      %dma_start3A_283 = arith.constant 0 : i32
      %dma_start3A_284 = tpu.memref_slice %arg12[%mul3A_175, %dma_start3A_283] : memref<10112x128xf32, #tpu.memory_space<vmem_shared>> -> memref<632x128xf32, #tpu.memory_space<vmem_shared>>
      tpu.enqueue_dma source(%dma_start3A_284 : memref<632x128xf32, #tpu.memory_space<vmem_shared>>) target(%dma_start3A_282 : memref<632x128xf32, #tpu.memory_space<hbm>>) target_semaphore(%run_scoped3A : memref<!tpu.dma_semaphore, #tpu.memory_space<semaphore_mem>>)
      %dma_wait3A = arith.constant 0 : i32
      %dma_wait3A_285 = tpu.memref_slice %arg10[%add3A_7, %dma_wait3A] : memref<20224x128xf32, #tpu.memory_space<hbm>> -> memref<632x128xf32, #tpu.memory_space<hbm>>
      %dma_wait3A_286 = arith.constant 0 : i32
      %dma_wait3A_287 = tpu.memref_slice %arg12[%mul3A_175, %dma_wait3A_286] : memref<10112x128xf32, #tpu.memory_space<vmem_shared>> -> memref<632x128xf32, #tpu.memory_space<vmem_shared>>
      tpu.wait_dma2 semaphore(%run_scoped3A : memref<!tpu.dma_semaphore, #tpu.memory_space<semaphore_mem>>) src(%dma_wait3A_287 : memref<632x128xf32, #tpu.memory_space<vmem_shared>>) dst(%dma_wait3A_285 : memref<632x128xf32, #tpu.memory_space<hbm>>)
      tpu.yield
    }) : () -> ()
    %barrier3A_176 = arith.constant 0 : index
    tpu.barrier barrier_id(%barrier3A_176)
    %mul3A_177 = arith.constant 632 : i32
    %mul3A_178 = arith.muli %arg1, %mul3A_177 : i32
    %mul3A_179 = arith.constant 632 : i32
    %mul3A_180 = arith.muli %arg1, %mul3A_179 : i32
    "tpu.region"() ({
      %run_scoped3A = tpu.sem_alloc : memref<!tpu.dma_semaphore, #tpu.memory_space<semaphore_mem>>
      %dma_start3A_281 = arith.constant 0 : i32
      %dma_start3A_282 = tpu.memref_slice %arg12[%mul3A_180, %dma_start3A_281] : memref<10112x128xf32, #tpu.memory_space<vmem_shared>> -> memref<632x128xf32, #tpu.memory_space<vmem_shared>>
      %dma_start3A_283 = arith.constant 0 : i32
      %dma_start3A_284 = tpu.memref_slice %arg8[%mul3A_178, %dma_start3A_283] : memref<10112x128xf32, #tpu.memory_space<hbm>> -> memref<632x128xf32, #tpu.memory_space<hbm>>
      tpu.enqueue_dma source(%dma_start3A_284 : memref<632x128xf32, #tpu.memory_space<hbm>>) target(%dma_start3A_282 : memref<632x128xf32, #tpu.memory_space<vmem_shared>>) target_semaphore(%run_scoped3A : memref<!tpu.dma_semaphore, #tpu.memory_space<semaphore_mem>>)
      %dma_wait3A = arith.constant 0 : i32
      %dma_wait3A_285 = tpu.memref_slice %arg12[%mul3A_180, %dma_wait3A] : memref<10112x128xf32, #tpu.memory_space<vmem_shared>> -> memref<632x128xf32, #tpu.memory_space<vmem_shared>>
      %dma_wait3A_286 = arith.constant 0 : i32
      %dma_wait3A_287 = tpu.memref_slice %arg8[%mul3A_178, %dma_wait3A_286] : memref<10112x128xf32, #tpu.memory_space<hbm>> -> memref<632x128xf32, #tpu.memory_space<hbm>>
      tpu.wait_dma2 semaphore(%run_scoped3A : memref<!tpu.dma_semaphore, #tpu.memory_space<semaphore_mem>>) src(%dma_wait3A_287 : memref<632x128xf32, #tpu.memory_space<hbm>>) dst(%dma_wait3A_285 : memref<632x128xf32, #tpu.memory_space<vmem_shared>>)
      tpu.yield
    }) : () -> ()
    %barrier3A_181 = arith.constant 0 : index
    tpu.barrier barrier_id(%barrier3A_181)
    %add3A_182 = arith.constant 0 : i32
    %add3A_183 = arith.addi %mul3A_2, %add3A_182 : i32
    "tpu.region"() ({
      %run_scoped3A = tpu.sem_alloc : memref<!tpu.dma_semaphore, #tpu.memory_space<semaphore_mem>>
      %dma_start3A_281 = arith.constant 0 : i32
      %dma_start3A_282 = tpu.memref_slice %arg3[%add3A_183, %dma_start3A_281] : memref<5120x128xi32, #tpu.memory_space<hbm>> -> memref<40x128xi32, #tpu.memory_space<hbm>>
      %dma_start3A_283 = arith.constant 0 : i32
      %dma_start3A_284 = tpu.memref_slice %arg3[%add3A_183, %dma_start3A_283] : memref<5120x128xi32, #tpu.memory_space<hbm>> -> memref<40x128xi32, #tpu.memory_space<hbm>>
      tpu.enqueue_dma source(%dma_start3A_284 : memref<40x128xi32, #tpu.memory_space<hbm>>) target(%arg14 : memref<40x128xi32, #tpu.memory_space<vmem>>) target_semaphore(%run_scoped3A : memref<!tpu.dma_semaphore, #tpu.memory_space<semaphore_mem>>)
      %dma_wait3A = arith.constant 0 : i32
      %dma_wait3A_285 = tpu.memref_slice %arg3[%add3A_183, %dma_wait3A] : memref<5120x128xi32, #tpu.memory_space<hbm>> -> memref<40x128xi32, #tpu.memory_space<hbm>>
      %dma_wait3A_286 = arith.constant 0 : i32
      %dma_wait3A_287 = tpu.memref_slice %arg3[%add3A_183, %dma_wait3A_286] : memref<5120x128xi32, #tpu.memory_space<hbm>> -> memref<40x128xi32, #tpu.memory_space<hbm>>
      tpu.wait_dma2 semaphore(%run_scoped3A : memref<!tpu.dma_semaphore, #tpu.memory_space<semaphore_mem>>) src(%dma_wait3A_287 : memref<40x128xi32, #tpu.memory_space<hbm>>) dst(%arg14 : memref<40x128xi32, #tpu.memory_space<vmem>>)
      tpu.yield
    }) : () -> ()
    %add3A_184 = arith.constant 0 : i32
    %add3A_185 = arith.addi %mul3A_2, %add3A_184 : i32
    "tpu.region"() ({
      %run_scoped3A = tpu.sem_alloc : memref<!tpu.dma_semaphore, #tpu.memory_space<semaphore_mem>>
      %dma_start3A_281 = arith.constant 0 : i32
      %dma_start3A_282 = tpu.memref_slice %arg4[%add3A_185, %dma_start3A_281] : memref<5120x128xi32, #tpu.memory_space<hbm>> -> memref<40x128xi32, #tpu.memory_space<hbm>>
      %dma_start3A_283 = arith.constant 0 : i32
      %dma_start3A_284 = tpu.memref_slice %arg4[%add3A_185, %dma_start3A_283] : memref<5120x128xi32, #tpu.memory_space<hbm>> -> memref<40x128xi32, #tpu.memory_space<hbm>>
      tpu.enqueue_dma source(%dma_start3A_284 : memref<40x128xi32, #tpu.memory_space<hbm>>) target(%arg15 : memref<40x128xi32, #tpu.memory_space<vmem>>) target_semaphore(%run_scoped3A : memref<!tpu.dma_semaphore, #tpu.memory_space<semaphore_mem>>)
      %dma_wait3A = arith.constant 0 : i32
      %dma_wait3A_285 = tpu.memref_slice %arg4[%add3A_185, %dma_wait3A] : memref<5120x128xi32, #tpu.memory_space<hbm>> -> memref<40x128xi32, #tpu.memory_space<hbm>>
      %dma_wait3A_286 = arith.constant 0 : i32
      %dma_wait3A_287 = tpu.memref_slice %arg4[%add3A_185, %dma_wait3A_286] : memref<5120x128xi32, #tpu.memory_space<hbm>> -> memref<40x128xi32, #tpu.memory_space<hbm>>
      tpu.wait_dma2 semaphore(%run_scoped3A : memref<!tpu.dma_semaphore, #tpu.memory_space<semaphore_mem>>) src(%dma_wait3A_287 : memref<40x128xi32, #tpu.memory_space<hbm>>) dst(%arg15 : memref<40x128xi32, #tpu.memory_space<vmem>>)
      tpu.yield
    }) : () -> ()
    %dma_start3A_186 = arith.constant 0 : i32
    %dma_start3A_187 = arith.constant 0 : i32
    %dma_start3A_188 = tpu.memref_slice %arg14[%dma_start3A_186, %dma_start3A_187] : memref<40x128xi32, #tpu.memory_space<vmem>> -> memref<1x128xi32, #tpu.memory_space<vmem>>
    %dma_start3A_189 = tpu.memref_squeeze %dma_start3A_188 : memref<1x128xi32, #tpu.memory_space<vmem>> -> memref<128xi32, #tpu.memory_space<vmem>>
    %dma_start3A_190 = arith.constant 0 : i32
    %dma_start3A_191 = arith.constant 0 : i32
    %dma_start3A_192 = tpu.memref_slice %arg2[%dma_start3A_190, %dma_start3A_191] : memref<10000x128xf32, #tpu.memory_space<hbm>> -> memref<10000x128xf32, #tpu.memory_space<hbm>>
    tpu.enqueue_indirect_dma source(%dma_start3A_192 : memref<10000x128xf32, #tpu.memory_space<hbm>>) target(%arg16 : memref<128x128xf32, #tpu.memory_space<vmem>>) offsets(%dma_start3A_189 : memref<128xi32, #tpu.memory_space<vmem>>) semaphore(%arg18 : memref<!tpu.dma_semaphore, #tpu.memory_space<semaphore_mem>>)
    %dma_start3A_193 = arith.constant 1 : i32
    %dma_start3A_194 = arith.constant 0 : i32
    %dma_start3A_195 = tpu.memref_slice %arg14[%dma_start3A_193, %dma_start3A_194] : memref<40x128xi32, #tpu.memory_space<vmem>> -> memref<1x128xi32, #tpu.memory_space<vmem>>
    %dma_start3A_196 = tpu.memref_squeeze %dma_start3A_195 : memref<1x128xi32, #tpu.memory_space<vmem>> -> memref<128xi32, #tpu.memory_space<vmem>>
    %dma_start3A_197 = arith.constant 0 : i32
    %dma_start3A_198 = arith.constant 0 : i32
    %dma_start3A_199 = tpu.memref_slice %arg2[%dma_start3A_197, %dma_start3A_198] : memref<10000x128xf32, #tpu.memory_space<hbm>> -> memref<10000x128xf32, #tpu.memory_space<hbm>>
    tpu.enqueue_indirect_dma source(%dma_start3A_199 : memref<10000x128xf32, #tpu.memory_space<hbm>>) target(%arg17 : memref<128x128xf32, #tpu.memory_space<vmem>>) offsets(%dma_start3A_196 : memref<128xi32, #tpu.memory_space<vmem>>) semaphore(%arg19 : memref<!tpu.dma_semaphore, #tpu.memory_space<semaphore_mem>>)
    %scan3A_200 = arith.constant 0 : i32
    %scan3A_201 = arith.constant 0 : i32
    %scan3A_202 = arith.constant 20 : i32
    %scan3A_203 = arith.addi %scan3A_201, %scan3A_202 : i32
    %scan3A_204 = arith.constant 1 : i32
    scf.for %scan3A_281 = %scan3A_201 to %scan3A_203 step %scan3A_204  : i32 {
      %mul3A_282 = arith.constant 2 : i32
      %mul3A_283 = arith.muli %mul3A_282, %scan3A_281 : i32
      %mul3A_284 = arith.constant 2 : i32
      %mul3A_285 = arith.muli %mul3A_284, %scan3A_281 : i32
      %add3A_286 = arith.constant 1 : i32
      %add3A_287 = arith.addi %mul3A_285, %add3A_286 : i32
      %dma_wait3A = arith.constant 0 : i32
      %dma_wait3A_288 = tpu.memref_slice %arg14[%mul3A_283, %dma_wait3A] : memref<40x128xi32, #tpu.memory_space<vmem>> -> memref<1x128xi32, #tpu.memory_space<vmem>>
      %dma_wait3A_289 = tpu.memref_squeeze %dma_wait3A_288 : memref<1x128xi32, #tpu.memory_space<vmem>> -> memref<128xi32, #tpu.memory_space<vmem>>
      %dma_wait3A_290 = arith.constant 0 : i32
      %dma_wait3A_291 = arith.constant 0 : i32
      %dma_wait3A_292 = tpu.memref_slice %arg2[%dma_wait3A_290, %dma_wait3A_291] : memref<10000x128xf32, #tpu.memory_space<hbm>> -> memref<10000x128xf32, #tpu.memory_space<hbm>>
      tpu.wait_indirect_dma semaphore(%arg18 : memref<!tpu.dma_semaphore, #tpu.memory_space<semaphore_mem>>) src(%dma_wait3A_292 : memref<10000x128xf32, #tpu.memory_space<hbm>>) dst(%arg16 : memref<128x128xf32, #tpu.memory_space<vmem>>)
      "tpu.region"() ({
        %run_scoped3A = tpu.sem_alloc : memref<!tpu.dma_semaphore, #tpu.memory_space<semaphore_mem>>
        %dma_start3A_312 = arith.constant 0 : i32
        %dma_start3A_313 = tpu.memref_slice %arg15[%mul3A_283, %dma_start3A_312] : memref<40x128xi32, #tpu.memory_space<vmem>> -> memref<1x128xi32, #tpu.memory_space<vmem>>
        %dma_start3A_314 = tpu.memref_squeeze %dma_start3A_313 : memref<1x128xi32, #tpu.memory_space<vmem>> -> memref<128xi32, #tpu.memory_space<vmem>>
        %dma_start3A_315 = arith.constant 0 : i32
        %dma_start3A_316 = arith.constant 0 : i32
        %dma_start3A_317 = tpu.memref_slice %arg12[%dma_start3A_315, %dma_start3A_316] : memref<10112x128xf32, #tpu.memory_space<vmem_shared>> -> memref<10112x128xf32, #tpu.memory_space<vmem_shared>>
        tpu.enqueue_indirect_dma source(%arg16 : memref<128x128xf32, #tpu.memory_space<vmem>>) target(%dma_start3A_317 : memref<10112x128xf32, #tpu.memory_space<vmem_shared>>) offsets(%dma_start3A_314 : memref<128xi32, #tpu.memory_space<vmem>>) semaphore(%run_scoped3A : memref<!tpu.dma_semaphore, #tpu.memory_space<semaphore_mem>>) {add = true}
        %dma_wait3A_318 = arith.constant 0 : i32
        %dma_wait3A_319 = tpu.memref_slice %arg15[%mul3A_283, %dma_wait3A_318] : memref<40x128xi32, #tpu.memory_space<vmem>> -> memref<1x128xi32, #tpu.memory_space<vmem>>
        %dma_wait3A_320 = tpu.memref_squeeze %dma_wait3A_319 : memref<1x128xi32, #tpu.memory_space<vmem>> -> memref<128xi32, #tpu.memory_space<vmem>>
        %dma_wait3A_321 = arith.constant 0 : i32
        %dma_wait3A_322 = arith.constant 0 : i32
        %dma_wait3A_323 = tpu.memref_slice %arg12[%dma_wait3A_321, %dma_wait3A_322] : memref<10112x128xf32, #tpu.memory_space<vmem_shared>> -> memref<10112x128xf32, #tpu.memory_space<vmem_shared>>
        tpu.wait_indirect_dma semaphore(%run_scoped3A : memref<!tpu.dma_semaphore, #tpu.memory_space<semaphore_mem>>) src(%arg16 : memref<128x128xf32, #tpu.memory_space<vmem>>) dst(%dma_wait3A_323 : memref<10112x128xf32, #tpu.memory_space<vmem_shared>>)
        tpu.yield
      }) : () -> ()
      %add3A_293 = arith.constant 2 : i32
      %add3A_294 = arith.addi %mul3A_283, %add3A_293 : i32
      %lt3A = arith.constant 40 : i32
      %lt3A_295 = arith.cmpi slt, %add3A_294, %lt3A : i32
      %convert_element_type3A_296 = arith.extui %lt3A_295 : i1 to i32
      %cond3A_297 = arith.constant 0 : i32
      %cond3A_298 = arith.cmpi ne, %convert_element_type3A_296, %cond3A_297 : i32
      scf.if %cond3A_298 {
        %add3A_312 = arith.constant 2 : i32
        %add3A_313 = arith.addi %mul3A_283, %add3A_312 : i32
        %dma_start3A_314 = arith.constant 0 : i32
        %dma_start3A_315 = tpu.memref_slice %arg14[%add3A_313, %dma_start3A_314] : memref<40x128xi32, #tpu.memory_space<vmem>> -> memref<1x128xi32, #tpu.memory_space<vmem>>
        %dma_start3A_316 = tpu.memref_squeeze %dma_start3A_315 : memref<1x128xi32, #tpu.memory_space<vmem>> -> memref<128xi32, #tpu.memory_space<vmem>>
        %dma_start3A_317 = arith.constant 0 : i32
        %dma_start3A_318 = arith.constant 0 : i32
        %dma_start3A_319 = tpu.memref_slice %arg2[%dma_start3A_317, %dma_start3A_318] : memref<10000x128xf32, #tpu.memory_space<hbm>> -> memref<10000x128xf32, #tpu.memory_space<hbm>>
        tpu.enqueue_indirect_dma source(%dma_start3A_319 : memref<10000x128xf32, #tpu.memory_space<hbm>>) target(%arg16 : memref<128x128xf32, #tpu.memory_space<vmem>>) offsets(%dma_start3A_316 : memref<128xi32, #tpu.memory_space<vmem>>) semaphore(%arg18 : memref<!tpu.dma_semaphore, #tpu.memory_space<semaphore_mem>>)
      } else {
      }
      %dma_wait3A_299 = arith.constant 0 : i32
      %dma_wait3A_300 = tpu.memref_slice %arg14[%add3A_287, %dma_wait3A_299] : memref<40x128xi32, #tpu.memory_space<vmem>> -> memref<1x128xi32, #tpu.memory_space<vmem>>
      %dma_wait3A_301 = tpu.memref_squeeze %dma_wait3A_300 : memref<1x128xi32, #tpu.memory_space<vmem>> -> memref<128xi32, #tpu.memory_space<vmem>>
      %dma_wait3A_302 = arith.constant 0 : i32
      %dma_wait3A_303 = arith.constant 0 : i32
      %dma_wait3A_304 = tpu.memref_slice %arg2[%dma_wait3A_302, %dma_wait3A_303] : memref<10000x128xf32, #tpu.memory_space<hbm>> -> memref<10000x128xf32, #tpu.memory_space<hbm>>
      tpu.wait_indirect_dma semaphore(%arg19 : memref<!tpu.dma_semaphore, #tpu.memory_space<semaphore_mem>>) src(%dma_wait3A_304 : memref<10000x128xf32, #tpu.memory_space<hbm>>) dst(%arg17 : memref<128x128xf32, #tpu.memory_space<vmem>>)
      "tpu.region"() ({
        %run_scoped3A = tpu.sem_alloc : memref<!tpu.dma_semaphore, #tpu.memory_space<semaphore_mem>>
        %dma_start3A_312 = arith.constant 0 : i32
        %dma_start3A_313 = tpu.memref_slice %arg15[%add3A_287, %dma_start3A_312] : memref<40x128xi32, #tpu.memory_space<vmem>> -> memref<1x128xi32, #tpu.memory_space<vmem>>
        %dma_start3A_314 = tpu.memref_squeeze %dma_start3A_313 : memref<1x128xi32, #tpu.memory_space<vmem>> -> memref<128xi32, #tpu.memory_space<vmem>>
        %dma_start3A_315 = arith.constant 0 : i32
        %dma_start3A_316 = arith.constant 0 : i32
        %dma_start3A_317 = tpu.memref_slice %arg12[%dma_start3A_315, %dma_start3A_316] : memref<10112x128xf32, #tpu.memory_space<vmem_shared>> -> memref<10112x128xf32, #tpu.memory_space<vmem_shared>>
        tpu.enqueue_indirect_dma source(%arg17 : memref<128x128xf32, #tpu.memory_space<vmem>>) target(%dma_start3A_317 : memref<10112x128xf32, #tpu.memory_space<vmem_shared>>) offsets(%dma_start3A_314 : memref<128xi32, #tpu.memory_space<vmem>>) semaphore(%run_scoped3A : memref<!tpu.dma_semaphore, #tpu.memory_space<semaphore_mem>>) {add = true}
        %dma_wait3A_318 = arith.constant 0 : i32
        %dma_wait3A_319 = tpu.memref_slice %arg15[%add3A_287, %dma_wait3A_318] : memref<40x128xi32, #tpu.memory_space<vmem>> -> memref<1x128xi32, #tpu.memory_space<vmem>>
        %dma_wait3A_320 = tpu.memref_squeeze %dma_wait3A_319 : memref<1x128xi32, #tpu.memory_space<vmem>> -> memref<128xi32, #tpu.memory_space<vmem>>
        %dma_wait3A_321 = arith.constant 0 : i32
        %dma_wait3A_322 = arith.constant 0 : i32
        %dma_wait3A_323 = tpu.memref_slice %arg12[%dma_wait3A_321, %dma_wait3A_322] : memref<10112x128xf32, #tpu.memory_space<vmem_shared>> -> memref<10112x128xf32, #tpu.memory_space<vmem_shared>>
        tpu.wait_indirect_dma semaphore(%run_scoped3A : memref<!tpu.dma_semaphore, #tpu.memory_space<semaphore_mem>>) src(%arg17 : memref<128x128xf32, #tpu.memory_space<vmem>>) dst(%dma_wait3A_323 : memref<10112x128xf32, #tpu.memory_space<vmem_shared>>)
        tpu.yield
      }) : () -> ()
      %add3A_305 = arith.constant 2 : i32
      %add3A_306 = arith.addi %add3A_287, %add3A_305 : i32
      %lt3A_307 = arith.constant 40 : i32
      %lt3A_308 = arith.cmpi slt, %add3A_306, %lt3A_307 : i32
      %convert_element_type3A_309 = arith.extui %lt3A_308 : i1 to i32
      %cond3A_310 = arith.constant 0 : i32
      %cond3A_311 = arith.cmpi ne, %convert_element_type3A_309, %cond3A_310 : i32
      scf.if %cond3A_311 {
        %add3A_312 = arith.constant 2 : i32
        %add3A_313 = arith.addi %add3A_287, %add3A_312 : i32
        %dma_start3A_314 = arith.constant 0 : i32
        %dma_start3A_315 = tpu.memref_slice %arg14[%add3A_313, %dma_start3A_314] : memref<40x128xi32, #tpu.memory_space<vmem>> -> memref<1x128xi32, #tpu.memory_space<vmem>>
        %dma_start3A_316 = tpu.memref_squeeze %dma_start3A_315 : memref<1x128xi32, #tpu.memory_space<vmem>> -> memref<128xi32, #tpu.memory_space<vmem>>
        %dma_start3A_317 = arith.constant 0 : i32
        %dma_start3A_318 = arith.constant 0 : i32
        %dma_start3A_319 = tpu.memref_slice %arg2[%dma_start3A_317, %dma_start3A_318] : memref<10000x128xf32, #tpu.memory_space<hbm>> -> memref<10000x128xf32, #tpu.memory_space<hbm>>
        tpu.enqueue_indirect_dma source(%dma_start3A_319 : memref<10000x128xf32, #tpu.memory_space<hbm>>) target(%arg17 : memref<128x128xf32, #tpu.memory_space<vmem>>) offsets(%dma_start3A_316 : memref<128xi32, #tpu.memory_space<vmem>>) semaphore(%arg19 : memref<!tpu.dma_semaphore, #tpu.memory_space<semaphore_mem>>)
      } else {
      }
    }
    %scan3A_205 = arith.constant 20 : i32
    %add3A_206 = arith.constant 40 : i32
    %add3A_207 = arith.addi %mul3A_2, %add3A_206 : i32
    "tpu.region"() ({
      %run_scoped3A = tpu.sem_alloc : memref<!tpu.dma_semaphore, #tpu.memory_space<semaphore_mem>>
      %dma_start3A_281 = arith.constant 0 : i32
      %dma_start3A_282 = tpu.memref_slice %arg3[%add3A_207, %dma_start3A_281] : memref<5120x128xi32, #tpu.memory_space<hbm>> -> memref<40x128xi32, #tpu.memory_space<hbm>>
      %dma_start3A_283 = arith.constant 0 : i32
      %dma_start3A_284 = tpu.memref_slice %arg3[%add3A_207, %dma_start3A_283] : memref<5120x128xi32, #tpu.memory_space<hbm>> -> memref<40x128xi32, #tpu.memory_space<hbm>>
      tpu.enqueue_dma source(%dma_start3A_284 : memref<40x128xi32, #tpu.memory_space<hbm>>) target(%arg14 : memref<40x128xi32, #tpu.memory_space<vmem>>) target_semaphore(%run_scoped3A : memref<!tpu.dma_semaphore, #tpu.memory_space<semaphore_mem>>)
      %dma_wait3A = arith.constant 0 : i32
      %dma_wait3A_285 = tpu.memref_slice %arg3[%add3A_207, %dma_wait3A] : memref<5120x128xi32, #tpu.memory_space<hbm>> -> memref<40x128xi32, #tpu.memory_space<hbm>>
      %dma_wait3A_286 = arith.constant 0 : i32
      %dma_wait3A_287 = tpu.memref_slice %arg3[%add3A_207, %dma_wait3A_286] : memref<5120x128xi32, #tpu.memory_space<hbm>> -> memref<40x128xi32, #tpu.memory_space<hbm>>
      tpu.wait_dma2 semaphore(%run_scoped3A : memref<!tpu.dma_semaphore, #tpu.memory_space<semaphore_mem>>) src(%dma_wait3A_287 : memref<40x128xi32, #tpu.memory_space<hbm>>) dst(%arg14 : memref<40x128xi32, #tpu.memory_space<vmem>>)
      tpu.yield
    }) : () -> ()
    %add3A_208 = arith.constant 40 : i32
    %add3A_209 = arith.addi %mul3A_2, %add3A_208 : i32
    "tpu.region"() ({
      %run_scoped3A = tpu.sem_alloc : memref<!tpu.dma_semaphore, #tpu.memory_space<semaphore_mem>>
      %dma_start3A_281 = arith.constant 0 : i32
      %dma_start3A_282 = tpu.memref_slice %arg4[%add3A_209, %dma_start3A_281] : memref<5120x128xi32, #tpu.memory_space<hbm>> -> memref<40x128xi32, #tpu.memory_space<hbm>>
      %dma_start3A_283 = arith.constant 0 : i32
      %dma_start3A_284 = tpu.memref_slice %arg4[%add3A_209, %dma_start3A_283] : memref<5120x128xi32, #tpu.memory_space<hbm>> -> memref<40x128xi32, #tpu.memory_space<hbm>>
      tpu.enqueue_dma source(%dma_start3A_284 : memref<40x128xi32, #tpu.memory_space<hbm>>) target(%arg15 : memref<40x128xi32, #tpu.memory_space<vmem>>) target_semaphore(%run_scoped3A : memref<!tpu.dma_semaphore, #tpu.memory_space<semaphore_mem>>)
      %dma_wait3A = arith.constant 0 : i32
      %dma_wait3A_285 = tpu.memref_slice %arg4[%add3A_209, %dma_wait3A] : memref<5120x128xi32, #tpu.memory_space<hbm>> -> memref<40x128xi32, #tpu.memory_space<hbm>>
      %dma_wait3A_286 = arith.constant 0 : i32
      %dma_wait3A_287 = tpu.memref_slice %arg4[%add3A_209, %dma_wait3A_286] : memref<5120x128xi32, #tpu.memory_space<hbm>> -> memref<40x128xi32, #tpu.memory_space<hbm>>
      tpu.wait_dma2 semaphore(%run_scoped3A : memref<!tpu.dma_semaphore, #tpu.memory_space<semaphore_mem>>) src(%dma_wait3A_287 : memref<40x128xi32, #tpu.memory_space<hbm>>) dst(%arg15 : memref<40x128xi32, #tpu.memory_space<vmem>>)
      tpu.yield
    }) : () -> ()
    %dma_start3A_210 = arith.constant 0 : i32
    %dma_start3A_211 = arith.constant 0 : i32
    %dma_start3A_212 = tpu.memref_slice %arg14[%dma_start3A_210, %dma_start3A_211] : memref<40x128xi32, #tpu.memory_space<vmem>> -> memref<1x128xi32, #tpu.memory_space<vmem>>
    %dma_start3A_213 = tpu.memref_squeeze %dma_start3A_212 : memref<1x128xi32, #tpu.memory_space<vmem>> -> memref<128xi32, #tpu.memory_space<vmem>>
    %dma_start3A_214 = arith.constant 0 : i32
    %dma_start3A_215 = arith.constant 0 : i32
    %dma_start3A_216 = tpu.memref_slice %arg2[%dma_start3A_214, %dma_start3A_215] : memref<10000x128xf32, #tpu.memory_space<hbm>> -> memref<10000x128xf32, #tpu.memory_space<hbm>>
    tpu.enqueue_indirect_dma source(%dma_start3A_216 : memref<10000x128xf32, #tpu.memory_space<hbm>>) target(%arg16 : memref<128x128xf32, #tpu.memory_space<vmem>>) offsets(%dma_start3A_213 : memref<128xi32, #tpu.memory_space<vmem>>) semaphore(%arg18 : memref<!tpu.dma_semaphore, #tpu.memory_space<semaphore_mem>>)
    %dma_start3A_217 = arith.constant 1 : i32
    %dma_start3A_218 = arith.constant 0 : i32
    %dma_start3A_219 = tpu.memref_slice %arg14[%dma_start3A_217, %dma_start3A_218] : memref<40x128xi32, #tpu.memory_space<vmem>> -> memref<1x128xi32, #tpu.memory_space<vmem>>
    %dma_start3A_220 = tpu.memref_squeeze %dma_start3A_219 : memref<1x128xi32, #tpu.memory_space<vmem>> -> memref<128xi32, #tpu.memory_space<vmem>>
    %dma_start3A_221 = arith.constant 0 : i32
    %dma_start3A_222 = arith.constant 0 : i32
    %dma_start3A_223 = tpu.memref_slice %arg2[%dma_start3A_221, %dma_start3A_222] : memref<10000x128xf32, #tpu.memory_space<hbm>> -> memref<10000x128xf32, #tpu.memory_space<hbm>>
    tpu.enqueue_indirect_dma source(%dma_start3A_223 : memref<10000x128xf32, #tpu.memory_space<hbm>>) target(%arg17 : memref<128x128xf32, #tpu.memory_space<vmem>>) offsets(%dma_start3A_220 : memref<128xi32, #tpu.memory_space<vmem>>) semaphore(%arg19 : memref<!tpu.dma_semaphore, #tpu.memory_space<semaphore_mem>>)
    %scan3A_224 = arith.constant 0 : i32
    %scan3A_225 = arith.constant 0 : i32
    %scan3A_226 = arith.constant 20 : i32
    %scan3A_227 = arith.addi %scan3A_225, %scan3A_226 : i32
    %scan3A_228 = arith.constant 1 : i32
    scf.for %scan3A_281 = %scan3A_225 to %scan3A_227 step %scan3A_228  : i32 {
      %mul3A_282 = arith.constant 2 : i32
      %mul3A_283 = arith.muli %mul3A_282, %scan3A_281 : i32
      %mul3A_284 = arith.constant 2 : i32
      %mul3A_285 = arith.muli %mul3A_284, %scan3A_281 : i32
      %add3A_286 = arith.constant 1 : i32
      %add3A_287 = arith.addi %mul3A_285, %add3A_286 : i32
      %dma_wait3A = arith.constant 0 : i32
      %dma_wait3A_288 = tpu.memref_slice %arg14[%mul3A_283, %dma_wait3A] : memref<40x128xi32, #tpu.memory_space<vmem>> -> memref<1x128xi32, #tpu.memory_space<vmem>>
      %dma_wait3A_289 = tpu.memref_squeeze %dma_wait3A_288 : memref<1x128xi32, #tpu.memory_space<vmem>> -> memref<128xi32, #tpu.memory_space<vmem>>
      %dma_wait3A_290 = arith.constant 0 : i32
      %dma_wait3A_291 = arith.constant 0 : i32
      %dma_wait3A_292 = tpu.memref_slice %arg2[%dma_wait3A_290, %dma_wait3A_291] : memref<10000x128xf32, #tpu.memory_space<hbm>> -> memref<10000x128xf32, #tpu.memory_space<hbm>>
      tpu.wait_indirect_dma semaphore(%arg18 : memref<!tpu.dma_semaphore, #tpu.memory_space<semaphore_mem>>) src(%dma_wait3A_292 : memref<10000x128xf32, #tpu.memory_space<hbm>>) dst(%arg16 : memref<128x128xf32, #tpu.memory_space<vmem>>)
      "tpu.region"() ({
        %run_scoped3A = tpu.sem_alloc : memref<!tpu.dma_semaphore, #tpu.memory_space<semaphore_mem>>
        %dma_start3A_312 = arith.constant 0 : i32
        %dma_start3A_313 = tpu.memref_slice %arg15[%mul3A_283, %dma_start3A_312] : memref<40x128xi32, #tpu.memory_space<vmem>> -> memref<1x128xi32, #tpu.memory_space<vmem>>
        %dma_start3A_314 = tpu.memref_squeeze %dma_start3A_313 : memref<1x128xi32, #tpu.memory_space<vmem>> -> memref<128xi32, #tpu.memory_space<vmem>>
        %dma_start3A_315 = arith.constant 0 : i32
        %dma_start3A_316 = arith.constant 0 : i32
        %dma_start3A_317 = tpu.memref_slice %arg12[%dma_start3A_315, %dma_start3A_316] : memref<10112x128xf32, #tpu.memory_space<vmem_shared>> -> memref<10112x128xf32, #tpu.memory_space<vmem_shared>>
        tpu.enqueue_indirect_dma source(%arg16 : memref<128x128xf32, #tpu.memory_space<vmem>>) target(%dma_start3A_317 : memref<10112x128xf32, #tpu.memory_space<vmem_shared>>) offsets(%dma_start3A_314 : memref<128xi32, #tpu.memory_space<vmem>>) semaphore(%run_scoped3A : memref<!tpu.dma_semaphore, #tpu.memory_space<semaphore_mem>>) {add = true}
        %dma_wait3A_318 = arith.constant 0 : i32
        %dma_wait3A_319 = tpu.memref_slice %arg15[%mul3A_283, %dma_wait3A_318] : memref<40x128xi32, #tpu.memory_space<vmem>> -> memref<1x128xi32, #tpu.memory_space<vmem>>
        %dma_wait3A_320 = tpu.memref_squeeze %dma_wait3A_319 : memref<1x128xi32, #tpu.memory_space<vmem>> -> memref<128xi32, #tpu.memory_space<vmem>>
        %dma_wait3A_321 = arith.constant 0 : i32
        %dma_wait3A_322 = arith.constant 0 : i32
        %dma_wait3A_323 = tpu.memref_slice %arg12[%dma_wait3A_321, %dma_wait3A_322] : memref<10112x128xf32, #tpu.memory_space<vmem_shared>> -> memref<10112x128xf32, #tpu.memory_space<vmem_shared>>
        tpu.wait_indirect_dma semaphore(%run_scoped3A : memref<!tpu.dma_semaphore, #tpu.memory_space<semaphore_mem>>) src(%arg16 : memref<128x128xf32, #tpu.memory_space<vmem>>) dst(%dma_wait3A_323 : memref<10112x128xf32, #tpu.memory_space<vmem_shared>>)
        tpu.yield
      }) : () -> ()
      %add3A_293 = arith.constant 2 : i32
      %add3A_294 = arith.addi %mul3A_283, %add3A_293 : i32
      %lt3A = arith.constant 40 : i32
      %lt3A_295 = arith.cmpi slt, %add3A_294, %lt3A : i32
      %convert_element_type3A_296 = arith.extui %lt3A_295 : i1 to i32
      %cond3A_297 = arith.constant 0 : i32
      %cond3A_298 = arith.cmpi ne, %convert_element_type3A_296, %cond3A_297 : i32
      scf.if %cond3A_298 {
        %add3A_312 = arith.constant 2 : i32
        %add3A_313 = arith.addi %mul3A_283, %add3A_312 : i32
        %dma_start3A_314 = arith.constant 0 : i32
        %dma_start3A_315 = tpu.memref_slice %arg14[%add3A_313, %dma_start3A_314] : memref<40x128xi32, #tpu.memory_space<vmem>> -> memref<1x128xi32, #tpu.memory_space<vmem>>
        %dma_start3A_316 = tpu.memref_squeeze %dma_start3A_315 : memref<1x128xi32, #tpu.memory_space<vmem>> -> memref<128xi32, #tpu.memory_space<vmem>>
        %dma_start3A_317 = arith.constant 0 : i32
        %dma_start3A_318 = arith.constant 0 : i32
        %dma_start3A_319 = tpu.memref_slice %arg2[%dma_start3A_317, %dma_start3A_318] : memref<10000x128xf32, #tpu.memory_space<hbm>> -> memref<10000x128xf32, #tpu.memory_space<hbm>>
        tpu.enqueue_indirect_dma source(%dma_start3A_319 : memref<10000x128xf32, #tpu.memory_space<hbm>>) target(%arg16 : memref<128x128xf32, #tpu.memory_space<vmem>>) offsets(%dma_start3A_316 : memref<128xi32, #tpu.memory_space<vmem>>) semaphore(%arg18 : memref<!tpu.dma_semaphore, #tpu.memory_space<semaphore_mem>>)
      } else {
      }
      %dma_wait3A_299 = arith.constant 0 : i32
      %dma_wait3A_300 = tpu.memref_slice %arg14[%add3A_287, %dma_wait3A_299] : memref<40x128xi32, #tpu.memory_space<vmem>> -> memref<1x128xi32, #tpu.memory_space<vmem>>
      %dma_wait3A_301 = tpu.memref_squeeze %dma_wait3A_300 : memref<1x128xi32, #tpu.memory_space<vmem>> -> memref<128xi32, #tpu.memory_space<vmem>>
      %dma_wait3A_302 = arith.constant 0 : i32
      %dma_wait3A_303 = arith.constant 0 : i32
      %dma_wait3A_304 = tpu.memref_slice %arg2[%dma_wait3A_302, %dma_wait3A_303] : memref<10000x128xf32, #tpu.memory_space<hbm>> -> memref<10000x128xf32, #tpu.memory_space<hbm>>
      tpu.wait_indirect_dma semaphore(%arg19 : memref<!tpu.dma_semaphore, #tpu.memory_space<semaphore_mem>>) src(%dma_wait3A_304 : memref<10000x128xf32, #tpu.memory_space<hbm>>) dst(%arg17 : memref<128x128xf32, #tpu.memory_space<vmem>>)
      "tpu.region"() ({
        %run_scoped3A = tpu.sem_alloc : memref<!tpu.dma_semaphore, #tpu.memory_space<semaphore_mem>>
        %dma_start3A_312 = arith.constant 0 : i32
        %dma_start3A_313 = tpu.memref_slice %arg15[%add3A_287, %dma_start3A_312] : memref<40x128xi32, #tpu.memory_space<vmem>> -> memref<1x128xi32, #tpu.memory_space<vmem>>
        %dma_start3A_314 = tpu.memref_squeeze %dma_start3A_313 : memref<1x128xi32, #tpu.memory_space<vmem>> -> memref<128xi32, #tpu.memory_space<vmem>>
        %dma_start3A_315 = arith.constant 0 : i32
        %dma_start3A_316 = arith.constant 0 : i32
        %dma_start3A_317 = tpu.memref_slice %arg12[%dma_start3A_315, %dma_start3A_316] : memref<10112x128xf32, #tpu.memory_space<vmem_shared>> -> memref<10112x128xf32, #tpu.memory_space<vmem_shared>>
        tpu.enqueue_indirect_dma source(%arg17 : memref<128x128xf32, #tpu.memory_space<vmem>>) target(%dma_start3A_317 : memref<10112x128xf32, #tpu.memory_space<vmem_shared>>) offsets(%dma_start3A_314 : memref<128xi32, #tpu.memory_space<vmem>>) semaphore(%run_scoped3A : memref<!tpu.dma_semaphore, #tpu.memory_space<semaphore_mem>>) {add = true}
        %dma_wait3A_318 = arith.constant 0 : i32
        %dma_wait3A_319 = tpu.memref_slice %arg15[%add3A_287, %dma_wait3A_318] : memref<40x128xi32, #tpu.memory_space<vmem>> -> memref<1x128xi32, #tpu.memory_space<vmem>>
        %dma_wait3A_320 = tpu.memref_squeeze %dma_wait3A_319 : memref<1x128xi32, #tpu.memory_space<vmem>> -> memref<128xi32, #tpu.memory_space<vmem>>
        %dma_wait3A_321 = arith.constant 0 : i32
        %dma_wait3A_322 = arith.constant 0 : i32
        %dma_wait3A_323 = tpu.memref_slice %arg12[%dma_wait3A_321, %dma_wait3A_322] : memref<10112x128xf32, #tpu.memory_space<vmem_shared>> -> memref<10112x128xf32, #tpu.memory_space<vmem_shared>>
        tpu.wait_indirect_dma semaphore(%run_scoped3A : memref<!tpu.dma_semaphore, #tpu.memory_space<semaphore_mem>>) src(%arg17 : memref<128x128xf32, #tpu.memory_space<vmem>>) dst(%dma_wait3A_323 : memref<10112x128xf32, #tpu.memory_space<vmem_shared>>)
        tpu.yield
      }) : () -> ()
      %add3A_305 = arith.constant 2 : i32
      %add3A_306 = arith.addi %add3A_287, %add3A_305 : i32
      %lt3A_307 = arith.constant 40 : i32
      %lt3A_308 = arith.cmpi slt, %add3A_306, %lt3A_307 : i32
      %convert_element_type3A_309 = arith.extui %lt3A_308 : i1 to i32
      %cond3A_310 = arith.constant 0 : i32
      %cond3A_311 = arith.cmpi ne, %convert_element_type3A_309, %cond3A_310 : i32
      scf.if %cond3A_311 {
        %add3A_312 = arith.constant 2 : i32
        %add3A_313 = arith.addi %add3A_287, %add3A_312 : i32
        %dma_start3A_314 = arith.constant 0 : i32
        %dma_start3A_315 = tpu.memref_slice %arg14[%add3A_313, %dma_start3A_314] : memref<40x128xi32, #tpu.memory_space<vmem>> -> memref<1x128xi32, #tpu.memory_space<vmem>>
        %dma_start3A_316 = tpu.memref_squeeze %dma_start3A_315 : memref<1x128xi32, #tpu.memory_space<vmem>> -> memref<128xi32, #tpu.memory_space<vmem>>
        %dma_start3A_317 = arith.constant 0 : i32
        %dma_start3A_318 = arith.constant 0 : i32
        %dma_start3A_319 = tpu.memref_slice %arg2[%dma_start3A_317, %dma_start3A_318] : memref<10000x128xf32, #tpu.memory_space<hbm>> -> memref<10000x128xf32, #tpu.memory_space<hbm>>
        tpu.enqueue_indirect_dma source(%dma_start3A_319 : memref<10000x128xf32, #tpu.memory_space<hbm>>) target(%arg17 : memref<128x128xf32, #tpu.memory_space<vmem>>) offsets(%dma_start3A_316 : memref<128xi32, #tpu.memory_space<vmem>>) semaphore(%arg19 : memref<!tpu.dma_semaphore, #tpu.memory_space<semaphore_mem>>)
      } else {
      }
    }
    %scan3A_229 = arith.constant 20 : i32
    %add3A_230 = arith.constant 80 : i32
    %add3A_231 = arith.addi %mul3A_2, %add3A_230 : i32
    "tpu.region"() ({
      %run_scoped3A = tpu.sem_alloc : memref<!tpu.dma_semaphore, #tpu.memory_space<semaphore_mem>>
      %dma_start3A_281 = arith.constant 0 : i32
      %dma_start3A_282 = tpu.memref_slice %arg3[%add3A_231, %dma_start3A_281] : memref<5120x128xi32, #tpu.memory_space<hbm>> -> memref<40x128xi32, #tpu.memory_space<hbm>>
      %dma_start3A_283 = arith.constant 0 : i32
      %dma_start3A_284 = tpu.memref_slice %arg3[%add3A_231, %dma_start3A_283] : memref<5120x128xi32, #tpu.memory_space<hbm>> -> memref<40x128xi32, #tpu.memory_space<hbm>>
      tpu.enqueue_dma source(%dma_start3A_284 : memref<40x128xi32, #tpu.memory_space<hbm>>) target(%arg14 : memref<40x128xi32, #tpu.memory_space<vmem>>) target_semaphore(%run_scoped3A : memref<!tpu.dma_semaphore, #tpu.memory_space<semaphore_mem>>)
      %dma_wait3A = arith.constant 0 : i32
      %dma_wait3A_285 = tpu.memref_slice %arg3[%add3A_231, %dma_wait3A] : memref<5120x128xi32, #tpu.memory_space<hbm>> -> memref<40x128xi32, #tpu.memory_space<hbm>>
      %dma_wait3A_286 = arith.constant 0 : i32
      %dma_wait3A_287 = tpu.memref_slice %arg3[%add3A_231, %dma_wait3A_286] : memref<5120x128xi32, #tpu.memory_space<hbm>> -> memref<40x128xi32, #tpu.memory_space<hbm>>
      tpu.wait_dma2 semaphore(%run_scoped3A : memref<!tpu.dma_semaphore, #tpu.memory_space<semaphore_mem>>) src(%dma_wait3A_287 : memref<40x128xi32, #tpu.memory_space<hbm>>) dst(%arg14 : memref<40x128xi32, #tpu.memory_space<vmem>>)
      tpu.yield
    }) : () -> ()
    %add3A_232 = arith.constant 80 : i32
    %add3A_233 = arith.addi %mul3A_2, %add3A_232 : i32
    "tpu.region"() ({
      %run_scoped3A = tpu.sem_alloc : memref<!tpu.dma_semaphore, #tpu.memory_space<semaphore_mem>>
      %dma_start3A_281 = arith.constant 0 : i32
      %dma_start3A_282 = tpu.memref_slice %arg4[%add3A_233, %dma_start3A_281] : memref<5120x128xi32, #tpu.memory_space<hbm>> -> memref<40x128xi32, #tpu.memory_space<hbm>>
      %dma_start3A_283 = arith.constant 0 : i32
      %dma_start3A_284 = tpu.memref_slice %arg4[%add3A_233, %dma_start3A_283] : memref<5120x128xi32, #tpu.memory_space<hbm>> -> memref<40x128xi32, #tpu.memory_space<hbm>>
      tpu.enqueue_dma source(%dma_start3A_284 : memref<40x128xi32, #tpu.memory_space<hbm>>) target(%arg15 : memref<40x128xi32, #tpu.memory_space<vmem>>) target_semaphore(%run_scoped3A : memref<!tpu.dma_semaphore, #tpu.memory_space<semaphore_mem>>)
      %dma_wait3A = arith.constant 0 : i32
      %dma_wait3A_285 = tpu.memref_slice %arg4[%add3A_233, %dma_wait3A] : memref<5120x128xi32, #tpu.memory_space<hbm>> -> memref<40x128xi32, #tpu.memory_space<hbm>>
      %dma_wait3A_286 = arith.constant 0 : i32
      %dma_wait3A_287 = tpu.memref_slice %arg4[%add3A_233, %dma_wait3A_286] : memref<5120x128xi32, #tpu.memory_space<hbm>> -> memref<40x128xi32, #tpu.memory_space<hbm>>
      tpu.wait_dma2 semaphore(%run_scoped3A : memref<!tpu.dma_semaphore, #tpu.memory_space<semaphore_mem>>) src(%dma_wait3A_287 : memref<40x128xi32, #tpu.memory_space<hbm>>) dst(%arg15 : memref<40x128xi32, #tpu.memory_space<vmem>>)
      tpu.yield
    }) : () -> ()
    %dma_start3A_234 = arith.constant 0 : i32
    %dma_start3A_235 = arith.constant 0 : i32
    %dma_start3A_236 = tpu.memref_slice %arg14[%dma_start3A_234, %dma_start3A_235] : memref<40x128xi32, #tpu.memory_space<vmem>> -> memref<1x128xi32, #tpu.memory_space<vmem>>
    %dma_start3A_237 = tpu.memref_squeeze %dma_start3A_236 : memref<1x128xi32, #tpu.memory_space<vmem>> -> memref<128xi32, #tpu.memory_space<vmem>>
    %dma_start3A_238 = arith.constant 0 : i32
    %dma_start3A_239 = arith.constant 0 : i32
    %dma_start3A_240 = tpu.memref_slice %arg2[%dma_start3A_238, %dma_start3A_239] : memref<10000x128xf32, #tpu.memory_space<hbm>> -> memref<10000x128xf32, #tpu.memory_space<hbm>>
    tpu.enqueue_indirect_dma source(%dma_start3A_240 : memref<10000x128xf32, #tpu.memory_space<hbm>>) target(%arg16 : memref<128x128xf32, #tpu.memory_space<vmem>>) offsets(%dma_start3A_237 : memref<128xi32, #tpu.memory_space<vmem>>) semaphore(%arg18 : memref<!tpu.dma_semaphore, #tpu.memory_space<semaphore_mem>>)
    %dma_start3A_241 = arith.constant 1 : i32
    %dma_start3A_242 = arith.constant 0 : i32
    %dma_start3A_243 = tpu.memref_slice %arg14[%dma_start3A_241, %dma_start3A_242] : memref<40x128xi32, #tpu.memory_space<vmem>> -> memref<1x128xi32, #tpu.memory_space<vmem>>
    %dma_start3A_244 = tpu.memref_squeeze %dma_start3A_243 : memref<1x128xi32, #tpu.memory_space<vmem>> -> memref<128xi32, #tpu.memory_space<vmem>>
    %dma_start3A_245 = arith.constant 0 : i32
    %dma_start3A_246 = arith.constant 0 : i32
    %dma_start3A_247 = tpu.memref_slice %arg2[%dma_start3A_245, %dma_start3A_246] : memref<10000x128xf32, #tpu.memory_space<hbm>> -> memref<10000x128xf32, #tpu.memory_space<hbm>>
    tpu.enqueue_indirect_dma source(%dma_start3A_247 : memref<10000x128xf32, #tpu.memory_space<hbm>>) target(%arg17 : memref<128x128xf32, #tpu.memory_space<vmem>>) offsets(%dma_start3A_244 : memref<128xi32, #tpu.memory_space<vmem>>) semaphore(%arg19 : memref<!tpu.dma_semaphore, #tpu.memory_space<semaphore_mem>>)
    %scan3A_248 = arith.constant 0 : i32
    %scan3A_249 = arith.constant 0 : i32
    %scan3A_250 = arith.constant 20 : i32
    %scan3A_251 = arith.addi %scan3A_249, %scan3A_250 : i32
    %scan3A_252 = arith.constant 1 : i32
    scf.for %scan3A_281 = %scan3A_249 to %scan3A_251 step %scan3A_252  : i32 {
      %mul3A_282 = arith.constant 2 : i32
      %mul3A_283 = arith.muli %mul3A_282, %scan3A_281 : i32
      %mul3A_284 = arith.constant 2 : i32
      %mul3A_285 = arith.muli %mul3A_284, %scan3A_281 : i32
      %add3A_286 = arith.constant 1 : i32
      %add3A_287 = arith.addi %mul3A_285, %add3A_286 : i32
      %dma_wait3A = arith.constant 0 : i32
      %dma_wait3A_288 = tpu.memref_slice %arg14[%mul3A_283, %dma_wait3A] : memref<40x128xi32, #tpu.memory_space<vmem>> -> memref<1x128xi32, #tpu.memory_space<vmem>>
      %dma_wait3A_289 = tpu.memref_squeeze %dma_wait3A_288 : memref<1x128xi32, #tpu.memory_space<vmem>> -> memref<128xi32, #tpu.memory_space<vmem>>
      %dma_wait3A_290 = arith.constant 0 : i32
      %dma_wait3A_291 = arith.constant 0 : i32
      %dma_wait3A_292 = tpu.memref_slice %arg2[%dma_wait3A_290, %dma_wait3A_291] : memref<10000x128xf32, #tpu.memory_space<hbm>> -> memref<10000x128xf32, #tpu.memory_space<hbm>>
      tpu.wait_indirect_dma semaphore(%arg18 : memref<!tpu.dma_semaphore, #tpu.memory_space<semaphore_mem>>) src(%dma_wait3A_292 : memref<10000x128xf32, #tpu.memory_space<hbm>>) dst(%arg16 : memref<128x128xf32, #tpu.memory_space<vmem>>)
      "tpu.region"() ({
        %run_scoped3A = tpu.sem_alloc : memref<!tpu.dma_semaphore, #tpu.memory_space<semaphore_mem>>
        %dma_start3A_312 = arith.constant 0 : i32
        %dma_start3A_313 = tpu.memref_slice %arg15[%mul3A_283, %dma_start3A_312] : memref<40x128xi32, #tpu.memory_space<vmem>> -> memref<1x128xi32, #tpu.memory_space<vmem>>
        %dma_start3A_314 = tpu.memref_squeeze %dma_start3A_313 : memref<1x128xi32, #tpu.memory_space<vmem>> -> memref<128xi32, #tpu.memory_space<vmem>>
        %dma_start3A_315 = arith.constant 0 : i32
        %dma_start3A_316 = arith.constant 0 : i32
        %dma_start3A_317 = tpu.memref_slice %arg12[%dma_start3A_315, %dma_start3A_316] : memref<10112x128xf32, #tpu.memory_space<vmem_shared>> -> memref<10112x128xf32, #tpu.memory_space<vmem_shared>>
        tpu.enqueue_indirect_dma source(%arg16 : memref<128x128xf32, #tpu.memory_space<vmem>>) target(%dma_start3A_317 : memref<10112x128xf32, #tpu.memory_space<vmem_shared>>) offsets(%dma_start3A_314 : memref<128xi32, #tpu.memory_space<vmem>>) semaphore(%run_scoped3A : memref<!tpu.dma_semaphore, #tpu.memory_space<semaphore_mem>>) {add = true}
        %dma_wait3A_318 = arith.constant 0 : i32
        %dma_wait3A_319 = tpu.memref_slice %arg15[%mul3A_283, %dma_wait3A_318] : memref<40x128xi32, #tpu.memory_space<vmem>> -> memref<1x128xi32, #tpu.memory_space<vmem>>
        %dma_wait3A_320 = tpu.memref_squeeze %dma_wait3A_319 : memref<1x128xi32, #tpu.memory_space<vmem>> -> memref<128xi32, #tpu.memory_space<vmem>>
        %dma_wait3A_321 = arith.constant 0 : i32
        %dma_wait3A_322 = arith.constant 0 : i32
        %dma_wait3A_323 = tpu.memref_slice %arg12[%dma_wait3A_321, %dma_wait3A_322] : memref<10112x128xf32, #tpu.memory_space<vmem_shared>> -> memref<10112x128xf32, #tpu.memory_space<vmem_shared>>
        tpu.wait_indirect_dma semaphore(%run_scoped3A : memref<!tpu.dma_semaphore, #tpu.memory_space<semaphore_mem>>) src(%arg16 : memref<128x128xf32, #tpu.memory_space<vmem>>) dst(%dma_wait3A_323 : memref<10112x128xf32, #tpu.memory_space<vmem_shared>>)
        tpu.yield
      }) : () -> ()
      %add3A_293 = arith.constant 2 : i32
      %add3A_294 = arith.addi %mul3A_283, %add3A_293 : i32
      %lt3A = arith.constant 40 : i32
      %lt3A_295 = arith.cmpi slt, %add3A_294, %lt3A : i32
      %convert_element_type3A_296 = arith.extui %lt3A_295 : i1 to i32
      %cond3A_297 = arith.constant 0 : i32
      %cond3A_298 = arith.cmpi ne, %convert_element_type3A_296, %cond3A_297 : i32
      scf.if %cond3A_298 {
        %add3A_312 = arith.constant 2 : i32
        %add3A_313 = arith.addi %mul3A_283, %add3A_312 : i32
        %dma_start3A_314 = arith.constant 0 : i32
        %dma_start3A_315 = tpu.memref_slice %arg14[%add3A_313, %dma_start3A_314] : memref<40x128xi32, #tpu.memory_space<vmem>> -> memref<1x128xi32, #tpu.memory_space<vmem>>
        %dma_start3A_316 = tpu.memref_squeeze %dma_start3A_315 : memref<1x128xi32, #tpu.memory_space<vmem>> -> memref<128xi32, #tpu.memory_space<vmem>>
        %dma_start3A_317 = arith.constant 0 : i32
        %dma_start3A_318 = arith.constant 0 : i32
        %dma_start3A_319 = tpu.memref_slice %arg2[%dma_start3A_317, %dma_start3A_318] : memref<10000x128xf32, #tpu.memory_space<hbm>> -> memref<10000x128xf32, #tpu.memory_space<hbm>>
        tpu.enqueue_indirect_dma source(%dma_start3A_319 : memref<10000x128xf32, #tpu.memory_space<hbm>>) target(%arg16 : memref<128x128xf32, #tpu.memory_space<vmem>>) offsets(%dma_start3A_316 : memref<128xi32, #tpu.memory_space<vmem>>) semaphore(%arg18 : memref<!tpu.dma_semaphore, #tpu.memory_space<semaphore_mem>>)
      } else {
      }
      %dma_wait3A_299 = arith.constant 0 : i32
      %dma_wait3A_300 = tpu.memref_slice %arg14[%add3A_287, %dma_wait3A_299] : memref<40x128xi32, #tpu.memory_space<vmem>> -> memref<1x128xi32, #tpu.memory_space<vmem>>
      %dma_wait3A_301 = tpu.memref_squeeze %dma_wait3A_300 : memref<1x128xi32, #tpu.memory_space<vmem>> -> memref<128xi32, #tpu.memory_space<vmem>>
      %dma_wait3A_302 = arith.constant 0 : i32
      %dma_wait3A_303 = arith.constant 0 : i32
      %dma_wait3A_304 = tpu.memref_slice %arg2[%dma_wait3A_302, %dma_wait3A_303] : memref<10000x128xf32, #tpu.memory_space<hbm>> -> memref<10000x128xf32, #tpu.memory_space<hbm>>
      tpu.wait_indirect_dma semaphore(%arg19 : memref<!tpu.dma_semaphore, #tpu.memory_space<semaphore_mem>>) src(%dma_wait3A_304 : memref<10000x128xf32, #tpu.memory_space<hbm>>) dst(%arg17 : memref<128x128xf32, #tpu.memory_space<vmem>>)
      "tpu.region"() ({
        %run_scoped3A = tpu.sem_alloc : memref<!tpu.dma_semaphore, #tpu.memory_space<semaphore_mem>>
        %dma_start3A_312 = arith.constant 0 : i32
        %dma_start3A_313 = tpu.memref_slice %arg15[%add3A_287, %dma_start3A_312] : memref<40x128xi32, #tpu.memory_space<vmem>> -> memref<1x128xi32, #tpu.memory_space<vmem>>
        %dma_start3A_314 = tpu.memref_squeeze %dma_start3A_313 : memref<1x128xi32, #tpu.memory_space<vmem>> -> memref<128xi32, #tpu.memory_space<vmem>>
        %dma_start3A_315 = arith.constant 0 : i32
        %dma_start3A_316 = arith.constant 0 : i32
        %dma_start3A_317 = tpu.memref_slice %arg12[%dma_start3A_315, %dma_start3A_316] : memref<10112x128xf32, #tpu.memory_space<vmem_shared>> -> memref<10112x128xf32, #tpu.memory_space<vmem_shared>>
        tpu.enqueue_indirect_dma source(%arg17 : memref<128x128xf32, #tpu.memory_space<vmem>>) target(%dma_start3A_317 : memref<10112x128xf32, #tpu.memory_space<vmem_shared>>) offsets(%dma_start3A_314 : memref<128xi32, #tpu.memory_space<vmem>>) semaphore(%run_scoped3A : memref<!tpu.dma_semaphore, #tpu.memory_space<semaphore_mem>>) {add = true}
        %dma_wait3A_318 = arith.constant 0 : i32
        %dma_wait3A_319 = tpu.memref_slice %arg15[%add3A_287, %dma_wait3A_318] : memref<40x128xi32, #tpu.memory_space<vmem>> -> memref<1x128xi32, #tpu.memory_space<vmem>>
        %dma_wait3A_320 = tpu.memref_squeeze %dma_wait3A_319 : memref<1x128xi32, #tpu.memory_space<vmem>> -> memref<128xi32, #tpu.memory_space<vmem>>
        %dma_wait3A_321 = arith.constant 0 : i32
        %dma_wait3A_322 = arith.constant 0 : i32
        %dma_wait3A_323 = tpu.memref_slice %arg12[%dma_wait3A_321, %dma_wait3A_322] : memref<10112x128xf32, #tpu.memory_space<vmem_shared>> -> memref<10112x128xf32, #tpu.memory_space<vmem_shared>>
        tpu.wait_indirect_dma semaphore(%run_scoped3A : memref<!tpu.dma_semaphore, #tpu.memory_space<semaphore_mem>>) src(%arg17 : memref<128x128xf32, #tpu.memory_space<vmem>>) dst(%dma_wait3A_323 : memref<10112x128xf32, #tpu.memory_space<vmem_shared>>)
        tpu.yield
      }) : () -> ()
      %add3A_305 = arith.constant 2 : i32
      %add3A_306 = arith.addi %add3A_287, %add3A_305 : i32
      %lt3A_307 = arith.constant 40 : i32
      %lt3A_308 = arith.cmpi slt, %add3A_306, %lt3A_307 : i32
      %convert_element_type3A_309 = arith.extui %lt3A_308 : i1 to i32
      %cond3A_310 = arith.constant 0 : i32
      %cond3A_311 = arith.cmpi ne, %convert_element_type3A_309, %cond3A_310 : i32
      scf.if %cond3A_311 {
        %add3A_312 = arith.constant 2 : i32
        %add3A_313 = arith.addi %add3A_287, %add3A_312 : i32
        %dma_start3A_314 = arith.constant 0 : i32
        %dma_start3A_315 = tpu.memref_slice %arg14[%add3A_313, %dma_start3A_314] : memref<40x128xi32, #tpu.memory_space<vmem>> -> memref<1x128xi32, #tpu.memory_space<vmem>>
        %dma_start3A_316 = tpu.memref_squeeze %dma_start3A_315 : memref<1x128xi32, #tpu.memory_space<vmem>> -> memref<128xi32, #tpu.memory_space<vmem>>
        %dma_start3A_317 = arith.constant 0 : i32
        %dma_start3A_318 = arith.constant 0 : i32
        %dma_start3A_319 = tpu.memref_slice %arg2[%dma_start3A_317, %dma_start3A_318] : memref<10000x128xf32, #tpu.memory_space<hbm>> -> memref<10000x128xf32, #tpu.memory_space<hbm>>
        tpu.enqueue_indirect_dma source(%dma_start3A_319 : memref<10000x128xf32, #tpu.memory_space<hbm>>) target(%arg17 : memref<128x128xf32, #tpu.memory_space<vmem>>) offsets(%dma_start3A_316 : memref<128xi32, #tpu.memory_space<vmem>>) semaphore(%arg19 : memref<!tpu.dma_semaphore, #tpu.memory_space<semaphore_mem>>)
      } else {
      }
    }
    %scan3A_253 = arith.constant 20 : i32
    %add3A_254 = arith.constant 120 : i32
    %add3A_255 = arith.addi %mul3A_2, %add3A_254 : i32
    "tpu.region"() ({
      %run_scoped3A = tpu.sem_alloc : memref<!tpu.dma_semaphore, #tpu.memory_space<semaphore_mem>>
      %dma_start3A_281 = arith.constant 0 : i32
      %dma_start3A_282 = tpu.memref_slice %arg3[%add3A_255, %dma_start3A_281] : memref<5120x128xi32, #tpu.memory_space<hbm>> -> memref<40x128xi32, #tpu.memory_space<hbm>>
      %dma_start3A_283 = arith.constant 0 : i32
      %dma_start3A_284 = tpu.memref_slice %arg3[%add3A_255, %dma_start3A_283] : memref<5120x128xi32, #tpu.memory_space<hbm>> -> memref<40x128xi32, #tpu.memory_space<hbm>>
      tpu.enqueue_dma source(%dma_start3A_284 : memref<40x128xi32, #tpu.memory_space<hbm>>) target(%arg14 : memref<40x128xi32, #tpu.memory_space<vmem>>) target_semaphore(%run_scoped3A : memref<!tpu.dma_semaphore, #tpu.memory_space<semaphore_mem>>)
      %dma_wait3A = arith.constant 0 : i32
      %dma_wait3A_285 = tpu.memref_slice %arg3[%add3A_255, %dma_wait3A] : memref<5120x128xi32, #tpu.memory_space<hbm>> -> memref<40x128xi32, #tpu.memory_space<hbm>>
      %dma_wait3A_286 = arith.constant 0 : i32
      %dma_wait3A_287 = tpu.memref_slice %arg3[%add3A_255, %dma_wait3A_286] : memref<5120x128xi32, #tpu.memory_space<hbm>> -> memref<40x128xi32, #tpu.memory_space<hbm>>
      tpu.wait_dma2 semaphore(%run_scoped3A : memref<!tpu.dma_semaphore, #tpu.memory_space<semaphore_mem>>) src(%dma_wait3A_287 : memref<40x128xi32, #tpu.memory_space<hbm>>) dst(%arg14 : memref<40x128xi32, #tpu.memory_space<vmem>>)
      tpu.yield
    }) : () -> ()
    %add3A_256 = arith.constant 120 : i32
    %add3A_257 = arith.addi %mul3A_2, %add3A_256 : i32
    "tpu.region"() ({
      %run_scoped3A = tpu.sem_alloc : memref<!tpu.dma_semaphore, #tpu.memory_space<semaphore_mem>>
      %dma_start3A_281 = arith.constant 0 : i32
      %dma_start3A_282 = tpu.memref_slice %arg4[%add3A_257, %dma_start3A_281] : memref<5120x128xi32, #tpu.memory_space<hbm>> -> memref<40x128xi32, #tpu.memory_space<hbm>>
      %dma_start3A_283 = arith.constant 0 : i32
      %dma_start3A_284 = tpu.memref_slice %arg4[%add3A_257, %dma_start3A_283] : memref<5120x128xi32, #tpu.memory_space<hbm>> -> memref<40x128xi32, #tpu.memory_space<hbm>>
      tpu.enqueue_dma source(%dma_start3A_284 : memref<40x128xi32, #tpu.memory_space<hbm>>) target(%arg15 : memref<40x128xi32, #tpu.memory_space<vmem>>) target_semaphore(%run_scoped3A : memref<!tpu.dma_semaphore, #tpu.memory_space<semaphore_mem>>)
      %dma_wait3A = arith.constant 0 : i32
      %dma_wait3A_285 = tpu.memref_slice %arg4[%add3A_257, %dma_wait3A] : memref<5120x128xi32, #tpu.memory_space<hbm>> -> memref<40x128xi32, #tpu.memory_space<hbm>>
      %dma_wait3A_286 = arith.constant 0 : i32
      %dma_wait3A_287 = tpu.memref_slice %arg4[%add3A_257, %dma_wait3A_286] : memref<5120x128xi32, #tpu.memory_space<hbm>> -> memref<40x128xi32, #tpu.memory_space<hbm>>
      tpu.wait_dma2 semaphore(%run_scoped3A : memref<!tpu.dma_semaphore, #tpu.memory_space<semaphore_mem>>) src(%dma_wait3A_287 : memref<40x128xi32, #tpu.memory_space<hbm>>) dst(%arg15 : memref<40x128xi32, #tpu.memory_space<vmem>>)
      tpu.yield
    }) : () -> ()
    %dma_start3A_258 = arith.constant 0 : i32
    %dma_start3A_259 = arith.constant 0 : i32
    %dma_start3A_260 = tpu.memref_slice %arg14[%dma_start3A_258, %dma_start3A_259] : memref<40x128xi32, #tpu.memory_space<vmem>> -> memref<1x128xi32, #tpu.memory_space<vmem>>
    %dma_start3A_261 = tpu.memref_squeeze %dma_start3A_260 : memref<1x128xi32, #tpu.memory_space<vmem>> -> memref<128xi32, #tpu.memory_space<vmem>>
    %dma_start3A_262 = arith.constant 0 : i32
    %dma_start3A_263 = arith.constant 0 : i32
    %dma_start3A_264 = tpu.memref_slice %arg2[%dma_start3A_262, %dma_start3A_263] : memref<10000x128xf32, #tpu.memory_space<hbm>> -> memref<10000x128xf32, #tpu.memory_space<hbm>>
    tpu.enqueue_indirect_dma source(%dma_start3A_264 : memref<10000x128xf32, #tpu.memory_space<hbm>>) target(%arg16 : memref<128x128xf32, #tpu.memory_space<vmem>>) offsets(%dma_start3A_261 : memref<128xi32, #tpu.memory_space<vmem>>) semaphore(%arg18 : memref<!tpu.dma_semaphore, #tpu.memory_space<semaphore_mem>>)
    %dma_start3A_265 = arith.constant 1 : i32
    %dma_start3A_266 = arith.constant 0 : i32
    %dma_start3A_267 = tpu.memref_slice %arg14[%dma_start3A_265, %dma_start3A_266] : memref<40x128xi32, #tpu.memory_space<vmem>> -> memref<1x128xi32, #tpu.memory_space<vmem>>
    %dma_start3A_268 = tpu.memref_squeeze %dma_start3A_267 : memref<1x128xi32, #tpu.memory_space<vmem>> -> memref<128xi32, #tpu.memory_space<vmem>>
    %dma_start3A_269 = arith.constant 0 : i32
    %dma_start3A_270 = arith.constant 0 : i32
    %dma_start3A_271 = tpu.memref_slice %arg2[%dma_start3A_269, %dma_start3A_270] : memref<10000x128xf32, #tpu.memory_space<hbm>> -> memref<10000x128xf32, #tpu.memory_space<hbm>>
    tpu.enqueue_indirect_dma source(%dma_start3A_271 : memref<10000x128xf32, #tpu.memory_space<hbm>>) target(%arg17 : memref<128x128xf32, #tpu.memory_space<vmem>>) offsets(%dma_start3A_268 : memref<128xi32, #tpu.memory_space<vmem>>) semaphore(%arg19 : memref<!tpu.dma_semaphore, #tpu.memory_space<semaphore_mem>>)
    %scan3A_272 = arith.constant 0 : i32
    %scan3A_273 = arith.constant 0 : i32
    %scan3A_274 = arith.constant 20 : i32
    %scan3A_275 = arith.addi %scan3A_273, %scan3A_274 : i32
    %scan3A_276 = arith.constant 1 : i32
    scf.for %scan3A_281 = %scan3A_273 to %scan3A_275 step %scan3A_276  : i32 {
      %mul3A_282 = arith.constant 2 : i32
      %mul3A_283 = arith.muli %mul3A_282, %scan3A_281 : i32
      %mul3A_284 = arith.constant 2 : i32
      %mul3A_285 = arith.muli %mul3A_284, %scan3A_281 : i32
      %add3A_286 = arith.constant 1 : i32
      %add3A_287 = arith.addi %mul3A_285, %add3A_286 : i32
      %dma_wait3A = arith.constant 0 : i32
      %dma_wait3A_288 = tpu.memref_slice %arg14[%mul3A_283, %dma_wait3A] : memref<40x128xi32, #tpu.memory_space<vmem>> -> memref<1x128xi32, #tpu.memory_space<vmem>>
      %dma_wait3A_289 = tpu.memref_squeeze %dma_wait3A_288 : memref<1x128xi32, #tpu.memory_space<vmem>> -> memref<128xi32, #tpu.memory_space<vmem>>
      %dma_wait3A_290 = arith.constant 0 : i32
      %dma_wait3A_291 = arith.constant 0 : i32
      %dma_wait3A_292 = tpu.memref_slice %arg2[%dma_wait3A_290, %dma_wait3A_291] : memref<10000x128xf32, #tpu.memory_space<hbm>> -> memref<10000x128xf32, #tpu.memory_space<hbm>>
      tpu.wait_indirect_dma semaphore(%arg18 : memref<!tpu.dma_semaphore, #tpu.memory_space<semaphore_mem>>) src(%dma_wait3A_292 : memref<10000x128xf32, #tpu.memory_space<hbm>>) dst(%arg16 : memref<128x128xf32, #tpu.memory_space<vmem>>)
      "tpu.region"() ({
        %run_scoped3A = tpu.sem_alloc : memref<!tpu.dma_semaphore, #tpu.memory_space<semaphore_mem>>
        %dma_start3A_312 = arith.constant 0 : i32
        %dma_start3A_313 = tpu.memref_slice %arg15[%mul3A_283, %dma_start3A_312] : memref<40x128xi32, #tpu.memory_space<vmem>> -> memref<1x128xi32, #tpu.memory_space<vmem>>
        %dma_start3A_314 = tpu.memref_squeeze %dma_start3A_313 : memref<1x128xi32, #tpu.memory_space<vmem>> -> memref<128xi32, #tpu.memory_space<vmem>>
        %dma_start3A_315 = arith.constant 0 : i32
        %dma_start3A_316 = arith.constant 0 : i32
        %dma_start3A_317 = tpu.memref_slice %arg12[%dma_start3A_315, %dma_start3A_316] : memref<10112x128xf32, #tpu.memory_space<vmem_shared>> -> memref<10112x128xf32, #tpu.memory_space<vmem_shared>>
        tpu.enqueue_indirect_dma source(%arg16 : memref<128x128xf32, #tpu.memory_space<vmem>>) target(%dma_start3A_317 : memref<10112x128xf32, #tpu.memory_space<vmem_shared>>) offsets(%dma_start3A_314 : memref<128xi32, #tpu.memory_space<vmem>>) semaphore(%run_scoped3A : memref<!tpu.dma_semaphore, #tpu.memory_space<semaphore_mem>>) {add = true}
        %dma_wait3A_318 = arith.constant 0 : i32
        %dma_wait3A_319 = tpu.memref_slice %arg15[%mul3A_283, %dma_wait3A_318] : memref<40x128xi32, #tpu.memory_space<vmem>> -> memref<1x128xi32, #tpu.memory_space<vmem>>
        %dma_wait3A_320 = tpu.memref_squeeze %dma_wait3A_319 : memref<1x128xi32, #tpu.memory_space<vmem>> -> memref<128xi32, #tpu.memory_space<vmem>>
        %dma_wait3A_321 = arith.constant 0 : i32
        %dma_wait3A_322 = arith.constant 0 : i32
        %dma_wait3A_323 = tpu.memref_slice %arg12[%dma_wait3A_321, %dma_wait3A_322] : memref<10112x128xf32, #tpu.memory_space<vmem_shared>> -> memref<10112x128xf32, #tpu.memory_space<vmem_shared>>
        tpu.wait_indirect_dma semaphore(%run_scoped3A : memref<!tpu.dma_semaphore, #tpu.memory_space<semaphore_mem>>) src(%arg16 : memref<128x128xf32, #tpu.memory_space<vmem>>) dst(%dma_wait3A_323 : memref<10112x128xf32, #tpu.memory_space<vmem_shared>>)
        tpu.yield
      }) : () -> ()
      %add3A_293 = arith.constant 2 : i32
      %add3A_294 = arith.addi %mul3A_283, %add3A_293 : i32
      %lt3A = arith.constant 40 : i32
      %lt3A_295 = arith.cmpi slt, %add3A_294, %lt3A : i32
      %convert_element_type3A_296 = arith.extui %lt3A_295 : i1 to i32
      %cond3A_297 = arith.constant 0 : i32
      %cond3A_298 = arith.cmpi ne, %convert_element_type3A_296, %cond3A_297 : i32
      scf.if %cond3A_298 {
        %add3A_312 = arith.constant 2 : i32
        %add3A_313 = arith.addi %mul3A_283, %add3A_312 : i32
        %dma_start3A_314 = arith.constant 0 : i32
        %dma_start3A_315 = tpu.memref_slice %arg14[%add3A_313, %dma_start3A_314] : memref<40x128xi32, #tpu.memory_space<vmem>> -> memref<1x128xi32, #tpu.memory_space<vmem>>
        %dma_start3A_316 = tpu.memref_squeeze %dma_start3A_315 : memref<1x128xi32, #tpu.memory_space<vmem>> -> memref<128xi32, #tpu.memory_space<vmem>>
        %dma_start3A_317 = arith.constant 0 : i32
        %dma_start3A_318 = arith.constant 0 : i32
        %dma_start3A_319 = tpu.memref_slice %arg2[%dma_start3A_317, %dma_start3A_318] : memref<10000x128xf32, #tpu.memory_space<hbm>> -> memref<10000x128xf32, #tpu.memory_space<hbm>>
        tpu.enqueue_indirect_dma source(%dma_start3A_319 : memref<10000x128xf32, #tpu.memory_space<hbm>>) target(%arg16 : memref<128x128xf32, #tpu.memory_space<vmem>>) offsets(%dma_start3A_316 : memref<128xi32, #tpu.memory_space<vmem>>) semaphore(%arg18 : memref<!tpu.dma_semaphore, #tpu.memory_space<semaphore_mem>>)
      } else {
      }
      %dma_wait3A_299 = arith.constant 0 : i32
      %dma_wait3A_300 = tpu.memref_slice %arg14[%add3A_287, %dma_wait3A_299] : memref<40x128xi32, #tpu.memory_space<vmem>> -> memref<1x128xi32, #tpu.memory_space<vmem>>
      %dma_wait3A_301 = tpu.memref_squeeze %dma_wait3A_300 : memref<1x128xi32, #tpu.memory_space<vmem>> -> memref<128xi32, #tpu.memory_space<vmem>>
      %dma_wait3A_302 = arith.constant 0 : i32
      %dma_wait3A_303 = arith.constant 0 : i32
      %dma_wait3A_304 = tpu.memref_slice %arg2[%dma_wait3A_302, %dma_wait3A_303] : memref<10000x128xf32, #tpu.memory_space<hbm>> -> memref<10000x128xf32, #tpu.memory_space<hbm>>
      tpu.wait_indirect_dma semaphore(%arg19 : memref<!tpu.dma_semaphore, #tpu.memory_space<semaphore_mem>>) src(%dma_wait3A_304 : memref<10000x128xf32, #tpu.memory_space<hbm>>) dst(%arg17 : memref<128x128xf32, #tpu.memory_space<vmem>>)
      "tpu.region"() ({
        %run_scoped3A = tpu.sem_alloc : memref<!tpu.dma_semaphore, #tpu.memory_space<semaphore_mem>>
        %dma_start3A_312 = arith.constant 0 : i32
        %dma_start3A_313 = tpu.memref_slice %arg15[%add3A_287, %dma_start3A_312] : memref<40x128xi32, #tpu.memory_space<vmem>> -> memref<1x128xi32, #tpu.memory_space<vmem>>
        %dma_start3A_314 = tpu.memref_squeeze %dma_start3A_313 : memref<1x128xi32, #tpu.memory_space<vmem>> -> memref<128xi32, #tpu.memory_space<vmem>>
        %dma_start3A_315 = arith.constant 0 : i32
        %dma_start3A_316 = arith.constant 0 : i32
        %dma_start3A_317 = tpu.memref_slice %arg12[%dma_start3A_315, %dma_start3A_316] : memref<10112x128xf32, #tpu.memory_space<vmem_shared>> -> memref<10112x128xf32, #tpu.memory_space<vmem_shared>>
        tpu.enqueue_indirect_dma source(%arg17 : memref<128x128xf32, #tpu.memory_space<vmem>>) target(%dma_start3A_317 : memref<10112x128xf32, #tpu.memory_space<vmem_shared>>) offsets(%dma_start3A_314 : memref<128xi32, #tpu.memory_space<vmem>>) semaphore(%run_scoped3A : memref<!tpu.dma_semaphore, #tpu.memory_space<semaphore_mem>>) {add = true}
        %dma_wait3A_318 = arith.constant 0 : i32
        %dma_wait3A_319 = tpu.memref_slice %arg15[%add3A_287, %dma_wait3A_318] : memref<40x128xi32, #tpu.memory_space<vmem>> -> memref<1x128xi32, #tpu.memory_space<vmem>>
        %dma_wait3A_320 = tpu.memref_squeeze %dma_wait3A_319 : memref<1x128xi32, #tpu.memory_space<vmem>> -> memref<128xi32, #tpu.memory_space<vmem>>
        %dma_wait3A_321 = arith.constant 0 : i32
        %dma_wait3A_322 = arith.constant 0 : i32
        %dma_wait3A_323 = tpu.memref_slice %arg12[%dma_wait3A_321, %dma_wait3A_322] : memref<10112x128xf32, #tpu.memory_space<vmem_shared>> -> memref<10112x128xf32, #tpu.memory_space<vmem_shared>>
        tpu.wait_indirect_dma semaphore(%run_scoped3A : memref<!tpu.dma_semaphore, #tpu.memory_space<semaphore_mem>>) src(%arg17 : memref<128x128xf32, #tpu.memory_space<vmem>>) dst(%dma_wait3A_323 : memref<10112x128xf32, #tpu.memory_space<vmem_shared>>)
        tpu.yield
      }) : () -> ()
      %add3A_305 = arith.constant 2 : i32
      %add3A_306 = arith.addi %add3A_287, %add3A_305 : i32
      %lt3A_307 = arith.constant 40 : i32
      %lt3A_308 = arith.cmpi slt, %add3A_306, %lt3A_307 : i32
      %convert_element_type3A_309 = arith.extui %lt3A_308 : i1 to i32
      %cond3A_310 = arith.constant 0 : i32
      %cond3A_311 = arith.cmpi ne, %convert_element_type3A_309, %cond3A_310 : i32
      scf.if %cond3A_311 {
        %add3A_312 = arith.constant 2 : i32
        %add3A_313 = arith.addi %add3A_287, %add3A_312 : i32
        %dma_start3A_314 = arith.constant 0 : i32
        %dma_start3A_315 = tpu.memref_slice %arg14[%add3A_313, %dma_start3A_314] : memref<40x128xi32, #tpu.memory_space<vmem>> -> memref<1x128xi32, #tpu.memory_space<vmem>>
        %dma_start3A_316 = tpu.memref_squeeze %dma_start3A_315 : memref<1x128xi32, #tpu.memory_space<vmem>> -> memref<128xi32, #tpu.memory_space<vmem>>
        %dma_start3A_317 = arith.constant 0 : i32
        %dma_start3A_318 = arith.constant 0 : i32
        %dma_start3A_319 = tpu.memref_slice %arg2[%dma_start3A_317, %dma_start3A_318] : memref<10000x128xf32, #tpu.memory_space<hbm>> -> memref<10000x128xf32, #tpu.memory_space<hbm>>
        tpu.enqueue_indirect_dma source(%dma_start3A_319 : memref<10000x128xf32, #tpu.memory_space<hbm>>) target(%arg17 : memref<128x128xf32, #tpu.memory_space<vmem>>) offsets(%dma_start3A_316 : memref<128xi32, #tpu.memory_space<vmem>>) semaphore(%arg19 : memref<!tpu.dma_semaphore, #tpu.memory_space<semaphore_mem>>)
      } else {
      }
    }
    %scan3A_277 = arith.constant 20 : i32
    %barrier3A_278 = arith.constant 0 : index
    tpu.barrier barrier_id(%barrier3A_278)
    %mul3A_279 = arith.constant 632 : i32
    %mul3A_280 = arith.muli %arg1, %mul3A_279 : i32
    "tpu.region"() ({
      %run_scoped3A = tpu.sem_alloc : memref<!tpu.dma_semaphore, #tpu.memory_space<semaphore_mem>>
      %dma_start3A_281 = arith.constant 0 : i32
      %dma_start3A_282 = tpu.memref_slice %arg11[%add3A_7, %dma_start3A_281] : memref<20224x128xf32, #tpu.memory_space<hbm>> -> memref<632x128xf32, #tpu.memory_space<hbm>>
      %dma_start3A_283 = arith.constant 0 : i32
      %dma_start3A_284 = tpu.memref_slice %arg12[%mul3A_280, %dma_start3A_283] : memref<10112x128xf32, #tpu.memory_space<vmem_shared>> -> memref<632x128xf32, #tpu.memory_space<vmem_shared>>
      tpu.enqueue_dma source(%dma_start3A_284 : memref<632x128xf32, #tpu.memory_space<vmem_shared>>) target(%dma_start3A_282 : memref<632x128xf32, #tpu.memory_space<hbm>>) target_semaphore(%run_scoped3A : memref<!tpu.dma_semaphore, #tpu.memory_space<semaphore_mem>>)
      %dma_wait3A = arith.constant 0 : i32
      %dma_wait3A_285 = tpu.memref_slice %arg11[%add3A_7, %dma_wait3A] : memref<20224x128xf32, #tpu.memory_space<hbm>> -> memref<632x128xf32, #tpu.memory_space<hbm>>
      %dma_wait3A_286 = arith.constant 0 : i32
      %dma_wait3A_287 = tpu.memref_slice %arg12[%mul3A_280, %dma_wait3A_286] : memref<10112x128xf32, #tpu.memory_space<vmem_shared>> -> memref<632x128xf32, #tpu.memory_space<vmem_shared>>
      tpu.wait_dma2 semaphore(%run_scoped3A : memref<!tpu.dma_semaphore, #tpu.memory_space<semaphore_mem>>) src(%dma_wait3A_287 : memref<632x128xf32, #tpu.memory_space<vmem_shared>>) dst(%dma_wait3A_285 : memref<632x128xf32, #tpu.memory_space<hbm>>)
      tpu.yield
    }) : () -> ()
    return
  }
}

#map = affine_map<(d0, d1) -> (0, 0)>
module attributes {stable_mosaic.version = 14 : i64} {
  func.func @_sc_accum_kernel(%arg0: i32, %arg1: i32, %arg2: memref<10000x128xf32, #tpu.memory_space<hbm>>, %arg3: memref<5120x128xi32, #tpu.memory_space<hbm>>, %arg4: memref<5120x128xi32, #tpu.memory_space<hbm>>, %arg5: memref<10112x128xf32, #tpu.memory_space<hbm>>, %arg6: memref<20224x128xf32, #tpu.memory_space<hbm>>, %arg7: memref<10112x128xf32, #tpu.memory_space<vmem_shared>>, %arg8: memref<40x128xi32, #tpu.memory_space<vmem>>, %arg9: memref<40x128xi32, #tpu.memory_space<vmem>>, %arg10: memref<128x128xf32, #tpu.memory_space<vmem>>, %arg11: memref<128x128xf32, #tpu.memory_space<vmem>>, %arg12: memref<!tpu.dma_semaphore, #tpu.memory_space<semaphore_mem>>, %arg13: memref<!tpu.dma_semaphore, #tpu.memory_space<semaphore_mem>>) attributes {dimension_semantics = [#tpu.dimension_semantics<core_parallel>, #tpu.dimension_semantics<subcore_parallel>], iteration_bounds = array<i64: 2, 16>, scalar_prefetch = 0 : i64, scratch_operands = 7 : i64, tpu.core_type = #tpu.core_type<sc_vector_subcore>, window_params = [{transform_indices = #map}, {transform_indices = #map}, {transform_indices = #map}, {transform_indices = #map}, {transform_indices = #map}]} {
    %mul3A = arith.constant 632 : i32
    %mul3A_0 = arith.muli %arg1, %mul3A : i32
    %mul3A_1 = arith.constant 632 : i32
    %mul3A_2 = arith.muli %arg1, %mul3A_1 : i32
    "tpu.region"() ({
      %run_scoped3A = tpu.sem_alloc : memref<!tpu.dma_semaphore, #tpu.memory_space<semaphore_mem>>
      %dma_start3A_109 = arith.constant 0 : i32
      %dma_start3A_110 = tpu.memref_slice %arg7[%mul3A_2, %dma_start3A_109] : memref<10112x128xf32, #tpu.memory_space<vmem_shared>> -> memref<632x128xf32, #tpu.memory_space<vmem_shared>>
      %dma_start3A_111 = arith.constant 0 : i32
      %dma_start3A_112 = tpu.memref_slice %arg5[%mul3A_0, %dma_start3A_111] : memref<10112x128xf32, #tpu.memory_space<hbm>> -> memref<632x128xf32, #tpu.memory_space<hbm>>
      tpu.enqueue_dma source(%dma_start3A_112 : memref<632x128xf32, #tpu.memory_space<hbm>>) target(%dma_start3A_110 : memref<632x128xf32, #tpu.memory_space<vmem_shared>>) target_semaphore(%run_scoped3A : memref<!tpu.dma_semaphore, #tpu.memory_space<semaphore_mem>>)
      %dma_wait3A = arith.constant 0 : i32
      %dma_wait3A_113 = tpu.memref_slice %arg7[%mul3A_2, %dma_wait3A] : memref<10112x128xf32, #tpu.memory_space<vmem_shared>> -> memref<632x128xf32, #tpu.memory_space<vmem_shared>>
      %dma_wait3A_114 = arith.constant 0 : i32
      %dma_wait3A_115 = tpu.memref_slice %arg5[%mul3A_0, %dma_wait3A_114] : memref<10112x128xf32, #tpu.memory_space<hbm>> -> memref<632x128xf32, #tpu.memory_space<hbm>>
      tpu.wait_dma2 semaphore(%run_scoped3A : memref<!tpu.dma_semaphore, #tpu.memory_space<semaphore_mem>>) src(%dma_wait3A_115 : memref<632x128xf32, #tpu.memory_space<hbm>>) dst(%dma_wait3A_113 : memref<632x128xf32, #tpu.memory_space<vmem_shared>>)
      tpu.yield
    }) : () -> ()
    %mul3A_3 = arith.constant 16 : i32
    %mul3A_4 = arith.muli %arg0, %mul3A_3 : i32
    %add3A = arith.addi %mul3A_4, %arg1 : i32
    %mul3A_5 = arith.constant 160 : i32
    %mul3A_6 = arith.muli %add3A, %mul3A_5 : i32
    %barrier3A = arith.constant 0 : index
    tpu.barrier barrier_id(%barrier3A)
    %add3A_7 = arith.constant 0 : i32
    %add3A_8 = arith.addi %mul3A_6, %add3A_7 : i32
    "tpu.region"() ({
      %run_scoped3A = tpu.sem_alloc : memref<!tpu.dma_semaphore, #tpu.memory_space<semaphore_mem>>
      %dma_start3A_109 = arith.constant 0 : i32
      %dma_start3A_110 = tpu.memref_slice %arg3[%add3A_8, %dma_start3A_109] : memref<5120x128xi32, #tpu.memory_space<hbm>> -> memref<40x128xi32, #tpu.memory_space<hbm>>
      %dma_start3A_111 = arith.constant 0 : i32
      %dma_start3A_112 = tpu.memref_slice %arg3[%add3A_8, %dma_start3A_111] : memref<5120x128xi32, #tpu.memory_space<hbm>> -> memref<40x128xi32, #tpu.memory_space<hbm>>
      tpu.enqueue_dma source(%dma_start3A_112 : memref<40x128xi32, #tpu.memory_space<hbm>>) target(%arg8 : memref<40x128xi32, #tpu.memory_space<vmem>>) target_semaphore(%run_scoped3A : memref<!tpu.dma_semaphore, #tpu.memory_space<semaphore_mem>>)
      %dma_wait3A = arith.constant 0 : i32
      %dma_wait3A_113 = tpu.memref_slice %arg3[%add3A_8, %dma_wait3A] : memref<5120x128xi32, #tpu.memory_space<hbm>> -> memref<40x128xi32, #tpu.memory_space<hbm>>
      %dma_wait3A_114 = arith.constant 0 : i32
      %dma_wait3A_115 = tpu.memref_slice %arg3[%add3A_8, %dma_wait3A_114] : memref<5120x128xi32, #tpu.memory_space<hbm>> -> memref<40x128xi32, #tpu.memory_space<hbm>>
      tpu.wait_dma2 semaphore(%run_scoped3A : memref<!tpu.dma_semaphore, #tpu.memory_space<semaphore_mem>>) src(%dma_wait3A_115 : memref<40x128xi32, #tpu.memory_space<hbm>>) dst(%arg8 : memref<40x128xi32, #tpu.memory_space<vmem>>)
      tpu.yield
    }) : () -> ()
    %add3A_9 = arith.constant 0 : i32
    %add3A_10 = arith.addi %mul3A_6, %add3A_9 : i32
    "tpu.region"() ({
      %run_scoped3A = tpu.sem_alloc : memref<!tpu.dma_semaphore, #tpu.memory_space<semaphore_mem>>
      %dma_start3A_109 = arith.constant 0 : i32
      %dma_start3A_110 = tpu.memref_slice %arg4[%add3A_10, %dma_start3A_109] : memref<5120x128xi32, #tpu.memory_space<hbm>> -> memref<40x128xi32, #tpu.memory_space<hbm>>
      %dma_start3A_111 = arith.constant 0 : i32
      %dma_start3A_112 = tpu.memref_slice %arg4[%add3A_10, %dma_start3A_111] : memref<5120x128xi32, #tpu.memory_space<hbm>> -> memref<40x128xi32, #tpu.memory_space<hbm>>
      tpu.enqueue_dma source(%dma_start3A_112 : memref<40x128xi32, #tpu.memory_space<hbm>>) target(%arg9 : memref<40x128xi32, #tpu.memory_space<vmem>>) target_semaphore(%run_scoped3A : memref<!tpu.dma_semaphore, #tpu.memory_space<semaphore_mem>>)
      %dma_wait3A = arith.constant 0 : i32
      %dma_wait3A_113 = tpu.memref_slice %arg4[%add3A_10, %dma_wait3A] : memref<5120x128xi32, #tpu.memory_space<hbm>> -> memref<40x128xi32, #tpu.memory_space<hbm>>
      %dma_wait3A_114 = arith.constant 0 : i32
      %dma_wait3A_115 = tpu.memref_slice %arg4[%add3A_10, %dma_wait3A_114] : memref<5120x128xi32, #tpu.memory_space<hbm>> -> memref<40x128xi32, #tpu.memory_space<hbm>>
      tpu.wait_dma2 semaphore(%run_scoped3A : memref<!tpu.dma_semaphore, #tpu.memory_space<semaphore_mem>>) src(%dma_wait3A_115 : memref<40x128xi32, #tpu.memory_space<hbm>>) dst(%arg9 : memref<40x128xi32, #tpu.memory_space<vmem>>)
      tpu.yield
    }) : () -> ()
    %dma_start3A = arith.constant 0 : i32
    %dma_start3A_11 = arith.constant 0 : i32
    %dma_start3A_12 = tpu.memref_slice %arg8[%dma_start3A, %dma_start3A_11] : memref<40x128xi32, #tpu.memory_space<vmem>> -> memref<1x128xi32, #tpu.memory_space<vmem>>
    %dma_start3A_13 = tpu.memref_squeeze %dma_start3A_12 : memref<1x128xi32, #tpu.memory_space<vmem>> -> memref<128xi32, #tpu.memory_space<vmem>>
    %dma_start3A_14 = arith.constant 0 : i32
    %dma_start3A_15 = arith.constant 0 : i32
    %dma_start3A_16 = tpu.memref_slice %arg2[%dma_start3A_14, %dma_start3A_15] : memref<10000x128xf32, #tpu.memory_space<hbm>> -> memref<10000x128xf32, #tpu.memory_space<hbm>>
    tpu.enqueue_indirect_dma source(%dma_start3A_16 : memref<10000x128xf32, #tpu.memory_space<hbm>>) target(%arg10 : memref<128x128xf32, #tpu.memory_space<vmem>>) offsets(%dma_start3A_13 : memref<128xi32, #tpu.memory_space<vmem>>) semaphore(%arg12 : memref<!tpu.dma_semaphore, #tpu.memory_space<semaphore_mem>>)
    %dma_start3A_17 = arith.constant 1 : i32
    %dma_start3A_18 = arith.constant 0 : i32
    %dma_start3A_19 = tpu.memref_slice %arg8[%dma_start3A_17, %dma_start3A_18] : memref<40x128xi32, #tpu.memory_space<vmem>> -> memref<1x128xi32, #tpu.memory_space<vmem>>
    %dma_start3A_20 = tpu.memref_squeeze %dma_start3A_19 : memref<1x128xi32, #tpu.memory_space<vmem>> -> memref<128xi32, #tpu.memory_space<vmem>>
    %dma_start3A_21 = arith.constant 0 : i32
    %dma_start3A_22 = arith.constant 0 : i32
    %dma_start3A_23 = tpu.memref_slice %arg2[%dma_start3A_21, %dma_start3A_22] : memref<10000x128xf32, #tpu.memory_space<hbm>> -> memref<10000x128xf32, #tpu.memory_space<hbm>>
    tpu.enqueue_indirect_dma source(%dma_start3A_23 : memref<10000x128xf32, #tpu.memory_space<hbm>>) target(%arg11 : memref<128x128xf32, #tpu.memory_space<vmem>>) offsets(%dma_start3A_20 : memref<128xi32, #tpu.memory_space<vmem>>) semaphore(%arg13 : memref<!tpu.dma_semaphore, #tpu.memory_space<semaphore_mem>>)
    %scan3A = arith.constant 0 : i32
    %scan3A_24 = arith.constant 0 : i32
    %scan3A_25 = arith.constant 20 : i32
    %scan3A_26 = arith.addi %scan3A_24, %scan3A_25 : i32
    %scan3A_27 = arith.constant 1 : i32
    scf.for %scan3A_109 = %scan3A_24 to %scan3A_26 step %scan3A_27  : i32 {
      %mul3A_110 = arith.constant 2 : i32
      %mul3A_111 = arith.muli %mul3A_110, %scan3A_109 : i32
      %mul3A_112 = arith.constant 2 : i32
      %mul3A_113 = arith.muli %mul3A_112, %scan3A_109 : i32
      %add3A_114 = arith.constant 1 : i32
      %add3A_115 = arith.addi %mul3A_113, %add3A_114 : i32
      %dma_wait3A = arith.constant 0 : i32
      %dma_wait3A_116 = tpu.memref_slice %arg8[%mul3A_111, %dma_wait3A] : memref<40x128xi32, #tpu.memory_space<vmem>> -> memref<1x128xi32, #tpu.memory_space<vmem>>
      %dma_wait3A_117 = tpu.memref_squeeze %dma_wait3A_116 : memref<1x128xi32, #tpu.memory_space<vmem>> -> memref<128xi32, #tpu.memory_space<vmem>>
      %dma_wait3A_118 = arith.constant 0 : i32
      %dma_wait3A_119 = arith.constant 0 : i32
      %dma_wait3A_120 = tpu.memref_slice %arg2[%dma_wait3A_118, %dma_wait3A_119] : memref<10000x128xf32, #tpu.memory_space<hbm>> -> memref<10000x128xf32, #tpu.memory_space<hbm>>
      tpu.wait_indirect_dma semaphore(%arg12 : memref<!tpu.dma_semaphore, #tpu.memory_space<semaphore_mem>>) src(%dma_wait3A_120 : memref<10000x128xf32, #tpu.memory_space<hbm>>) dst(%arg10 : memref<128x128xf32, #tpu.memory_space<vmem>>)
      "tpu.region"() ({
        %run_scoped3A = tpu.sem_alloc : memref<!tpu.dma_semaphore, #tpu.memory_space<semaphore_mem>>
        %dma_start3A_138 = arith.constant 0 : i32
        %dma_start3A_139 = tpu.memref_slice %arg9[%mul3A_111, %dma_start3A_138] : memref<40x128xi32, #tpu.memory_space<vmem>> -> memref<1x128xi32, #tpu.memory_space<vmem>>
        %dma_start3A_140 = tpu.memref_squeeze %dma_start3A_139 : memref<1x128xi32, #tpu.memory_space<vmem>> -> memref<128xi32, #tpu.memory_space<vmem>>
        %dma_start3A_141 = arith.constant 0 : i32
        %dma_start3A_142 = arith.constant 0 : i32
        %dma_start3A_143 = tpu.memref_slice %arg7[%dma_start3A_141, %dma_start3A_142] : memref<10112x128xf32, #tpu.memory_space<vmem_shared>> -> memref<10112x128xf32, #tpu.memory_space<vmem_shared>>
        tpu.enqueue_indirect_dma source(%arg10 : memref<128x128xf32, #tpu.memory_space<vmem>>) target(%dma_start3A_143 : memref<10112x128xf32, #tpu.memory_space<vmem_shared>>) offsets(%dma_start3A_140 : memref<128xi32, #tpu.memory_space<vmem>>) semaphore(%run_scoped3A : memref<!tpu.dma_semaphore, #tpu.memory_space<semaphore_mem>>) {add = true}
        %dma_wait3A_144 = arith.constant 0 : i32
        %dma_wait3A_145 = tpu.memref_slice %arg9[%mul3A_111, %dma_wait3A_144] : memref<40x128xi32, #tpu.memory_space<vmem>> -> memref<1x128xi32, #tpu.memory_space<vmem>>
        %dma_wait3A_146 = tpu.memref_squeeze %dma_wait3A_145 : memref<1x128xi32, #tpu.memory_space<vmem>> -> memref<128xi32, #tpu.memory_space<vmem>>
        %dma_wait3A_147 = arith.constant 0 : i32
        %dma_wait3A_148 = arith.constant 0 : i32
        %dma_wait3A_149 = tpu.memref_slice %arg7[%dma_wait3A_147, %dma_wait3A_148] : memref<10112x128xf32, #tpu.memory_space<vmem_shared>> -> memref<10112x128xf32, #tpu.memory_space<vmem_shared>>
        tpu.wait_indirect_dma semaphore(%run_scoped3A : memref<!tpu.dma_semaphore, #tpu.memory_space<semaphore_mem>>) src(%arg10 : memref<128x128xf32, #tpu.memory_space<vmem>>) dst(%dma_wait3A_149 : memref<10112x128xf32, #tpu.memory_space<vmem_shared>>)
        tpu.yield
      }) : () -> ()
      %add3A_121 = arith.constant 2 : i32
      %add3A_122 = arith.addi %mul3A_111, %add3A_121 : i32
      %lt3A = arith.constant 40 : i32
      %lt3A_123 = arith.cmpi slt, %add3A_122, %lt3A : i32
      %convert_element_type3A = arith.extui %lt3A_123 : i1 to i32
      %cond3A = arith.constant 0 : i32
      %cond3A_124 = arith.cmpi ne, %convert_element_type3A, %cond3A : i32
      scf.if %cond3A_124 {
        %add3A_138 = arith.constant 2 : i32
        %add3A_139 = arith.addi %mul3A_111, %add3A_138 : i32
        %dma_start3A_140 = arith.constant 0 : i32
        %dma_start3A_141 = tpu.memref_slice %arg8[%add3A_139, %dma_start3A_140] : memref<40x128xi32, #tpu.memory_space<vmem>> -> memref<1x128xi32, #tpu.memory_space<vmem>>
        %dma_start3A_142 = tpu.memref_squeeze %dma_start3A_141 : memref<1x128xi32, #tpu.memory_space<vmem>> -> memref<128xi32, #tpu.memory_space<vmem>>
        %dma_start3A_143 = arith.constant 0 : i32
        %dma_start3A_144 = arith.constant 0 : i32
        %dma_start3A_145 = tpu.memref_slice %arg2[%dma_start3A_143, %dma_start3A_144] : memref<10000x128xf32, #tpu.memory_space<hbm>> -> memref<10000x128xf32, #tpu.memory_space<hbm>>
        tpu.enqueue_indirect_dma source(%dma_start3A_145 : memref<10000x128xf32, #tpu.memory_space<hbm>>) target(%arg10 : memref<128x128xf32, #tpu.memory_space<vmem>>) offsets(%dma_start3A_142 : memref<128xi32, #tpu.memory_space<vmem>>) semaphore(%arg12 : memref<!tpu.dma_semaphore, #tpu.memory_space<semaphore_mem>>)
      } else {
      }
      %dma_wait3A_125 = arith.constant 0 : i32
      %dma_wait3A_126 = tpu.memref_slice %arg8[%add3A_115, %dma_wait3A_125] : memref<40x128xi32, #tpu.memory_space<vmem>> -> memref<1x128xi32, #tpu.memory_space<vmem>>
      %dma_wait3A_127 = tpu.memref_squeeze %dma_wait3A_126 : memref<1x128xi32, #tpu.memory_space<vmem>> -> memref<128xi32, #tpu.memory_space<vmem>>
      %dma_wait3A_128 = arith.constant 0 : i32
      %dma_wait3A_129 = arith.constant 0 : i32
      %dma_wait3A_130 = tpu.memref_slice %arg2[%dma_wait3A_128, %dma_wait3A_129] : memref<10000x128xf32, #tpu.memory_space<hbm>> -> memref<10000x128xf32, #tpu.memory_space<hbm>>
      tpu.wait_indirect_dma semaphore(%arg13 : memref<!tpu.dma_semaphore, #tpu.memory_space<semaphore_mem>>) src(%dma_wait3A_130 : memref<10000x128xf32, #tpu.memory_space<hbm>>) dst(%arg11 : memref<128x128xf32, #tpu.memory_space<vmem>>)
      "tpu.region"() ({
        %run_scoped3A = tpu.sem_alloc : memref<!tpu.dma_semaphore, #tpu.memory_space<semaphore_mem>>
        %dma_start3A_138 = arith.constant 0 : i32
        %dma_start3A_139 = tpu.memref_slice %arg9[%add3A_115, %dma_start3A_138] : memref<40x128xi32, #tpu.memory_space<vmem>> -> memref<1x128xi32, #tpu.memory_space<vmem>>
        %dma_start3A_140 = tpu.memref_squeeze %dma_start3A_139 : memref<1x128xi32, #tpu.memory_space<vmem>> -> memref<128xi32, #tpu.memory_space<vmem>>
        %dma_start3A_141 = arith.constant 0 : i32
        %dma_start3A_142 = arith.constant 0 : i32
        %dma_start3A_143 = tpu.memref_slice %arg7[%dma_start3A_141, %dma_start3A_142] : memref<10112x128xf32, #tpu.memory_space<vmem_shared>> -> memref<10112x128xf32, #tpu.memory_space<vmem_shared>>
        tpu.enqueue_indirect_dma source(%arg11 : memref<128x128xf32, #tpu.memory_space<vmem>>) target(%dma_start3A_143 : memref<10112x128xf32, #tpu.memory_space<vmem_shared>>) offsets(%dma_start3A_140 : memref<128xi32, #tpu.memory_space<vmem>>) semaphore(%run_scoped3A : memref<!tpu.dma_semaphore, #tpu.memory_space<semaphore_mem>>) {add = true}
        %dma_wait3A_144 = arith.constant 0 : i32
        %dma_wait3A_145 = tpu.memref_slice %arg9[%add3A_115, %dma_wait3A_144] : memref<40x128xi32, #tpu.memory_space<vmem>> -> memref<1x128xi32, #tpu.memory_space<vmem>>
        %dma_wait3A_146 = tpu.memref_squeeze %dma_wait3A_145 : memref<1x128xi32, #tpu.memory_space<vmem>> -> memref<128xi32, #tpu.memory_space<vmem>>
        %dma_wait3A_147 = arith.constant 0 : i32
        %dma_wait3A_148 = arith.constant 0 : i32
        %dma_wait3A_149 = tpu.memref_slice %arg7[%dma_wait3A_147, %dma_wait3A_148] : memref<10112x128xf32, #tpu.memory_space<vmem_shared>> -> memref<10112x128xf32, #tpu.memory_space<vmem_shared>>
        tpu.wait_indirect_dma semaphore(%run_scoped3A : memref<!tpu.dma_semaphore, #tpu.memory_space<semaphore_mem>>) src(%arg11 : memref<128x128xf32, #tpu.memory_space<vmem>>) dst(%dma_wait3A_149 : memref<10112x128xf32, #tpu.memory_space<vmem_shared>>)
        tpu.yield
      }) : () -> ()
      %add3A_131 = arith.constant 2 : i32
      %add3A_132 = arith.addi %add3A_115, %add3A_131 : i32
      %lt3A_133 = arith.constant 40 : i32
      %lt3A_134 = arith.cmpi slt, %add3A_132, %lt3A_133 : i32
      %convert_element_type3A_135 = arith.extui %lt3A_134 : i1 to i32
      %cond3A_136 = arith.constant 0 : i32
      %cond3A_137 = arith.cmpi ne, %convert_element_type3A_135, %cond3A_136 : i32
      scf.if %cond3A_137 {
        %add3A_138 = arith.constant 2 : i32
        %add3A_139 = arith.addi %add3A_115, %add3A_138 : i32
        %dma_start3A_140 = arith.constant 0 : i32
        %dma_start3A_141 = tpu.memref_slice %arg8[%add3A_139, %dma_start3A_140] : memref<40x128xi32, #tpu.memory_space<vmem>> -> memref<1x128xi32, #tpu.memory_space<vmem>>
        %dma_start3A_142 = tpu.memref_squeeze %dma_start3A_141 : memref<1x128xi32, #tpu.memory_space<vmem>> -> memref<128xi32, #tpu.memory_space<vmem>>
        %dma_start3A_143 = arith.constant 0 : i32
        %dma_start3A_144 = arith.constant 0 : i32
        %dma_start3A_145 = tpu.memref_slice %arg2[%dma_start3A_143, %dma_start3A_144] : memref<10000x128xf32, #tpu.memory_space<hbm>> -> memref<10000x128xf32, #tpu.memory_space<hbm>>
        tpu.enqueue_indirect_dma source(%dma_start3A_145 : memref<10000x128xf32, #tpu.memory_space<hbm>>) target(%arg11 : memref<128x128xf32, #tpu.memory_space<vmem>>) offsets(%dma_start3A_142 : memref<128xi32, #tpu.memory_space<vmem>>) semaphore(%arg13 : memref<!tpu.dma_semaphore, #tpu.memory_space<semaphore_mem>>)
      } else {
      }
    }
    %scan3A_28 = arith.constant 20 : i32
    %add3A_29 = arith.constant 40 : i32
    %add3A_30 = arith.addi %mul3A_6, %add3A_29 : i32
    "tpu.region"() ({
      %run_scoped3A = tpu.sem_alloc : memref<!tpu.dma_semaphore, #tpu.memory_space<semaphore_mem>>
      %dma_start3A_109 = arith.constant 0 : i32
      %dma_start3A_110 = tpu.memref_slice %arg3[%add3A_30, %dma_start3A_109] : memref<5120x128xi32, #tpu.memory_space<hbm>> -> memref<40x128xi32, #tpu.memory_space<hbm>>
      %dma_start3A_111 = arith.constant 0 : i32
      %dma_start3A_112 = tpu.memref_slice %arg3[%add3A_30, %dma_start3A_111] : memref<5120x128xi32, #tpu.memory_space<hbm>> -> memref<40x128xi32, #tpu.memory_space<hbm>>
      tpu.enqueue_dma source(%dma_start3A_112 : memref<40x128xi32, #tpu.memory_space<hbm>>) target(%arg8 : memref<40x128xi32, #tpu.memory_space<vmem>>) target_semaphore(%run_scoped3A : memref<!tpu.dma_semaphore, #tpu.memory_space<semaphore_mem>>)
      %dma_wait3A = arith.constant 0 : i32
      %dma_wait3A_113 = tpu.memref_slice %arg3[%add3A_30, %dma_wait3A] : memref<5120x128xi32, #tpu.memory_space<hbm>> -> memref<40x128xi32, #tpu.memory_space<hbm>>
      %dma_wait3A_114 = arith.constant 0 : i32
      %dma_wait3A_115 = tpu.memref_slice %arg3[%add3A_30, %dma_wait3A_114] : memref<5120x128xi32, #tpu.memory_space<hbm>> -> memref<40x128xi32, #tpu.memory_space<hbm>>
      tpu.wait_dma2 semaphore(%run_scoped3A : memref<!tpu.dma_semaphore, #tpu.memory_space<semaphore_mem>>) src(%dma_wait3A_115 : memref<40x128xi32, #tpu.memory_space<hbm>>) dst(%arg8 : memref<40x128xi32, #tpu.memory_space<vmem>>)
      tpu.yield
    }) : () -> ()
    %add3A_31 = arith.constant 40 : i32
    %add3A_32 = arith.addi %mul3A_6, %add3A_31 : i32
    "tpu.region"() ({
      %run_scoped3A = tpu.sem_alloc : memref<!tpu.dma_semaphore, #tpu.memory_space<semaphore_mem>>
      %dma_start3A_109 = arith.constant 0 : i32
      %dma_start3A_110 = tpu.memref_slice %arg4[%add3A_32, %dma_start3A_109] : memref<5120x128xi32, #tpu.memory_space<hbm>> -> memref<40x128xi32, #tpu.memory_space<hbm>>
      %dma_start3A_111 = arith.constant 0 : i32
      %dma_start3A_112 = tpu.memref_slice %arg4[%add3A_32, %dma_start3A_111] : memref<5120x128xi32, #tpu.memory_space<hbm>> -> memref<40x128xi32, #tpu.memory_space<hbm>>
      tpu.enqueue_dma source(%dma_start3A_112 : memref<40x128xi32, #tpu.memory_space<hbm>>) target(%arg9 : memref<40x128xi32, #tpu.memory_space<vmem>>) target_semaphore(%run_scoped3A : memref<!tpu.dma_semaphore, #tpu.memory_space<semaphore_mem>>)
      %dma_wait3A = arith.constant 0 : i32
      %dma_wait3A_113 = tpu.memref_slice %arg4[%add3A_32, %dma_wait3A] : memref<5120x128xi32, #tpu.memory_space<hbm>> -> memref<40x128xi32, #tpu.memory_space<hbm>>
      %dma_wait3A_114 = arith.constant 0 : i32
      %dma_wait3A_115 = tpu.memref_slice %arg4[%add3A_32, %dma_wait3A_114] : memref<5120x128xi32, #tpu.memory_space<hbm>> -> memref<40x128xi32, #tpu.memory_space<hbm>>
      tpu.wait_dma2 semaphore(%run_scoped3A : memref<!tpu.dma_semaphore, #tpu.memory_space<semaphore_mem>>) src(%dma_wait3A_115 : memref<40x128xi32, #tpu.memory_space<hbm>>) dst(%arg9 : memref<40x128xi32, #tpu.memory_space<vmem>>)
      tpu.yield
    }) : () -> ()
    %dma_start3A_33 = arith.constant 0 : i32
    %dma_start3A_34 = arith.constant 0 : i32
    %dma_start3A_35 = tpu.memref_slice %arg8[%dma_start3A_33, %dma_start3A_34] : memref<40x128xi32, #tpu.memory_space<vmem>> -> memref<1x128xi32, #tpu.memory_space<vmem>>
    %dma_start3A_36 = tpu.memref_squeeze %dma_start3A_35 : memref<1x128xi32, #tpu.memory_space<vmem>> -> memref<128xi32, #tpu.memory_space<vmem>>
    %dma_start3A_37 = arith.constant 0 : i32
    %dma_start3A_38 = arith.constant 0 : i32
    %dma_start3A_39 = tpu.memref_slice %arg2[%dma_start3A_37, %dma_start3A_38] : memref<10000x128xf32, #tpu.memory_space<hbm>> -> memref<10000x128xf32, #tpu.memory_space<hbm>>
    tpu.enqueue_indirect_dma source(%dma_start3A_39 : memref<10000x128xf32, #tpu.memory_space<hbm>>) target(%arg10 : memref<128x128xf32, #tpu.memory_space<vmem>>) offsets(%dma_start3A_36 : memref<128xi32, #tpu.memory_space<vmem>>) semaphore(%arg12 : memref<!tpu.dma_semaphore, #tpu.memory_space<semaphore_mem>>)
    %dma_start3A_40 = arith.constant 1 : i32
    %dma_start3A_41 = arith.constant 0 : i32
    %dma_start3A_42 = tpu.memref_slice %arg8[%dma_start3A_40, %dma_start3A_41] : memref<40x128xi32, #tpu.memory_space<vmem>> -> memref<1x128xi32, #tpu.memory_space<vmem>>
    %dma_start3A_43 = tpu.memref_squeeze %dma_start3A_42 : memref<1x128xi32, #tpu.memory_space<vmem>> -> memref<128xi32, #tpu.memory_space<vmem>>
    %dma_start3A_44 = arith.constant 0 : i32
    %dma_start3A_45 = arith.constant 0 : i32
    %dma_start3A_46 = tpu.memref_slice %arg2[%dma_start3A_44, %dma_start3A_45] : memref<10000x128xf32, #tpu.memory_space<hbm>> -> memref<10000x128xf32, #tpu.memory_space<hbm>>
    tpu.enqueue_indirect_dma source(%dma_start3A_46 : memref<10000x128xf32, #tpu.memory_space<hbm>>) target(%arg11 : memref<128x128xf32, #tpu.memory_space<vmem>>) offsets(%dma_start3A_43 : memref<128xi32, #tpu.memory_space<vmem>>) semaphore(%arg13 : memref<!tpu.dma_semaphore, #tpu.memory_space<semaphore_mem>>)
    %scan3A_47 = arith.constant 0 : i32
    %scan3A_48 = arith.constant 0 : i32
    %scan3A_49 = arith.constant 20 : i32
    %scan3A_50 = arith.addi %scan3A_48, %scan3A_49 : i32
    %scan3A_51 = arith.constant 1 : i32
    scf.for %scan3A_109 = %scan3A_48 to %scan3A_50 step %scan3A_51  : i32 {
      %mul3A_110 = arith.constant 2 : i32
      %mul3A_111 = arith.muli %mul3A_110, %scan3A_109 : i32
      %mul3A_112 = arith.constant 2 : i32
      %mul3A_113 = arith.muli %mul3A_112, %scan3A_109 : i32
      %add3A_114 = arith.constant 1 : i32
      %add3A_115 = arith.addi %mul3A_113, %add3A_114 : i32
      %dma_wait3A = arith.constant 0 : i32
      %dma_wait3A_116 = tpu.memref_slice %arg8[%mul3A_111, %dma_wait3A] : memref<40x128xi32, #tpu.memory_space<vmem>> -> memref<1x128xi32, #tpu.memory_space<vmem>>
      %dma_wait3A_117 = tpu.memref_squeeze %dma_wait3A_116 : memref<1x128xi32, #tpu.memory_space<vmem>> -> memref<128xi32, #tpu.memory_space<vmem>>
      %dma_wait3A_118 = arith.constant 0 : i32
      %dma_wait3A_119 = arith.constant 0 : i32
      %dma_wait3A_120 = tpu.memref_slice %arg2[%dma_wait3A_118, %dma_wait3A_119] : memref<10000x128xf32, #tpu.memory_space<hbm>> -> memref<10000x128xf32, #tpu.memory_space<hbm>>
      tpu.wait_indirect_dma semaphore(%arg12 : memref<!tpu.dma_semaphore, #tpu.memory_space<semaphore_mem>>) src(%dma_wait3A_120 : memref<10000x128xf32, #tpu.memory_space<hbm>>) dst(%arg10 : memref<128x128xf32, #tpu.memory_space<vmem>>)
      "tpu.region"() ({
        %run_scoped3A = tpu.sem_alloc : memref<!tpu.dma_semaphore, #tpu.memory_space<semaphore_mem>>
        %dma_start3A_138 = arith.constant 0 : i32
        %dma_start3A_139 = tpu.memref_slice %arg9[%mul3A_111, %dma_start3A_138] : memref<40x128xi32, #tpu.memory_space<vmem>> -> memref<1x128xi32, #tpu.memory_space<vmem>>
        %dma_start3A_140 = tpu.memref_squeeze %dma_start3A_139 : memref<1x128xi32, #tpu.memory_space<vmem>> -> memref<128xi32, #tpu.memory_space<vmem>>
        %dma_start3A_141 = arith.constant 0 : i32
        %dma_start3A_142 = arith.constant 0 : i32
        %dma_start3A_143 = tpu.memref_slice %arg7[%dma_start3A_141, %dma_start3A_142] : memref<10112x128xf32, #tpu.memory_space<vmem_shared>> -> memref<10112x128xf32, #tpu.memory_space<vmem_shared>>
        tpu.enqueue_indirect_dma source(%arg10 : memref<128x128xf32, #tpu.memory_space<vmem>>) target(%dma_start3A_143 : memref<10112x128xf32, #tpu.memory_space<vmem_shared>>) offsets(%dma_start3A_140 : memref<128xi32, #tpu.memory_space<vmem>>) semaphore(%run_scoped3A : memref<!tpu.dma_semaphore, #tpu.memory_space<semaphore_mem>>) {add = true}
        %dma_wait3A_144 = arith.constant 0 : i32
        %dma_wait3A_145 = tpu.memref_slice %arg9[%mul3A_111, %dma_wait3A_144] : memref<40x128xi32, #tpu.memory_space<vmem>> -> memref<1x128xi32, #tpu.memory_space<vmem>>
        %dma_wait3A_146 = tpu.memref_squeeze %dma_wait3A_145 : memref<1x128xi32, #tpu.memory_space<vmem>> -> memref<128xi32, #tpu.memory_space<vmem>>
        %dma_wait3A_147 = arith.constant 0 : i32
        %dma_wait3A_148 = arith.constant 0 : i32
        %dma_wait3A_149 = tpu.memref_slice %arg7[%dma_wait3A_147, %dma_wait3A_148] : memref<10112x128xf32, #tpu.memory_space<vmem_shared>> -> memref<10112x128xf32, #tpu.memory_space<vmem_shared>>
        tpu.wait_indirect_dma semaphore(%run_scoped3A : memref<!tpu.dma_semaphore, #tpu.memory_space<semaphore_mem>>) src(%arg10 : memref<128x128xf32, #tpu.memory_space<vmem>>) dst(%dma_wait3A_149 : memref<10112x128xf32, #tpu.memory_space<vmem_shared>>)
        tpu.yield
      }) : () -> ()
      %add3A_121 = arith.constant 2 : i32
      %add3A_122 = arith.addi %mul3A_111, %add3A_121 : i32
      %lt3A = arith.constant 40 : i32
      %lt3A_123 = arith.cmpi slt, %add3A_122, %lt3A : i32
      %convert_element_type3A = arith.extui %lt3A_123 : i1 to i32
      %cond3A = arith.constant 0 : i32
      %cond3A_124 = arith.cmpi ne, %convert_element_type3A, %cond3A : i32
      scf.if %cond3A_124 {
        %add3A_138 = arith.constant 2 : i32
        %add3A_139 = arith.addi %mul3A_111, %add3A_138 : i32
        %dma_start3A_140 = arith.constant 0 : i32
        %dma_start3A_141 = tpu.memref_slice %arg8[%add3A_139, %dma_start3A_140] : memref<40x128xi32, #tpu.memory_space<vmem>> -> memref<1x128xi32, #tpu.memory_space<vmem>>
        %dma_start3A_142 = tpu.memref_squeeze %dma_start3A_141 : memref<1x128xi32, #tpu.memory_space<vmem>> -> memref<128xi32, #tpu.memory_space<vmem>>
        %dma_start3A_143 = arith.constant 0 : i32
        %dma_start3A_144 = arith.constant 0 : i32
        %dma_start3A_145 = tpu.memref_slice %arg2[%dma_start3A_143, %dma_start3A_144] : memref<10000x128xf32, #tpu.memory_space<hbm>> -> memref<10000x128xf32, #tpu.memory_space<hbm>>
        tpu.enqueue_indirect_dma source(%dma_start3A_145 : memref<10000x128xf32, #tpu.memory_space<hbm>>) target(%arg10 : memref<128x128xf32, #tpu.memory_space<vmem>>) offsets(%dma_start3A_142 : memref<128xi32, #tpu.memory_space<vmem>>) semaphore(%arg12 : memref<!tpu.dma_semaphore, #tpu.memory_space<semaphore_mem>>)
      } else {
      }
      %dma_wait3A_125 = arith.constant 0 : i32
      %dma_wait3A_126 = tpu.memref_slice %arg8[%add3A_115, %dma_wait3A_125] : memref<40x128xi32, #tpu.memory_space<vmem>> -> memref<1x128xi32, #tpu.memory_space<vmem>>
      %dma_wait3A_127 = tpu.memref_squeeze %dma_wait3A_126 : memref<1x128xi32, #tpu.memory_space<vmem>> -> memref<128xi32, #tpu.memory_space<vmem>>
      %dma_wait3A_128 = arith.constant 0 : i32
      %dma_wait3A_129 = arith.constant 0 : i32
      %dma_wait3A_130 = tpu.memref_slice %arg2[%dma_wait3A_128, %dma_wait3A_129] : memref<10000x128xf32, #tpu.memory_space<hbm>> -> memref<10000x128xf32, #tpu.memory_space<hbm>>
      tpu.wait_indirect_dma semaphore(%arg13 : memref<!tpu.dma_semaphore, #tpu.memory_space<semaphore_mem>>) src(%dma_wait3A_130 : memref<10000x128xf32, #tpu.memory_space<hbm>>) dst(%arg11 : memref<128x128xf32, #tpu.memory_space<vmem>>)
      "tpu.region"() ({
        %run_scoped3A = tpu.sem_alloc : memref<!tpu.dma_semaphore, #tpu.memory_space<semaphore_mem>>
        %dma_start3A_138 = arith.constant 0 : i32
        %dma_start3A_139 = tpu.memref_slice %arg9[%add3A_115, %dma_start3A_138] : memref<40x128xi32, #tpu.memory_space<vmem>> -> memref<1x128xi32, #tpu.memory_space<vmem>>
        %dma_start3A_140 = tpu.memref_squeeze %dma_start3A_139 : memref<1x128xi32, #tpu.memory_space<vmem>> -> memref<128xi32, #tpu.memory_space<vmem>>
        %dma_start3A_141 = arith.constant 0 : i32
        %dma_start3A_142 = arith.constant 0 : i32
        %dma_start3A_143 = tpu.memref_slice %arg7[%dma_start3A_141, %dma_start3A_142] : memref<10112x128xf32, #tpu.memory_space<vmem_shared>> -> memref<10112x128xf32, #tpu.memory_space<vmem_shared>>
        tpu.enqueue_indirect_dma source(%arg11 : memref<128x128xf32, #tpu.memory_space<vmem>>) target(%dma_start3A_143 : memref<10112x128xf32, #tpu.memory_space<vmem_shared>>) offsets(%dma_start3A_140 : memref<128xi32, #tpu.memory_space<vmem>>) semaphore(%run_scoped3A : memref<!tpu.dma_semaphore, #tpu.memory_space<semaphore_mem>>) {add = true}
        %dma_wait3A_144 = arith.constant 0 : i32
        %dma_wait3A_145 = tpu.memref_slice %arg9[%add3A_115, %dma_wait3A_144] : memref<40x128xi32, #tpu.memory_space<vmem>> -> memref<1x128xi32, #tpu.memory_space<vmem>>
        %dma_wait3A_146 = tpu.memref_squeeze %dma_wait3A_145 : memref<1x128xi32, #tpu.memory_space<vmem>> -> memref<128xi32, #tpu.memory_space<vmem>>
        %dma_wait3A_147 = arith.constant 0 : i32
        %dma_wait3A_148 = arith.constant 0 : i32
        %dma_wait3A_149 = tpu.memref_slice %arg7[%dma_wait3A_147, %dma_wait3A_148] : memref<10112x128xf32, #tpu.memory_space<vmem_shared>> -> memref<10112x128xf32, #tpu.memory_space<vmem_shared>>
        tpu.wait_indirect_dma semaphore(%run_scoped3A : memref<!tpu.dma_semaphore, #tpu.memory_space<semaphore_mem>>) src(%arg11 : memref<128x128xf32, #tpu.memory_space<vmem>>) dst(%dma_wait3A_149 : memref<10112x128xf32, #tpu.memory_space<vmem_shared>>)
        tpu.yield
      }) : () -> ()
      %add3A_131 = arith.constant 2 : i32
      %add3A_132 = arith.addi %add3A_115, %add3A_131 : i32
      %lt3A_133 = arith.constant 40 : i32
      %lt3A_134 = arith.cmpi slt, %add3A_132, %lt3A_133 : i32
      %convert_element_type3A_135 = arith.extui %lt3A_134 : i1 to i32
      %cond3A_136 = arith.constant 0 : i32
      %cond3A_137 = arith.cmpi ne, %convert_element_type3A_135, %cond3A_136 : i32
      scf.if %cond3A_137 {
        %add3A_138 = arith.constant 2 : i32
        %add3A_139 = arith.addi %add3A_115, %add3A_138 : i32
        %dma_start3A_140 = arith.constant 0 : i32
        %dma_start3A_141 = tpu.memref_slice %arg8[%add3A_139, %dma_start3A_140] : memref<40x128xi32, #tpu.memory_space<vmem>> -> memref<1x128xi32, #tpu.memory_space<vmem>>
        %dma_start3A_142 = tpu.memref_squeeze %dma_start3A_141 : memref<1x128xi32, #tpu.memory_space<vmem>> -> memref<128xi32, #tpu.memory_space<vmem>>
        %dma_start3A_143 = arith.constant 0 : i32
        %dma_start3A_144 = arith.constant 0 : i32
        %dma_start3A_145 = tpu.memref_slice %arg2[%dma_start3A_143, %dma_start3A_144] : memref<10000x128xf32, #tpu.memory_space<hbm>> -> memref<10000x128xf32, #tpu.memory_space<hbm>>
        tpu.enqueue_indirect_dma source(%dma_start3A_145 : memref<10000x128xf32, #tpu.memory_space<hbm>>) target(%arg11 : memref<128x128xf32, #tpu.memory_space<vmem>>) offsets(%dma_start3A_142 : memref<128xi32, #tpu.memory_space<vmem>>) semaphore(%arg13 : memref<!tpu.dma_semaphore, #tpu.memory_space<semaphore_mem>>)
      } else {
      }
    }
    %scan3A_52 = arith.constant 20 : i32
    %add3A_53 = arith.constant 80 : i32
    %add3A_54 = arith.addi %mul3A_6, %add3A_53 : i32
    "tpu.region"() ({
      %run_scoped3A = tpu.sem_alloc : memref<!tpu.dma_semaphore, #tpu.memory_space<semaphore_mem>>
      %dma_start3A_109 = arith.constant 0 : i32
      %dma_start3A_110 = tpu.memref_slice %arg3[%add3A_54, %dma_start3A_109] : memref<5120x128xi32, #tpu.memory_space<hbm>> -> memref<40x128xi32, #tpu.memory_space<hbm>>
      %dma_start3A_111 = arith.constant 0 : i32
      %dma_start3A_112 = tpu.memref_slice %arg3[%add3A_54, %dma_start3A_111] : memref<5120x128xi32, #tpu.memory_space<hbm>> -> memref<40x128xi32, #tpu.memory_space<hbm>>
      tpu.enqueue_dma source(%dma_start3A_112 : memref<40x128xi32, #tpu.memory_space<hbm>>) target(%arg8 : memref<40x128xi32, #tpu.memory_space<vmem>>) target_semaphore(%run_scoped3A : memref<!tpu.dma_semaphore, #tpu.memory_space<semaphore_mem>>)
      %dma_wait3A = arith.constant 0 : i32
      %dma_wait3A_113 = tpu.memref_slice %arg3[%add3A_54, %dma_wait3A] : memref<5120x128xi32, #tpu.memory_space<hbm>> -> memref<40x128xi32, #tpu.memory_space<hbm>>
      %dma_wait3A_114 = arith.constant 0 : i32
      %dma_wait3A_115 = tpu.memref_slice %arg3[%add3A_54, %dma_wait3A_114] : memref<5120x128xi32, #tpu.memory_space<hbm>> -> memref<40x128xi32, #tpu.memory_space<hbm>>
      tpu.wait_dma2 semaphore(%run_scoped3A : memref<!tpu.dma_semaphore, #tpu.memory_space<semaphore_mem>>) src(%dma_wait3A_115 : memref<40x128xi32, #tpu.memory_space<hbm>>) dst(%arg8 : memref<40x128xi32, #tpu.memory_space<vmem>>)
      tpu.yield
    }) : () -> ()
    %add3A_55 = arith.constant 80 : i32
    %add3A_56 = arith.addi %mul3A_6, %add3A_55 : i32
    "tpu.region"() ({
      %run_scoped3A = tpu.sem_alloc : memref<!tpu.dma_semaphore, #tpu.memory_space<semaphore_mem>>
      %dma_start3A_109 = arith.constant 0 : i32
      %dma_start3A_110 = tpu.memref_slice %arg4[%add3A_56, %dma_start3A_109] : memref<5120x128xi32, #tpu.memory_space<hbm>> -> memref<40x128xi32, #tpu.memory_space<hbm>>
      %dma_start3A_111 = arith.constant 0 : i32
      %dma_start3A_112 = tpu.memref_slice %arg4[%add3A_56, %dma_start3A_111] : memref<5120x128xi32, #tpu.memory_space<hbm>> -> memref<40x128xi32, #tpu.memory_space<hbm>>
      tpu.enqueue_dma source(%dma_start3A_112 : memref<40x128xi32, #tpu.memory_space<hbm>>) target(%arg9 : memref<40x128xi32, #tpu.memory_space<vmem>>) target_semaphore(%run_scoped3A : memref<!tpu.dma_semaphore, #tpu.memory_space<semaphore_mem>>)
      %dma_wait3A = arith.constant 0 : i32
      %dma_wait3A_113 = tpu.memref_slice %arg4[%add3A_56, %dma_wait3A] : memref<5120x128xi32, #tpu.memory_space<hbm>> -> memref<40x128xi32, #tpu.memory_space<hbm>>
      %dma_wait3A_114 = arith.constant 0 : i32
      %dma_wait3A_115 = tpu.memref_slice %arg4[%add3A_56, %dma_wait3A_114] : memref<5120x128xi32, #tpu.memory_space<hbm>> -> memref<40x128xi32, #tpu.memory_space<hbm>>
      tpu.wait_dma2 semaphore(%run_scoped3A : memref<!tpu.dma_semaphore, #tpu.memory_space<semaphore_mem>>) src(%dma_wait3A_115 : memref<40x128xi32, #tpu.memory_space<hbm>>) dst(%arg9 : memref<40x128xi32, #tpu.memory_space<vmem>>)
      tpu.yield
    }) : () -> ()
    %dma_start3A_57 = arith.constant 0 : i32
    %dma_start3A_58 = arith.constant 0 : i32
    %dma_start3A_59 = tpu.memref_slice %arg8[%dma_start3A_57, %dma_start3A_58] : memref<40x128xi32, #tpu.memory_space<vmem>> -> memref<1x128xi32, #tpu.memory_space<vmem>>
    %dma_start3A_60 = tpu.memref_squeeze %dma_start3A_59 : memref<1x128xi32, #tpu.memory_space<vmem>> -> memref<128xi32, #tpu.memory_space<vmem>>
    %dma_start3A_61 = arith.constant 0 : i32
    %dma_start3A_62 = arith.constant 0 : i32
    %dma_start3A_63 = tpu.memref_slice %arg2[%dma_start3A_61, %dma_start3A_62] : memref<10000x128xf32, #tpu.memory_space<hbm>> -> memref<10000x128xf32, #tpu.memory_space<hbm>>
    tpu.enqueue_indirect_dma source(%dma_start3A_63 : memref<10000x128xf32, #tpu.memory_space<hbm>>) target(%arg10 : memref<128x128xf32, #tpu.memory_space<vmem>>) offsets(%dma_start3A_60 : memref<128xi32, #tpu.memory_space<vmem>>) semaphore(%arg12 : memref<!tpu.dma_semaphore, #tpu.memory_space<semaphore_mem>>)
    %dma_start3A_64 = arith.constant 1 : i32
    %dma_start3A_65 = arith.constant 0 : i32
    %dma_start3A_66 = tpu.memref_slice %arg8[%dma_start3A_64, %dma_start3A_65] : memref<40x128xi32, #tpu.memory_space<vmem>> -> memref<1x128xi32, #tpu.memory_space<vmem>>
    %dma_start3A_67 = tpu.memref_squeeze %dma_start3A_66 : memref<1x128xi32, #tpu.memory_space<vmem>> -> memref<128xi32, #tpu.memory_space<vmem>>
    %dma_start3A_68 = arith.constant 0 : i32
    %dma_start3A_69 = arith.constant 0 : i32
    %dma_start3A_70 = tpu.memref_slice %arg2[%dma_start3A_68, %dma_start3A_69] : memref<10000x128xf32, #tpu.memory_space<hbm>> -> memref<10000x128xf32, #tpu.memory_space<hbm>>
    tpu.enqueue_indirect_dma source(%dma_start3A_70 : memref<10000x128xf32, #tpu.memory_space<hbm>>) target(%arg11 : memref<128x128xf32, #tpu.memory_space<vmem>>) offsets(%dma_start3A_67 : memref<128xi32, #tpu.memory_space<vmem>>) semaphore(%arg13 : memref<!tpu.dma_semaphore, #tpu.memory_space<semaphore_mem>>)
    %scan3A_71 = arith.constant 0 : i32
    %scan3A_72 = arith.constant 0 : i32
    %scan3A_73 = arith.constant 20 : i32
    %scan3A_74 = arith.addi %scan3A_72, %scan3A_73 : i32
    %scan3A_75 = arith.constant 1 : i32
    scf.for %scan3A_109 = %scan3A_72 to %scan3A_74 step %scan3A_75  : i32 {
      %mul3A_110 = arith.constant 2 : i32
      %mul3A_111 = arith.muli %mul3A_110, %scan3A_109 : i32
      %mul3A_112 = arith.constant 2 : i32
      %mul3A_113 = arith.muli %mul3A_112, %scan3A_109 : i32
      %add3A_114 = arith.constant 1 : i32
      %add3A_115 = arith.addi %mul3A_113, %add3A_114 : i32
      %dma_wait3A = arith.constant 0 : i32
      %dma_wait3A_116 = tpu.memref_slice %arg8[%mul3A_111, %dma_wait3A] : memref<40x128xi32, #tpu.memory_space<vmem>> -> memref<1x128xi32, #tpu.memory_space<vmem>>
      %dma_wait3A_117 = tpu.memref_squeeze %dma_wait3A_116 : memref<1x128xi32, #tpu.memory_space<vmem>> -> memref<128xi32, #tpu.memory_space<vmem>>
      %dma_wait3A_118 = arith.constant 0 : i32
      %dma_wait3A_119 = arith.constant 0 : i32
      %dma_wait3A_120 = tpu.memref_slice %arg2[%dma_wait3A_118, %dma_wait3A_119] : memref<10000x128xf32, #tpu.memory_space<hbm>> -> memref<10000x128xf32, #tpu.memory_space<hbm>>
      tpu.wait_indirect_dma semaphore(%arg12 : memref<!tpu.dma_semaphore, #tpu.memory_space<semaphore_mem>>) src(%dma_wait3A_120 : memref<10000x128xf32, #tpu.memory_space<hbm>>) dst(%arg10 : memref<128x128xf32, #tpu.memory_space<vmem>>)
      "tpu.region"() ({
        %run_scoped3A = tpu.sem_alloc : memref<!tpu.dma_semaphore, #tpu.memory_space<semaphore_mem>>
        %dma_start3A_138 = arith.constant 0 : i32
        %dma_start3A_139 = tpu.memref_slice %arg9[%mul3A_111, %dma_start3A_138] : memref<40x128xi32, #tpu.memory_space<vmem>> -> memref<1x128xi32, #tpu.memory_space<vmem>>
        %dma_start3A_140 = tpu.memref_squeeze %dma_start3A_139 : memref<1x128xi32, #tpu.memory_space<vmem>> -> memref<128xi32, #tpu.memory_space<vmem>>
        %dma_start3A_141 = arith.constant 0 : i32
        %dma_start3A_142 = arith.constant 0 : i32
        %dma_start3A_143 = tpu.memref_slice %arg7[%dma_start3A_141, %dma_start3A_142] : memref<10112x128xf32, #tpu.memory_space<vmem_shared>> -> memref<10112x128xf32, #tpu.memory_space<vmem_shared>>
        tpu.enqueue_indirect_dma source(%arg10 : memref<128x128xf32, #tpu.memory_space<vmem>>) target(%dma_start3A_143 : memref<10112x128xf32, #tpu.memory_space<vmem_shared>>) offsets(%dma_start3A_140 : memref<128xi32, #tpu.memory_space<vmem>>) semaphore(%run_scoped3A : memref<!tpu.dma_semaphore, #tpu.memory_space<semaphore_mem>>) {add = true}
        %dma_wait3A_144 = arith.constant 0 : i32
        %dma_wait3A_145 = tpu.memref_slice %arg9[%mul3A_111, %dma_wait3A_144] : memref<40x128xi32, #tpu.memory_space<vmem>> -> memref<1x128xi32, #tpu.memory_space<vmem>>
        %dma_wait3A_146 = tpu.memref_squeeze %dma_wait3A_145 : memref<1x128xi32, #tpu.memory_space<vmem>> -> memref<128xi32, #tpu.memory_space<vmem>>
        %dma_wait3A_147 = arith.constant 0 : i32
        %dma_wait3A_148 = arith.constant 0 : i32
        %dma_wait3A_149 = tpu.memref_slice %arg7[%dma_wait3A_147, %dma_wait3A_148] : memref<10112x128xf32, #tpu.memory_space<vmem_shared>> -> memref<10112x128xf32, #tpu.memory_space<vmem_shared>>
        tpu.wait_indirect_dma semaphore(%run_scoped3A : memref<!tpu.dma_semaphore, #tpu.memory_space<semaphore_mem>>) src(%arg10 : memref<128x128xf32, #tpu.memory_space<vmem>>) dst(%dma_wait3A_149 : memref<10112x128xf32, #tpu.memory_space<vmem_shared>>)
        tpu.yield
      }) : () -> ()
      %add3A_121 = arith.constant 2 : i32
      %add3A_122 = arith.addi %mul3A_111, %add3A_121 : i32
      %lt3A = arith.constant 40 : i32
      %lt3A_123 = arith.cmpi slt, %add3A_122, %lt3A : i32
      %convert_element_type3A = arith.extui %lt3A_123 : i1 to i32
      %cond3A = arith.constant 0 : i32
      %cond3A_124 = arith.cmpi ne, %convert_element_type3A, %cond3A : i32
      scf.if %cond3A_124 {
        %add3A_138 = arith.constant 2 : i32
        %add3A_139 = arith.addi %mul3A_111, %add3A_138 : i32
        %dma_start3A_140 = arith.constant 0 : i32
        %dma_start3A_141 = tpu.memref_slice %arg8[%add3A_139, %dma_start3A_140] : memref<40x128xi32, #tpu.memory_space<vmem>> -> memref<1x128xi32, #tpu.memory_space<vmem>>
        %dma_start3A_142 = tpu.memref_squeeze %dma_start3A_141 : memref<1x128xi32, #tpu.memory_space<vmem>> -> memref<128xi32, #tpu.memory_space<vmem>>
        %dma_start3A_143 = arith.constant 0 : i32
        %dma_start3A_144 = arith.constant 0 : i32
        %dma_start3A_145 = tpu.memref_slice %arg2[%dma_start3A_143, %dma_start3A_144] : memref<10000x128xf32, #tpu.memory_space<hbm>> -> memref<10000x128xf32, #tpu.memory_space<hbm>>
        tpu.enqueue_indirect_dma source(%dma_start3A_145 : memref<10000x128xf32, #tpu.memory_space<hbm>>) target(%arg10 : memref<128x128xf32, #tpu.memory_space<vmem>>) offsets(%dma_start3A_142 : memref<128xi32, #tpu.memory_space<vmem>>) semaphore(%arg12 : memref<!tpu.dma_semaphore, #tpu.memory_space<semaphore_mem>>)
      } else {
      }
      %dma_wait3A_125 = arith.constant 0 : i32
      %dma_wait3A_126 = tpu.memref_slice %arg8[%add3A_115, %dma_wait3A_125] : memref<40x128xi32, #tpu.memory_space<vmem>> -> memref<1x128xi32, #tpu.memory_space<vmem>>
      %dma_wait3A_127 = tpu.memref_squeeze %dma_wait3A_126 : memref<1x128xi32, #tpu.memory_space<vmem>> -> memref<128xi32, #tpu.memory_space<vmem>>
      %dma_wait3A_128 = arith.constant 0 : i32
      %dma_wait3A_129 = arith.constant 0 : i32
      %dma_wait3A_130 = tpu.memref_slice %arg2[%dma_wait3A_128, %dma_wait3A_129] : memref<10000x128xf32, #tpu.memory_space<hbm>> -> memref<10000x128xf32, #tpu.memory_space<hbm>>
      tpu.wait_indirect_dma semaphore(%arg13 : memref<!tpu.dma_semaphore, #tpu.memory_space<semaphore_mem>>) src(%dma_wait3A_130 : memref<10000x128xf32, #tpu.memory_space<hbm>>) dst(%arg11 : memref<128x128xf32, #tpu.memory_space<vmem>>)
      "tpu.region"() ({
        %run_scoped3A = tpu.sem_alloc : memref<!tpu.dma_semaphore, #tpu.memory_space<semaphore_mem>>
        %dma_start3A_138 = arith.constant 0 : i32
        %dma_start3A_139 = tpu.memref_slice %arg9[%add3A_115, %dma_start3A_138] : memref<40x128xi32, #tpu.memory_space<vmem>> -> memref<1x128xi32, #tpu.memory_space<vmem>>
        %dma_start3A_140 = tpu.memref_squeeze %dma_start3A_139 : memref<1x128xi32, #tpu.memory_space<vmem>> -> memref<128xi32, #tpu.memory_space<vmem>>
        %dma_start3A_141 = arith.constant 0 : i32
        %dma_start3A_142 = arith.constant 0 : i32
        %dma_start3A_143 = tpu.memref_slice %arg7[%dma_start3A_141, %dma_start3A_142] : memref<10112x128xf32, #tpu.memory_space<vmem_shared>> -> memref<10112x128xf32, #tpu.memory_space<vmem_shared>>
        tpu.enqueue_indirect_dma source(%arg11 : memref<128x128xf32, #tpu.memory_space<vmem>>) target(%dma_start3A_143 : memref<10112x128xf32, #tpu.memory_space<vmem_shared>>) offsets(%dma_start3A_140 : memref<128xi32, #tpu.memory_space<vmem>>) semaphore(%run_scoped3A : memref<!tpu.dma_semaphore, #tpu.memory_space<semaphore_mem>>) {add = true}
        %dma_wait3A_144 = arith.constant 0 : i32
        %dma_wait3A_145 = tpu.memref_slice %arg9[%add3A_115, %dma_wait3A_144] : memref<40x128xi32, #tpu.memory_space<vmem>> -> memref<1x128xi32, #tpu.memory_space<vmem>>
        %dma_wait3A_146 = tpu.memref_squeeze %dma_wait3A_145 : memref<1x128xi32, #tpu.memory_space<vmem>> -> memref<128xi32, #tpu.memory_space<vmem>>
        %dma_wait3A_147 = arith.constant 0 : i32
        %dma_wait3A_148 = arith.constant 0 : i32
        %dma_wait3A_149 = tpu.memref_slice %arg7[%dma_wait3A_147, %dma_wait3A_148] : memref<10112x128xf32, #tpu.memory_space<vmem_shared>> -> memref<10112x128xf32, #tpu.memory_space<vmem_shared>>
        tpu.wait_indirect_dma semaphore(%run_scoped3A : memref<!tpu.dma_semaphore, #tpu.memory_space<semaphore_mem>>) src(%arg11 : memref<128x128xf32, #tpu.memory_space<vmem>>) dst(%dma_wait3A_149 : memref<10112x128xf32, #tpu.memory_space<vmem_shared>>)
        tpu.yield
      }) : () -> ()
      %add3A_131 = arith.constant 2 : i32
      %add3A_132 = arith.addi %add3A_115, %add3A_131 : i32
      %lt3A_133 = arith.constant 40 : i32
      %lt3A_134 = arith.cmpi slt, %add3A_132, %lt3A_133 : i32
      %convert_element_type3A_135 = arith.extui %lt3A_134 : i1 to i32
      %cond3A_136 = arith.constant 0 : i32
      %cond3A_137 = arith.cmpi ne, %convert_element_type3A_135, %cond3A_136 : i32
      scf.if %cond3A_137 {
        %add3A_138 = arith.constant 2 : i32
        %add3A_139 = arith.addi %add3A_115, %add3A_138 : i32
        %dma_start3A_140 = arith.constant 0 : i32
        %dma_start3A_141 = tpu.memref_slice %arg8[%add3A_139, %dma_start3A_140] : memref<40x128xi32, #tpu.memory_space<vmem>> -> memref<1x128xi32, #tpu.memory_space<vmem>>
        %dma_start3A_142 = tpu.memref_squeeze %dma_start3A_141 : memref<1x128xi32, #tpu.memory_space<vmem>> -> memref<128xi32, #tpu.memory_space<vmem>>
        %dma_start3A_143 = arith.constant 0 : i32
        %dma_start3A_144 = arith.constant 0 : i32
        %dma_start3A_145 = tpu.memref_slice %arg2[%dma_start3A_143, %dma_start3A_144] : memref<10000x128xf32, #tpu.memory_space<hbm>> -> memref<10000x128xf32, #tpu.memory_space<hbm>>
        tpu.enqueue_indirect_dma source(%dma_start3A_145 : memref<10000x128xf32, #tpu.memory_space<hbm>>) target(%arg11 : memref<128x128xf32, #tpu.memory_space<vmem>>) offsets(%dma_start3A_142 : memref<128xi32, #tpu.memory_space<vmem>>) semaphore(%arg13 : memref<!tpu.dma_semaphore, #tpu.memory_space<semaphore_mem>>)
      } else {
      }
    }
    %scan3A_76 = arith.constant 20 : i32
    %add3A_77 = arith.constant 120 : i32
    %add3A_78 = arith.addi %mul3A_6, %add3A_77 : i32
    "tpu.region"() ({
      %run_scoped3A = tpu.sem_alloc : memref<!tpu.dma_semaphore, #tpu.memory_space<semaphore_mem>>
      %dma_start3A_109 = arith.constant 0 : i32
      %dma_start3A_110 = tpu.memref_slice %arg3[%add3A_78, %dma_start3A_109] : memref<5120x128xi32, #tpu.memory_space<hbm>> -> memref<40x128xi32, #tpu.memory_space<hbm>>
      %dma_start3A_111 = arith.constant 0 : i32
      %dma_start3A_112 = tpu.memref_slice %arg3[%add3A_78, %dma_start3A_111] : memref<5120x128xi32, #tpu.memory_space<hbm>> -> memref<40x128xi32, #tpu.memory_space<hbm>>
      tpu.enqueue_dma source(%dma_start3A_112 : memref<40x128xi32, #tpu.memory_space<hbm>>) target(%arg8 : memref<40x128xi32, #tpu.memory_space<vmem>>) target_semaphore(%run_scoped3A : memref<!tpu.dma_semaphore, #tpu.memory_space<semaphore_mem>>)
      %dma_wait3A = arith.constant 0 : i32
      %dma_wait3A_113 = tpu.memref_slice %arg3[%add3A_78, %dma_wait3A] : memref<5120x128xi32, #tpu.memory_space<hbm>> -> memref<40x128xi32, #tpu.memory_space<hbm>>
      %dma_wait3A_114 = arith.constant 0 : i32
      %dma_wait3A_115 = tpu.memref_slice %arg3[%add3A_78, %dma_wait3A_114] : memref<5120x128xi32, #tpu.memory_space<hbm>> -> memref<40x128xi32, #tpu.memory_space<hbm>>
      tpu.wait_dma2 semaphore(%run_scoped3A : memref<!tpu.dma_semaphore, #tpu.memory_space<semaphore_mem>>) src(%dma_wait3A_115 : memref<40x128xi32, #tpu.memory_space<hbm>>) dst(%arg8 : memref<40x128xi32, #tpu.memory_space<vmem>>)
      tpu.yield
    }) : () -> ()
    %add3A_79 = arith.constant 120 : i32
    %add3A_80 = arith.addi %mul3A_6, %add3A_79 : i32
    "tpu.region"() ({
      %run_scoped3A = tpu.sem_alloc : memref<!tpu.dma_semaphore, #tpu.memory_space<semaphore_mem>>
      %dma_start3A_109 = arith.constant 0 : i32
      %dma_start3A_110 = tpu.memref_slice %arg4[%add3A_80, %dma_start3A_109] : memref<5120x128xi32, #tpu.memory_space<hbm>> -> memref<40x128xi32, #tpu.memory_space<hbm>>
      %dma_start3A_111 = arith.constant 0 : i32
      %dma_start3A_112 = tpu.memref_slice %arg4[%add3A_80, %dma_start3A_111] : memref<5120x128xi32, #tpu.memory_space<hbm>> -> memref<40x128xi32, #tpu.memory_space<hbm>>
      tpu.enqueue_dma source(%dma_start3A_112 : memref<40x128xi32, #tpu.memory_space<hbm>>) target(%arg9 : memref<40x128xi32, #tpu.memory_space<vmem>>) target_semaphore(%run_scoped3A : memref<!tpu.dma_semaphore, #tpu.memory_space<semaphore_mem>>)
      %dma_wait3A = arith.constant 0 : i32
      %dma_wait3A_113 = tpu.memref_slice %arg4[%add3A_80, %dma_wait3A] : memref<5120x128xi32, #tpu.memory_space<hbm>> -> memref<40x128xi32, #tpu.memory_space<hbm>>
      %dma_wait3A_114 = arith.constant 0 : i32
      %dma_wait3A_115 = tpu.memref_slice %arg4[%add3A_80, %dma_wait3A_114] : memref<5120x128xi32, #tpu.memory_space<hbm>> -> memref<40x128xi32, #tpu.memory_space<hbm>>
      tpu.wait_dma2 semaphore(%run_scoped3A : memref<!tpu.dma_semaphore, #tpu.memory_space<semaphore_mem>>) src(%dma_wait3A_115 : memref<40x128xi32, #tpu.memory_space<hbm>>) dst(%arg9 : memref<40x128xi32, #tpu.memory_space<vmem>>)
      tpu.yield
    }) : () -> ()
    %dma_start3A_81 = arith.constant 0 : i32
    %dma_start3A_82 = arith.constant 0 : i32
    %dma_start3A_83 = tpu.memref_slice %arg8[%dma_start3A_81, %dma_start3A_82] : memref<40x128xi32, #tpu.memory_space<vmem>> -> memref<1x128xi32, #tpu.memory_space<vmem>>
    %dma_start3A_84 = tpu.memref_squeeze %dma_start3A_83 : memref<1x128xi32, #tpu.memory_space<vmem>> -> memref<128xi32, #tpu.memory_space<vmem>>
    %dma_start3A_85 = arith.constant 0 : i32
    %dma_start3A_86 = arith.constant 0 : i32
    %dma_start3A_87 = tpu.memref_slice %arg2[%dma_start3A_85, %dma_start3A_86] : memref<10000x128xf32, #tpu.memory_space<hbm>> -> memref<10000x128xf32, #tpu.memory_space<hbm>>
    tpu.enqueue_indirect_dma source(%dma_start3A_87 : memref<10000x128xf32, #tpu.memory_space<hbm>>) target(%arg10 : memref<128x128xf32, #tpu.memory_space<vmem>>) offsets(%dma_start3A_84 : memref<128xi32, #tpu.memory_space<vmem>>) semaphore(%arg12 : memref<!tpu.dma_semaphore, #tpu.memory_space<semaphore_mem>>)
    %dma_start3A_88 = arith.constant 1 : i32
    %dma_start3A_89 = arith.constant 0 : i32
    %dma_start3A_90 = tpu.memref_slice %arg8[%dma_start3A_88, %dma_start3A_89] : memref<40x128xi32, #tpu.memory_space<vmem>> -> memref<1x128xi32, #tpu.memory_space<vmem>>
    %dma_start3A_91 = tpu.memref_squeeze %dma_start3A_90 : memref<1x128xi32, #tpu.memory_space<vmem>> -> memref<128xi32, #tpu.memory_space<vmem>>
    %dma_start3A_92 = arith.constant 0 : i32
    %dma_start3A_93 = arith.constant 0 : i32
    %dma_start3A_94 = tpu.memref_slice %arg2[%dma_start3A_92, %dma_start3A_93] : memref<10000x128xf32, #tpu.memory_space<hbm>> -> memref<10000x128xf32, #tpu.memory_space<hbm>>
    tpu.enqueue_indirect_dma source(%dma_start3A_94 : memref<10000x128xf32, #tpu.memory_space<hbm>>) target(%arg11 : memref<128x128xf32, #tpu.memory_space<vmem>>) offsets(%dma_start3A_91 : memref<128xi32, #tpu.memory_space<vmem>>) semaphore(%arg13 : memref<!tpu.dma_semaphore, #tpu.memory_space<semaphore_mem>>)
    %scan3A_95 = arith.constant 0 : i32
    %scan3A_96 = arith.constant 0 : i32
    %scan3A_97 = arith.constant 20 : i32
    %scan3A_98 = arith.addi %scan3A_96, %scan3A_97 : i32
    %scan3A_99 = arith.constant 1 : i32
    scf.for %scan3A_109 = %scan3A_96 to %scan3A_98 step %scan3A_99  : i32 {
      %mul3A_110 = arith.constant 2 : i32
      %mul3A_111 = arith.muli %mul3A_110, %scan3A_109 : i32
      %mul3A_112 = arith.constant 2 : i32
      %mul3A_113 = arith.muli %mul3A_112, %scan3A_109 : i32
      %add3A_114 = arith.constant 1 : i32
      %add3A_115 = arith.addi %mul3A_113, %add3A_114 : i32
      %dma_wait3A = arith.constant 0 : i32
      %dma_wait3A_116 = tpu.memref_slice %arg8[%mul3A_111, %dma_wait3A] : memref<40x128xi32, #tpu.memory_space<vmem>> -> memref<1x128xi32, #tpu.memory_space<vmem>>
      %dma_wait3A_117 = tpu.memref_squeeze %dma_wait3A_116 : memref<1x128xi32, #tpu.memory_space<vmem>> -> memref<128xi32, #tpu.memory_space<vmem>>
      %dma_wait3A_118 = arith.constant 0 : i32
      %dma_wait3A_119 = arith.constant 0 : i32
      %dma_wait3A_120 = tpu.memref_slice %arg2[%dma_wait3A_118, %dma_wait3A_119] : memref<10000x128xf32, #tpu.memory_space<hbm>> -> memref<10000x128xf32, #tpu.memory_space<hbm>>
      tpu.wait_indirect_dma semaphore(%arg12 : memref<!tpu.dma_semaphore, #tpu.memory_space<semaphore_mem>>) src(%dma_wait3A_120 : memref<10000x128xf32, #tpu.memory_space<hbm>>) dst(%arg10 : memref<128x128xf32, #tpu.memory_space<vmem>>)
      "tpu.region"() ({
        %run_scoped3A = tpu.sem_alloc : memref<!tpu.dma_semaphore, #tpu.memory_space<semaphore_mem>>
        %dma_start3A_138 = arith.constant 0 : i32
        %dma_start3A_139 = tpu.memref_slice %arg9[%mul3A_111, %dma_start3A_138] : memref<40x128xi32, #tpu.memory_space<vmem>> -> memref<1x128xi32, #tpu.memory_space<vmem>>
        %dma_start3A_140 = tpu.memref_squeeze %dma_start3A_139 : memref<1x128xi32, #tpu.memory_space<vmem>> -> memref<128xi32, #tpu.memory_space<vmem>>
        %dma_start3A_141 = arith.constant 0 : i32
        %dma_start3A_142 = arith.constant 0 : i32
        %dma_start3A_143 = tpu.memref_slice %arg7[%dma_start3A_141, %dma_start3A_142] : memref<10112x128xf32, #tpu.memory_space<vmem_shared>> -> memref<10112x128xf32, #tpu.memory_space<vmem_shared>>
        tpu.enqueue_indirect_dma source(%arg10 : memref<128x128xf32, #tpu.memory_space<vmem>>) target(%dma_start3A_143 : memref<10112x128xf32, #tpu.memory_space<vmem_shared>>) offsets(%dma_start3A_140 : memref<128xi32, #tpu.memory_space<vmem>>) semaphore(%run_scoped3A : memref<!tpu.dma_semaphore, #tpu.memory_space<semaphore_mem>>) {add = true}
        %dma_wait3A_144 = arith.constant 0 : i32
        %dma_wait3A_145 = tpu.memref_slice %arg9[%mul3A_111, %dma_wait3A_144] : memref<40x128xi32, #tpu.memory_space<vmem>> -> memref<1x128xi32, #tpu.memory_space<vmem>>
        %dma_wait3A_146 = tpu.memref_squeeze %dma_wait3A_145 : memref<1x128xi32, #tpu.memory_space<vmem>> -> memref<128xi32, #tpu.memory_space<vmem>>
        %dma_wait3A_147 = arith.constant 0 : i32
        %dma_wait3A_148 = arith.constant 0 : i32
        %dma_wait3A_149 = tpu.memref_slice %arg7[%dma_wait3A_147, %dma_wait3A_148] : memref<10112x128xf32, #tpu.memory_space<vmem_shared>> -> memref<10112x128xf32, #tpu.memory_space<vmem_shared>>
        tpu.wait_indirect_dma semaphore(%run_scoped3A : memref<!tpu.dma_semaphore, #tpu.memory_space<semaphore_mem>>) src(%arg10 : memref<128x128xf32, #tpu.memory_space<vmem>>) dst(%dma_wait3A_149 : memref<10112x128xf32, #tpu.memory_space<vmem_shared>>)
        tpu.yield
      }) : () -> ()
      %add3A_121 = arith.constant 2 : i32
      %add3A_122 = arith.addi %mul3A_111, %add3A_121 : i32
      %lt3A = arith.constant 40 : i32
      %lt3A_123 = arith.cmpi slt, %add3A_122, %lt3A : i32
      %convert_element_type3A = arith.extui %lt3A_123 : i1 to i32
      %cond3A = arith.constant 0 : i32
      %cond3A_124 = arith.cmpi ne, %convert_element_type3A, %cond3A : i32
      scf.if %cond3A_124 {
        %add3A_138 = arith.constant 2 : i32
        %add3A_139 = arith.addi %mul3A_111, %add3A_138 : i32
        %dma_start3A_140 = arith.constant 0 : i32
        %dma_start3A_141 = tpu.memref_slice %arg8[%add3A_139, %dma_start3A_140] : memref<40x128xi32, #tpu.memory_space<vmem>> -> memref<1x128xi32, #tpu.memory_space<vmem>>
        %dma_start3A_142 = tpu.memref_squeeze %dma_start3A_141 : memref<1x128xi32, #tpu.memory_space<vmem>> -> memref<128xi32, #tpu.memory_space<vmem>>
        %dma_start3A_143 = arith.constant 0 : i32
        %dma_start3A_144 = arith.constant 0 : i32
        %dma_start3A_145 = tpu.memref_slice %arg2[%dma_start3A_143, %dma_start3A_144] : memref<10000x128xf32, #tpu.memory_space<hbm>> -> memref<10000x128xf32, #tpu.memory_space<hbm>>
        tpu.enqueue_indirect_dma source(%dma_start3A_145 : memref<10000x128xf32, #tpu.memory_space<hbm>>) target(%arg10 : memref<128x128xf32, #tpu.memory_space<vmem>>) offsets(%dma_start3A_142 : memref<128xi32, #tpu.memory_space<vmem>>) semaphore(%arg12 : memref<!tpu.dma_semaphore, #tpu.memory_space<semaphore_mem>>)
      } else {
      }
      %dma_wait3A_125 = arith.constant 0 : i32
      %dma_wait3A_126 = tpu.memref_slice %arg8[%add3A_115, %dma_wait3A_125] : memref<40x128xi32, #tpu.memory_space<vmem>> -> memref<1x128xi32, #tpu.memory_space<vmem>>
      %dma_wait3A_127 = tpu.memref_squeeze %dma_wait3A_126 : memref<1x128xi32, #tpu.memory_space<vmem>> -> memref<128xi32, #tpu.memory_space<vmem>>
      %dma_wait3A_128 = arith.constant 0 : i32
      %dma_wait3A_129 = arith.constant 0 : i32
      %dma_wait3A_130 = tpu.memref_slice %arg2[%dma_wait3A_128, %dma_wait3A_129] : memref<10000x128xf32, #tpu.memory_space<hbm>> -> memref<10000x128xf32, #tpu.memory_space<hbm>>
      tpu.wait_indirect_dma semaphore(%arg13 : memref<!tpu.dma_semaphore, #tpu.memory_space<semaphore_mem>>) src(%dma_wait3A_130 : memref<10000x128xf32, #tpu.memory_space<hbm>>) dst(%arg11 : memref<128x128xf32, #tpu.memory_space<vmem>>)
      "tpu.region"() ({
        %run_scoped3A = tpu.sem_alloc : memref<!tpu.dma_semaphore, #tpu.memory_space<semaphore_mem>>
        %dma_start3A_138 = arith.constant 0 : i32
        %dma_start3A_139 = tpu.memref_slice %arg9[%add3A_115, %dma_start3A_138] : memref<40x128xi32, #tpu.memory_space<vmem>> -> memref<1x128xi32, #tpu.memory_space<vmem>>
        %dma_start3A_140 = tpu.memref_squeeze %dma_start3A_139 : memref<1x128xi32, #tpu.memory_space<vmem>> -> memref<128xi32, #tpu.memory_space<vmem>>
        %dma_start3A_141 = arith.constant 0 : i32
        %dma_start3A_142 = arith.constant 0 : i32
        %dma_start3A_143 = tpu.memref_slice %arg7[%dma_start3A_141, %dma_start3A_142] : memref<10112x128xf32, #tpu.memory_space<vmem_shared>> -> memref<10112x128xf32, #tpu.memory_space<vmem_shared>>
        tpu.enqueue_indirect_dma source(%arg11 : memref<128x128xf32, #tpu.memory_space<vmem>>) target(%dma_start3A_143 : memref<10112x128xf32, #tpu.memory_space<vmem_shared>>) offsets(%dma_start3A_140 : memref<128xi32, #tpu.memory_space<vmem>>) semaphore(%run_scoped3A : memref<!tpu.dma_semaphore, #tpu.memory_space<semaphore_mem>>) {add = true}
        %dma_wait3A_144 = arith.constant 0 : i32
        %dma_wait3A_145 = tpu.memref_slice %arg9[%add3A_115, %dma_wait3A_144] : memref<40x128xi32, #tpu.memory_space<vmem>> -> memref<1x128xi32, #tpu.memory_space<vmem>>
        %dma_wait3A_146 = tpu.memref_squeeze %dma_wait3A_145 : memref<1x128xi32, #tpu.memory_space<vmem>> -> memref<128xi32, #tpu.memory_space<vmem>>
        %dma_wait3A_147 = arith.constant 0 : i32
        %dma_wait3A_148 = arith.constant 0 : i32
        %dma_wait3A_149 = tpu.memref_slice %arg7[%dma_wait3A_147, %dma_wait3A_148] : memref<10112x128xf32, #tpu.memory_space<vmem_shared>> -> memref<10112x128xf32, #tpu.memory_space<vmem_shared>>
        tpu.wait_indirect_dma semaphore(%run_scoped3A : memref<!tpu.dma_semaphore, #tpu.memory_space<semaphore_mem>>) src(%arg11 : memref<128x128xf32, #tpu.memory_space<vmem>>) dst(%dma_wait3A_149 : memref<10112x128xf32, #tpu.memory_space<vmem_shared>>)
        tpu.yield
      }) : () -> ()
      %add3A_131 = arith.constant 2 : i32
      %add3A_132 = arith.addi %add3A_115, %add3A_131 : i32
      %lt3A_133 = arith.constant 40 : i32
      %lt3A_134 = arith.cmpi slt, %add3A_132, %lt3A_133 : i32
      %convert_element_type3A_135 = arith.extui %lt3A_134 : i1 to i32
      %cond3A_136 = arith.constant 0 : i32
      %cond3A_137 = arith.cmpi ne, %convert_element_type3A_135, %cond3A_136 : i32
      scf.if %cond3A_137 {
        %add3A_138 = arith.constant 2 : i32
        %add3A_139 = arith.addi %add3A_115, %add3A_138 : i32
        %dma_start3A_140 = arith.constant 0 : i32
        %dma_start3A_141 = tpu.memref_slice %arg8[%add3A_139, %dma_start3A_140] : memref<40x128xi32, #tpu.memory_space<vmem>> -> memref<1x128xi32, #tpu.memory_space<vmem>>
        %dma_start3A_142 = tpu.memref_squeeze %dma_start3A_141 : memref<1x128xi32, #tpu.memory_space<vmem>> -> memref<128xi32, #tpu.memory_space<vmem>>
        %dma_start3A_143 = arith.constant 0 : i32
        %dma_start3A_144 = arith.constant 0 : i32
        %dma_start3A_145 = tpu.memref_slice %arg2[%dma_start3A_143, %dma_start3A_144] : memref<10000x128xf32, #tpu.memory_space<hbm>> -> memref<10000x128xf32, #tpu.memory_space<hbm>>
        tpu.enqueue_indirect_dma source(%dma_start3A_145 : memref<10000x128xf32, #tpu.memory_space<hbm>>) target(%arg11 : memref<128x128xf32, #tpu.memory_space<vmem>>) offsets(%dma_start3A_142 : memref<128xi32, #tpu.memory_space<vmem>>) semaphore(%arg13 : memref<!tpu.dma_semaphore, #tpu.memory_space<semaphore_mem>>)
      } else {
      }
    }
    %scan3A_100 = arith.constant 20 : i32
    %barrier3A_101 = arith.constant 0 : index
    tpu.barrier barrier_id(%barrier3A_101)
    %mul3A_102 = arith.constant 10112 : i32
    %mul3A_103 = arith.muli %arg0, %mul3A_102 : i32
    %mul3A_104 = arith.constant 632 : i32
    %mul3A_105 = arith.muli %arg1, %mul3A_104 : i32
    %add3A_106 = arith.addi %mul3A_103, %mul3A_105 : i32
    %mul3A_107 = arith.constant 632 : i32
    %mul3A_108 = arith.muli %arg1, %mul3A_107 : i32
    "tpu.region"() ({
      %run_scoped3A = tpu.sem_alloc : memref<!tpu.dma_semaphore, #tpu.memory_space<semaphore_mem>>
      %dma_start3A_109 = arith.constant 0 : i32
      %dma_start3A_110 = tpu.memref_slice %arg6[%add3A_106, %dma_start3A_109] : memref<20224x128xf32, #tpu.memory_space<hbm>> -> memref<632x128xf32, #tpu.memory_space<hbm>>
      %dma_start3A_111 = arith.constant 0 : i32
      %dma_start3A_112 = tpu.memref_slice %arg7[%mul3A_108, %dma_start3A_111] : memref<10112x128xf32, #tpu.memory_space<vmem_shared>> -> memref<632x128xf32, #tpu.memory_space<vmem_shared>>
      tpu.enqueue_dma source(%dma_start3A_112 : memref<632x128xf32, #tpu.memory_space<vmem_shared>>) target(%dma_start3A_110 : memref<632x128xf32, #tpu.memory_space<hbm>>) target_semaphore(%run_scoped3A : memref<!tpu.dma_semaphore, #tpu.memory_space<semaphore_mem>>)
      %dma_wait3A = arith.constant 0 : i32
      %dma_wait3A_113 = tpu.memref_slice %arg6[%add3A_106, %dma_wait3A] : memref<20224x128xf32, #tpu.memory_space<hbm>> -> memref<632x128xf32, #tpu.memory_space<hbm>>
      %dma_wait3A_114 = arith.constant 0 : i32
      %dma_wait3A_115 = tpu.memref_slice %arg7[%mul3A_108, %dma_wait3A_114] : memref<10112x128xf32, #tpu.memory_space<vmem_shared>> -> memref<632x128xf32, #tpu.memory_space<vmem_shared>>
      tpu.wait_dma2 semaphore(%run_scoped3A : memref<!tpu.dma_semaphore, #tpu.memory_space<semaphore_mem>>) src(%dma_wait3A_115 : memref<632x128xf32, #tpu.memory_space<vmem_shared>>) dst(%dma_wait3A_113 : memref<632x128xf32, #tpu.memory_space<hbm>>)
      tpu.yield
    }) : () -> ()
    return
  }
}

module attributes {stable_mosaic.version = 14 : i64} {
  func.func @_feat_kernel(%arg0: memref<10000x256xf32, #tpu.memory_space<vmem>>, %arg1: memref<256x128xf32, #tpu.memory_space<vmem>>, %arg2: memref<8x128xf32, #tpu.memory_space<vmem>>, %arg3: memref<408x128xf32, #tpu.memory_space<vmem>>, %arg4: memref<128x128xf32, #tpu.memory_space<vmem>>, %arg5: memref<128x128xf32, #tpu.memory_space<vmem>>, %arg6: memref<8x128xf32, #tpu.memory_space<vmem>>, %arg7: memref<10000x128xf32, #tpu.memory_space<vmem>>, %arg8: memref<408x128xf32, #tpu.memory_space<vmem>>, %arg9: memref<408x128xf32, #tpu.memory_space<vmem>>) attributes {dimension_semantics = [], scalar_prefetch = 0 : i64, scratch_operands = 0 : i64, tpu.core_type = #tpu.core_type<tc>} {
    %get3A = arith.constant 0 : index
    %get3A_0 = arith.constant 0 : index
    %get3A_1 = vector.load %arg0[%get3A, %get3A_0] : memref<10000x256xf32, #tpu.memory_space<vmem>>, vector<10000x256xf32>
    %get3A_2 = arith.constant 0 : index
    %get3A_3 = arith.constant 0 : index
    %get3A_4 = vector.load %arg1[%get3A_2, %get3A_3] : memref<256x128xf32, #tpu.memory_space<vmem>>, vector<256x128xf32>
    %dot_general3A = arith.constant dense<0.000000e+00> : vector<10000x128xf32>
    %dot_general3A_5 = tpu.matmul %get3A_1, %get3A_4, %dot_general3A {dimension_numbers = #tpu.dot_dimension_numbers<[1], [0], [0], [1], [0, 0, 1, 1], [], []>, transpose_lhs_hint = false} : vector<10000x256xf32>, vector<256x128xf32>, vector<10000x128xf32> -> vector<10000x128xf32>
    %get3A_6 = arith.constant 0 : index
    %get3A_7 = arith.constant 0 : index
    %get3A_8 = vector.load %arg2[%get3A_6, %get3A_7] : memref<8x128xf32, #tpu.memory_space<vmem>>, vector<1x128xf32>
    %add3A = vector.broadcast %get3A_8 : vector<1x128xf32> to vector<10000x128xf32>
    %add3A_9 = arith.addf %dot_general3A_5, %add3A : vector<10000x128xf32>
    %swap3A = arith.constant 0 : index
    %swap3A_10 = arith.constant 0 : index
    %swap3A_11 = vector.load %arg7[%swap3A, %swap3A_10] : memref<10000x128xf32, #tpu.memory_space<vmem>>, vector<10000x128xf32>
    tpu.vector_store %arg7[%swap3A, %swap3A_10], %add3A_9 {strides = array<i32>} : memref<10000x128xf32, #tpu.memory_space<vmem>>, vector<10000x128xf32>,
    %get3A_12 = arith.constant 0 : index
    %get3A_13 = arith.constant 0 : index
    %get3A_14 = vector.load %arg3[%get3A_12, %get3A_13] : memref<408x128xf32, #tpu.memory_space<vmem>>, vector<408x128xf32>
    %get3A_15 = arith.constant 0 : index
    %get3A_16 = arith.constant 0 : index
    %get3A_17 = vector.load %arg4[%get3A_15, %get3A_16] : memref<128x128xf32, #tpu.memory_space<vmem>>, vector<128x128xf32>
    %dot_general3A_18 = arith.constant dense<0.000000e+00> : vector<408x128xf32>
    %dot_general3A_19 = tpu.matmul %get3A_14, %get3A_17, %dot_general3A_18 {dimension_numbers = #tpu.dot_dimension_numbers<[1], [0], [0], [1], [0, 0, 1, 1], [], []>, transpose_lhs_hint = false} : vector<408x128xf32>, vector<128x128xf32>, vector<408x128xf32> -> vector<408x128xf32>
    %iota3A = tpu.iota {dimensions = array<i32: 0>} : vector<408x128xi32>
    %eq3A = arith.constant 401 : i32
    %eq3A_20 = vector.broadcast %eq3A : i32 to vector<408x128xi32>
    %eq3A_21 = arith.cmpi eq, %iota3A, %eq3A_20 : vector<408x128xi32>
    %get3A_22 = arith.constant 0 : index
    %get3A_23 = arith.constant 0 : index
    %get3A_24 = vector.load %arg6[%get3A_22, %get3A_23] : memref<8x128xf32, #tpu.memory_space<vmem>>, vector<1x128xf32>
    %broadcast_in_dim3A = vector.shape_cast %get3A_24 : vector<1x128xf32> to vector<1x128xf32>
    %broadcast_in_dim3A_25 = vector.broadcast %broadcast_in_dim3A : vector<1x128xf32> to vector<408x128xf32>
    %select_n3A = arith.select %eq3A_21, %broadcast_in_dim3A_25, %dot_general3A_19 : vector<408x128xi1>, vector<408x128xf32>
    %swap3A_26 = arith.constant 0 : index
    %swap3A_27 = arith.constant 0 : index
    %swap3A_28 = vector.load %arg8[%swap3A_26, %swap3A_27] : memref<408x128xf32, #tpu.memory_space<vmem>>, vector<408x128xf32>
    tpu.vector_store %arg8[%swap3A_26, %swap3A_27], %select_n3A {strides = array<i32>} : memref<408x128xf32, #tpu.memory_space<vmem>>, vector<408x128xf32>,
    %get3A_29 = arith.constant 0 : index
    %get3A_30 = arith.constant 0 : index
    %get3A_31 = vector.load %arg5[%get3A_29, %get3A_30] : memref<128x128xf32, #tpu.memory_space<vmem>>, vector<128x128xf32>
    %dot_general3A_32 = arith.constant dense<0.000000e+00> : vector<408x128xf32>
    %dot_general3A_33 = tpu.matmul %select_n3A, %get3A_31, %dot_general3A_32 {dimension_numbers = #tpu.dot_dimension_numbers<[1], [0], [0], [1], [0, 0, 1, 1], [], []>, transpose_lhs_hint = false} : vector<408x128xf32>, vector<128x128xf32>, vector<408x128xf32> -> vector<408x128xf32>
    %swap3A_34 = arith.constant 0 : index
    %swap3A_35 = arith.constant 0 : index
    %swap3A_36 = vector.load %arg9[%swap3A_34, %swap3A_35] : memref<408x128xf32, #tpu.memory_space<vmem>>, vector<408x128xf32>
    tpu.vector_store %arg9[%swap3A_34, %swap3A_35], %dot_general3A_33 {strides = array<i32>} : memref<408x128xf32, #tpu.memory_space<vmem>>, vector<408x128xf32>,
    return
  }
}

module attributes {stable_mosaic.version = 14 : i64} {
  func.func @_combine_kernel(%arg0: i32, %arg1: memref<1000x128xf32, #tpu.memory_space<vmem>>, %arg2: memref<1000x128xf32, #tpu.memory_space<vmem>>, %arg3: memref<1000x128xf32, #tpu.memory_space<vmem>>, %arg4: memref<1000x128xf32, #tpu.memory_space<vmem>>, %arg5: memref<1000x128xf32, #tpu.memory_space<vmem>>, %arg6: memref<1000x128xf32, #tpu.memory_space<vmem>>, %arg7: memref<1000x128xf32, #tpu.memory_space<vmem>>, %arg8: memref<128x128xf32, #tpu.memory_space<vmem>>, %arg9: memref<128x128xf32, #tpu.memory_space<vmem>>, %arg10: memref<128x128xf32, #tpu.memory_space<vmem>>, %arg11: memref<8x128xf32, #tpu.memory_space<vmem>>, %arg12: memref<1000x128xf32, #tpu.memory_space<vmem>>, %arg13: memref<8x128xf32, #tpu.memory_space<vmem>>, %arg14: memref<8x128xf32, #tpu.memory_space<vmem>>) attributes {dimension_semantics = [#tpu.dimension_semantics<arbitrary>], iteration_bounds = array<i64: 10>, scalar_prefetch = 0 : i64, scratch_operands = 1 : i64, tpu.core_type = #tpu.core_type<tc>, window_params = [{transform_indices = @transform_0, window_bounds = array<i64: 1000, 128>}, {transform_indices = @transform_1, window_bounds = array<i64: 1000, 128>}, {transform_indices = @transform_2, window_bounds = array<i64: 1000, 128>}, {transform_indices = @transform_3, window_bounds = array<i64: 1000, 128>}, {transform_indices = @transform_4, window_bounds = array<i64: 1000, 128>}, {transform_indices = @transform_5, window_bounds = array<i64: 1000, 128>}, {transform_indices = @transform_6, window_bounds = array<i64: 1000, 128>}, {pipeline_mode = #tpu.pipeline_mode<synchronous>, transform_indices = @transform_7, window_bounds = array<i64: 128, 128>}, {pipeline_mode = #tpu.pipeline_mode<synchronous>, transform_indices = @transform_8, window_bounds = array<i64: 128, 128>}, {pipeline_mode = #tpu.pipeline_mode<synchronous>, transform_indices = @transform_9, window_bounds = array<i64: 128, 128>}, {pipeline_mode = #tpu.pipeline_mode<synchronous>, transform_indices = @transform_10, window_bounds = array<i64: 8, 128>}, {transform_indices = @transform_11, window_bounds = array<i64: 1000, 128>}, {pipeline_mode = #tpu.pipeline_mode<synchronous>, transform_indices = @transform_12, window_bounds = array<i64: 8, 128>}]} {
    %eq3A = arith.constant 0 : i32
    %eq3A_0 = arith.cmpi eq, %arg0, %eq3A : i32
    %convert_element_type3A = arith.extui %eq3A_0 : i1 to i32
    %cond3A = arith.constant 0 : i32
    %cond3A_1 = arith.cmpi ne, %convert_element_type3A, %cond3A : i32
    scf.if %cond3A_1 {
      %broadcast_in_dim3A_84 = arith.constant 0.000000e+00 : f32
      %broadcast_in_dim3A_85 = vector.broadcast %broadcast_in_dim3A_84 : f32 to vector<8x128xf32>
      %swap3A_86 = arith.constant 0 : index
      %swap3A_87 = arith.constant 0 : index
      %swap3A_88 = vector.load %arg14[%swap3A_86, %swap3A_87] : memref<8x128xf32, #tpu.memory_space<vmem>>, vector<8x128xf32>
      tpu.vector_store %arg14[%swap3A_86, %swap3A_87], %broadcast_in_dim3A_85 {strides = array<i32>} : memref<8x128xf32, #tpu.memory_space<vmem>>, vector<8x128xf32>,
    } else {
    }
    %get3A = arith.constant 0 : index
    %get3A_2 = arith.constant 0 : index
    %get3A_3 = vector.load %arg5[%get3A, %get3A_2] : memref<1000x128xf32, #tpu.memory_space<vmem>>, vector<1000x1xf32>
    %max3A = arith.constant 1.000000e+00 : f32
    %max3A_4 = vector.broadcast %max3A : f32 to vector<1000x1xf32>
    %max3A_5 = arith.maximumf %get3A_3, %max3A_4 : vector<1000x1xf32>
    %get3A_6 = arith.constant 0 : index
    %get3A_7 = arith.constant 0 : index
    %get3A_8 = vector.load %arg6[%get3A_6, %get3A_7] : memref<1000x128xf32, #tpu.memory_space<vmem>>, vector<1000x1xf32>
    %max3A_9 = arith.constant 1.000000e+00 : f32
    %max3A_10 = vector.broadcast %max3A_9 : f32 to vector<1000x1xf32>
    %max3A_11 = arith.maximumf %get3A_8, %max3A_10 : vector<1000x1xf32>
    %get3A_12 = arith.constant 0 : index
    %get3A_13 = arith.constant 0 : index
    %get3A_14 = vector.load %arg1[%get3A_12, %get3A_13] : memref<1000x128xf32, #tpu.memory_space<vmem>>, vector<1000x128xf32>
    %get3A_15 = arith.constant 0 : index
    %get3A_16 = arith.constant 0 : index
    %get3A_17 = vector.load %arg3[%get3A_15, %get3A_16] : memref<1000x128xf32, #tpu.memory_space<vmem>>, vector<1000x128xf32>
    %sub3A = arith.subf %get3A_14, %get3A_17 : vector<1000x128xf32>
    %div3A = vector.broadcast %max3A_5 : vector<1000x1xf32> to vector<1000x128xf32>
    %div3A_18 = arith.divf %sub3A, %div3A : vector<1000x128xf32>
    %get3A_19 = arith.constant 0 : index
    %get3A_20 = arith.constant 0 : index
    %get3A_21 = vector.load %arg8[%get3A_19, %get3A_20] : memref<128x128xf32, #tpu.memory_space<vmem>>, vector<128x128xf32>
    %dot_general3A = arith.constant dense<0.000000e+00> : vector<1000x128xf32>
    %dot_general3A_22 = tpu.matmul %div3A_18, %get3A_21, %dot_general3A {dimension_numbers = #tpu.dot_dimension_numbers<[1], [0], [0], [1], [0, 0, 1, 1], [], []>, transpose_lhs_hint = false} : vector<1000x128xf32>, vector<128x128xf32>, vector<1000x128xf32> -> vector<1000x128xf32>
    %get3A_23 = arith.constant 0 : index
    %get3A_24 = arith.constant 0 : index
    %get3A_25 = vector.load %arg2[%get3A_23, %get3A_24] : memref<1000x128xf32, #tpu.memory_space<vmem>>, vector<1000x128xf32>
    %get3A_26 = arith.constant 0 : index
    %get3A_27 = arith.constant 0 : index
    %get3A_28 = vector.load %arg4[%get3A_26, %get3A_27] : memref<1000x128xf32, #tpu.memory_space<vmem>>, vector<1000x128xf32>
    %sub3A_29 = arith.subf %get3A_25, %get3A_28 : vector<1000x128xf32>
    %div3A_30 = vector.broadcast %max3A_11 : vector<1000x1xf32> to vector<1000x128xf32>
    %div3A_31 = arith.divf %sub3A_29, %div3A_30 : vector<1000x128xf32>
    %get3A_32 = arith.constant 0 : index
    %get3A_33 = arith.constant 0 : index
    %get3A_34 = vector.load %arg9[%get3A_32, %get3A_33] : memref<128x128xf32, #tpu.memory_space<vmem>>, vector<128x128xf32>
    %dot_general3A_35 = arith.constant dense<0.000000e+00> : vector<1000x128xf32>
    %dot_general3A_36 = tpu.matmul %div3A_31, %get3A_34, %dot_general3A_35 {dimension_numbers = #tpu.dot_dimension_numbers<[1], [0], [0], [1], [0, 0, 1, 1], [], []>, transpose_lhs_hint = false} : vector<1000x128xf32>, vector<128x128xf32>, vector<1000x128xf32> -> vector<1000x128xf32>
    %get3A_37 = arith.constant 0 : index
    %get3A_38 = arith.constant 0 : index
    %get3A_39 = vector.load %arg7[%get3A_37, %get3A_38] : memref<1000x128xf32, #tpu.memory_space<vmem>>, vector<1000x128xf32>
    %get3A_40 = arith.constant 0 : index
    %get3A_41 = arith.constant 0 : index
    %get3A_42 = vector.load %arg11[%get3A_40, %get3A_41] : memref<8x128xf32, #tpu.memory_space<vmem>>, vector<1x128xf32>
    %sub3A_43 = vector.broadcast %get3A_42 : vector<1x128xf32> to vector<1000x128xf32>
    %sub3A_44 = arith.subf %get3A_39, %sub3A_43 : vector<1000x128xf32>
    %get3A_45 = arith.constant 0 : index
    %get3A_46 = arith.constant 0 : index
    %get3A_47 = vector.load %arg10[%get3A_45, %get3A_46] : memref<128x128xf32, #tpu.memory_space<vmem>>, vector<128x128xf32>
    %dot_general3A_48 = arith.constant dense<0.000000e+00> : vector<1000x128xf32>
    %dot_general3A_49 = tpu.matmul %sub3A_44, %get3A_47, %dot_general3A_48 {dimension_numbers = #tpu.dot_dimension_numbers<[1], [0], [0], [1], [0, 0, 1, 1], [], []>, transpose_lhs_hint = false} : vector<1000x128xf32>, vector<128x128xf32>, vector<1000x128xf32> -> vector<1000x128xf32>
    %add3A = arith.addf %dot_general3A_22, %dot_general3A_36 : vector<1000x128xf32>
    %add3A_50 = arith.addf %add3A, %dot_general3A_49 : vector<1000x128xf32>
    %div3A_51 = arith.constant 3.000000e+00 : f32
    %div3A_52 = vector.broadcast %div3A_51 : f32 to vector<1000x128xf32>
    %div3A_53 = arith.divf %add3A_50, %div3A_52 : vector<1000x128xf32>
    %get3A_54 = arith.constant 1 : index
    %get3A_55 = arith.constant 0 : index
    %get3A_56 = vector.load %arg11[%get3A_54, %get3A_55] : memref<8x128xf32, #tpu.memory_space<vmem>>, vector<1x128xf32>
    %add3A_57 = vector.broadcast %get3A_56 : vector<1x128xf32> to vector<1000x128xf32>
    %add3A_58 = arith.addf %div3A_53, %add3A_57 : vector<1000x128xf32>
    %swap3A = arith.constant 0 : index
    %swap3A_59 = arith.constant 0 : index
    %swap3A_60 = vector.load %arg12[%swap3A, %swap3A_59] : memref<1000x128xf32, #tpu.memory_space<vmem>>, vector<1000x128xf32>
    tpu.vector_store %arg12[%swap3A, %swap3A_59], %add3A_58 {strides = array<i32>} : memref<1000x128xf32, #tpu.memory_space<vmem>>, vector<1000x128xf32>,
    %get3A_61 = arith.constant 0 : index
    %get3A_62 = arith.constant 0 : index
    %get3A_63 = vector.load %arg14[%get3A_61, %get3A_62] : memref<8x128xf32, #tpu.memory_space<vmem>>, vector<1x128xf32>
    %reduce_sum3A = arith.constant dense<0.000000e+00> : vector<128xf32>
    %reduce_sum3A_64 = vector.multi_reduction <add>, %add3A_58, %reduce_sum3A [0] : vector<1000x128xf32> to vector<128xf32>
    %broadcast_in_dim3A = vector.shape_cast %reduce_sum3A_64 : vector<128xf32> to vector<1x128xf32>
    %add3A_65 = arith.addf %get3A_63, %broadcast_in_dim3A : vector<1x128xf32>
    %swap3A_66 = arith.constant 0 : index
    %swap3A_67 = arith.constant 0 : index
    %swap3A_68 = vector.load %arg14[%swap3A_66, %swap3A_67] : memref<8x128xf32, #tpu.memory_space<vmem>>, vector<1x128xf32>
    tpu.vector_store %arg14[%swap3A_66, %swap3A_67], %add3A_65 {strides = array<i32>} : memref<8x128xf32, #tpu.memory_space<vmem>>, vector<1x128xf32>,
    %get3A_69 = arith.constant 1 : index
    %get3A_70 = arith.constant 0 : index
    %get3A_71 = vector.load %arg14[%get3A_69, %get3A_70] : memref<8x128xf32, #tpu.memory_space<vmem>>, vector<1x128xf32>
    %mul3A = arith.mulf %add3A_58, %add3A_58 : vector<1000x128xf32>
    %reduce_sum3A_72 = arith.constant dense<0.000000e+00> : vector<128xf32>
    %reduce_sum3A_73 = vector.multi_reduction <add>, %mul3A, %reduce_sum3A_72 [0] : vector<1000x128xf32> to vector<128xf32>
    %broadcast_in_dim3A_74 = vector.shape_cast %reduce_sum3A_73 : vector<128xf32> to vector<1x128xf32>
    %add3A_75 = arith.addf %get3A_71, %broadcast_in_dim3A_74 : vector<1x128xf32>
    %swap3A_76 = arith.constant 1 : index
    %swap3A_77 = arith.constant 0 : index
    %swap3A_78 = vector.load %arg14[%swap3A_76, %swap3A_77] : memref<8x128xf32, #tpu.memory_space<vmem>>, vector<1x128xf32>
    tpu.vector_store %arg14[%swap3A_76, %swap3A_77], %add3A_75 {strides = array<i32>} : memref<8x128xf32, #tpu.memory_space<vmem>>, vector<1x128xf32>,
    %eq3A_79 = arith.constant 9 : i32
    %eq3A_80 = arith.cmpi eq, %arg0, %eq3A_79 : i32
    %convert_element_type3A_81 = arith.extui %eq3A_80 : i1 to i32
    %cond3A_82 = arith.constant 0 : i32
    %cond3A_83 = arith.cmpi ne, %convert_element_type3A_81, %cond3A_82 : i32
    scf.if %cond3A_83 {
      %get3A_84 = arith.constant 0 : index
      %get3A_85 = arith.constant 0 : index
      %get3A_86 = vector.load %arg14[%get3A_84, %get3A_85] : memref<8x128xf32, #tpu.memory_space<vmem>>, vector<8x128xf32>
      %swap3A_87 = arith.constant 0 : index
      %swap3A_88 = arith.constant 0 : index
      %swap3A_89 = vector.load %arg13[%swap3A_87, %swap3A_88] : memref<8x128xf32, #tpu.memory_space<vmem>>, vector<8x128xf32>
      tpu.vector_store %arg13[%swap3A_87, %swap3A_88], %get3A_86 {strides = array<i32>} : memref<8x128xf32, #tpu.memory_space<vmem>>, vector<8x128xf32>,
    } else {
    }
    return
  }
  func.func @transform_0(%arg0: i32) -> (i32, i32) {
    %c0_i32 = arith.constant 0 : i32
    %c0_i32_0 = arith.constant 0 : i32
    return %arg0, %c0_i32 : i32, i32
  }
  func.func @transform_1(%arg0: i32) -> (i32, i32) {
    %c0_i32 = arith.constant 0 : i32
    %c0_i32_0 = arith.constant 0 : i32
    return %arg0, %c0_i32 : i32, i32
  }
  func.func @transform_2(%arg0: i32) -> (i32, i32) {
    %c0_i32 = arith.constant 0 : i32
    %c0_i32_0 = arith.constant 0 : i32
    return %arg0, %c0_i32 : i32, i32
  }
  func.func @transform_3(%arg0: i32) -> (i32, i32) {
    %c0_i32 = arith.constant 0 : i32
    %c0_i32_0 = arith.constant 0 : i32
    return %arg0, %c0_i32 : i32, i32
  }
  func.func @transform_4(%arg0: i32) -> (i32, i32) {
    %c0_i32 = arith.constant 0 : i32
    %c0_i32_0 = arith.constant 0 : i32
    return %arg0, %c0_i32 : i32, i32
  }
  func.func @transform_5(%arg0: i32) -> (i32, i32) {
    %c0_i32 = arith.constant 0 : i32
    %c0_i32_0 = arith.constant 0 : i32
    return %arg0, %c0_i32 : i32, i32
  }
  func.func @transform_6(%arg0: i32) -> (i32, i32) {
    %c0_i32 = arith.constant 0 : i32
    %c0_i32_0 = arith.constant 0 : i32
    return %arg0, %c0_i32 : i32, i32
  }
  func.func @transform_7(%arg0: i32) -> (i32, i32) {
    %c0_i32 = arith.constant 0 : i32
    %c0_i32_0 = arith.constant 0 : i32
    %c0_i32_1 = arith.constant 0 : i32
    return %c0_i32, %c0_i32_0 : i32, i32
  }
  func.func @transform_8(%arg0: i32) -> (i32, i32) {
    %c0_i32 = arith.constant 0 : i32
    %c0_i32_0 = arith.constant 0 : i32
    %c0_i32_1 = arith.constant 0 : i32
    return %c0_i32, %c0_i32_0 : i32, i32
  }
  func.func @transform_9(%arg0: i32) -> (i32, i32) {
    %c0_i32 = arith.constant 0 : i32
    %c0_i32_0 = arith.constant 0 : i32
    %c0_i32_1 = arith.constant 0 : i32
    return %c0_i32, %c0_i32_0 : i32, i32
  }
  func.func @transform_10(%arg0: i32) -> (i32, i32) {
    %c0_i32 = arith.constant 0 : i32
    %c0_i32_0 = arith.constant 0 : i32
    %c0_i32_1 = arith.constant 0 : i32
    return %c0_i32, %c0_i32_0 : i32, i32
  }
  func.func @transform_11(%arg0: i32) -> (i32, i32) {
    %c0_i32 = arith.constant 0 : i32
    %c0_i32_0 = arith.constant 0 : i32
    return %arg0, %c0_i32 : i32, i32
  }
  func.func @transform_12(%arg0: i32) -> (i32, i32) {
    %c0_i32 = arith.constant 0 : i32
    %c0_i32_0 = arith.constant 0 : i32
    %c0_i32_1 = arith.constant 0 : i32
    return %c0_i32, %c0_i32_0 : i32, i32
  }
}

module attributes {stable_mosaic.version = 14 : i64} {
  func.func @_bn_kernel(%arg0: memref<10000x128xf32, #tpu.memory_space<vmem>>, %arg1: memref<8x128xf32, #tpu.memory_space<vmem>>, %arg2: memref<8x128xf32, #tpu.memory_space<vmem>>, %arg3: memref<10000x128xf32, #tpu.memory_space<vmem>>) attributes {dimension_semantics = [], scalar_prefetch = 0 : i64, scratch_operands = 0 : i64, tpu.core_type = #tpu.core_type<tc>} {
    %get3A = arith.constant 0 : index
    %get3A_0 = arith.constant 0 : index
    %get3A_1 = vector.load %arg1[%get3A, %get3A_0] : memref<8x128xf32, #tpu.memory_space<vmem>>, vector<1x128xf32>
    %div3A = arith.constant 1.000000e+04 : f32
    %div3A_2 = vector.broadcast %div3A : f32 to vector<1x128xf32>
    %div3A_3 = arith.divf %get3A_1, %div3A_2 : vector<1x128xf32>
    %get3A_4 = arith.constant 1 : index
    %get3A_5 = arith.constant 0 : index
    %get3A_6 = vector.load %arg1[%get3A_4, %get3A_5] : memref<8x128xf32, #tpu.memory_space<vmem>>, vector<1x128xf32>
    %div3A_7 = arith.constant 1.000000e+04 : f32
    %div3A_8 = vector.broadcast %div3A_7 : f32 to vector<1x128xf32>
    %div3A_9 = arith.divf %get3A_6, %div3A_8 : vector<1x128xf32>
    %mul3A = arith.mulf %div3A_3, %div3A_3 : vector<1x128xf32>
    %sub3A = arith.subf %div3A_9, %mul3A : vector<1x128xf32>
    %add3A = arith.constant 9.99999974E-6 : f32
    %add3A_10 = vector.broadcast %add3A : f32 to vector<1x128xf32>
    %add3A_11 = arith.addf %sub3A, %add3A_10 : vector<1x128xf32>
    %rsqrt3A = math.rsqrt %add3A_11 : vector<1x128xf32>
    %get3A_12 = arith.constant 0 : index
    %get3A_13 = arith.constant 0 : index
    %get3A_14 = vector.load %arg0[%get3A_12, %get3A_13] : memref<10000x128xf32, #tpu.memory_space<vmem>>, vector<10000x128xf32>
    %sub3A_15 = vector.broadcast %div3A_3 : vector<1x128xf32> to vector<10000x128xf32>
    %sub3A_16 = arith.subf %get3A_14, %sub3A_15 : vector<10000x128xf32>
    %mul3A_17 = vector.broadcast %rsqrt3A : vector<1x128xf32> to vector<10000x128xf32>
    %mul3A_18 = arith.mulf %sub3A_16, %mul3A_17 : vector<10000x128xf32>
    %get3A_19 = arith.constant 2 : index
    %get3A_20 = arith.constant 0 : index
    %get3A_21 = vector.load %arg2[%get3A_19, %get3A_20] : memref<8x128xf32, #tpu.memory_space<vmem>>, vector<1x128xf32>
    %mul3A_22 = vector.broadcast %get3A_21 : vector<1x128xf32> to vector<10000x128xf32>
    %mul3A_23 = arith.mulf %mul3A_18, %mul3A_22 : vector<10000x128xf32>
    %get3A_24 = arith.constant 3 : index
    %get3A_25 = arith.constant 0 : index
    %get3A_26 = vector.load %arg2[%get3A_24, %get3A_25] : memref<8x128xf32, #tpu.memory_space<vmem>>, vector<1x128xf32>
    %add3A_27 = vector.broadcast %get3A_26 : vector<1x128xf32> to vector<10000x128xf32>
    %add3A_28 = arith.addf %mul3A_23, %add3A_27 : vector<10000x128xf32>
    %max3A = arith.constant 0.000000e+00 : f32
    %max3A_29 = vector.broadcast %max3A : f32 to vector<10000x128xf32>
    %max3A_30 = arith.maximumf %add3A_28, %max3A_29 : vector<10000x128xf32>
    %swap3A = arith.constant 0 : index
    %swap3A_31 = arith.constant 0 : index
    %swap3A_32 = vector.load %arg3[%swap3A, %swap3A_31] : memref<10000x128xf32, #tpu.memory_space<vmem>>, vector<10000x128xf32>
    tpu.vector_store %arg3[%swap3A, %swap3A_31], %max3A_30 {strides = array<i32>} : memref<10000x128xf32, #tpu.memory_space<vmem>>, vector<10000x128xf32>,
    return
  }
}

module attributes {stable_mosaic.version = 14 : i64} {
  func.func @_relstep_kernel(%arg0: memref<20224x128xf32, #tpu.memory_space<vmem>>, %arg1: memref<128x128xf32, #tpu.memory_space<vmem>>, %arg2: memref<20224x128xf32, #tpu.memory_space<vmem>>) attributes {dimension_semantics = [], scalar_prefetch = 0 : i64, scratch_operands = 0 : i64, tpu.core_type = #tpu.core_type<tc>} {
    %get3A = arith.constant 0 : index
    %get3A_0 = arith.constant 0 : index
    %get3A_1 = vector.load %arg0[%get3A, %get3A_0] : memref<20224x128xf32, #tpu.memory_space<vmem>>, vector<20224x128xf32>
    %get3A_2 = arith.constant 0 : index
    %get3A_3 = arith.constant 0 : index
    %get3A_4 = vector.load %arg1[%get3A_2, %get3A_3] : memref<128x128xf32, #tpu.memory_space<vmem>>, vector<128x128xf32>
    %dot_general3A = arith.constant dense<0.000000e+00> : vector<20224x128xf32>
    %dot_general3A_5 = tpu.matmul %get3A_1, %get3A_4, %dot_general3A {dimension_numbers = #tpu.dot_dimension_numbers<[1], [0], [0], [1], [0, 0, 1, 1], [], []>, transpose_lhs_hint = false} : vector<20224x128xf32>, vector<128x128xf32>, vector<20224x128xf32> -> vector<20224x128xf32>
    %swap3A = arith.constant 0 : index
    %swap3A_6 = arith.constant 0 : index
    %swap3A_7 = vector.load %arg2[%swap3A, %swap3A_6] : memref<20224x128xf32, #tpu.memory_space<vmem>>, vector<20224x128xf32>
    tpu.vector_store %arg2[%swap3A, %swap3A_6], %dot_general3A_5 {strides = array<i32>} : memref<20224x128xf32, #tpu.memory_space<vmem>>, vector<20224x128xf32>,
    return
  }
}

module attributes {stable_mosaic.version = 14 : i64} {
  func.func @_bn_kernel(%arg0: memref<10000x128xf32, #tpu.memory_space<vmem>>, %arg1: memref<8x128xf32, #tpu.memory_space<vmem>>, %arg2: memref<8x128xf32, #tpu.memory_space<vmem>>, %arg3: memref<10000x128xf32, #tpu.memory_space<vmem>>) attributes {dimension_semantics = [], scalar_prefetch = 0 : i64, scratch_operands = 0 : i64, tpu.core_type = #tpu.core_type<tc>} {
    %get3A = arith.constant 0 : index
    %get3A_0 = arith.constant 0 : index
    %get3A_1 = vector.load %arg1[%get3A, %get3A_0] : memref<8x128xf32, #tpu.memory_space<vmem>>, vector<1x128xf32>
    %div3A = arith.constant 1.000000e+04 : f32
    %div3A_2 = vector.broadcast %div3A : f32 to vector<1x128xf32>
    %div3A_3 = arith.divf %get3A_1, %div3A_2 : vector<1x128xf32>
    %get3A_4 = arith.constant 1 : index
    %get3A_5 = arith.constant 0 : index
    %get3A_6 = vector.load %arg1[%get3A_4, %get3A_5] : memref<8x128xf32, #tpu.memory_space<vmem>>, vector<1x128xf32>
    %div3A_7 = arith.constant 1.000000e+04 : f32
    %div3A_8 = vector.broadcast %div3A_7 : f32 to vector<1x128xf32>
    %div3A_9 = arith.divf %get3A_6, %div3A_8 : vector<1x128xf32>
    %mul3A = arith.mulf %div3A_3, %div3A_3 : vector<1x128xf32>
    %sub3A = arith.subf %div3A_9, %mul3A : vector<1x128xf32>
    %add3A = arith.constant 9.99999974E-6 : f32
    %add3A_10 = vector.broadcast %add3A : f32 to vector<1x128xf32>
    %add3A_11 = arith.addf %sub3A, %add3A_10 : vector<1x128xf32>
    %rsqrt3A = math.rsqrt %add3A_11 : vector<1x128xf32>
    %get3A_12 = arith.constant 0 : index
    %get3A_13 = arith.constant 0 : index
    %get3A_14 = vector.load %arg0[%get3A_12, %get3A_13] : memref<10000x128xf32, #tpu.memory_space<vmem>>, vector<10000x128xf32>
    %sub3A_15 = vector.broadcast %div3A_3 : vector<1x128xf32> to vector<10000x128xf32>
    %sub3A_16 = arith.subf %get3A_14, %sub3A_15 : vector<10000x128xf32>
    %mul3A_17 = vector.broadcast %rsqrt3A : vector<1x128xf32> to vector<10000x128xf32>
    %mul3A_18 = arith.mulf %sub3A_16, %mul3A_17 : vector<10000x128xf32>
    %get3A_19 = arith.constant 2 : index
    %get3A_20 = arith.constant 0 : index
    %get3A_21 = vector.load %arg2[%get3A_19, %get3A_20] : memref<8x128xf32, #tpu.memory_space<vmem>>, vector<1x128xf32>
    %mul3A_22 = vector.broadcast %get3A_21 : vector<1x128xf32> to vector<10000x128xf32>
    %mul3A_23 = arith.mulf %mul3A_18, %mul3A_22 : vector<10000x128xf32>
    %get3A_24 = arith.constant 3 : index
    %get3A_25 = arith.constant 0 : index
    %get3A_26 = vector.load %arg2[%get3A_24, %get3A_25] : memref<8x128xf32, #tpu.memory_space<vmem>>, vector<1x128xf32>
    %add3A_27 = vector.broadcast %get3A_26 : vector<1x128xf32> to vector<10000x128xf32>
    %add3A_28 = arith.addf %mul3A_23, %add3A_27 : vector<10000x128xf32>
    %max3A = arith.constant 0.000000e+00 : f32
    %max3A_29 = vector.broadcast %max3A : f32 to vector<10000x128xf32>
    %max3A_30 = arith.maximumf %add3A_28, %max3A_29 : vector<10000x128xf32>
    %swap3A = arith.constant 0 : index
    %swap3A_31 = arith.constant 0 : index
    %swap3A_32 = vector.load %arg3[%swap3A, %swap3A_31] : memref<10000x128xf32, #tpu.memory_space<vmem>>, vector<10000x128xf32>
    tpu.vector_store %arg3[%swap3A, %swap3A_31], %max3A_30 {strides = array<i32>} : memref<10000x128xf32, #tpu.memory_space<vmem>>, vector<10000x128xf32>,
    return
  }
}

</mosaic_0001>

<sc_bundles>
// kernel: kernel.10.cloned.1.call-start
scs
__scs_entry_jumppad:
0x0: {  	(pc) =	sbr.rel $0x88, $3  }
0x1: {  	(tag) =	ssettag $0x0;
	lr =	simm.s32 $0x1  }
0x2: {  	[smem:$0x3F8B] =	sst lr;
	_ =	strace $0xD0000000  }
0x3: {  	_ = 	snop  }
0x4: {  	_ = 	snop  }
0x5: {  	_ = 	snop  }
0x6: {  	_ = 	snop  }
0x7: {  	_ = 	snop  }
__scs_overlays_trampoline_lowered:
0x8: {  	[smem:$0x3F9A] =	sst s0  }
0x9: {  	[smem:$0x3F9B] =	sst s1  }
0xa: {  	[smem:$0x3F9C] =	sst s2  }
0xb: {  	[smem:$0x3F9D] =	sst s3  }
0xc: {  	[smem:$0x3F9E] =	sst s4  }
0xd: {  	[smem:$0x3F9F] =	sst s5  }
0xe: {  	[smem:$0x3FA0] =	sst s6  }
0xf: {  	[smem:$0x3FA1] =	sst s7  }
0x10: {  	[smem:$0x3FA2] =	sst s8  }
0x11: {  	[smem:$0x3FA3] =	sst s9;
	s0 =	simm.s32 @!p0 $0x0  }
0x12: {  	s1 =	sld [smem:$0x3F89];
	s0 =	simm.s32 @p0 $0x1  }
0x13: {  	[smem:$0x3FA4] =	sst s0;
	s0 =	simm.s32 @!p1 $0x0  }
0x14: {  	s2 =	sld [smem:$0x3F88];
	s0 =	simm.s32 @p1 $0x1  }
0x15: {  	[smem:$0x3FA5] =	sst s0;
	s0 =	simm.s32 @!p2 $0x0  }
0x16: {  	s3 =	sld [smem:$0x3FDB];
	s0 =	simm.s32 @p2 $0x1  }
0x17: {  	s4 =	simm.s32 $0x1BF5;
	[smem:$0x3FA7] =	sst s0  }
0x18: {  	s0 =	sld [smem:$0x3F8A];
	_ =	swait.ge [sflag:s4], $0x0  }
0x19: {  	s7 =	sld [smem:$0x3F8B]  }
0x1a: {  	s8 =	sadd.s32 $0xFFFFE003, lr  }
0x1b: {  	s9 =	sadd.s32 $0xFFFFFEF7, lr;
	s5 =	simm.s32 $0xFFFFFFFF;
	p2 =	slt.u32 s8, $0xFFFFF086  }
0x1c: {  	p1 =	slt.u32 s9, $0xF7A;
	s5 =	simm.s32 @!p2 $0x0  }
0x1d: {  	s5 =	simm.s32 @p1 $0x1;
	p0 =	seq.s32 s7, s2  }
0x1e: {  	s7 =	smul.u32 @!p0 $0xF7A, s2;
	p2 =	seq.s32 @!p0 s5, $0x0  }
0x1f: {  	s9 =	smul.u32 $0xF7A, s1;
	s8 =	simm.s32 @!p0 $0x1BF5;
	p2 =	por !p2, p0  }
0x20: {  	[sflag:s8] =	ssyncset.s32 @!p0 $0xFFFFF086;
	s6 =	sadd.s32 @!p0 s3, s7;
	s7 =	simm.s32 @!p0 $0x108  }
0x21: {  	s3 =	sadd.s32 s3, s9;
	s6 =	sadd.s32 @!p0 $0x88, s6;
	s7 =	simm.s32 @p2 $0x1082  }
0x22: {  	[simem:s7], [sflag:s8] =	dma.local @!p0 [hbm:s6], $0xF7A  }
0x23: {  	s9 =	sor.u32 $0xD0000000, s2;
	s6 =	simm.s32 $0x108;
	_ =	swait.ge @!p0 [sflag:s8], $0x0  }
0x24: {  	s3 =	sadd.s32 $0x88, s3;
	s6 =	simm.s32 @!p1 $0x1082;
	[sflag:s4] =	ssyncset.s32 $0xFFFFF086  }
0x25: {  	[simem:s6], [sflag:s4] =	dma.local [hbm:s3], $0xF7A  }
0x26: {  	[smem:$0x3F8B] =	sst s1;
	(tag) =	ssettag s2;
	_ =	strace s9  }
0x27: {  	s1 =	sld [smem:$0x3F9B]  }
0x28: {  	s2 =	sld [smem:$0x3F9C]  }
0x29: {  	s4 =	sld [smem:$0x3F9E]  }
0x2a: {  	p0 =	seq.s32 s5, $0x0;
	s5 =	sld [smem:$0x3F9F]  }
0x2b: {  	s6 =	sld [smem:$0x3FA0]  }
0x2c: {  	s7 =	sld [smem:$0x3FA1]  }
0x2d: {  	s3 =	simm.s32 $0x108;
	s8 =	sld [smem:$0x3FA2]  }
0x2e: {  	s3 =	simm.s32 @!p0 $0x1082;
	s9 =	sld [smem:$0x3FA3]  }
0x2f: {  	lr =	sadd.s32 s0, s3;
	s0 =	sld [smem:$0x3F9A]  }
0x30: {  	s3 =	sld [smem:$0x3F9D]  }
0x31: {  	[smem:$0x3FA6] =	sst s10  }
0x32: {  	s10 =	sld [smem:$0x3FA4];
	_ =	sdelay $0x3  }
0x33: {  	p0 =	seq.s32 s10, $0x1;
	s10 =	sld [smem:$0x3FA6];
	_ =	sdelay $0x3  }
0x34: {  	[smem:$0x3FA6] =	sst s10  }
0x35: {  	s10 =	sld [smem:$0x3FA5];
	_ =	sdelay $0x3  }
0x36: {  	p1 =	seq.s32 s10, $0x1;
	s10 =	sld [smem:$0x3FA6];
	_ =	sdelay $0x3  }
0x37: {  	[smem:$0x3FA6] =	sst s10  }
0x38: {  	s10 =	sld [smem:$0x3FA7]  }
0x39: {  	_ = 	snop;
	(pc) =	sbr.ind lr, $3  }
0x3a: {  	_ = 	snop  }
0x3b: {  	_ = 	snop  }
0x3c: {  	p2 =	seq.s32 s10, $0x1;
	s10 =	sld [smem:$0x3FA6]  }
0x3d: {  	_ =	shalt  }
0x3e: {  	_ =	shalt  }
0x3f: {  	_ =	shalt  }
0x40: {  	_ =	shalt  }
0x41: {  	_ =	shalt  }
0x42: {  	_ =	shalt  }
0x43: {  	_ =	shalt  }
0x44: {  	_ =	shalt  }
0x45: {  	_ =	shalt  }
0x46: {  	_ =	shalt  }
0x47: {  	_ =	shalt  }
0x48: {  	_ =	shalt  }
0x49: {  	_ =	shalt  }
0x4a: {  	_ =	shalt  }
0x4b: {  	_ =	shalt  }
0x4c: {  	_ =	shalt  }
0x4d: {  	_ =	shalt  }
0x4e: {  	_ =	shalt  }
0x4f: {  	_ =	shalt  }
0x50: {  	_ =	shalt  }
0x51: {  	_ =	shalt  }
0x52: {  	_ =	shalt  }
0x53: {  	_ =	shalt  }
0x54: {  	_ =	shalt  }
0x55: {  	_ =	shalt  }
0x56: {  	_ =	shalt  }
0x57: {  	_ =	shalt  }
0x58: {  	_ =	shalt  }
0x59: {  	_ =	shalt  }
0x5a: {  	_ =	shalt  }
0x5b: {  	_ =	shalt  }
0x5c: {  	_ =	shalt  }
0x5d: {  	_ =	shalt  }
0x5e: {  	_ =	shalt  }
0x5f: {  	_ =	shalt  }
0x60: {  	_ =	shalt  }
0x61: {  	_ =	shalt  }
0x62: {  	_ =	shalt  }
0x63: {  	_ =	shalt  }
0x64: {  	_ =	shalt  }
0x65: {  	_ =	shalt  }
0x66: {  	_ =	shalt  }
0x67: {  	_ =	shalt  }
0x68: {  	_ =	shalt  }
0x69: {  	_ =	shalt  }
0x6a: {  	_ =	shalt  }
0x6b: {  	_ =	shalt  }
0x6c: {  	_ =	shalt  }
0x6d: {  	_ =	shalt  }
0x6e: {  	_ =	shalt  }
0x6f: {  	_ =	shalt  }
0x70: {  	_ =	shalt  }
0x71: {  	_ =	shalt  }
0x72: {  	_ =	shalt  }
0x73: {  	_ =	shalt  }
0x74: {  	_ =	shalt  }
0x75: {  	_ =	shalt  }
0x76: {  	_ =	shalt  }
0x77: {  	_ =	shalt  }
0x78: {  	_ =	shalt  }
0x79: {  	_ =	shalt  }
0x7a: {  	_ =	shalt  }
0x7b: {  	_ =	shalt  }
0x7c: {  	_ =	shalt  }
0x7d: {  	_ =	shalt  }
0x7e: {  	_ =	shalt  }
0x7f: {  	_ =	shalt  }
0x80: {  	_ =	shalt  }
0x81: {  	_ =	shalt  }
0x82: {  	_ =	shalt  }
0x83: {  	_ =	shalt  }
0x84: {  	_ =	shalt  }
0x85: {  	_ =	shalt  }
0x86: {  	_ =	shalt  }
0x87: {  	_ =	shalt  }
.Lfunc_end0:
.L_simem_size_0:
called_computation_lowered:
.L_overlay_start_0:
0x88: {  	s2 =	sld [smem:$0x3FD9]  }
0x89: {  	s3 =	sld [smem:$0x3FFE];
	_ =	sdelay $0x1  }
0x8a: {  	s1 =	srdreg.scid  }
0x8b: {  	s0 =	sand.u32 $0x1, s1  }
0x8c: {  	s14 =	sshll.u32 s0, $0xA;
	s2 =	sadd.s32 s3, s2  }
0x8d: {  	s2 =	sadd.s32 s2, s14  }
0x8e: {  	[smem:$0x3FB2] =	sst s2  }
0x8f: {  	_ = 	snop  }
0x90: {  	s2 =	sld [smem:$0x3FD0];
	_ =	sdelay $0x2  }
0x91: {  	s15 =	simm.s32 $0xA;
	s4 =	simm.s32 $0x10  }
0x92: {  	[smem:s4], [sflag:s15] =	dma.local [hbm:s2], $0x1  }
0x93: {  	_ =	swait.eq [sflag:s15], $0x1  }
0x94: {  	[sflag:s15] =	ssyncset.done $0x0  }
0x95: {  	[sflag:s15] =	ssyncadd.s32 $0xFFFFFFFF  }
0x96: {  	s16 =	sld [smem:$0x10];
	(tm) =	ssettm $0x1  }
0x97: {  	s17 =	sld [smem:$0x3FFB];
	_ =	sdelay $0x3  }
0x98: {  	_ =	strace s17  }
0x99: {  	s3 =	sld [smem:$0x3FFC];
	_ =	sdelay $0x3  }
0x9a: {  	_ =	strace s3  }
0x9b: {  	s3 =	sld [smem:$0x3FFD];
	_ =	sdelay $0x3  }
0x9c: {  	_ =	strace s3  }
0x9d: {  	_ =	strace $0x8FFFFFFF  }
0x9e: {  	s18 =	sld [smem:$0x3FDB];
	_ =	sdelay $0x1  }
0x9f: {  	s19 =	simm.s32 $_scs_section_size  }
0xa0: {  	s5 =	simm.s32 $_size__tile_overlayer_lowered;
	s6 =	simm.s32 $_tile_overlayer_lowered  }
0xa1: {  	s22 =	simm.s32 $0x1BFF;
	s21 =	sshll.u32 s6, $0x1;
	s3 =	sadd.s32 s19, s18  }
0xa2: {  	s7 =	simm.s32 $0x0;
	s20 =	sshll.u32 s5, $0x1;
	s5 =	sadd.s32 s21, s3  }
0xa3: {  	[timem:s7], [sflag:s22] =	dma.local [hbm:s5], s20  }
0xa4: {  	_ =	swait.ge [sflag:s22], s20  }
0xa5: {  	s4 =	ssub.s32 $0x0, s20;
	[sflag:s22] =	ssyncset.done $0x0  }
0xa6: {  	[sflag:s22] =	ssyncadd.s32 s4;
	_ =	sdelay $0x1  }
0xa7: {  	s23 =	simm.s32 $0x1B8B  }
0xa8: {  	_ =	swait.ge [sflag:s23], $0x1  }
0xa9: {  	[sflag:s23] =	ssyncset.done $0x0  }
0xaa: {  	s25 =	simm.s32 $0x1B8E;
	s24 =	sld [smem:$0x3FFE];
	[sflag:s23] =	ssyncadd.s32 $0xFFFFFFFF  }
0xab: {  	s26 =	simm.s32 $execute0_lowered;
	[smem:$0x3FD2] =	sst s25  }
0xac: {  	s5 =	sshll.u32 s26, $0x1;
	_ =	strace $0x80000046;
	[dreg:$0x1] =	wrdreg $0xFFFFFFFF  }
0xad: {  	s28 =	simm.s32 $_size_execute0_lowered;
	s3 =	sadd.s32 s3, s5;
	[dreg:$0x0] =	wrdreg $0x0  }
0xae: {  	s5 =	sshll.u32 s28, $0x1;
	[dreg:$0x2] =	wrdreg s3  }
0xaf: {  	[dreg:$0x3] =	wrdreg s5  }
0xb0: {  	[dreg:$0x4] =	wrdreg $0xC0  }
0xb1: {  	_ =	task [dreg:s7], $0x5FFFF  }
0xb2: {  	[dreg:$0x1] =	wrdreg $0xFFFFFFFF  }
0xb3: {  	[dreg:$0x0] =	wrdreg $0x60  }
0xb4: {  	[dreg:$0x2] =	wrdreg s16  }
0xb5: {  	[dreg:$0x3] =	wrdreg s24  }
0xb6: {  	[dreg:$0x4] =	wrdreg $0x0  }
0xb7: {  	[dreg:$0x5] =	wrdreg $0x13C000  }
0xb8: {  	[dreg:$0x6] =	wrdreg $0x9  }
0xb9: {  	_ =	task.clear_ibuf [dreg:s7], $0x7FFFF;
	_ =	strace $0x90000046  }
0xba: {  	s29 =	simm.s32 $0x9;
	_ =	strace $0x80000048  }
0xbb: {  	_ =	swait.ge [sflag:s29], $0x1  }
0xbc: {  	[sflag:s29] =	ssyncadd.s32 $0xFFFFFFFF  }
0xbd: {  	_ =	strace $0x90000048  }
0xbe: {  	_ =	sfence  }
0xbf: {  	s30 =	sld [smem:$0x0];
	_ =	sdelay $0x2  }
0xc0: {  	s31 =	sshll.u32 s1, $0xD;
	s1 =	sshrl.u32 s1, $0x2  }
0xc1: {  	s3 =	sand.u32 $0x4000, s31;
	s1 =	sadd.s32 s1, s30  }
0xc2: {  	s0 =	sor.u32 s3, s0;
	s1 =	sshll.u32 s1, $0x11  }
0xc3: {  	s0 =	sor.u32 s1, s0  }
0xc4: {  	s0 =	sadd.s32 $0x8F2B, s0  }
0xc5: {  	[sflag:s0] =	ssyncadd.remote.s32 $0x1  }
0xc6: {  	_ =	sfence.sel $0xFFFF  }
0xc7: {  	[dreg:$0x0] =	wrdreg $0xFFFFFFFF;
	(pc) =	sbr.abs _section_cstart, $3  }
0xc8: {  	[dreg:$0x1] =	wrdreg $0xFFFFFFFF  }
0xc9: {  	_ =	task.clear_ibuf [dreg:s7], $0x2FFFF;
	_ =	strace $0x9FFFFFFF  }
0xca: {  	(tm) =	ssettm $0x7FFFFFFF  }
0xcb: {  	_ =	shalt  }
tec
execute0_lowered:
.L_overlay_start_1:
0x0: {  	(tag) =	ssettag $0x1  }
0x1: {  	s1 =	rddreg [dreg:$0x0]  }
0x2: {  	s0 =	rddreg [dreg:$0x1]  }
0x3: {  	s2 =	rddreg [dreg:$0x2]  }
0x4: {  	s3 =	rddreg [dreg:$0x3]  }
0x5: {  	s4 =	simm.s32 $0x0;
	s5 =	srdreg.scid;
	s6 =	stileid.u32  }
0x6: {  	s28 =	simm.s32 $0x14C00;
	s29 =	simm.s32 $0x16000;
	s30 =	simm.s32 $0x80  }
0x7: {  	s31 =	simm.s32 $0x17400;
	[smem:$0x7FF] =	sst s4;
	s5 =	sand.u32 $0x1, s5  }
0x8: {  	s8 =	smul.u32 $0x278, s6;
	s10 =	sadd.s32 $0x2F800, s0;
	s12 =	sadd.s32 $0x1B800, s0  }
0x9: {  	s9 =	smul.u32 $0x2780, s6;
	s14 =	sadd.s32 $0x5800, s0;
	s11 =	sadd.s32 $0x19800, s0  }
0xa: {  	s25 =	sadd.s32 $0x43800, s0;
	s15 =	smul.u32 $0x4F000, s6;
	s19 =	sshll.u32 s6, $0x6  }
0xb: {  	p0 =	sne.s32 s6, $0x0;
	_ =	strace $0x80000047;
	[dreg:$0x5] =	wrdreg s11  }
0xc: {  	s7 =	smul.u32 $0x2780, s5;
	[dreg:$0x6] =	wrdreg s25;
	s13 =	ssub.s32 $0x2, s5  }
0xd: {  	s5 =	sshll.u32 s5, $0x4;
	s26 =	sadd.s32 s9, s0;
	s16 =	sshrl.u32 s13, $0x1  }
0xe: {  	s5 =	sor.u32 s6, s5;
	s17 =	sshrl.u32 s15, $0x2;
	s6 =	simm.s32 $0x1  }
0xf: {  	s7 =	sadd.s32 s8, s7;
	s18 =	smul.u32 $0x5000, s5;
	s9 =	sadd.s32 s17, s2  }
0x10: {  	s5 =	smul.u32 $0xA00, s5;
	s8 =	sadd.s32 $0x45800, s26;
	s7 =	sshll.u32 s7, $0x4  }
0x11: {  	[dreg:$0x7] =	wrdreg s9;
	s9 =	sor.u32 $0x1C03, s19;
	s0 =	sadd.s32 s7, s0  }
0x12: {  	s7 =	ssub.s32 s13, s16;
	s16 =	sshrl.u32 s18, $0x3;
	s20 =	sadd.s32 s14, s5  }
0x13: {  	s11 =	sadd.s32 s12, s5;
	s5 =	sadd.s32 s10, s5;
	[dreg:$0x8] =	wrdreg s20  }
0x14: {  	s18 =	sadd.s32 $0x280, s16;
	[dreg:$0xc] =	wrdreg s5;
	s24 =	sadd.s32 $0xBC000, s0  }
0x15: {  	s19 =	sadd.s32 $0x500, s16;
	s25 =	sadd.s32 $0x10B000, s0;
	[dreg:$0x10] =	wrdreg s24  }
0x16: {  	s16 =	sadd.s32 $0x780, s16;
	s0 =	sadd.s32 $0x6D000, s0;
	[dreg:$0x11] =	wrdreg s25  }
0x17: {  	s26 =	smax.u32 s7, $0x1;
	s5 =	simm.s32 $0x1B400;
	[dreg:$0x12] =	wrdreg s0  }
0x18: {  	s7 =	simm.s32 $0x2;
	s13 =	sadd.s32 s14, s18;
	[dreg:$0x13] =	wrdreg s26  }
0x19: {  	s20 =	simm.s32 $0x17180;
	s15 =	sadd.s32 s14, s19;
	[dreg:$0x9] =	wrdreg s13  }
0x1a: {  	s14 =	sadd.s32 s14, s16;
	s17 =	sadd.s32 s12, s16;
	[dreg:$0xa] =	wrdreg s15  }
0x1b: {  	s21 =	sadd.s32 s10, s18;
	s22 =	sadd.s32 s10, s19;
	[dreg:$0xb] =	wrdreg s14  }
0x1c: {  	s23 =	sadd.s32 s10, s16;
	s26 =	simm.s32 $0x3;
	[dreg:$0xd] =	wrdreg s21  }
0x1d: {  	s0 =	simm.s32 $0x14C80;
	s10 =	simm.s32 $0x17300;
	[dreg:$0xe] =	wrdreg s22  }
0x1e: {  	s13 =	sadd.s32 s12, s18;
	s15 =	sadd.s32 s12, s19;
	[dreg:$0xf] =	wrdreg s23  }
0x1f: {  	s12 =	simm.s32 $0x17380;
	s18 =	simm.s32 $0x17080;
	s19 =	simm.s32 $0x17100  }
0x20: {  	s21 =	simm.s32 $0x17200;
	s22 =	simm.s32 $0x17280;
	s23 =	simm.s32 $0x0  }
.LBB2_1:
0x21: {  	s14 =	rddreg [dreg:$0x7]  }
0x22: {  	s24 =	sshrl.u32 s14, $0x3  }
0x23: {  	[spmem:s24], [sflag:s9] =	dma.local [hbm:s8], $0x2780  }
0x24: {  	_ =	swait.ge [sflag:s26], $0x2780  }
0x25: {  	[sflag:s26] =	ssyncset.done $0x0  }
0x26: {  	s14 =	sshrl.u32 @!p0 s3, $0x3;
	s16 =	rddreg [dreg:$0x5];
	[sflag:s26] =	ssyncadd.s32 $0xFFFFD880  }
0x27: {  	[spmem:s14], [sflag:s9] =	dma.local @!p0 [hbm:s16], $0x2000  }
0x28: {  	s14 =	simm.s32 @!p0 $0x3  }
0x29: {  	_ =	swait.ge @!p0 [sflag:s14], $0x2000  }
0x2a: {  	[sflag:s14] =	ssyncset.done @!p0 $0x0  }
0x2b: {  	[sflag:s14] =	ssyncadd.s32 @!p0 $0xFFFFE000  }
0x2c: {  	[bflag:$0x0] =	sbarrier.arrive $0xFFFF  }
0x2d: {  	s16 =	rddreg [dreg:$0x8]  }
0x2e: {  	[tilespmem:s28], [sflag:$0x3] =	stream.linear.gather [hbm4b:s16+s4], $0x1400, $0x38;
	[tilespmem:$0x1F400] =	vst v63  }
0x2f: {  	_ =	swait.ge [sflag:s26], $0x1400  }
0x30: {  	[sflag:s26] =	ssyncset.done $0x0  }
0x31: {  	[sflag:s26] =	ssyncadd.s32 $0xFFFFEC00  }
0x32: {  	[tilespmem:s29], [sflag:$0x3] =	stream.linear.gather [hbm4b:s11+s4], $0x1400, $0x38;
	[tilespmem:$0x1F400] =	vst v63  }
0x33: {  	_ =	swait.ge [sflag:s26], $0x1400  }
0x34: {  	[sflag:s26] =	ssyncset.done $0x0  }
0x35: {  	[sflag:s26] =	ssyncadd.s32 $0xFFFFEC00  }
0x36: {  	[tilespmem:s31], [sflag:$0x1] =	stream.indirect.gather [spmem:s3], $0x80, s28, s30, $0xb8;
	[tilespmem:$0x1F400] =	vst v63  }
0x37: {  	_ = 	snop  }
0x38: {  	[tilespmem:s5], [sflag:$0x2] =	stream.indirect.gather [spmem:s3], $0x80, s0, s30, $0xb8;
	[tilespmem:$0x1F400] =	vst v63  }
0x39: {  	_ =	swait.ge [sflag:s6], $0x4000  }
0x3a: {  	[sflag:s6] =	ssyncset.done $0x0  }
0x3b: {  	s25 =	simm.s32 $0x16000;
	[sflag:s6] =	ssyncadd.s32 $0xFFFFC000  }
0x3c: {  	[spmem:s2] =	stream.indirect.scatter.add.f32 [tilespmem:s31], [sflag:$0x3], $0x80, s25, s30, $0xb8;
	[tilespmem:$0x1F400] =	vst v63  }
0x3d: {  	_ =	swait.ge [sflag:s26], $0x4000  }
0x3e: {  	[sflag:s26] =	ssyncset.done $0x0  }
0x3f: {  	s16 =	simm.s32 $0x14D00;
	[sflag:s26] =	ssyncadd.s32 $0xFFFFC000  }
0x40: {  	[tilespmem:s31], [sflag:$0x1] =	stream.indirect.gather [spmem:s3], $0x80, s16, s30, $0xb8;
	[tilespmem:$0x1F400] =	vst v63  }
0x41: {  	_ =	swait.ge [sflag:s7], $0x4000  }
0x42: {  	[sflag:s7] =	ssyncset.done $0x0  }
0x43: {  	s25 =	simm.s32 $0x16080;
	[sflag:s7] =	ssyncadd.s32 $0xFFFFC000  }
0x44: {  	[spmem:s2] =	stream.indirect.scatter.add.f32 [tilespmem:s5], [sflag:$0x3], $0x80, s25, s30, $0xb8;
	[tilespmem:$0x1F400] =	vst v63  }
0x45: {  	_ =	swait.ge [sflag:s26], $0x4000  }
0x46: {  	[sflag:s26] =	ssyncset.done $0x0  }
0x47: {  	s14 =	simm.s32 $0x14D80;
	s25 =	simm.s32 $0x400;
	[sflag:s26] =	ssyncadd.s32 $0xFFFFC000  }
.LBB2_2:
0x48: {  	[tilespmem:s5], [sflag:$0x2] =	stream.indirect.gather [spmem:s3], $0x80, s14, s30, $0xb8;
	[tilespmem:$0x1F400] =	vst v63  }
0x49: {  	s14 =	smov.u32 s25  }
0x4a: {  	p1 =	sne.s32 s25, $0x4800;
	s25 =	sadd.s32 $0x400, s25;
	_ =	swait.ge [sflag:s6], $0x4000  }
0x4b: {  	s14 =	sshra.s32 s14, $0x2;
	[sflag:s6] =	ssyncset.done $0x0  }
0x4c: {  	s16 =	sadd.s32 $0x16000, s14;
	[sflag:s6] =	ssyncadd.s32 $0xFFFFC000  }
0x4d: {  	[spmem:s2] =	stream.indirect.scatter.add.f32 [tilespmem:s31], [sflag:$0x3], $0x80, s16, s30, $0xb8;
	[tilespmem:$0x1F400] =	vst v63  }
0x4e: {  	_ =	swait.ge [sflag:s26], $0x4000  }
0x4f: {  	[sflag:s26] =	ssyncset.done $0x0  }
0x50: {  	s16 =	sadd.s32 $0x14D00, s14;
	[sflag:s26] =	ssyncadd.s32 $0xFFFFC000  }
0x51: {  	[tilespmem:s31], [sflag:$0x1] =	stream.indirect.gather [spmem:s3], $0x80, s16, s30, $0xb8;
	[tilespmem:$0x1F400] =	vst v63  }
0x52: {  	_ =	swait.ge [sflag:s7], $0x4000  }
0x53: {  	[sflag:s7] =	ssyncset.done $0x0  }
.Ltmp0:
0x54: {  	s16 =	sadd.s32 $0x16080, s14;
	[sflag:s7] =	ssyncadd.s32 $0xFFFFC000;
	(pc) =	sbr.rel @p1 .LBB2_2-.Ltmp0, $4  }
0x55: {  	[spmem:s2] =	stream.indirect.scatter.add.f32 [tilespmem:s5], [sflag:$0x3], $0x80, s16, s30, $0xb8;
	[tilespmem:$0x1F400] =	vst v63  }
0x56: {  	_ =	swait.ge [sflag:s26], $0x4000  }
0x57: {  	[sflag:s26] =	ssyncset.done $0x0  }
0x58: {  	s14 =	sadd.s32 $0x14D80, s14;
	[sflag:s26] =	ssyncadd.s32 $0xFFFFC000  }
0x59: {  	[tilespmem:s5], [sflag:$0x2] =	stream.indirect.gather [spmem:s3], $0x80, s14, s30, $0xb8;
	[tilespmem:$0x1F400] =	vst v63  }
0x5a: {  	_ =	swait.ge [sflag:s6], $0x4000  }
0x5b: {  	[sflag:s6] =	ssyncset.done $0x0  }
0x5c: {  	[sflag:s6] =	ssyncadd.s32 $0xFFFFC000  }
0x5d: {  	[spmem:s2] =	stream.indirect.scatter.add.f32 [tilespmem:s31], [sflag:$0x3], $0x80, s10, s30, $0xb8;
	[tilespmem:$0x1F400] =	vst v63  }
0x5e: {  	_ =	swait.ge [sflag:s26], $0x4000  }
0x5f: {  	[sflag:s26] =	ssyncset.done $0x0  }
0x60: {  	[sflag:s26] =	ssyncadd.s32 $0xFFFFC000  }
0x61: {  	_ =	swait.ge [sflag:s7], $0x4000  }
0x62: {  	[sflag:s7] =	ssyncset.done $0x0  }
0x63: {  	[sflag:s7] =	ssyncadd.s32 $0xFFFFC000  }
0x64: {  	[spmem:s2] =	stream.indirect.scatter.add.f32 [tilespmem:s5], [sflag:$0x3], $0x80, s12, s30, $0xb8;
	[tilespmem:$0x1F400] =	vst v63  }
0x65: {  	_ =	swait.ge [sflag:s26], $0x4000  }
0x66: {  	[sflag:s26] =	ssyncset.done $0x0  }
0x67: {  	s25 =	simm.s32 $0x0;
	s16 =	rddreg [dreg:$0x9];
	[sflag:s26] =	ssyncadd.s32 $0xFFFFC000  }
0x68: {  	[tilespmem:s28], [sflag:$0x3] =	stream.linear.gather [hbm4b:s16+s25], $0x1400, $0x38;
	[tilespmem:$0x1F400] =	vst v63  }
0x69: {  	_ =	swait.ge [sflag:s26], $0x1400  }
0x6a: {  	[sflag:s26] =	ssyncset.done $0x0  }
0x6b: {  	[sflag:s26] =	ssyncadd.s32 $0xFFFFEC00  }
0x6c: {  	[tilespmem:s29], [sflag:$0x3] =	stream.linear.gather [hbm4b:s13+s25], $0x1400, $0x38;
	[tilespmem:$0x1F400] =	vst v63  }
0x6d: {  	_ =	swait.ge [sflag:s26], $0x1400  }
0x6e: {  	[sflag:s26] =	ssyncset.done $0x0  }
0x6f: {  	[sflag:s26] =	ssyncadd.s32 $0xFFFFEC00  }
0x70: {  	[tilespmem:s31], [sflag:$0x1] =	stream.indirect.gather [spmem:s3], $0x80, s28, s30, $0xb8;
	[tilespmem:$0x1F400] =	vst v63  }
0x71: {  	_ = 	snop  }
0x72: {  	[tilespmem:s5], [sflag:$0x2] =	stream.indirect.gather [spmem:s3], $0x80, s0, s30, $0xb8;
	[tilespmem:$0x1F400] =	vst v63  }
0x73: {  	_ =	swait.ge [sflag:s6], $0x4000  }
0x74: {  	[sflag:s6] =	ssyncset.done $0x0  }
0x75: {  	s25 =	simm.s32 $0x16000;
	[sflag:s6] =	ssyncadd.s32 $0xFFFFC000  }
0x76: {  	[spmem:s2] =	stream.indirect.scatter.add.f32 [tilespmem:s31], [sflag:$0x3], $0x80, s25, s30, $0xb8;
	[tilespmem:$0x1F400] =	vst v63  }
0x77: {  	_ =	swait.ge [sflag:s26], $0x4000  }
0x78: {  	[sflag:s26] =	ssyncset.done $0x0  }
0x79: {  	s16 =	simm.s32 $0x14D00;
	[sflag:s26] =	ssyncadd.s32 $0xFFFFC000  }
0x7a: {  	[tilespmem:s31], [sflag:$0x1] =	stream.indirect.gather [spmem:s3], $0x80, s16, s30, $0xb8;
	[tilespmem:$0x1F400] =	vst v63  }
0x7b: {  	_ =	swait.ge [sflag:s7], $0x4000  }
0x7c: {  	[sflag:s7] =	ssyncset.done $0x0  }
0x7d: {  	s25 =	simm.s32 $0x16080;
	[sflag:s7] =	ssyncadd.s32 $0xFFFFC000  }
0x7e: {  	[spmem:s2] =	stream.indirect.scatter.add.f32 [tilespmem:s5], [sflag:$0x3], $0x80, s25, s30, $0xb8;
	[tilespmem:$0x1F400] =	vst v63  }
0x7f: {  	_ =	swait.ge [sflag:s26], $0x4000  }
0x80: {  	[sflag:s26] =	ssyncset.done $0x0  }
0x81: {  	s14 =	simm.s32 $0x14D80;
	s25 =	simm.s32 $0x400;
	[sflag:s26] =	ssyncadd.s32 $0xFFFFC000  }
.LBB2_4:
0x82: {  	[tilespmem:s5], [sflag:$0x2] =	stream.indirect.gather [spmem:s3], $0x80, s14, s30, $0xb8;
	[tilespmem:$0x1F400] =	vst v63  }
0x83: {  	s14 =	smov.u32 s25  }
0x84: {  	p1 =	sne.s32 s25, $0x4800;
	s25 =	sadd.s32 $0x400, s25;
	_ =	swait.ge [sflag:s6], $0x4000  }
0x85: {  	s14 =	sshra.s32 s14, $0x2;
	[sflag:s6] =	ssyncset.done $0x0  }
0x86: {  	s16 =	sadd.s32 $0x16000, s14;
	[sflag:s6] =	ssyncadd.s32 $0xFFFFC000  }
0x87: {  	[spmem:s2] =	stream.indirect.scatter.add.f32 [tilespmem:s31], [sflag:$0x3], $0x80, s16, s30, $0xb8;
	[tilespmem:$0x1F400] =	vst v63  }
0x88: {  	_ =	swait.ge [sflag:s26], $0x4000  }
0x89: {  	[sflag:s26] =	ssyncset.done $0x0  }
0x8a: {  	s16 =	sadd.s32 $0x14D00, s14;
	[sflag:s26] =	ssyncadd.s32 $0xFFFFC000  }
0x8b: {  	[tilespmem:s31], [sflag:$0x1] =	stream.indirect.gather [spmem:s3], $0x80, s16, s30, $0xb8;
	[tilespmem:$0x1F400] =	vst v63  }
0x8c: {  	_ =	swait.ge [sflag:s7], $0x4000  }
0x8d: {  	[sflag:s7] =	ssyncset.done $0x0  }
.Ltmp1:
0x8e: {  	s16 =	sadd.s32 $0x16080, s14;
	[sflag:s7] =	ssyncadd.s32 $0xFFFFC000;
	(pc) =	sbr.rel @p1 .LBB2_4-.Ltmp1, $4  }
0x8f: {  	[spmem:s2] =	stream.indirect.scatter.add.f32 [tilespmem:s5], [sflag:$0x3], $0x80, s16, s30, $0xb8;
	[tilespmem:$0x1F400] =	vst v63  }
0x90: {  	_ =	swait.ge [sflag:s26], $0x4000  }
0x91: {  	[sflag:s26] =	ssyncset.done $0x0  }
0x92: {  	s14 =	sadd.s32 $0x14D80, s14;
	[sflag:s26] =	ssyncadd.s32 $0xFFFFC000  }
0x93: {  	[tilespmem:s5], [sflag:$0x2] =	stream.indirect.gather [spmem:s3], $0x80, s14, s30, $0xb8;
	[tilespmem:$0x1F400] =	vst v63  }
0x94: {  	_ =	swait.ge [sflag:s6], $0x4000  }
0x95: {  	[sflag:s6] =	ssyncset.done $0x0  }
0x96: {  	[sflag:s6] =	ssyncadd.s32 $0xFFFFC000  }
0x97: {  	[spmem:s2] =	stream.indirect.scatter.add.f32 [tilespmem:s31], [sflag:$0x3], $0x80, s10, s30, $0xb8;
	[tilespmem:$0x1F400] =	vst v63  }
0x98: {  	_ =	swait.ge [sflag:s26], $0x4000  }
0x99: {  	[sflag:s26] =	ssyncset.done $0x0  }
0x9a: {  	[sflag:s26] =	ssyncadd.s32 $0xFFFFC000  }
0x9b: {  	_ =	swait.ge [sflag:s7], $0x4000  }
0x9c: {  	[sflag:s7] =	ssyncset.done $0x0  }
0x9d: {  	[sflag:s7] =	ssyncadd.s32 $0xFFFFC000  }
0x9e: {  	[spmem:s2] =	stream.indirect.scatter.add.f32 [tilespmem:s5], [sflag:$0x3], $0x80, s12, s30, $0xb8;
	[tilespmem:$0x1F400] =	vst v63  }
0x9f: {  	_ =	swait.ge [sflag:s26], $0x4000  }
0xa0: {  	[sflag:s26] =	ssyncset.done $0x0  }
0xa1: {  	s25 =	simm.s32 $0x0;
	s16 =	rddreg [dreg:$0xa];
	[sflag:s26] =	ssyncadd.s32 $0xFFFFC000  }
0xa2: {  	[tilespmem:s28], [sflag:$0x3] =	stream.linear.gather [hbm4b:s16+s25], $0x1400, $0x38;
	[tilespmem:$0x1F400] =	vst v63  }
0xa3: {  	_ =	swait.ge [sflag:s26], $0x1400  }
0xa4: {  	[sflag:s26] =	ssyncset.done $0x0  }
0xa5: {  	[sflag:s26] =	ssyncadd.s32 $0xFFFFEC00  }
0xa6: {  	[tilespmem:s29], [sflag:$0x3] =	stream.linear.gather [hbm4b:s15+s25], $0x1400, $0x38;
	[tilespmem:$0x1F400] =	vst v63  }
0xa7: {  	_ =	swait.ge [sflag:s26], $0x1400  }
0xa8: {  	[sflag:s26] =	ssyncset.done $0x0  }
0xa9: {  	[sflag:s26] =	ssyncadd.s32 $0xFFFFEC00  }
0xaa: {  	[tilespmem:s31], [sflag:$0x1] =	stream.indirect.gather [spmem:s3], $0x80, s28, s30, $0xb8;
	[tilespmem:$0x1F400] =	vst v63  }
0xab: {  	_ = 	snop  }
0xac: {  	[tilespmem:s5], [sflag:$0x2] =	stream.indirect.gather [spmem:s3], $0x80, s0, s30, $0xb8;
	[tilespmem:$0x1F400] =	vst v63  }
0xad: {  	_ =	swait.ge [sflag:s6], $0x4000  }
0xae: {  	[sflag:s6] =	ssyncset.done $0x0  }
0xaf: {  	s25 =	simm.s32 $0x16000;
	[sflag:s6] =	ssyncadd.s32 $0xFFFFC000  }
0xb0: {  	[spmem:s2] =	stream.indirect.scatter.add.f32 [tilespmem:s31], [sflag:$0x3], $0x80, s25, s30, $0xb8;
	[tilespmem:$0x1F400] =	vst v63  }
0xb1: {  	_ =	swait.ge [sflag:s26], $0x4000  }
0xb2: {  	[sflag:s26] =	ssyncset.done $0x0  }
0xb3: {  	s16 =	simm.s32 $0x14D00;
	[sflag:s26] =	ssyncadd.s32 $0xFFFFC000  }
0xb4: {  	[tilespmem:s31], [sflag:$0x1] =	stream.indirect.gather [spmem:s3], $0x80, s16, s30, $0xb8;
	[tilespmem:$0x1F400] =	vst v63  }
0xb5: {  	_ =	swait.ge [sflag:s7], $0x4000  }
0xb6: {  	[sflag:s7] =	ssyncset.done $0x0  }
0xb7: {  	s25 =	simm.s32 $0x16080;
	[sflag:s7] =	ssyncadd.s32 $0xFFFFC000  }
0xb8: {  	[spmem:s2] =	stream.indirect.scatter.add.f32 [tilespmem:s5], [sflag:$0x3], $0x80, s25, s30, $0xb8;
	[tilespmem:$0x1F400] =	vst v63  }
0xb9: {  	_ =	swait.ge [sflag:s26], $0x4000  }
0xba: {  	[sflag:s26] =	ssyncset.done $0x0  }
0xbb: {  	s14 =	simm.s32 $0x14D80;
	s25 =	simm.s32 $0x400;
	[sflag:s26] =	ssyncadd.s32 $0xFFFFC000  }
.LBB2_6:
0xbc: {  	[tilespmem:s5], [sflag:$0x2] =	stream.indirect.gather [spmem:s3], $0x80, s14, s30, $0xb8;
	[tilespmem:$0x1F400] =	vst v63  }
0xbd: {  	s14 =	smov.u32 s25  }
0xbe: {  	p1 =	sne.s32 s25, $0x4800;
	s25 =	sadd.s32 $0x400, s25;
	_ =	swait.ge [sflag:s6], $0x4000  }
0xbf: {  	s14 =	sshra.s32 s14, $0x2;
	[sflag:s6] =	ssyncset.done $0x0  }
0xc0: {  	s16 =	sadd.s32 $0x16000, s14;
	[sflag:s6] =	ssyncadd.s32 $0xFFFFC000  }
0xc1: {  	[spmem:s2] =	stream.indirect.scatter.add.f32 [tilespmem:s31], [sflag:$0x3], $0x80, s16, s30, $0xb8;
	[tilespmem:$0x1F400] =	vst v63  }
0xc2: {  	_ =	swait.ge [sflag:s26], $0x4000  }
0xc3: {  	[sflag:s26] =	ssyncset.done $0x0  }
0xc4: {  	s16 =	sadd.s32 $0x14D00, s14;
	[sflag:s26] =	ssyncadd.s32 $0xFFFFC000  }
0xc5: {  	[tilespmem:s31], [sflag:$0x1] =	stream.indirect.gather [spmem:s3], $0x80, s16, s30, $0xb8;
	[tilespmem:$0x1F400] =	vst v63  }
0xc6: {  	_ =	swait.ge [sflag:s7], $0x4000  }
0xc7: {  	[sflag:s7] =	ssyncset.done $0x0  }
.Ltmp2:
0xc8: {  	s16 =	sadd.s32 $0x16080, s14;
	[sflag:s7] =	ssyncadd.s32 $0xFFFFC000;
	(pc) =	sbr.rel @p1 .LBB2_6-.Ltmp2, $4  }
0xc9: {  	[spmem:s2] =	stream.indirect.scatter.add.f32 [tilespmem:s5], [sflag:$0x3], $0x80, s16, s30, $0xb8;
	[tilespmem:$0x1F400] =	vst v63  }
0xca: {  	_ =	swait.ge [sflag:s26], $0x4000  }
0xcb: {  	[sflag:s26] =	ssyncset.done $0x0  }
0xcc: {  	s14 =	sadd.s32 $0x14D80, s14;
	[sflag:s26] =	ssyncadd.s32 $0xFFFFC000  }
0xcd: {  	[tilespmem:s5], [sflag:$0x2] =	stream.indirect.gather [spmem:s3], $0x80, s14, s30, $0xb8;
	[tilespmem:$0x1F400] =	vst v63  }
0xce: {  	_ =	swait.ge [sflag:s6], $0x4000  }
0xcf: {  	[sflag:s6] =	ssyncset.done $0x0  }
0xd0: {  	[sflag:s6] =	ssyncadd.s32 $0xFFFFC000  }
0xd1: {  	[spmem:s2] =	stream.indirect.scatter.add.f32 [tilespmem:s31], [sflag:$0x3], $0x80, s10, s30, $0xb8;
	[tilespmem:$0x1F400] =	vst v63  }
0xd2: {  	_ =	swait.ge [sflag:s26], $0x4000  }
0xd3: {  	[sflag:s26] =	ssyncset.done $0x0  }
0xd4: {  	[sflag:s26] =	ssyncadd.s32 $0xFFFFC000  }
0xd5: {  	_ =	swait.ge [sflag:s7], $0x4000  }
0xd6: {  	[sflag:s7] =	ssyncset.done $0x0  }
0xd7: {  	[sflag:s7] =	ssyncadd.s32 $0xFFFFC000  }
0xd8: {  	[spmem:s2] =	stream.indirect.scatter.add.f32 [tilespmem:s5], [sflag:$0x3], $0x80, s12, s30, $0xb8;
	[tilespmem:$0x1F400] =	vst v63  }
0xd9: {  	_ =	swait.ge [sflag:s26], $0x4000  }
0xda: {  	[sflag:s26] =	ssyncset.done $0x0  }
0xdb: {  	s25 =	simm.s32 $0x0;
	s16 =	rddreg [dreg:$0xb];
	[sflag:s26] =	ssyncadd.s32 $0xFFFFC000  }
0xdc: {  	[tilespmem:s28], [sflag:$0x3] =	stream.linear.gather [hbm4b:s16+s25], $0x1400, $0x38;
	[tilespmem:$0x1F400] =	vst v63  }
0xdd: {  	_ =	swait.ge [sflag:s26], $0x1400  }
0xde: {  	[sflag:s26] =	ssyncset.done $0x0  }
0xdf: {  	[sflag:s26] =	ssyncadd.s32 $0xFFFFEC00  }
0xe0: {  	[tilespmem:s29], [sflag:$0x3] =	stream.linear.gather [hbm4b:s17+s25], $0x1400, $0x38;
	[tilespmem:$0x1F400] =	vst v63  }
0xe1: {  	_ =	swait.ge [sflag:s26], $0x1400  }
0xe2: {  	[sflag:s26] =	ssyncset.done $0x0  }
0xe3: {  	[sflag:s26] =	ssyncadd.s32 $0xFFFFEC00  }
0xe4: {  	[tilespmem:s31], [sflag:$0x1] =	stream.indirect.gather [spmem:s3], $0x80, s28, s30, $0xb8;
	[tilespmem:$0x1F400] =	vst v63  }
0xe5: {  	_ = 	snop  }
0xe6: {  	[tilespmem:s5], [sflag:$0x2] =	stream.indirect.gather [spmem:s3], $0x80, s0, s30, $0xb8;
	[tilespmem:$0x1F400] =	vst v63  }
0xe7: {  	_ =	swait.ge [sflag:s6], $0x4000  }
0xe8: {  	[sflag:s6] =	ssyncset.done $0x0  }
0xe9: {  	s25 =	simm.s32 $0x16000;
	[sflag:s6] =	ssyncadd.s32 $0xFFFFC000  }
0xea: {  	[spmem:s2] =	stream.indirect.scatter.add.f32 [tilespmem:s31], [sflag:$0x3], $0x80, s25, s30, $0xb8;
	[tilespmem:$0x1F400] =	vst v63  }
0xeb: {  	_ =	swait.ge [sflag:s26], $0x4000  }
0xec: {  	[sflag:s26] =	ssyncset.done $0x0  }
0xed: {  	s16 =	simm.s32 $0x14D00;
	[sflag:s26] =	ssyncadd.s32 $0xFFFFC000  }
0xee: {  	[tilespmem:s31], [sflag:$0x1] =	stream.indirect.gather [spmem:s3], $0x80, s16, s30, $0xb8;
	[tilespmem:$0x1F400] =	vst v63  }
0xef: {  	_ =	swait.ge [sflag:s7], $0x4000  }
0xf0: {  	[sflag:s7] =	ssyncset.done $0x0  }
0xf1: {  	s25 =	simm.s32 $0x16080;
	[sflag:s7] =	ssyncadd.s32 $0xFFFFC000  }
0xf2: {  	[spmem:s2] =	stream.indirect.scatter.add.f32 [tilespmem:s5], [sflag:$0x3], $0x80, s25, s30, $0xb8;
	[tilespmem:$0x1F400] =	vst v63  }
0xf3: {  	_ =	swait.ge [sflag:s26], $0x4000  }
0xf4: {  	[sflag:s26] =	ssyncset.done $0x0  }
0xf5: {  	s14 =	simm.s32 $0x14D80;
	s25 =	simm.s32 $0x400;
	[sflag:s26] =	ssyncadd.s32 $0xFFFFC000  }
.LBB2_8:
0xf6: {  	[tilespmem:s5], [sflag:$0x2] =	stream.indirect.gather [spmem:s3], $0x80, s14, s30, $0xb8;
	[tilespmem:$0x1F400] =	vst v63  }
0xf7: {  	s14 =	smov.u32 s25  }
0xf8: {  	p1 =	sne.s32 s25, $0x4800;
	s25 =	sadd.s32 $0x400, s25;
	_ =	swait.ge [sflag:s6], $0x4000  }
0xf9: {  	s14 =	sshra.s32 s14, $0x2;
	[sflag:s6] =	ssyncset.done $0x0  }
0xfa: {  	s16 =	sadd.s32 $0x16000, s14;
	[sflag:s6] =	ssyncadd.s32 $0xFFFFC000  }
0xfb: {  	[spmem:s2] =	stream.indirect.scatter.add.f32 [tilespmem:s31], [sflag:$0x3], $0x80, s16, s30, $0xb8;
	[tilespmem:$0x1F400] =	vst v63  }
0xfc: {  	_ =	swait.ge [sflag:s26], $0x4000  }
0xfd: {  	[sflag:s26] =	ssyncset.done $0x0  }
0xfe: {  	s16 =	sadd.s32 $0x14D00, s14;
	[sflag:s26] =	ssyncadd.s32 $0xFFFFC000  }
0xff: {  	[tilespmem:s31], [sflag:$0x1] =	stream.indirect.gather [spmem:s3], $0x80, s16, s30, $0xb8;
	[tilespmem:$0x1F400] =	vst v63  }
0x100: {  	_ =	swait.ge [sflag:s7], $0x4000  }
0x101: {  	[sflag:s7] =	ssyncset.done $0x0  }
.Ltmp3:
0x102: {  	s16 =	sadd.s32 $0x16080, s14;
	[sflag:s7] =	ssyncadd.s32 $0xFFFFC000;
	(pc) =	sbr.rel @p1 .LBB2_8-.Ltmp3, $4  }
0x103: {  	[spmem:s2] =	stream.indirect.scatter.add.f32 [tilespmem:s5], [sflag:$0x3], $0x80, s16, s30, $0xb8;
	[tilespmem:$0x1F400] =	vst v63  }
0x104: {  	_ =	swait.ge [sflag:s26], $0x4000  }
0x105: {  	[sflag:s26] =	ssyncset.done $0x0  }
0x106: {  	s14 =	sadd.s32 $0x14D80, s14;
	[sflag:s26] =	ssyncadd.s32 $0xFFFFC000  }
0x107: {  	[tilespmem:s5], [sflag:$0x2] =	stream.indirect.gather [spmem:s3], $0x80, s14, s30, $0xb8;
	[tilespmem:$0x1F400] =	vst v63  }
0x108: {  	_ =	swait.ge [sflag:s6], $0x4000  }
0x109: {  	[sflag:s6] =	ssyncset.done $0x0  }
0x10a: {  	[sflag:s6] =	ssyncadd.s32 $0xFFFFC000  }
0x10b: {  	[spmem:s2] =	stream.indirect.scatter.add.f32 [tilespmem:s31], [sflag:$0x3], $0x80, s10, s30, $0xb8;
	[tilespmem:$0x1F400] =	vst v63  }
0x10c: {  	_ =	swait.ge [sflag:s26], $0x4000  }
0x10d: {  	[sflag:s26] =	ssyncset.done $0x0  }
0x10e: {  	[sflag:s26] =	ssyncadd.s32 $0xFFFFC000  }
0x10f: {  	_ =	swait.ge [sflag:s7], $0x4000  }
0x110: {  	[sflag:s7] =	ssyncset.done $0x0  }
0x111: {  	[sflag:s7] =	ssyncadd.s32 $0xFFFFC000  }
0x112: {  	[spmem:s2] =	stream.indirect.scatter.add.f32 [tilespmem:s5], [sflag:$0x3], $0x80, s12, s30, $0xb8;
	[tilespmem:$0x1F400] =	vst v63  }
0x113: {  	_ =	swait.ge [sflag:s26], $0x4000  }
0x114: {  	[sflag:s26] =	ssyncset.done $0x0  }
0x115: {  	[sflag:s26] =	ssyncadd.s32 $0xFFFFC000  }
0x116: {  	[bflag:$0x0] =	sbarrier.arrive $0xFFFF  }
0x117: {  	s16 =	rddreg [dreg:$0x10]  }
0x118: {  	[hbm:s16], [sflag:s9] =	dma.local [spmem:s24], $0x2780  }
0x119: {  	_ =	swait.ge [sflag:s26], $0x2780  }
0x11a: {  	[sflag:s26] =	ssyncset.done $0x0  }
0x11b: {  	[sflag:s26] =	ssyncadd.s32 $0xFFFFD880  }
0x11c: {  	[bflag:$0x0] =	sbarrier.arrive $0xFFFF  }
0x11d: {  	[spmem:s24], [sflag:s9] =	dma.local [hbm:s8], $0x2780  }
0x11e: {  	_ =	swait.ge [sflag:s26], $0x2780  }
0x11f: {  	[sflag:s26] =	ssyncset.done $0x0  }
0x120: {  	s25 =	rddreg [dreg:$0x6];
	[sflag:s26] =	ssyncadd.s32 $0xFFFFD880  }
0x121: {  	[tilespmem:s31], [sflag:$0x3] =	stream.linear.gather [hbm4b:s25+s4], $0x4000, $0x38;
	[tilespmem:$0x1F400] =	vst v63  }
0x122: {  	_ =	swait.ge [sflag:s26], $0x4000  }
0x123: {  	[sflag:s26] =	ssyncset.done $0x0  }
0x124: {  	[sflag:s26] =	ssyncadd.s32 $0xFFFFC000  }
0x125: {  	[bflag:$0x0] =	sbarrier.arrive $0xFFFF  }
0x126: {  	[tilespmem:s29], [sflag:$0x3] =	stream.linear.gather [hbm4b:s11+s4], $0x1400, $0x38;
	[tilespmem:$0x1F400] =	vst v63  }
0x127: {  	_ =	swait.ge [sflag:s26], $0x1400  }
0x128: {  	[sflag:s26] =	ssyncset.done $0x0  }
0x129: {  	[sflag:s26] =	ssyncadd.s32 $0xFFFFEC00  }
0x12a: {  	[spmem:s2] =	stream.indirect.scatter.add.f32 [tilespmem:s31], [sflag:$0x1], $0x80, s29, s30, $0xb8;
	[tilespmem:$0x1F400] =	vst v63  }
0x12b: {  	s14 =	simm.s32 $0x16080  }
0x12c: {  	[spmem:s2] =	stream.indirect.scatter.add.f32 [tilespmem:s31], [sflag:$0x1], $0x80, s14, s30, $0xb8;
	[tilespmem:$0x1F400] =	vst v63  }
0x12d: {  	s16 =	simm.s32 $0x16100  }
0x12e: {  	[spmem:s2] =	stream.indirect.scatter.add.f32 [tilespmem:s31], [sflag:$0x1], $0x80, s16, s30, $0xb8;
	[tilespmem:$0x1F400] =	vst v63  }
0x12f: {  	s25 =	simm.s32 $0x16180  }
0x130: {  	[spmem:s2] =	stream.indirect.scatter.add.f32 [tilespmem:s31], [sflag:$0x1], $0x80, s25, s30, $0xb8;
	[tilespmem:$0x1F400] =	vst v63  }
0x131: {  	s25 =	simm.s32 $0x16200  }
0x132: {  	[spmem:s2] =	stream.indirect.scatter.add.f32 [tilespmem:s31], [sflag:$0x1], $0x80, s25, s30, $0xb8;
	[tilespmem:$0x1F400] =	vst v63  }
0x133: {  	s25 =	simm.s32 $0x16280  }
0x134: {  	[spmem:s2] =	stream.indirect.scatter.add.f32 [tilespmem:s31], [sflag:$0x1], $0x80, s25, s30, $0xb8;
	[tilespmem:$0x1F400] =	vst v63  }
0x135: {  	s25 =	simm.s32 $0x16300  }
0x136: {  	[spmem:s2] =	stream.indirect.scatter.add.f32 [tilespmem:s31], [sflag:$0x1], $0x80, s25, s30, $0xb8;
	[tilespmem:$0x1F400] =	vst v63  }
0x137: {  	s25 =	simm.s32 $0x16380  }
0x138: {  	[spmem:s2] =	stream.indirect.scatter.add.f32 [tilespmem:s31], [sflag:$0x1], $0x80, s25, s30, $0xb8;
	[tilespmem:$0x1F400] =	vst v63  }
0x139: {  	s25 =	simm.s32 $0x16400  }
0x13a: {  	[spmem:s2] =	stream.indirect.scatter.add.f32 [tilespmem:s31], [sflag:$0x1], $0x80, s25, s30, $0xb8;
	[tilespmem:$0x1F400] =	vst v63  }
0x13b: {  	s25 =	simm.s32 $0x16480  }
0x13c: {  	[spmem:s2] =	stream.indirect.scatter.add.f32 [tilespmem:s31], [sflag:$0x1], $0x80, s25, s30, $0xb8;
	[tilespmem:$0x1F400] =	vst v63  }
0x13d: {  	s25 =	simm.s32 $0x16500  }
0x13e: {  	[spmem:s2] =	stream.indirect.scatter.add.f32 [tilespmem:s31], [sflag:$0x1], $0x80, s25, s30, $0xb8;
	[tilespmem:$0x1F400] =	vst v63  }
0x13f: {  	s25 =	simm.s32 $0x16580  }
0x140: {  	[spmem:s2] =	stream.indirect.scatter.add.f32 [tilespmem:s31], [sflag:$0x1], $0x80, s25, s30, $0xb8;
	[tilespmem:$0x1F400] =	vst v63  }
0x141: {  	s25 =	simm.s32 $0x16600  }
0x142: {  	[spmem:s2] =	stream.indirect.scatter.add.f32 [tilespmem:s31], [sflag:$0x1], $0x80, s25, s30, $0xb8;
	[tilespmem:$0x1F400] =	vst v63  }
0x143: {  	s25 =	simm.s32 $0x16680  }
0x144: {  	[spmem:s2] =	stream.indirect.scatter.add.f32 [tilespmem:s31], [sflag:$0x1], $0x80, s25, s30, $0xb8;
	[tilespmem:$0x1F400] =	vst v63  }
0x145: {  	s25 =	simm.s32 $0x16700  }
0x146: {  	[spmem:s2] =	stream.indirect.scatter.add.f32 [tilespmem:s31], [sflag:$0x1], $0x80, s25, s30, $0xb8;
	[tilespmem:$0x1F400] =	vst v63  }
0x147: {  	s25 =	simm.s32 $0x16780  }
0x148: {  	[spmem:s2] =	stream.indirect.scatter.add.f32 [tilespmem:s31], [sflag:$0x1], $0x80, s25, s30, $0xb8;
	[tilespmem:$0x1F400] =	vst v63  }
0x149: {  	s25 =	simm.s32 $0x16800  }
0x14a: {  	[spmem:s2] =	stream.indirect.scatter.add.f32 [tilespmem:s31], [sflag:$0x1], $0x80, s25, s30, $0xb8;
	[tilespmem:$0x1F400] =	vst v63  }
0x14b: {  	s25 =	simm.s32 $0x16880  }
0x14c: {  	[spmem:s2] =	stream.indirect.scatter.add.f32 [tilespmem:s31], [sflag:$0x1], $0x80, s25, s30, $0xb8;
	[tilespmem:$0x1F400] =	vst v63  }
0x14d: {  	s25 =	simm.s32 $0x16900  }
0x14e: {  	[spmem:s2] =	stream.indirect.scatter.add.f32 [tilespmem:s31], [sflag:$0x1], $0x80, s25, s30, $0xb8;
	[tilespmem:$0x1F400] =	vst v63  }
0x14f: {  	s25 =	simm.s32 $0x16980  }
0x150: {  	[spmem:s2] =	stream.indirect.scatter.add.f32 [tilespmem:s31], [sflag:$0x1], $0x80, s25, s30, $0xb8;
	[tilespmem:$0x1F400] =	vst v63  }
0x151: {  	s25 =	simm.s32 $0x16A00  }
0x152: {  	[spmem:s2] =	stream.indirect.scatter.add.f32 [tilespmem:s31], [sflag:$0x1], $0x80, s25, s30, $0xb8;
	[tilespmem:$0x1F400] =	vst v63  }
0x153: {  	s25 =	simm.s32 $0x16A80  }
0x154: {  	[spmem:s2] =	stream.indirect.scatter.add.f32 [tilespmem:s31], [sflag:$0x1], $0x80, s25, s30, $0xb8;
	[tilespmem:$0x1F400] =	vst v63  }
0x155: {  	s25 =	simm.s32 $0x16B00  }
0x156: {  	[spmem:s2] =	stream.indirect.scatter.add.f32 [tilespmem:s31], [sflag:$0x1], $0x80, s25, s30, $0xb8;
	[tilespmem:$0x1F400] =	vst v63  }
0x157: {  	s25 =	simm.s32 $0x16B80  }
0x158: {  	[spmem:s2] =	stream.indirect.scatter.add.f32 [tilespmem:s31], [sflag:$0x1], $0x80, s25, s30, $0xb8;
	[tilespmem:$0x1F400] =	vst v63  }
0x159: {  	s25 =	simm.s32 $0x16C00  }
0x15a: {  	[spmem:s2] =	stream.indirect.scatter.add.f32 [tilespmem:s31], [sflag:$0x1], $0x80, s25, s30, $0xb8;
	[tilespmem:$0x1F400] =	vst v63  }
0x15b: {  	s25 =	simm.s32 $0x16C80  }
0x15c: {  	[spmem:s2] =	stream.indirect.scatter.add.f32 [tilespmem:s31], [sflag:$0x1], $0x80, s25, s30, $0xb8;
	[tilespmem:$0x1F400] =	vst v63  }
0x15d: {  	s25 =	simm.s32 $0x16D00  }
0x15e: {  	[spmem:s2] =	stream.indirect.scatter.add.f32 [tilespmem:s31], [sflag:$0x1], $0x80, s25, s30, $0xb8;
	[tilespmem:$0x1F400] =	vst v63  }
0x15f: {  	s25 =	simm.s32 $0x16D80  }
0x160: {  	[spmem:s2] =	stream.indirect.scatter.add.f32 [tilespmem:s31], [sflag:$0x1], $0x80, s25, s30, $0xb8;
	[tilespmem:$0x1F400] =	vst v63  }
0x161: {  	s25 =	simm.s32 $0x16E00  }
0x162: {  	[spmem:s2] =	stream.indirect.scatter.add.f32 [tilespmem:s31], [sflag:$0x1], $0x80, s25, s30, $0xb8;
	[tilespmem:$0x1F400] =	vst v63  }
0x163: {  	s25 =	simm.s32 $0x16E80  }
0x164: {  	[spmem:s2] =	stream.indirect.scatter.add.f32 [tilespmem:s31], [sflag:$0x1], $0x80, s25, s30, $0xb8;
	[tilespmem:$0x1F400] =	vst v63  }
0x165: {  	s25 =	simm.s32 $0x16F00  }
0x166: {  	[spmem:s2] =	stream.indirect.scatter.add.f32 [tilespmem:s31], [sflag:$0x1], $0x80, s25, s30, $0xb8;
	[tilespmem:$0x1F400] =	vst v63  }
0x167: {  	s25 =	simm.s32 $0x16F80  }
0x168: {  	[spmem:s2] =	stream.indirect.scatter.add.f32 [tilespmem:s31], [sflag:$0x1], $0x80, s25, s30, $0xb8;
	[tilespmem:$0x1F400] =	vst v63  }
0x169: {  	s25 =	simm.s32 $0x17000  }
0x16a: {  	[spmem:s2] =	stream.indirect.scatter.add.f32 [tilespmem:s31], [sflag:$0x1], $0x80, s25, s30, $0xb8;
	[tilespmem:$0x1F400] =	vst v63  }
0x16b: {  	_ = 	snop  }
0x16c: {  	[spmem:s2] =	stream.indirect.scatter.add.f32 [tilespmem:s31], [sflag:$0x1], $0x80, s18, s30, $0xb8;
	[tilespmem:$0x1F400] =	vst v63  }
0x16d: {  	_ = 	snop  }
0x16e: {  	[spmem:s2] =	stream.indirect.scatter.add.f32 [tilespmem:s31], [sflag:$0x1], $0x80, s19, s30, $0xb8;
	[tilespmem:$0x1F400] =	vst v63  }
0x16f: {  	_ = 	snop  }
0x170: {  	[spmem:s2] =	stream.indirect.scatter.add.f32 [tilespmem:s31], [sflag:$0x1], $0x80, s20, s30, $0xb8;
	[tilespmem:$0x1F400] =	vst v63  }
0x171: {  	_ = 	snop  }
0x172: {  	[spmem:s2] =	stream.indirect.scatter.add.f32 [tilespmem:s31], [sflag:$0x1], $0x80, s21, s30, $0xb8;
	[tilespmem:$0x1F400] =	vst v63  }
0x173: {  	_ = 	snop  }
0x174: {  	[spmem:s2] =	stream.indirect.scatter.add.f32 [tilespmem:s31], [sflag:$0x1], $0x80, s22, s30, $0xb8;
	[tilespmem:$0x1F400] =	vst v63  }
0x175: {  	_ = 	snop  }
0x176: {  	[spmem:s2] =	stream.indirect.scatter.add.f32 [tilespmem:s31], [sflag:$0x1], $0x80, s10, s30, $0xb8;
	[tilespmem:$0x1F400] =	vst v63  }
0x177: {  	_ = 	snop  }
0x178: {  	[spmem:s2] =	stream.indirect.scatter.add.f32 [tilespmem:s31], [sflag:$0x1], $0x80, s12, s30, $0xb8;
	[tilespmem:$0x1F400] =	vst v63  }
0x179: {  	_ =	swait.ge [sflag:s6], $0x4000  }
0x17a: {  	s25 =	simm.s32 $0x27;
	[sflag:s6] =	ssyncset.done $0x0  }
.LBB2_10:
0x17b: {  	p1 =	sne.s32 s25, $0x1;
	s25 =	sadd.s32 $0xFFFFFFFF, s25;
	[sflag:s6] =	ssyncadd.s32 $0xFFFFC000  }
.Ltmp4:
0x17c: {  	(pc) =	sbr.rel @p1 .LBB2_10-.Ltmp4, $3  }
0x17d: {  	_ =	sdelay $0x1  }
0x17e: {  	_ =	swait.ge [sflag:s6], $0x4000  }
0x17f: {  	[sflag:s6] =	ssyncset.done $0x0  }
0x180: {  	[sflag:s6] =	ssyncadd.s32 $0xFFFFC000  }
0x181: {  	[tilespmem:s29], [sflag:$0x3] =	stream.linear.gather [hbm4b:s13+s4], $0x1400, $0x38;
	[tilespmem:$0x1F400] =	vst v63  }
0x182: {  	_ =	swait.ge [sflag:s26], $0x1400  }
0x183: {  	[sflag:s26] =	ssyncset.done $0x0  }
0x184: {  	[sflag:s26] =	ssyncadd.s32 $0xFFFFEC00  }
0x185: {  	[spmem:s2] =	stream.indirect.scatter.add.f32 [tilespmem:s31], [sflag:$0x1], $0x80, s29, s30, $0xb8;
	[tilespmem:$0x1F400] =	vst v63  }
0x186: {  	_ = 	snop  }
0x187: {  	[spmem:s2] =	stream.indirect.scatter.add.f32 [tilespmem:s31], [sflag:$0x1], $0x80, s14, s30, $0xb8;
	[tilespmem:$0x1F400] =	vst v63  }
0x188: {  	_ = 	snop  }
0x189: {  	[spmem:s2] =	stream.indirect.scatter.add.f32 [tilespmem:s31], [sflag:$0x1], $0x80, s16, s30, $0xb8;
	[tilespmem:$0x1F400] =	vst v63  }
0x18a: {  	s25 =	simm.s32 $0x16180  }
0x18b: {  	[spmem:s2] =	stream.indirect.scatter.add.f32 [tilespmem:s31], [sflag:$0x1], $0x80, s25, s30, $0xb8;
	[tilespmem:$0x1F400] =	vst v63  }
0x18c: {  	s25 =	simm.s32 $0x16200  }
0x18d: {  	[spmem:s2] =	stream.indirect.scatter.add.f32 [tilespmem:s31], [sflag:$0x1], $0x80, s25, s30, $0xb8;
	[tilespmem:$0x1F400] =	vst v63  }
0x18e: {  	s25 =	simm.s32 $0x16280  }
0x18f: {  	[spmem:s2] =	stream.indirect.scatter.add.f32 [tilespmem:s31], [sflag:$0x1], $0x80, s25, s30, $0xb8;
	[tilespmem:$0x1F400] =	vst v63  }
0x190: {  	s25 =	simm.s32 $0x16300  }
0x191: {  	[spmem:s2] =	stream.indirect.scatter.add.f32 [tilespmem:s31], [sflag:$0x1], $0x80, s25, s30, $0xb8;
	[tilespmem:$0x1F400] =	vst v63  }
0x192: {  	s25 =	simm.s32 $0x16380  }
0x193: {  	[spmem:s2] =	stream.indirect.scatter.add.f32 [tilespmem:s31], [sflag:$0x1], $0x80, s25, s30, $0xb8;
	[tilespmem:$0x1F400] =	vst v63  }
0x194: {  	s25 =	simm.s32 $0x16400  }
0x195: {  	[spmem:s2] =	stream.indirect.scatter.add.f32 [tilespmem:s31], [sflag:$0x1], $0x80, s25, s30, $0xb8;
	[tilespmem:$0x1F400] =	vst v63  }
0x196: {  	s25 =	simm.s32 $0x16480  }
0x197: {  	[spmem:s2] =	stream.indirect.scatter.add.f32 [tilespmem:s31], [sflag:$0x1], $0x80, s25, s30, $0xb8;
	[tilespmem:$0x1F400] =	vst v63  }
0x198: {  	s25 =	simm.s32 $0x16500  }
0x199: {  	[spmem:s2] =	stream.indirect.scatter.add.f32 [tilespmem:s31], [sflag:$0x1], $0x80, s25, s30, $0xb8;
	[tilespmem:$0x1F400] =	vst v63  }
0x19a: {  	s25 =	simm.s32 $0x16580  }
0x19b: {  	[spmem:s2] =	stream.indirect.scatter.add.f32 [tilespmem:s31], [sflag:$0x1], $0x80, s25, s30, $0xb8;
	[tilespmem:$0x1F400] =	vst v63  }
0x19c: {  	s25 =	simm.s32 $0x16600  }
0x19d: {  	[spmem:s2] =	stream.indirect.scatter.add.f32 [tilespmem:s31], [sflag:$0x1], $0x80, s25, s30, $0xb8;
	[tilespmem:$0x1F400] =	vst v63  }
0x19e: {  	s25 =	simm.s32 $0x16680  }
0x19f: {  	[spmem:s2] =	stream.indirect.scatter.add.f32 [tilespmem:s31], [sflag:$0x1], $0x80, s25, s30, $0xb8;
	[tilespmem:$0x1F400] =	vst v63  }
0x1a0: {  	s25 =	simm.s32 $0x16700  }
0x1a1: {  	[spmem:s2] =	stream.indirect.scatter.add.f32 [tilespmem:s31], [sflag:$0x1], $0x80, s25, s30, $0xb8;
	[tilespmem:$0x1F400] =	vst v63  }
0x1a2: {  	s25 =	simm.s32 $0x16780  }
0x1a3: {  	[spmem:s2] =	stream.indirect.scatter.add.f32 [tilespmem:s31], [sflag:$0x1], $0x80, s25, s30, $0xb8;
	[tilespmem:$0x1F400] =	vst v63  }
0x1a4: {  	s25 =	simm.s32 $0x16800  }
0x1a5: {  	[spmem:s2] =	stream.indirect.scatter.add.f32 [tilespmem:s31], [sflag:$0x1], $0x80, s25, s30, $0xb8;
	[tilespmem:$0x1F400] =	vst v63  }
0x1a6: {  	s25 =	simm.s32 $0x16880  }
0x1a7: {  	[spmem:s2] =	stream.indirect.scatter.add.f32 [tilespmem:s31], [sflag:$0x1], $0x80, s25, s30, $0xb8;
	[tilespmem:$0x1F400] =	vst v63  }
0x1a8: {  	s25 =	simm.s32 $0x16900  }
0x1a9: {  	[spmem:s2] =	stream.indirect.scatter.add.f32 [tilespmem:s31], [sflag:$0x1], $0x80, s25, s30, $0xb8;
	[tilespmem:$0x1F400] =	vst v63  }
0x1aa: {  	s25 =	simm.s32 $0x16980  }
0x1ab: {  	[spmem:s2] =	stream.indirect.scatter.add.f32 [tilespmem:s31], [sflag:$0x1], $0x80, s25, s30, $0xb8;
	[tilespmem:$0x1F400] =	vst v63  }
0x1ac: {  	s25 =	simm.s32 $0x16A00  }
0x1ad: {  	[spmem:s2] =	stream.indirect.scatter.add.f32 [tilespmem:s31], [sflag:$0x1], $0x80, s25, s30, $0xb8;
	[tilespmem:$0x1F400] =	vst v63  }
0x1ae: {  	s25 =	simm.s32 $0x16A80  }
0x1af: {  	[spmem:s2] =	stream.indirect.scatter.add.f32 [tilespmem:s31], [sflag:$0x1], $0x80, s25, s30, $0xb8;
	[tilespmem:$0x1F400] =	vst v63  }
0x1b0: {  	s25 =	simm.s32 $0x16B00  }
0x1b1: {  	[spmem:s2] =	stream.indirect.scatter.add.f32 [tilespmem:s31], [sflag:$0x1], $0x80, s25, s30, $0xb8;
	[tilespmem:$0x1F400] =	vst v63  }
0x1b2: {  	s25 =	simm.s32 $0x16B80  }
0x1b3: {  	[spmem:s2] =	stream.indirect.scatter.add.f32 [tilespmem:s31], [sflag:$0x1], $0x80, s25, s30, $0xb8;
	[tilespmem:$0x1F400] =	vst v63  }
0x1b4: {  	s25 =	simm.s32 $0x16C00  }
0x1b5: {  	[spmem:s2] =	stream.indirect.scatter.add.f32 [tilespmem:s31], [sflag:$0x1], $0x80, s25, s30, $0xb8;
	[tilespmem:$0x1F400] =	vst v63  }
0x1b6: {  	s25 =	simm.s32 $0x16C80  }
0x1b7: {  	[spmem:s2] =	stream.indirect.scatter.add.f32 [tilespmem:s31], [sflag:$0x1], $0x80, s25, s30, $0xb8;
	[tilespmem:$0x1F400] =	vst v63  }
0x1b8: {  	s25 =	simm.s32 $0x16D00  }
0x1b9: {  	[spmem:s2] =	stream.indirect.scatter.add.f32 [tilespmem:s31], [sflag:$0x1], $0x80, s25, s30, $0xb8;
	[tilespmem:$0x1F400] =	vst v63  }
0x1ba: {  	s25 =	simm.s32 $0x16D80  }
0x1bb: {  	[spmem:s2] =	stream.indirect.scatter.add.f32 [tilespmem:s31], [sflag:$0x1], $0x80, s25, s30, $0xb8;
	[tilespmem:$0x1F400] =	vst v63  }
0x1bc: {  	s25 =	simm.s32 $0x16E00  }
0x1bd: {  	[spmem:s2] =	stream.indirect.scatter.add.f32 [tilespmem:s31], [sflag:$0x1], $0x80, s25, s30, $0xb8;
	[tilespmem:$0x1F400] =	vst v63  }
0x1be: {  	s25 =	simm.s32 $0x16E80  }
0x1bf: {  	[spmem:s2] =	stream.indirect.scatter.add.f32 [tilespmem:s31], [sflag:$0x1], $0x80, s25, s30, $0xb8;
	[tilespmem:$0x1F400] =	vst v63  }
0x1c0: {  	s25 =	simm.s32 $0x16F00  }
0x1c1: {  	[spmem:s2] =	stream.indirect.scatter.add.f32 [tilespmem:s31], [sflag:$0x1], $0x80, s25, s30, $0xb8;
	[tilespmem:$0x1F400] =	vst v63  }
0x1c2: {  	s25 =	simm.s32 $0x16F80  }
0x1c3: {  	[spmem:s2] =	stream.indirect.scatter.add.f32 [tilespmem:s31], [sflag:$0x1], $0x80, s25, s30, $0xb8;
	[tilespmem:$0x1F400] =	vst v63  }
0x1c4: {  	s25 =	simm.s32 $0x17000  }
0x1c5: {  	[spmem:s2] =	stream.indirect.scatter.add.f32 [tilespmem:s31], [sflag:$0x1], $0x80, s25, s30, $0xb8;
	[tilespmem:$0x1F400] =	vst v63  }
0x1c6: {  	_ = 	snop  }
0x1c7: {  	[spmem:s2] =	stream.indirect.scatter.add.f32 [tilespmem:s31], [sflag:$0x1], $0x80, s18, s30, $0xb8;
	[tilespmem:$0x1F400] =	vst v63  }
0x1c8: {  	_ = 	snop  }
0x1c9: {  	[spmem:s2] =	stream.indirect.scatter.add.f32 [tilespmem:s31], [sflag:$0x1], $0x80, s19, s30, $0xb8;
	[tilespmem:$0x1F400] =	vst v63  }
0x1ca: {  	_ = 	snop  }
0x1cb: {  	[spmem:s2] =	stream.indirect.scatter.add.f32 [tilespmem:s31], [sflag:$0x1], $0x80, s20, s30, $0xb8;
	[tilespmem:$0x1F400] =	vst v63  }
0x1cc: {  	_ = 	snop  }
0x1cd: {  	[spmem:s2] =	stream.indirect.scatter.add.f32 [tilespmem:s31], [sflag:$0x1], $0x80, s21, s30, $0xb8;
	[tilespmem:$0x1F400] =	vst v63  }
0x1ce: {  	_ = 	snop  }
0x1cf: {  	[spmem:s2] =	stream.indirect.scatter.add.f32 [tilespmem:s31], [sflag:$0x1], $0x80, s22, s30, $0xb8;
	[tilespmem:$0x1F400] =	vst v63  }
0x1d0: {  	_ = 	snop  }
0x1d1: {  	[spmem:s2] =	stream.indirect.scatter.add.f32 [tilespmem:s31], [sflag:$0x1], $0x80, s10, s30, $0xb8;
	[tilespmem:$0x1F400] =	vst v63  }
0x1d2: {  	_ = 	snop  }
0x1d3: {  	[spmem:s2] =	stream.indirect.scatter.add.f32 [tilespmem:s31], [sflag:$0x1], $0x80, s12, s30, $0xb8;
	[tilespmem:$0x1F400] =	vst v63  }
0x1d4: {  	_ =	swait.ge [sflag:s6], $0x4000  }
0x1d5: {  	s25 =	simm.s32 $0x27;
	[sflag:s6] =	ssyncset.done $0x0  }
.LBB2_12:
0x1d6: {  	p1 =	sne.s32 s25, $0x1;
	s25 =	sadd.s32 $0xFFFFFFFF, s25;
	[sflag:s6] =	ssyncadd.s32 $0xFFFFC000  }
.Ltmp5:
0x1d7: {  	(pc) =	sbr.rel @p1 .LBB2_12-.Ltmp5, $3  }
0x1d8: {  	_ =	sdelay $0x1  }
0x1d9: {  	_ =	swait.ge [sflag:s6], $0x4000  }
0x1da: {  	[sflag:s6] =	ssyncset.done $0x0  }
0x1db: {  	[sflag:s6] =	ssyncadd.s32 $0xFFFFC000  }
0x1dc: {  	[tilespmem:s29], [sflag:$0x3] =	stream.linear.gather [hbm4b:s15+s4], $0x1400, $0x38;
	[tilespmem:$0x1F400] =	vst v63  }
0x1dd: {  	_ =	swait.ge [sflag:s26], $0x1400  }
0x1de: {  	[sflag:s26] =	ssyncset.done $0x0  }
0x1df: {  	[sflag:s26] =	ssyncadd.s32 $0xFFFFEC00  }
0x1e0: {  	[spmem:s2] =	stream.indirect.scatter.add.f32 [tilespmem:s31], [sflag:$0x1], $0x80, s29, s30, $0xb8;
	[tilespmem:$0x1F400] =	vst v63  }
0x1e1: {  	_ = 	snop  }
0x1e2: {  	[spmem:s2] =	stream.indirect.scatter.add.f32 [tilespmem:s31], [sflag:$0x1], $0x80, s14, s30, $0xb8;
	[tilespmem:$0x1F400] =	vst v63  }
0x1e3: {  	_ = 	snop  }
0x1e4: {  	[spmem:s2] =	stream.indirect.scatter.add.f32 [tilespmem:s31], [sflag:$0x1], $0x80, s16, s30, $0xb8;
	[tilespmem:$0x1F400] =	vst v63  }
0x1e5: {  	s25 =	simm.s32 $0x16180  }
0x1e6: {  	[spmem:s2] =	stream.indirect.scatter.add.f32 [tilespmem:s31], [sflag:$0x1], $0x80, s25, s30, $0xb8;
	[tilespmem:$0x1F400] =	vst v63  }
0x1e7: {  	s25 =	simm.s32 $0x16200  }
0x1e8: {  	[spmem:s2] =	stream.indirect.scatter.add.f32 [tilespmem:s31], [sflag:$0x1], $0x80, s25, s30, $0xb8;
	[tilespmem:$0x1F400] =	vst v63  }
0x1e9: {  	s25 =	simm.s32 $0x16280  }
0x1ea: {  	[spmem:s2] =	stream.indirect.scatter.add.f32 [tilespmem:s31], [sflag:$0x1], $0x80, s25, s30, $0xb8;
	[tilespmem:$0x1F400] =	vst v63  }
0x1eb: {  	s25 =	simm.s32 $0x16300  }
0x1ec: {  	[spmem:s2] =	stream.indirect.scatter.add.f32 [tilespmem:s31], [sflag:$0x1], $0x80, s25, s30, $0xb8;
	[tilespmem:$0x1F400] =	vst v63  }
0x1ed: {  	s25 =	simm.s32 $0x16380  }
0x1ee: {  	[spmem:s2] =	stream.indirect.scatter.add.f32 [tilespmem:s31], [sflag:$0x1], $0x80, s25, s30, $0xb8;
	[tilespmem:$0x1F400] =	vst v63  }
0x1ef: {  	s25 =	simm.s32 $0x16400  }
0x1f0: {  	[spmem:s2] =	stream.indirect.scatter.add.f32 [tilespmem:s31], [sflag:$0x1], $0x80, s25, s30, $0xb8;
	[tilespmem:$0x1F400] =	vst v63  }
0x1f1: {  	s25 =	simm.s32 $0x16480  }
0x1f2: {  	[spmem:s2] =	stream.indirect.scatter.add.f32 [tilespmem:s31], [sflag:$0x1], $0x80, s25, s30, $0xb8;
	[tilespmem:$0x1F400] =	vst v63  }
0x1f3: {  	s25 =	simm.s32 $0x16500  }
0x1f4: {  	[spmem:s2] =	stream.indirect.scatter.add.f32 [tilespmem:s31], [sflag:$0x1], $0x80, s25, s30, $0xb8;
	[tilespmem:$0x1F400] =	vst v63  }
0x1f5: {  	s25 =	simm.s32 $0x16580  }
0x1f6: {  	[spmem:s2] =	stream.indirect.scatter.add.f32 [tilespmem:s31], [sflag:$0x1], $0x80, s25, s30, $0xb8;
	[tilespmem:$0x1F400] =	vst v63  }
0x1f7: {  	s25 =	simm.s32 $0x16600  }
0x1f8: {  	[spmem:s2] =	stream.indirect.scatter.add.f32 [tilespmem:s31], [sflag:$0x1], $0x80, s25, s30, $0xb8;
	[tilespmem:$0x1F400] =	vst v63  }
0x1f9: {  	s25 =	simm.s32 $0x16680  }
0x1fa: {  	[spmem:s2] =	stream.indirect.scatter.add.f32 [tilespmem:s31], [sflag:$0x1], $0x80, s25, s30, $0xb8;
	[tilespmem:$0x1F400] =	vst v63  }
0x1fb: {  	s25 =	simm.s32 $0x16700  }
0x1fc: {  	[spmem:s2] =	stream.indirect.scatter.add.f32 [tilespmem:s31], [sflag:$0x1], $0x80, s25, s30, $0xb8;
	[tilespmem:$0x1F400] =	vst v63  }
0x1fd: {  	s25 =	simm.s32 $0x16780  }
0x1fe: {  	[spmem:s2] =	stream.indirect.scatter.add.f32 [tilespmem:s31], [sflag:$0x1], $0x80, s25, s30, $0xb8;
	[tilespmem:$0x1F400] =	vst v63  }
0x1ff: {  	s25 =	simm.s32 $0x16800  }
0x200: {  	[spmem:s2] =	stream.indirect.scatter.add.f32 [tilespmem:s31], [sflag:$0x1], $0x80, s25, s30, $0xb8;
	[tilespmem:$0x1F400] =	vst v63  }
0x201: {  	s25 =	simm.s32 $0x16880  }
0x202: {  	[spmem:s2] =	stream.indirect.scatter.add.f32 [tilespmem:s31], [sflag:$0x1], $0x80, s25, s30, $0xb8;
	[tilespmem:$0x1F400] =	vst v63  }
0x203: {  	s25 =	simm.s32 $0x16900  }
0x204: {  	[spmem:s2] =	stream.indirect.scatter.add.f32 [tilespmem:s31], [sflag:$0x1], $0x80, s25, s30, $0xb8;
	[tilespmem:$0x1F400] =	vst v63  }
0x205: {  	s25 =	simm.s32 $0x16980  }
0x206: {  	[spmem:s2] =	stream.indirect.scatter.add.f32 [tilespmem:s31], [sflag:$0x1], $0x80, s25, s30, $0xb8;
	[tilespmem:$0x1F400] =	vst v63  }
0x207: {  	s25 =	simm.s32 $0x16A00  }
0x208: {  	[spmem:s2] =	stream.indirect.scatter.add.f32 [tilespmem:s31], [sflag:$0x1], $0x80, s25, s30, $0xb8;
	[tilespmem:$0x1F400] =	vst v63  }
0x209: {  	s25 =	simm.s32 $0x16A80  }
0x20a: {  	[spmem:s2] =	stream.indirect.scatter.add.f32 [tilespmem:s31], [sflag:$0x1], $0x80, s25, s30, $0xb8;
	[tilespmem:$0x1F400] =	vst v63  }
0x20b: {  	s25 =	simm.s32 $0x16B00  }
0x20c: {  	[spmem:s2] =	stream.indirect.scatter.add.f32 [tilespmem:s31], [sflag:$0x1], $0x80, s25, s30, $0xb8;
	[tilespmem:$0x1F400] =	vst v63  }
0x20d: {  	s25 =	simm.s32 $0x16B80  }
0x20e: {  	[spmem:s2] =	stream.indirect.scatter.add.f32 [tilespmem:s31], [sflag:$0x1], $0x80, s25, s30, $0xb8;
	[tilespmem:$0x1F400] =	vst v63  }
0x20f: {  	s25 =	simm.s32 $0x16C00  }
0x210: {  	[spmem:s2] =	stream.indirect.scatter.add.f32 [tilespmem:s31], [sflag:$0x1], $0x80, s25, s30, $0xb8;
	[tilespmem:$0x1F400] =	vst v63  }
0x211: {  	s25 =	simm.s32 $0x16C80  }
0x212: {  	[spmem:s2] =	stream.indirect.scatter.add.f32 [tilespmem:s31], [sflag:$0x1], $0x80, s25, s30, $0xb8;
	[tilespmem:$0x1F400] =	vst v63  }
0x213: {  	s25 =	simm.s32 $0x16D00  }
0x214: {  	[spmem:s2] =	stream.indirect.scatter.add.f32 [tilespmem:s31], [sflag:$0x1], $0x80, s25, s30, $0xb8;
	[tilespmem:$0x1F400] =	vst v63  }
0x215: {  	s25 =	simm.s32 $0x16D80  }
0x216: {  	[spmem:s2] =	stream.indirect.scatter.add.f32 [tilespmem:s31], [sflag:$0x1], $0x80, s25, s30, $0xb8;
	[tilespmem:$0x1F400] =	vst v63  }
0x217: {  	s25 =	simm.s32 $0x16E00  }
0x218: {  	[spmem:s2] =	stream.indirect.scatter.add.f32 [tilespmem:s31], [sflag:$0x1], $0x80, s25, s30, $0xb8;
	[tilespmem:$0x1F400] =	vst v63  }
0x219: {  	s25 =	simm.s32 $0x16E80  }
0x21a: {  	[spmem:s2] =	stream.indirect.scatter.add.f32 [tilespmem:s31], [sflag:$0x1], $0x80, s25, s30, $0xb8;
	[tilespmem:$0x1F400] =	vst v63  }
0x21b: {  	s25 =	simm.s32 $0x16F00  }
0x21c: {  	[spmem:s2] =	stream.indirect.scatter.add.f32 [tilespmem:s31], [sflag:$0x1], $0x80, s25, s30, $0xb8;
	[tilespmem:$0x1F400] =	vst v63  }
0x21d: {  	s25 =	simm.s32 $0x16F80  }
0x21e: {  	[spmem:s2] =	stream.indirect.scatter.add.f32 [tilespmem:s31], [sflag:$0x1], $0x80, s25, s30, $0xb8;
	[tilespmem:$0x1F400] =	vst v63  }
0x21f: {  	s25 =	simm.s32 $0x17000  }
0x220: {  	[spmem:s2] =	stream.indirect.scatter.add.f32 [tilespmem:s31], [sflag:$0x1], $0x80, s25, s30, $0xb8;
	[tilespmem:$0x1F400] =	vst v63  }
0x221: {  	_ = 	snop  }
0x222: {  	[spmem:s2] =	stream.indirect.scatter.add.f32 [tilespmem:s31], [sflag:$0x1], $0x80, s18, s30, $0xb8;
	[tilespmem:$0x1F400] =	vst v63  }
0x223: {  	_ = 	snop  }
0x224: {  	[spmem:s2] =	stream.indirect.scatter.add.f32 [tilespmem:s31], [sflag:$0x1], $0x80, s19, s30, $0xb8;
	[tilespmem:$0x1F400] =	vst v63  }
0x225: {  	_ = 	snop  }
0x226: {  	[spmem:s2] =	stream.indirect.scatter.add.f32 [tilespmem:s31], [sflag:$0x1], $0x80, s20, s30, $0xb8;
	[tilespmem:$0x1F400] =	vst v63  }
0x227: {  	_ = 	snop  }
0x228: {  	[spmem:s2] =	stream.indirect.scatter.add.f32 [tilespmem:s31], [sflag:$0x1], $0x80, s21, s30, $0xb8;
	[tilespmem:$0x1F400] =	vst v63  }
0x229: {  	_ = 	snop  }
0x22a: {  	[spmem:s2] =	stream.indirect.scatter.add.f32 [tilespmem:s31], [sflag:$0x1], $0x80, s22, s30, $0xb8;
	[tilespmem:$0x1F400] =	vst v63  }
0x22b: {  	_ = 	snop  }
0x22c: {  	[spmem:s2] =	stream.indirect.scatter.add.f32 [tilespmem:s31], [sflag:$0x1], $0x80, s10, s30, $0xb8;
	[tilespmem:$0x1F400] =	vst v63  }
0x22d: {  	_ = 	snop  }
0x22e: {  	[spmem:s2] =	stream.indirect.scatter.add.f32 [tilespmem:s31], [sflag:$0x1], $0x80, s12, s30, $0xb8;
	[tilespmem:$0x1F400] =	vst v63  }
0x22f: {  	_ =	swait.ge [sflag:s6], $0x4000  }
0x230: {  	s25 =	simm.s32 $0x27;
	[sflag:s6] =	ssyncset.done $0x0  }
.LBB2_14:
0x231: {  	p1 =	sne.s32 s25, $0x1;
	s25 =	sadd.s32 $0xFFFFFFFF, s25;
	[sflag:s6] =	ssyncadd.s32 $0xFFFFC000  }
.Ltmp6:
0x232: {  	(pc) =	sbr.rel @p1 .LBB2_14-.Ltmp6, $3  }
0x233: {  	_ =	sdelay $0x1  }
0x234: {  	_ =	swait.ge [sflag:s6], $0x4000  }
0x235: {  	[sflag:s6] =	ssyncset.done $0x0  }
0x236: {  	[sflag:s6] =	ssyncadd.s32 $0xFFFFC000  }
0x237: {  	[tilespmem:s29], [sflag:$0x3] =	stream.linear.gather [hbm4b:s17+s4], $0x1400, $0x38;
	[tilespmem:$0x1F400] =	vst v63  }
0x238: {  	_ =	swait.ge [sflag:s26], $0x1400  }
0x239: {  	[sflag:s26] =	ssyncset.done $0x0  }
0x23a: {  	[sflag:s26] =	ssyncadd.s32 $0xFFFFEC00  }
0x23b: {  	[spmem:s2] =	stream.indirect.scatter.add.f32 [tilespmem:s31], [sflag:$0x1], $0x80, s29, s30, $0xb8;
	[tilespmem:$0x1F400] =	vst v63  }
0x23c: {  	_ = 	snop  }
0x23d: {  	[spmem:s2] =	stream.indirect.scatter.add.f32 [tilespmem:s31], [sflag:$0x1], $0x80, s14, s30, $0xb8;
	[tilespmem:$0x1F400] =	vst v63  }
0x23e: {  	_ = 	snop  }
0x23f: {  	[spmem:s2] =	stream.indirect.scatter.add.f32 [tilespmem:s31], [sflag:$0x1], $0x80, s16, s30, $0xb8;
	[tilespmem:$0x1F400] =	vst v63  }
0x240: {  	s16 =	simm.s32 $0x16180  }
0x241: {  	[spmem:s2] =	stream.indirect.scatter.add.f32 [tilespmem:s31], [sflag:$0x1], $0x80, s16, s30, $0xb8;
	[tilespmem:$0x1F400] =	vst v63  }
0x242: {  	s25 =	simm.s32 $0x16200  }
0x243: {  	[spmem:s2] =	stream.indirect.scatter.add.f32 [tilespmem:s31], [sflag:$0x1], $0x80, s25, s30, $0xb8;
	[tilespmem:$0x1F400] =	vst v63  }
0x244: {  	s16 =	simm.s32 $0x16280  }
0x245: {  	[spmem:s2] =	stream.indirect.scatter.add.f32 [tilespmem:s31], [sflag:$0x1], $0x80, s16, s30, $0xb8;
	[tilespmem:$0x1F400] =	vst v63  }
0x246: {  	s25 =	simm.s32 $0x16300  }
0x247: {  	[spmem:s2] =	stream.indirect.scatter.add.f32 [tilespmem:s31], [sflag:$0x1], $0x80, s25, s30, $0xb8;
	[tilespmem:$0x1F400] =	vst v63  }
0x248: {  	s16 =	simm.s32 $0x16380  }
0x249: {  	[spmem:s2] =	stream.indirect.scatter.add.f32 [tilespmem:s31], [sflag:$0x1], $0x80, s16, s30, $0xb8;
	[tilespmem:$0x1F400] =	vst v63  }
0x24a: {  	s25 =	simm.s32 $0x16400  }
0x24b: {  	[spmem:s2] =	stream.indirect.scatter.add.f32 [tilespmem:s31], [sflag:$0x1], $0x80, s25, s30, $0xb8;
	[tilespmem:$0x1F400] =	vst v63  }
0x24c: {  	s16 =	simm.s32 $0x16480  }
0x24d: {  	[spmem:s2] =	stream.indirect.scatter.add.f32 [tilespmem:s31], [sflag:$0x1], $0x80, s16, s30, $0xb8;
	[tilespmem:$0x1F400] =	vst v63  }
0x24e: {  	s25 =	simm.s32 $0x16500  }
0x24f: {  	[spmem:s2] =	stream.indirect.scatter.add.f32 [tilespmem:s31], [sflag:$0x1], $0x80, s25, s30, $0xb8;
	[tilespmem:$0x1F400] =	vst v63  }
0x250: {  	s16 =	simm.s32 $0x16580  }
0x251: {  	[spmem:s2] =	stream.indirect.scatter.add.f32 [tilespmem:s31], [sflag:$0x1], $0x80, s16, s30, $0xb8;
	[tilespmem:$0x1F400] =	vst v63  }
0x252: {  	s25 =	simm.s32 $0x16600  }
0x253: {  	[spmem:s2] =	stream.indirect.scatter.add.f32 [tilespmem:s31], [sflag:$0x1], $0x80, s25, s30, $0xb8;
	[tilespmem:$0x1F400] =	vst v63  }
0x254: {  	s16 =	simm.s32 $0x16680  }
0x255: {  	[spmem:s2] =	stream.indirect.scatter.add.f32 [tilespmem:s31], [sflag:$0x1], $0x80, s16, s30, $0xb8;
	[tilespmem:$0x1F400] =	vst v63  }
0x256: {  	s25 =	simm.s32 $0x16700  }
0x257: {  	[spmem:s2] =	stream.indirect.scatter.add.f32 [tilespmem:s31], [sflag:$0x1], $0x80, s25, s30, $0xb8;
	[tilespmem:$0x1F400] =	vst v63  }
0x258: {  	s16 =	simm.s32 $0x16780  }
0x259: {  	[spmem:s2] =	stream.indirect.scatter.add.f32 [tilespmem:s31], [sflag:$0x1], $0x80, s16, s30, $0xb8;
	[tilespmem:$0x1F400] =	vst v63  }
0x25a: {  	s25 =	simm.s32 $0x16800  }
0x25b: {  	[spmem:s2] =	stream.indirect.scatter.add.f32 [tilespmem:s31], [sflag:$0x1], $0x80, s25, s30, $0xb8;
	[tilespmem:$0x1F400] =	vst v63  }
0x25c: {  	s16 =	simm.s32 $0x16880  }
0x25d: {  	[spmem:s2] =	stream.indirect.scatter.add.f32 [tilespmem:s31], [sflag:$0x1], $0x80, s16, s30, $0xb8;
	[tilespmem:$0x1F400] =	vst v63  }
0x25e: {  	s25 =	simm.s32 $0x16900  }
0x25f: {  	[spmem:s2] =	stream.indirect.scatter.add.f32 [tilespmem:s31], [sflag:$0x1], $0x80, s25, s30, $0xb8;
	[tilespmem:$0x1F400] =	vst v63  }
0x260: {  	s16 =	simm.s32 $0x16980  }
0x261: {  	[spmem:s2] =	stream.indirect.scatter.add.f32 [tilespmem:s31], [sflag:$0x1], $0x80, s16, s30, $0xb8;
	[tilespmem:$0x1F400] =	vst v63  }
0x262: {  	s25 =	simm.s32 $0x16A00  }
0x263: {  	[spmem:s2] =	stream.indirect.scatter.add.f32 [tilespmem:s31], [sflag:$0x1], $0x80, s25, s30, $0xb8;
	[tilespmem:$0x1F400] =	vst v63  }
0x264: {  	s16 =	simm.s32 $0x16A80  }
0x265: {  	[spmem:s2] =	stream.indirect.scatter.add.f32 [tilespmem:s31], [sflag:$0x1], $0x80, s16, s30, $0xb8;
	[tilespmem:$0x1F400] =	vst v63  }
0x266: {  	s25 =	simm.s32 $0x16B00  }
0x267: {  	[spmem:s2] =	stream.indirect.scatter.add.f32 [tilespmem:s31], [sflag:$0x1], $0x80, s25, s30, $0xb8;
	[tilespmem:$0x1F400] =	vst v63  }
0x268: {  	s16 =	simm.s32 $0x16B80  }
0x269: {  	[spmem:s2] =	stream.indirect.scatter.add.f32 [tilespmem:s31], [sflag:$0x1], $0x80, s16, s30, $0xb8;
	[tilespmem:$0x1F400] =	vst v63  }
0x26a: {  	s25 =	simm.s32 $0x16C00  }
0x26b: {  	[spmem:s2] =	stream.indirect.scatter.add.f32 [tilespmem:s31], [sflag:$0x1], $0x80, s25, s30, $0xb8;
	[tilespmem:$0x1F400] =	vst v63  }
0x26c: {  	s16 =	simm.s32 $0x16C80  }
0x26d: {  	[spmem:s2] =	stream.indirect.scatter.add.f32 [tilespmem:s31], [sflag:$0x1], $0x80, s16, s30, $0xb8;
	[tilespmem:$0x1F400] =	vst v63  }
0x26e: {  	s25 =	simm.s32 $0x16D00  }
0x26f: {  	[spmem:s2] =	stream.indirect.scatter.add.f32 [tilespmem:s31], [sflag:$0x1], $0x80, s25, s30, $0xb8;
	[tilespmem:$0x1F400] =	vst v63  }
0x270: {  	s16 =	simm.s32 $0x16D80  }
0x271: {  	[spmem:s2] =	stream.indirect.scatter.add.f32 [tilespmem:s31], [sflag:$0x1], $0x80, s16, s30, $0xb8;
	[tilespmem:$0x1F400] =	vst v63  }
0x272: {  	s25 =	simm.s32 $0x16E00  }
0x273: {  	[spmem:s2] =	stream.indirect.scatter.add.f32 [tilespmem:s31], [sflag:$0x1], $0x80, s25, s30, $0xb8;
	[tilespmem:$0x1F400] =	vst v63  }
0x274: {  	s16 =	simm.s32 $0x16E80  }
0x275: {  	[spmem:s2] =	stream.indirect.scatter.add.f32 [tilespmem:s31], [sflag:$0x1], $0x80, s16, s30, $0xb8;
	[tilespmem:$0x1F400] =	vst v63  }
0x276: {  	s25 =	simm.s32 $0x16F00  }
0x277: {  	[spmem:s2] =	stream.indirect.scatter.add.f32 [tilespmem:s31], [sflag:$0x1], $0x80, s25, s30, $0xb8;
	[tilespmem:$0x1F400] =	vst v63  }
0x278: {  	s16 =	simm.s32 $0x16F80  }
0x279: {  	[spmem:s2] =	stream.indirect.scatter.add.f32 [tilespmem:s31], [sflag:$0x1], $0x80, s16, s30, $0xb8;
	[tilespmem:$0x1F400] =	vst v63  }
0x27a: {  	s25 =	simm.s32 $0x17000  }
0x27b: {  	[spmem:s2] =	stream.indirect.scatter.add.f32 [tilespmem:s31], [sflag:$0x1], $0x80, s25, s30, $0xb8;
	[tilespmem:$0x1F400] =	vst v63  }
0x27c: {  	_ = 	snop  }
0x27d: {  	[spmem:s2] =	stream.indirect.scatter.add.f32 [tilespmem:s31], [sflag:$0x1], $0x80, s18, s30, $0xb8;
	[tilespmem:$0x1F400] =	vst v63  }
0x27e: {  	_ = 	snop  }
0x27f: {  	[spmem:s2] =	stream.indirect.scatter.add.f32 [tilespmem:s31], [sflag:$0x1], $0x80, s19, s30, $0xb8;
	[tilespmem:$0x1F400] =	vst v63  }
0x280: {  	_ = 	snop  }
0x281: {  	[spmem:s2] =	stream.indirect.scatter.add.f32 [tilespmem:s31], [sflag:$0x1], $0x80, s20, s30, $0xb8;
	[tilespmem:$0x1F400] =	vst v63  }
0x282: {  	_ = 	snop  }
0x283: {  	[spmem:s2] =	stream.indirect.scatter.add.f32 [tilespmem:s31], [sflag:$0x1], $0x80, s21, s30, $0xb8;
	[tilespmem:$0x1F400] =	vst v63  }
0x284: {  	_ = 	snop  }
0x285: {  	[spmem:s2] =	stream.indirect.scatter.add.f32 [tilespmem:s31], [sflag:$0x1], $0x80, s22, s30, $0xb8;
	[tilespmem:$0x1F400] =	vst v63  }
0x286: {  	_ = 	snop  }
0x287: {  	[spmem:s2] =	stream.indirect.scatter.add.f32 [tilespmem:s31], [sflag:$0x1], $0x80, s10, s30, $0xb8;
	[tilespmem:$0x1F400] =	vst v63  }
0x288: {  	_ = 	snop  }
0x289: {  	[spmem:s2] =	stream.indirect.scatter.add.f32 [tilespmem:s31], [sflag:$0x1], $0x80, s12, s30, $0xb8;
	[tilespmem:$0x1F400] =	vst v63  }
0x28a: {  	_ =	swait.ge [sflag:s6], $0x4000  }
0x28b: {  	s25 =	simm.s32 $0x27;
	[sflag:s6] =	ssyncset.done $0x0  }
.LBB2_16:
0x28c: {  	p1 =	sne.s32 s25, $0x1;
	s25 =	sadd.s32 $0xFFFFFFFF, s25;
	[sflag:s6] =	ssyncadd.s32 $0xFFFFC000  }
.Ltmp7:
0x28d: {  	(pc) =	sbr.rel @p1 .LBB2_16-.Ltmp7, $3  }
0x28e: {  	_ =	sdelay $0x1  }
0x28f: {  	_ =	swait.ge [sflag:s6], $0x4000  }
0x290: {  	[sflag:s6] =	ssyncset.done $0x0  }
0x291: {  	[sflag:s6] =	ssyncadd.s32 $0xFFFFC000  }
0x292: {  	[bflag:$0x0] =	sbarrier.arrive $0xFFFF  }
0x293: {  	s14 =	rddreg [dreg:$0x11]  }
0x294: {  	[hbm:s14], [sflag:s9] =	dma.local [spmem:s24], $0x2780  }
0x295: {  	_ =	swait.ge [sflag:s26], $0x2780  }
0x296: {  	[sflag:s26] =	ssyncset.done $0x0  }
0x297: {  	[sflag:s26] =	ssyncadd.s32 $0xFFFFD880  }
0x298: {  	[bflag:$0x0] =	sbarrier.arrive $0xFFFF  }
0x299: {  	[spmem:s24], [sflag:s9] =	dma.local [hbm:s8], $0x2780  }
0x29a: {  	_ =	swait.ge [sflag:s26], $0x2780  }
0x29b: {  	[sflag:s26] =	ssyncset.done $0x0  }
0x29c: {  	[sflag:s26] =	ssyncadd.s32 $0xFFFFD880  }
0x29d: {  	[bflag:$0x0] =	sbarrier.arrive $0xFFFF  }
0x29e: {  	s25 =	simm.s32 $0x0;
	s16 =	rddreg [dreg:$0xc]  }
0x29f: {  	[tilespmem:s28], [sflag:$0x3] =	stream.linear.gather [hbm4b:s16+s25], $0x1400, $0x38;
	[tilespmem:$0x1F400] =	vst v63  }
0x2a0: {  	_ =	swait.ge [sflag:s26], $0x1400  }
0x2a1: {  	[sflag:s26] =	ssyncset.done $0x0  }
0x2a2: {  	[sflag:s26] =	ssyncadd.s32 $0xFFFFEC00  }
0x2a3: {  	[tilespmem:s29], [sflag:$0x3] =	stream.linear.gather [hbm4b:s11+s25], $0x1400, $0x38;
	[tilespmem:$0x1F400] =	vst v63  }
0x2a4: {  	_ =	swait.ge [sflag:s26], $0x1400  }
0x2a5: {  	[sflag:s26] =	ssyncset.done $0x0  }
0x2a6: {  	[sflag:s26] =	ssyncadd.s32 $0xFFFFEC00  }
0x2a7: {  	[tilespmem:s31], [sflag:$0x1] =	stream.indirect.gather [hbm4b:s1+s30], $0x80, s28, s30, $0xb8;
	[tilespmem:$0x1F400] =	vst v63  }
0x2a8: {  	_ = 	snop  }
0x2a9: {  	[tilespmem:s5], [sflag:$0x2] =	stream.indirect.gather [hbm4b:s1+s30], $0x80, s0, s30, $0xb8;
	[tilespmem:$0x1F400] =	vst v63  }
0x2aa: {  	_ =	swait.ge [sflag:s6], $0x4000  }
0x2ab: {  	[sflag:s6] =	ssyncset.done $0x0  }
0x2ac: {  	s25 =	simm.s32 $0x16000;
	[sflag:s6] =	ssyncadd.s32 $0xFFFFC000  }
0x2ad: {  	[spmem:s2] =	stream.indirect.scatter.add.f32 [tilespmem:s31], [sflag:$0x3], $0x80, s25, s30, $0xb8;
	[tilespmem:$0x1F400] =	vst v63  }
0x2ae: {  	_ =	swait.ge [sflag:s26], $0x4000  }
0x2af: {  	[sflag:s26] =	ssyncset.done $0x0  }
0x2b0: {  	s16 =	simm.s32 $0x14D00;
	[sflag:s26] =	ssyncadd.s32 $0xFFFFC000  }
0x2b1: {  	[tilespmem:s31], [sflag:$0x1] =	stream.indirect.gather [hbm4b:s1+s30], $0x80, s16, s30, $0xb8;
	[tilespmem:$0x1F400] =	vst v63  }
0x2b2: {  	_ =	swait.ge [sflag:s7], $0x4000  }
0x2b3: {  	[sflag:s7] =	ssyncset.done $0x0  }
0x2b4: {  	s25 =	simm.s32 $0x16080;
	[sflag:s7] =	ssyncadd.s32 $0xFFFFC000  }
0x2b5: {  	[spmem:s2] =	stream.indirect.scatter.add.f32 [tilespmem:s5], [sflag:$0x3], $0x80, s25, s30, $0xb8;
	[tilespmem:$0x1F400] =	vst v63  }
0x2b6: {  	_ =	swait.ge [sflag:s26], $0x4000  }
0x2b7: {  	[sflag:s26] =	ssyncset.done $0x0  }
0x2b8: {  	s14 =	simm.s32 $0x14D80;
	s25 =	simm.s32 $0x400;
	[sflag:s26] =	ssyncadd.s32 $0xFFFFC000  }
.LBB2_18:
0x2b9: {  	[tilespmem:s5], [sflag:$0x2] =	stream.indirect.gather [hbm4b:s1+s30], $0x80, s14, s30, $0xb8;
	[tilespmem:$0x1F400] =	vst v63  }
0x2ba: {  	s14 =	smov.u32 s25  }
0x2bb: {  	p1 =	sne.s32 s25, $0x4800;
	s25 =	sadd.s32 $0x400, s25;
	_ =	swait.ge [sflag:s6], $0x4000  }
0x2bc: {  	s14 =	sshra.s32 s14, $0x2;
	[sflag:s6] =	ssyncset.done $0x0  }
0x2bd: {  	s16 =	sadd.s32 $0x16000, s14;
	[sflag:s6] =	ssyncadd.s32 $0xFFFFC000  }
0x2be: {  	[spmem:s2] =	stream.indirect.scatter.add.f32 [tilespmem:s31], [sflag:$0x3], $0x80, s16, s30, $0xb8;
	[tilespmem:$0x1F400] =	vst v63  }
0x2bf: {  	_ =	swait.ge [sflag:s26], $0x4000  }
0x2c0: {  	[sflag:s26] =	ssyncset.done $0x0  }
0x2c1: {  	s16 =	sadd.s32 $0x14D00, s14;
	[sflag:s26] =	ssyncadd.s32 $0xFFFFC000  }
0x2c2: {  	[tilespmem:s31], [sflag:$0x1] =	stream.indirect.gather [hbm4b:s1+s30], $0x80, s16, s30, $0xb8;
	[tilespmem:$0x1F400] =	vst v63  }
0x2c3: {  	_ =	swait.ge [sflag:s7], $0x4000  }
0x2c4: {  	[sflag:s7] =	ssyncset.done $0x0  }
.Ltmp8:
0x2c5: {  	s16 =	sadd.s32 $0x16080, s14;
	[sflag:s7] =	ssyncadd.s32 $0xFFFFC000;
	(pc) =	sbr.rel @p1 .LBB2_18-.Ltmp8, $4  }
0x2c6: {  	[spmem:s2] =	stream.indirect.scatter.add.f32 [tilespmem:s5], [sflag:$0x3], $0x80, s16, s30, $0xb8;
	[tilespmem:$0x1F400] =	vst v63  }
0x2c7: {  	_ =	swait.ge [sflag:s26], $0x4000  }
0x2c8: {  	[sflag:s26] =	ssyncset.done $0x0  }
0x2c9: {  	s14 =	sadd.s32 $0x14D80, s14;
	[sflag:s26] =	ssyncadd.s32 $0xFFFFC000  }
0x2ca: {  	[tilespmem:s5], [sflag:$0x2] =	stream.indirect.gather [hbm4b:s1+s30], $0x80, s14, s30, $0xb8;
	[tilespmem:$0x1F400] =	vst v63  }
0x2cb: {  	_ =	swait.ge [sflag:s6], $0x4000  }
0x2cc: {  	[sflag:s6] =	ssyncset.done $0x0  }
0x2cd: {  	[sflag:s6] =	ssyncadd.s32 $0xFFFFC000  }
0x2ce: {  	[spmem:s2] =	stream.indirect.scatter.add.f32 [tilespmem:s31], [sflag:$0x3], $0x80, s10, s30, $0xb8;
	[tilespmem:$0x1F400] =	vst v63  }
0x2cf: {  	_ =	swait.ge [sflag:s26], $0x4000  }
0x2d0: {  	[sflag:s26] =	ssyncset.done $0x0  }
0x2d1: {  	[sflag:s26] =	ssyncadd.s32 $0xFFFFC000  }
0x2d2: {  	_ =	swait.ge [sflag:s7], $0x4000  }
0x2d3: {  	[sflag:s7] =	ssyncset.done $0x0  }
0x2d4: {  	[sflag:s7] =	ssyncadd.s32 $0xFFFFC000  }
0x2d5: {  	[spmem:s2] =	stream.indirect.scatter.add.f32 [tilespmem:s5], [sflag:$0x3], $0x80, s12, s30, $0xb8;
	[tilespmem:$0x1F400] =	vst v63  }
0x2d6: {  	_ =	swait.ge [sflag:s26], $0x4000  }
0x2d7: {  	[sflag:s26] =	ssyncset.done $0x0  }
0x2d8: {  	s25 =	simm.s32 $0x0;
	s16 =	rddreg [dreg:$0xd];
	[sflag:s26] =	ssyncadd.s32 $0xFFFFC000  }
0x2d9: {  	[tilespmem:s28], [sflag:$0x3] =	stream.linear.gather [hbm4b:s16+s25], $0x1400, $0x38;
	[tilespmem:$0x1F400] =	vst v63  }
0x2da: {  	_ =	swait.ge [sflag:s26], $0x1400  }
0x2db: {  	[sflag:s26] =	ssyncset.done $0x0  }
0x2dc: {  	[sflag:s26] =	ssyncadd.s32 $0xFFFFEC00  }
0x2dd: {  	[tilespmem:s29], [sflag:$0x3] =	stream.linear.gather [hbm4b:s13+s25], $0x1400, $0x38;
	[tilespmem:$0x1F400] =	vst v63  }
0x2de: {  	_ =	swait.ge [sflag:s26], $0x1400  }
0x2df: {  	[sflag:s26] =	ssyncset.done $0x0  }
0x2e0: {  	[sflag:s26] =	ssyncadd.s32 $0xFFFFEC00  }
0x2e1: {  	[tilespmem:s31], [sflag:$0x1] =	stream.indirect.gather [hbm4b:s1+s30], $0x80, s28, s30, $0xb8;
	[tilespmem:$0x1F400] =	vst v63  }
0x2e2: {  	_ = 	snop  }
0x2e3: {  	[tilespmem:s5], [sflag:$0x2] =	stream.indirect.gather [hbm4b:s1+s30], $0x80, s0, s30, $0xb8;
	[tilespmem:$0x1F400] =	vst v63  }
0x2e4: {  	_ =	swait.ge [sflag:s6], $0x4000  }
0x2e5: {  	[sflag:s6] =	ssyncset.done $0x0  }
0x2e6: {  	s25 =	simm.s32 $0x16000;
	[sflag:s6] =	ssyncadd.s32 $0xFFFFC000  }
0x2e7: {  	[spmem:s2] =	stream.indirect.scatter.add.f32 [tilespmem:s31], [sflag:$0x3], $0x80, s25, s30, $0xb8;
	[tilespmem:$0x1F400] =	vst v63  }
0x2e8: {  	_ =	swait.ge [sflag:s26], $0x4000  }
0x2e9: {  	[sflag:s26] =	ssyncset.done $0x0  }
0x2ea: {  	s16 =	simm.s32 $0x14D00;
	[sflag:s26] =	ssyncadd.s32 $0xFFFFC000  }
0x2eb: {  	[tilespmem:s31], [sflag:$0x1] =	stream.indirect.gather [hbm4b:s1+s30], $0x80, s16, s30, $0xb8;
	[tilespmem:$0x1F400] =	vst v63  }
0x2ec: {  	_ =	swait.ge [sflag:s7], $0x4000  }
0x2ed: {  	[sflag:s7] =	ssyncset.done $0x0  }
0x2ee: {  	s25 =	simm.s32 $0x16080;
	[sflag:s7] =	ssyncadd.s32 $0xFFFFC000  }
0x2ef: {  	[spmem:s2] =	stream.indirect.scatter.add.f32 [tilespmem:s5], [sflag:$0x3], $0x80, s25, s30, $0xb8;
	[tilespmem:$0x1F400] =	vst v63  }
0x2f0: {  	_ =	swait.ge [sflag:s26], $0x4000  }
0x2f1: {  	[sflag:s26] =	ssyncset.done $0x0  }
0x2f2: {  	s14 =	simm.s32 $0x14D80;
	s25 =	simm.s32 $0x400;
	[sflag:s26] =	ssyncadd.s32 $0xFFFFC000  }
.LBB2_20:
0x2f3: {  	[tilespmem:s5], [sflag:$0x2] =	stream.indirect.gather [hbm4b:s1+s30], $0x80, s14, s30, $0xb8;
	[tilespmem:$0x1F400] =	vst v63  }
0x2f4: {  	s14 =	smov.u32 s25  }
0x2f5: {  	p1 =	sne.s32 s25, $0x4800;
	s25 =	sadd.s32 $0x400, s25;
	_ =	swait.ge [sflag:s6], $0x4000  }
0x2f6: {  	s14 =	sshra.s32 s14, $0x2;
	[sflag:s6] =	ssyncset.done $0x0  }
0x2f7: {  	s16 =	sadd.s32 $0x16000, s14;
	[sflag:s6] =	ssyncadd.s32 $0xFFFFC000  }
0x2f8: {  	[spmem:s2] =	stream.indirect.scatter.add.f32 [tilespmem:s31], [sflag:$0x3], $0x80, s16, s30, $0xb8;
	[tilespmem:$0x1F400] =	vst v63  }
0x2f9: {  	_ =	swait.ge [sflag:s26], $0x4000  }
0x2fa: {  	[sflag:s26] =	ssyncset.done $0x0  }
0x2fb: {  	s16 =	sadd.s32 $0x14D00, s14;
	[sflag:s26] =	ssyncadd.s32 $0xFFFFC000  }
0x2fc: {  	[tilespmem:s31], [sflag:$0x1] =	stream.indirect.gather [hbm4b:s1+s30], $0x80, s16, s30, $0xb8;
	[tilespmem:$0x1F400] =	vst v63  }
0x2fd: {  	_ =	swait.ge [sflag:s7], $0x4000  }
0x2fe: {  	[sflag:s7] =	ssyncset.done $0x0  }
.Ltmp9:
0x2ff: {  	s16 =	sadd.s32 $0x16080, s14;
	[sflag:s7] =	ssyncadd.s32 $0xFFFFC000;
	(pc) =	sbr.rel @p1 .LBB2_20-.Ltmp9, $4  }
0x300: {  	[spmem:s2] =	stream.indirect.scatter.add.f32 [tilespmem:s5], [sflag:$0x3], $0x80, s16, s30, $0xb8;
	[tilespmem:$0x1F400] =	vst v63  }
0x301: {  	_ =	swait.ge [sflag:s26], $0x4000  }
0x302: {  	[sflag:s26] =	ssyncset.done $0x0  }
0x303: {  	s14 =	sadd.s32 $0x14D80, s14;
	[sflag:s26] =	ssyncadd.s32 $0xFFFFC000  }
0x304: {  	[tilespmem:s5], [sflag:$0x2] =	stream.indirect.gather [hbm4b:s1+s30], $0x80, s14, s30, $0xb8;
	[tilespmem:$0x1F400] =	vst v63  }
0x305: {  	_ =	swait.ge [sflag:s6], $0x4000  }
0x306: {  	[sflag:s6] =	ssyncset.done $0x0  }
0x307: {  	[sflag:s6] =	ssyncadd.s32 $0xFFFFC000  }
0x308: {  	[spmem:s2] =	stream.indirect.scatter.add.f32 [tilespmem:s31], [sflag:$0x3], $0x80, s10, s30, $0xb8;
	[tilespmem:$0x1F400] =	vst v63  }
0x309: {  	_ =	swait.ge [sflag:s26], $0x4000  }
0x30a: {  	[sflag:s26] =	ssyncset.done $0x0  }
0x30b: {  	[sflag:s26] =	ssyncadd.s32 $0xFFFFC000  }
0x30c: {  	_ =	swait.ge [sflag:s7], $0x4000  }
0x30d: {  	[sflag:s7] =	ssyncset.done $0x0  }
0x30e: {  	[sflag:s7] =	ssyncadd.s32 $0xFFFFC000  }
0x30f: {  	[spmem:s2] =	stream.indirect.scatter.add.f32 [tilespmem:s5], [sflag:$0x3], $0x80, s12, s30, $0xb8;
	[tilespmem:$0x1F400] =	vst v63  }
0x310: {  	_ =	swait.ge [sflag:s26], $0x4000  }
0x311: {  	[sflag:s26] =	ssyncset.done $0x0  }
0x312: {  	s25 =	simm.s32 $0x0;
	s16 =	rddreg [dreg:$0xe];
	[sflag:s26] =	ssyncadd.s32 $0xFFFFC000  }
0x313: {  	[tilespmem:s28], [sflag:$0x3] =	stream.linear.gather [hbm4b:s16+s25], $0x1400, $0x38;
	[tilespmem:$0x1F400] =	vst v63  }
0x314: {  	_ =	swait.ge [sflag:s26], $0x1400  }
0x315: {  	[sflag:s26] =	ssyncset.done $0x0  }
0x316: {  	[sflag:s26] =	ssyncadd.s32 $0xFFFFEC00  }
0x317: {  	[tilespmem:s29], [sflag:$0x3] =	stream.linear.gather [hbm4b:s15+s25], $0x1400, $0x38;
	[tilespmem:$0x1F400] =	vst v63  }
0x318: {  	_ =	swait.ge [sflag:s26], $0x1400  }
0x319: {  	[sflag:s26] =	ssyncset.done $0x0  }
0x31a: {  	[sflag:s26] =	ssyncadd.s32 $0xFFFFEC00  }
0x31b: {  	[tilespmem:s31], [sflag:$0x1] =	stream.indirect.gather [hbm4b:s1+s30], $0x80, s28, s30, $0xb8;
	[tilespmem:$0x1F400] =	vst v63  }
0x31c: {  	_ = 	snop  }
0x31d: {  	[tilespmem:s5], [sflag:$0x2] =	stream.indirect.gather [hbm4b:s1+s30], $0x80, s0, s30, $0xb8;
	[tilespmem:$0x1F400] =	vst v63  }
0x31e: {  	_ =	swait.ge [sflag:s6], $0x4000  }
0x31f: {  	[sflag:s6] =	ssyncset.done $0x0  }
0x320: {  	s25 =	simm.s32 $0x16000;
	[sflag:s6] =	ssyncadd.s32 $0xFFFFC000  }
0x321: {  	[spmem:s2] =	stream.indirect.scatter.add.f32 [tilespmem:s31], [sflag:$0x3], $0x80, s25, s30, $0xb8;
	[tilespmem:$0x1F400] =	vst v63  }
0x322: {  	_ =	swait.ge [sflag:s26], $0x4000  }
0x323: {  	[sflag:s26] =	ssyncset.done $0x0  }
0x324: {  	s16 =	simm.s32 $0x14D00;
	[sflag:s26] =	ssyncadd.s32 $0xFFFFC000  }
0x325: {  	[tilespmem:s31], [sflag:$0x1] =	stream.indirect.gather [hbm4b:s1+s30], $0x80, s16, s30, $0xb8;
	[tilespmem:$0x1F400] =	vst v63  }
0x326: {  	_ =	swait.ge [sflag:s7], $0x4000  }
0x327: {  	[sflag:s7] =	ssyncset.done $0x0  }
0x328: {  	s25 =	simm.s32 $0x16080;
	[sflag:s7] =	ssyncadd.s32 $0xFFFFC000  }
0x329: {  	[spmem:s2] =	stream.indirect.scatter.add.f32 [tilespmem:s5], [sflag:$0x3], $0x80, s25, s30, $0xb8;
	[tilespmem:$0x1F400] =	vst v63  }
0x32a: {  	_ =	swait.ge [sflag:s26], $0x4000  }
0x32b: {  	[sflag:s26] =	ssyncset.done $0x0  }
0x32c: {  	s14 =	simm.s32 $0x14D80;
	s25 =	simm.s32 $0x400;
	[sflag:s26] =	ssyncadd.s32 $0xFFFFC000  }
.LBB2_22:
0x32d: {  	[tilespmem:s5], [sflag:$0x2] =	stream.indirect.gather [hbm4b:s1+s30], $0x80, s14, s30, $0xb8;
	[tilespmem:$0x1F400] =	vst v63  }
0x32e: {  	s14 =	smov.u32 s25  }
0x32f: {  	p1 =	sne.s32 s25, $0x4800;
	s25 =	sadd.s32 $0x400, s25;
	_ =	swait.ge [sflag:s6], $0x4000  }
0x330: {  	s14 =	sshra.s32 s14, $0x2;
	[sflag:s6] =	ssyncset.done $0x0  }
0x331: {  	s16 =	sadd.s32 $0x16000, s14;
	[sflag:s6] =	ssyncadd.s32 $0xFFFFC000  }
0x332: {  	[spmem:s2] =	stream.indirect.scatter.add.f32 [tilespmem:s31], [sflag:$0x3], $0x80, s16, s30, $0xb8;
	[tilespmem:$0x1F400] =	vst v63  }
0x333: {  	_ =	swait.ge [sflag:s26], $0x4000  }
0x334: {  	[sflag:s26] =	ssyncset.done $0x0  }
0x335: {  	s16 =	sadd.s32 $0x14D00, s14;
	[sflag:s26] =	ssyncadd.s32 $0xFFFFC000  }
0x336: {  	[tilespmem:s31], [sflag:$0x1] =	stream.indirect.gather [hbm4b:s1+s30], $0x80, s16, s30, $0xb8;
	[tilespmem:$0x1F400] =	vst v63  }
0x337: {  	_ =	swait.ge [sflag:s7], $0x4000  }
0x338: {  	[sflag:s7] =	ssyncset.done $0x0  }
.Ltmp10:
0x339: {  	s16 =	sadd.s32 $0x16080, s14;
	[sflag:s7] =	ssyncadd.s32 $0xFFFFC000;
	(pc) =	sbr.rel @p1 .LBB2_22-.Ltmp10, $4  }
0x33a: {  	[spmem:s2] =	stream.indirect.scatter.add.f32 [tilespmem:s5], [sflag:$0x3], $0x80, s16, s30, $0xb8;
	[tilespmem:$0x1F400] =	vst v63  }
0x33b: {  	_ =	swait.ge [sflag:s26], $0x4000  }
0x33c: {  	[sflag:s26] =	ssyncset.done $0x0  }
0x33d: {  	s14 =	sadd.s32 $0x14D80, s14;
	[sflag:s26] =	ssyncadd.s32 $0xFFFFC000  }
0x33e: {  	[tilespmem:s5], [sflag:$0x2] =	stream.indirect.gather [hbm4b:s1+s30], $0x80, s14, s30, $0xb8;
	[tilespmem:$0x1F400] =	vst v63  }
0x33f: {  	_ =	swait.ge [sflag:s6], $0x4000  }
0x340: {  	[sflag:s6] =	ssyncset.done $0x0  }
0x341: {  	[sflag:s6] =	ssyncadd.s32 $0xFFFFC000  }
0x342: {  	[spmem:s2] =	stream.indirect.scatter.add.f32 [tilespmem:s31], [sflag:$0x3], $0x80, s10, s30, $0xb8;
	[tilespmem:$0x1F400] =	vst v63  }
0x343: {  	_ =	swait.ge [sflag:s26], $0x4000  }
0x344: {  	[sflag:s26] =	ssyncset.done $0x0  }
0x345: {  	[sflag:s26] =	ssyncadd.s32 $0xFFFFC000  }
0x346: {  	_ =	swait.ge [sflag:s7], $0x4000  }
0x347: {  	[sflag:s7] =	ssyncset.done $0x0  }
0x348: {  	[sflag:s7] =	ssyncadd.s32 $0xFFFFC000  }
0x349: {  	[spmem:s2] =	stream.indirect.scatter.add.f32 [tilespmem:s5], [sflag:$0x3], $0x80, s12, s30, $0xb8;
	[tilespmem:$0x1F400] =	vst v63  }
0x34a: {  	_ =	swait.ge [sflag:s26], $0x4000  }
0x34b: {  	[sflag:s26] =	ssyncset.done $0x0  }
0x34c: {  	s25 =	simm.s32 $0x0;
	s16 =	rddreg [dreg:$0xf];
	[sflag:s26] =	ssyncadd.s32 $0xFFFFC000  }
0x34d: {  	[tilespmem:s28], [sflag:$0x3] =	stream.linear.gather [hbm4b:s16+s25], $0x1400, $0x38;
	[tilespmem:$0x1F400] =	vst v63  }
0x34e: {  	_ =	swait.ge [sflag:s26], $0x1400  }
0x34f: {  	[sflag:s26] =	ssyncset.done $0x0  }
0x350: {  	[sflag:s26] =	ssyncadd.s32 $0xFFFFEC00  }
0x351: {  	[tilespmem:s29], [sflag:$0x3] =	stream.linear.gather [hbm4b:s17+s25], $0x1400, $0x38;
	[tilespmem:$0x1F400] =	vst v63  }
0x352: {  	_ =	swait.ge [sflag:s26], $0x1400  }
0x353: {  	[sflag:s26] =	ssyncset.done $0x0  }
0x354: {  	[sflag:s26] =	ssyncadd.s32 $0xFFFFEC00  }
0x355: {  	[tilespmem:s31], [sflag:$0x1] =	stream.indirect.gather [hbm4b:s1+s30], $0x80, s28, s30, $0xb8;
	[tilespmem:$0x1F400] =	vst v63  }
0x356: {  	_ = 	snop  }
0x357: {  	[tilespmem:s5], [sflag:$0x2] =	stream.indirect.gather [hbm4b:s1+s30], $0x80, s0, s30, $0xb8;
	[tilespmem:$0x1F400] =	vst v63  }
0x358: {  	_ =	swait.ge [sflag:s6], $0x4000  }
0x359: {  	[sflag:s6] =	ssyncset.done $0x0  }
0x35a: {  	s25 =	simm.s32 $0x16000;
	[sflag:s6] =	ssyncadd.s32 $0xFFFFC000  }
0x35b: {  	[spmem:s2] =	stream.indirect.scatter.add.f32 [tilespmem:s31], [sflag:$0x3], $0x80, s25, s30, $0xb8;
	[tilespmem:$0x1F400] =	vst v63  }
0x35c: {  	_ =	swait.ge [sflag:s26], $0x4000  }
0x35d: {  	[sflag:s26] =	ssyncset.done $0x0  }
0x35e: {  	s16 =	simm.s32 $0x14D00;
	[sflag:s26] =	ssyncadd.s32 $0xFFFFC000  }
0x35f: {  	[tilespmem:s31], [sflag:$0x1] =	stream.indirect.gather [hbm4b:s1+s30], $0x80, s16, s30, $0xb8;
	[tilespmem:$0x1F400] =	vst v63  }
0x360: {  	_ =	swait.ge [sflag:s7], $0x4000  }
0x361: {  	[sflag:s7] =	ssyncset.done $0x0  }
0x362: {  	s25 =	simm.s32 $0x16080;
	[sflag:s7] =	ssyncadd.s32 $0xFFFFC000  }
0x363: {  	[spmem:s2] =	stream.indirect.scatter.add.f32 [tilespmem:s5], [sflag:$0x3], $0x80, s25, s30, $0xb8;
	[tilespmem:$0x1F400] =	vst v63  }
0x364: {  	_ =	swait.ge [sflag:s26], $0x4000  }
0x365: {  	[sflag:s26] =	ssyncset.done $0x0  }
0x366: {  	s14 =	simm.s32 $0x14D80;
	s25 =	simm.s32 $0x400;
	[sflag:s26] =	ssyncadd.s32 $0xFFFFC000  }
.LBB2_24:
0x367: {  	[tilespmem:s5], [sflag:$0x2] =	stream.indirect.gather [hbm4b:s1+s30], $0x80, s14, s30, $0xb8;
	[tilespmem:$0x1F400] =	vst v63  }
0x368: {  	s14 =	smov.u32 s25  }
0x369: {  	p1 =	sne.s32 s25, $0x4800;
	s25 =	sadd.s32 $0x400, s25;
	_ =	swait.ge [sflag:s6], $0x4000  }
0x36a: {  	s14 =	sshra.s32 s14, $0x2;
	[sflag:s6] =	ssyncset.done $0x0  }
0x36b: {  	s16 =	sadd.s32 $0x16000, s14;
	[sflag:s6] =	ssyncadd.s32 $0xFFFFC000  }
0x36c: {  	[spmem:s2] =	stream.indirect.scatter.add.f32 [tilespmem:s31], [sflag:$0x3], $0x80, s16, s30, $0xb8;
	[tilespmem:$0x1F400] =	vst v63  }
0x36d: {  	_ =	swait.ge [sflag:s26], $0x4000  }
0x36e: {  	[sflag:s26] =	ssyncset.done $0x0  }
0x36f: {  	s16 =	sadd.s32 $0x14D00, s14;
	[sflag:s26] =	ssyncadd.s32 $0xFFFFC000  }
0x370: {  	[tilespmem:s31], [sflag:$0x1] =	stream.indirect.gather [hbm4b:s1+s30], $0x80, s16, s30, $0xb8;
	[tilespmem:$0x1F400] =	vst v63  }
0x371: {  	_ =	swait.ge [sflag:s7], $0x4000  }
0x372: {  	[sflag:s7] =	ssyncset.done $0x0  }
.Ltmp11:
0x373: {  	s16 =	sadd.s32 $0x16080, s14;
	[sflag:s7] =	ssyncadd.s32 $0xFFFFC000;
	(pc) =	sbr.rel @p1 .LBB2_24-.Ltmp11, $4  }
0x374: {  	[spmem:s2] =	stream.indirect.scatter.add.f32 [tilespmem:s5], [sflag:$0x3], $0x80, s16, s30, $0xb8;
	[tilespmem:$0x1F400] =	vst v63  }
0x375: {  	_ =	swait.ge [sflag:s26], $0x4000  }
0x376: {  	[sflag:s26] =	ssyncset.done $0x0  }
0x377: {  	s14 =	sadd.s32 $0x14D80, s14;
	[sflag:s26] =	ssyncadd.s32 $0xFFFFC000  }
0x378: {  	[tilespmem:s5], [sflag:$0x2] =	stream.indirect.gather [hbm4b:s1+s30], $0x80, s14, s30, $0xb8;
	[tilespmem:$0x1F400] =	vst v63  }
0x379: {  	_ =	swait.ge [sflag:s6], $0x4000  }
0x37a: {  	[sflag:s6] =	ssyncset.done $0x0  }
0x37b: {  	[sflag:s6] =	ssyncadd.s32 $0xFFFFC000  }
0x37c: {  	[spmem:s2] =	stream.indirect.scatter.add.f32 [tilespmem:s31], [sflag:$0x3], $0x80, s10, s30, $0xb8;
	[tilespmem:$0x1F400] =	vst v63  }
0x37d: {  	_ =	swait.ge [sflag:s26], $0x4000  }
0x37e: {  	[sflag:s26] =	ssyncset.done $0x0  }
0x37f: {  	[sflag:s26] =	ssyncadd.s32 $0xFFFFC000  }
0x380: {  	_ =	swait.ge [sflag:s7], $0x4000  }
0x381: {  	[sflag:s7] =	ssyncset.done $0x0  }
0x382: {  	[sflag:s7] =	ssyncadd.s32 $0xFFFFC000  }
0x383: {  	[spmem:s2] =	stream.indirect.scatter.add.f32 [tilespmem:s5], [sflag:$0x3], $0x80, s12, s30, $0xb8;
	[tilespmem:$0x1F400] =	vst v63  }
0x384: {  	_ =	swait.ge [sflag:s26], $0x4000  }
0x385: {  	[sflag:s26] =	ssyncset.done $0x0  }
0x386: {  	[sflag:s26] =	ssyncadd.s32 $0xFFFFC000  }
0x387: {  	[bflag:$0x0] =	sbarrier.arrive $0xFFFF  }
0x388: {  	s16 =	rddreg [dreg:$0x12]  }
0x389: {  	[hbm:s16], [sflag:s9] =	dma.local [spmem:s24], $0x2780  }
0x38a: {  	_ =	swait.ge [sflag:s26], $0x2780  }
0x38b: {  	s23 =	sadd.s32 $0x1, s23;
	s25 =	rddreg [dreg:$0x13]  }
0x38c: {  	p1 =	sne.s32 s23, s25  }
.Ltmp12:
0x38d: {  	_ = 	snop;
	(pc) =	sbr.rel @p1 .LBB2_1-.Ltmp12, $3  }
0x38e: {  	_ =	sdelay $0x1  }
0x38f: {  	[sflag:s26] =	ssyncset.done $0x0  }
0x390: {  	[sflag:s26] =	ssyncadd.s32 $0xFFFFD880  }
0x391: {  	_ =	sfence.sel $0x180000  }
0x392: {  	[bflag:$0x0] =	sbarrier.arrive $0xFFFF  }
0x393: {  	_ =	strace $0x90000047  }
0x394: {  	[bflag:$0x2] =	sbarrier.arrive $0xFFFF  }
0x395: {  	s0 =	rddreg [dreg:$0x4]  }
0x396: {  	s0 =	sadd.s32 @!p0 $0x100000, s0  }
0x397: {  	[sflag:s0] =	ssyncadd.tile.s32 @!p0 $0x1;
	_ =	shalt  }
.Lfunc_end2:
_tile_overlayer_lowered:
.L_overlay_start_2:
0x398: {  	(tag) =	ssettag $0x2  }
0x399: {  	s0 =	rddreg [dreg:$0x0];
	s2 =	stileid.u32  }
0x39a: {  	s1 =	rddreg [dreg:$0x1];
	p0 =	sne.s32 s2, $0x0  }
0x39b: {  	s3 =	rddreg [dreg:$0x2];
	[bflag:$0x3] =	sbarrier.arrive $0xFFFF;
	s2 =	simm.s32 @!p0 $0x1C03  }
0x39c: {  	[timem:s3], [sflag:s2] =	dma.local @!p0 [hbm:s0], s1  }
0x39d: {  	s0 =	simm.s32 @!p0 $0x3  }
0x39e: {  	_ =	swait.ge @!p0 [sflag:s0], s1  }
0x39f: {  	s1 =	ssub.s32 @!p0 $0x0, s1;
	[sflag:s0] =	ssyncset.done @!p0 $0x0  }
0x3a0: {  	[sflag:s0] =	ssyncadd.s32 @!p0 s1  }
0x3a1: {  	[bflag:$0x3] =	sbarrier.arrive $0xFFFF  }
0x3a2: {  	_ =	shalt  }

// kernel: kernel.13.cloned.1.call-start
scs
__scs_entry_jumppad:
0x0: {  	(pc) =	sbr.rel $0x88, $3  }
0x1: {  	(tag) =	ssettag $0x0;
	lr =	simm.s32 $0x1  }
0x2: {  	[smem:$0x3F8B] =	sst lr;
	_ =	strace $0xD0000000  }
0x3: {  	_ = 	snop  }
0x4: {  	_ = 	snop  }
0x5: {  	_ = 	snop  }
0x6: {  	_ = 	snop  }
0x7: {  	_ = 	snop  }
__scs_overlays_trampoline_lowered:
0x8: {  	[smem:$0x3F9A] =	sst s0  }
0x9: {  	[smem:$0x3F9B] =	sst s1  }
0xa: {  	[smem:$0x3F9C] =	sst s2  }
0xb: {  	[smem:$0x3F9D] =	sst s3  }
0xc: {  	[smem:$0x3F9E] =	sst s4  }
0xd: {  	[smem:$0x3F9F] =	sst s5  }
0xe: {  	[smem:$0x3FA0] =	sst s6  }
0xf: {  	[smem:$0x3FA1] =	sst s7  }
0x10: {  	[smem:$0x3FA2] =	sst s8  }
0x11: {  	[smem:$0x3FA3] =	sst s9;
	s0 =	simm.s32 @!p0 $0x0  }
0x12: {  	s1 =	sld [smem:$0x3F89];
	s0 =	simm.s32 @p0 $0x1  }
0x13: {  	[smem:$0x3FA4] =	sst s0;
	s0 =	simm.s32 @!p1 $0x0  }
0x14: {  	s2 =	sld [smem:$0x3F88];
	s0 =	simm.s32 @p1 $0x1  }
0x15: {  	[smem:$0x3FA5] =	sst s0;
	s0 =	simm.s32 @!p2 $0x0  }
0x16: {  	s3 =	sld [smem:$0x3FDB];
	s0 =	simm.s32 @p2 $0x1  }
0x17: {  	s4 =	simm.s32 $0x1BF5;
	[smem:$0x3FA7] =	sst s0  }
0x18: {  	s0 =	sld [smem:$0x3F8A];
	_ =	swait.ge [sflag:s4], $0x0  }
0x19: {  	s7 =	sld [smem:$0x3F8B]  }
0x1a: {  	s8 =	sadd.s32 $0xFFFFE003, lr  }
0x1b: {  	s9 =	sadd.s32 $0xFFFFFEF7, lr;
	s5 =	simm.s32 $0xFFFFFFFF;
	p2 =	slt.u32 s8, $0xFFFFF086  }
0x1c: {  	p1 =	slt.u32 s9, $0xF7A;
	s5 =	simm.s32 @!p2 $0x0  }
0x1d: {  	s5 =	simm.s32 @p1 $0x1;
	p0 =	seq.s32 s7, s2  }
0x1e: {  	s7 =	smul.u32 @!p0 $0xF7A, s2;
	p2 =	seq.s32 @!p0 s5, $0x0  }
0x1f: {  	s9 =	smul.u32 $0xF7A, s1;
	s8 =	simm.s32 @!p0 $0x1BF5;
	p2 =	por !p2, p0  }
0x20: {  	[sflag:s8] =	ssyncset.s32 @!p0 $0xFFFFF086;
	s6 =	sadd.s32 @!p0 s3, s7;
	s7 =	simm.s32 @!p0 $0x108  }
0x21: {  	s3 =	sadd.s32 s3, s9;
	s6 =	sadd.s32 @!p0 $0x88, s6;
	s7 =	simm.s32 @p2 $0x1082  }
0x22: {  	[simem:s7], [sflag:s8] =	dma.local @!p0 [hbm:s6], $0xF7A  }
0x23: {  	s9 =	sor.u32 $0xD0000000, s2;
	s6 =	simm.s32 $0x108;
	_ =	swait.ge @!p0 [sflag:s8], $0x0  }
0x24: {  	s3 =	sadd.s32 $0x88, s3;
	s6 =	simm.s32 @!p1 $0x1082;
	[sflag:s4] =	ssyncset.s32 $0xFFFFF086  }
0x25: {  	[simem:s6], [sflag:s4] =	dma.local [hbm:s3], $0xF7A  }
0x26: {  	[smem:$0x3F8B] =	sst s1;
	(tag) =	ssettag s2;
	_ =	strace s9  }
0x27: {  	s1 =	sld [smem:$0x3F9B]  }
0x28: {  	s2 =	sld [smem:$0x3F9C]  }
0x29: {  	s4 =	sld [smem:$0x3F9E]  }
0x2a: {  	p0 =	seq.s32 s5, $0x0;
	s5 =	sld [smem:$0x3F9F]  }
0x2b: {  	s6 =	sld [smem:$0x3FA0]  }
0x2c: {  	s7 =	sld [smem:$0x3FA1]  }
0x2d: {  	s3 =	simm.s32 $0x108;
	s8 =	sld [smem:$0x3FA2]  }
0x2e: {  	s3 =	simm.s32 @!p0 $0x1082;
	s9 =	sld [smem:$0x3FA3]  }
0x2f: {  	lr =	sadd.s32 s0, s3;
	s0 =	sld [smem:$0x3F9A]  }
0x30: {  	s3 =	sld [smem:$0x3F9D]  }
0x31: {  	[smem:$0x3FA6] =	sst s10  }
0x32: {  	s10 =	sld [smem:$0x3FA4];
	_ =	sdelay $0x3  }
0x33: {  	p0 =	seq.s32 s10, $0x1;
	s10 =	sld [smem:$0x3FA6];
	_ =	sdelay $0x3  }
0x34: {  	[smem:$0x3FA6] =	sst s10  }
0x35: {  	s10 =	sld [smem:$0x3FA5];
	_ =	sdelay $0x3  }
0x36: {  	p1 =	seq.s32 s10, $0x1;
	s10 =	sld [smem:$0x3FA6];
	_ =	sdelay $0x3  }
0x37: {  	[smem:$0x3FA6] =	sst s10  }
0x38: {  	s10 =	sld [smem:$0x3FA7]  }
0x39: {  	_ = 	snop;
	(pc) =	sbr.ind lr, $3  }
0x3a: {  	_ = 	snop  }
0x3b: {  	_ = 	snop  }
0x3c: {  	p2 =	seq.s32 s10, $0x1;
	s10 =	sld [smem:$0x3FA6]  }
0x3d: {  	_ =	shalt  }
0x3e: {  	_ =	shalt  }
0x3f: {  	_ =	shalt  }
0x40: {  	_ =	shalt  }
0x41: {  	_ =	shalt  }
0x42: {  	_ =	shalt  }
0x43: {  	_ =	shalt  }
0x44: {  	_ =	shalt  }
0x45: {  	_ =	shalt  }
0x46: {  	_ =	shalt  }
0x47: {  	_ =	shalt  }
0x48: {  	_ =	shalt  }
0x49: {  	_ =	shalt  }
0x4a: {  	_ =	shalt  }
0x4b: {  	_ =	shalt  }
0x4c: {  	_ =	shalt  }
0x4d: {  	_ =	shalt  }
0x4e: {  	_ =	shalt  }
0x4f: {  	_ =	shalt  }
0x50: {  	_ =	shalt  }
0x51: {  	_ =	shalt  }
0x52: {  	_ =	shalt  }
0x53: {  	_ =	shalt  }
0x54: {  	_ =	shalt  }
0x55: {  	_ =	shalt  }
0x56: {  	_ =	shalt  }
0x57: {  	_ =	shalt  }
0x58: {  	_ =	shalt  }
0x59: {  	_ =	shalt  }
0x5a: {  	_ =	shalt  }
0x5b: {  	_ =	shalt  }
0x5c: {  	_ =	shalt  }
0x5d: {  	_ =	shalt  }
0x5e: {  	_ =	shalt  }
0x5f: {  	_ =	shalt  }
0x60: {  	_ =	shalt  }
0x61: {  	_ =	shalt  }
0x62: {  	_ =	shalt  }
0x63: {  	_ =	shalt  }
0x64: {  	_ =	shalt  }
0x65: {  	_ =	shalt  }
0x66: {  	_ =	shalt  }
0x67: {  	_ =	shalt  }
0x68: {  	_ =	shalt  }
0x69: {  	_ =	shalt  }
0x6a: {  	_ =	shalt  }
0x6b: {  	_ =	shalt  }
0x6c: {  	_ =	shalt  }
0x6d: {  	_ =	shalt  }
0x6e: {  	_ =	shalt  }
0x6f: {  	_ =	shalt  }
0x70: {  	_ =	shalt  }
0x71: {  	_ =	shalt  }
0x72: {  	_ =	shalt  }
0x73: {  	_ =	shalt  }
0x74: {  	_ =	shalt  }
0x75: {  	_ =	shalt  }
0x76: {  	_ =	shalt  }
0x77: {  	_ =	shalt  }
0x78: {  	_ =	shalt  }
0x79: {  	_ =	shalt  }
0x7a: {  	_ =	shalt  }
0x7b: {  	_ =	shalt  }
0x7c: {  	_ =	shalt  }
0x7d: {  	_ =	shalt  }
0x7e: {  	_ =	shalt  }
0x7f: {  	_ =	shalt  }
0x80: {  	_ =	shalt  }
0x81: {  	_ =	shalt  }
0x82: {  	_ =	shalt  }
0x83: {  	_ =	shalt  }
0x84: {  	_ =	shalt  }
0x85: {  	_ =	shalt  }
0x86: {  	_ =	shalt  }
0x87: {  	_ =	shalt  }
.Lfunc_end0:
.L_simem_size_0:
called_computation.1_lowered:
.L_overlay_start_0:
0x88: {  	s2 =	sld [smem:$0x3FD9]  }
0x89: {  	s3 =	sld [smem:$0x3FFE];
	_ =	sdelay $0x1  }
0x8a: {  	s1 =	srdreg.scid  }
0x8b: {  	s0 =	sand.u32 $0x1, s1  }
0x8c: {  	s14 =	sshll.u32 s0, $0xA;
	s2 =	sadd.s32 s3, s2  }
0x8d: {  	s2 =	sadd.s32 s2, s14  }
0x8e: {  	[smem:$0x3FB2] =	sst s2  }
0x8f: {  	_ = 	snop  }
0x90: {  	s2 =	sld [smem:$0x3FD0];
	_ =	sdelay $0x2  }
0x91: {  	s15 =	simm.s32 $0xA;
	s4 =	simm.s32 $0x10  }
0x92: {  	[smem:s4], [sflag:s15] =	dma.local [hbm:s2], $0x1  }
0x93: {  	_ =	swait.eq [sflag:s15], $0x1  }
0x94: {  	[sflag:s15] =	ssyncset.done $0x0  }
0x95: {  	[sflag:s15] =	ssyncadd.s32 $0xFFFFFFFF  }
0x96: {  	s16 =	sld [smem:$0x10];
	(tm) =	ssettm $0x1  }
0x97: {  	s17 =	sld [smem:$0x3FFB];
	_ =	sdelay $0x3  }
0x98: {  	_ =	strace s17  }
0x99: {  	s3 =	sld [smem:$0x3FFC];
	_ =	sdelay $0x3  }
0x9a: {  	_ =	strace s3  }
0x9b: {  	s3 =	sld [smem:$0x3FFD];
	_ =	sdelay $0x3  }
0x9c: {  	_ =	strace s3  }
0x9d: {  	_ =	strace $0x8FFFFFFF  }
0x9e: {  	s18 =	sld [smem:$0x3FDB];
	_ =	sdelay $0x1  }
0x9f: {  	s19 =	simm.s32 $_scs_section_size  }
0xa0: {  	s5 =	simm.s32 $_size__tile_overlayer_lowered;
	s6 =	simm.s32 $_tile_overlayer_lowered  }
0xa1: {  	s22 =	simm.s32 $0x1BFF;
	s21 =	sshll.u32 s6, $0x1;
	s3 =	sadd.s32 s19, s18  }
0xa2: {  	s7 =	simm.s32 $0x0;
	s20 =	sshll.u32 s5, $0x1;
	s5 =	sadd.s32 s21, s3  }
0xa3: {  	[timem:s7], [sflag:s22] =	dma.local [hbm:s5], s20  }
0xa4: {  	_ =	swait.ge [sflag:s22], s20  }
0xa5: {  	s4 =	ssub.s32 $0x0, s20;
	[sflag:s22] =	ssyncset.done $0x0  }
0xa6: {  	[sflag:s22] =	ssyncadd.s32 s4;
	_ =	sdelay $0x1  }
0xa7: {  	s23 =	simm.s32 $0x1B8B  }
0xa8: {  	_ =	swait.ge [sflag:s23], $0x1  }
0xa9: {  	[sflag:s23] =	ssyncset.done $0x0  }
0xaa: {  	s25 =	simm.s32 $0x1B8E;
	s24 =	sld [smem:$0x3FFE];
	[sflag:s23] =	ssyncadd.s32 $0xFFFFFFFF  }
0xab: {  	s26 =	simm.s32 $execute0_lowered;
	[smem:$0x3FD2] =	sst s25  }
0xac: {  	s5 =	sshll.u32 s26, $0x1;
	_ =	strace $0x80000049;
	[dreg:$0x1] =	wrdreg $0xFFFFFFFF  }
0xad: {  	s28 =	simm.s32 $_size_execute0_lowered;
	s3 =	sadd.s32 s3, s5;
	[dreg:$0x0] =	wrdreg $0x0  }
0xae: {  	s5 =	sshll.u32 s28, $0x1;
	[dreg:$0x2] =	wrdreg s3  }
0xaf: {  	[dreg:$0x3] =	wrdreg s5  }
0xb0: {  	[dreg:$0x4] =	wrdreg $0xC0  }
0xb1: {  	_ =	task [dreg:s7], $0x5FFFF  }
0xb2: {  	[dreg:$0x1] =	wrdreg $0xFFFFFFFF  }
0xb3: {  	[dreg:$0x0] =	wrdreg $0x60  }
0xb4: {  	[dreg:$0x2] =	wrdreg s16  }
0xb5: {  	[dreg:$0x3] =	wrdreg s24  }
0xb6: {  	[dreg:$0x4] =	wrdreg $0x0  }
0xb7: {  	[dreg:$0x5] =	wrdreg $0x9  }
0xb8: {  	_ =	task.clear_ibuf [dreg:s7], $0x6FFFF;
	_ =	strace $0x90000049  }
0xb9: {  	s29 =	simm.s32 $0x9;
	_ =	strace $0x8000004B  }
0xba: {  	_ =	swait.ge [sflag:s29], $0x1  }
0xbb: {  	[sflag:s29] =	ssyncadd.s32 $0xFFFFFFFF  }
0xbc: {  	_ =	strace $0x9000004B  }
0xbd: {  	_ =	sfence  }
0xbe: {  	s30 =	sld [smem:$0x0];
	_ =	sdelay $0x2  }
0xbf: {  	s31 =	sshll.u32 s1, $0xD;
	s1 =	sshrl.u32 s1, $0x2  }
0xc0: {  	s3 =	sand.u32 $0x4000, s31;
	s1 =	sadd.s32 s1, s30  }
0xc1: {  	s0 =	sor.u32 s3, s0;
	s1 =	sshll.u32 s1, $0x11  }
0xc2: {  	s0 =	sor.u32 s1, s0  }
0xc3: {  	s0 =	sadd.s32 $0x8F2B, s0  }
0xc4: {  	[sflag:s0] =	ssyncadd.remote.s32 $0x1  }
0xc5: {  	_ =	sfence.sel $0xFFFF  }
0xc6: {  	[dreg:$0x0] =	wrdreg $0xFFFFFFFF;
	(pc) =	sbr.abs _section_cstart, $3  }
0xc7: {  	[dreg:$0x1] =	wrdreg $0xFFFFFFFF  }
0xc8: {  	_ =	task.clear_ibuf [dreg:s7], $0x2FFFF;
	_ =	strace $0x9FFFFFFF  }
0xc9: {  	(tm) =	ssettm $0x7FFFFFFF  }
tec
execute0_lowered:
.L_overlay_start_1:
0x0: {  	(tag) =	ssettag $0x1  }
0x1: {  	s1 =	rddreg [dreg:$0x0]  }
0x2: {  	s0 =	rddreg [dreg:$0x1]  }
0x3: {  	s3 =	rddreg [dreg:$0x2];
	s4 =	simm.s32 $0x0;
	s2 =	stileid.u32  }
0x4: {  	s5 =	srdreg.scid;
	s19 =	simm.s32 $0x13C00;
	s20 =	simm.s32 $0x15000  }
0x5: {  	s21 =	simm.s32 $0x80;
	s22 =	simm.s32 $0x16400;
	s28 =	simm.s32 $0x16300  }
0x6: {  	s29 =	simm.s32 $0x16380;
	s30 =	simm.s32 $0x0;
	[smem:$0x7FF] =	sst s4  }
0x7: {  	s6 =	smul.u32 $0x2780, s2;
	s5 =	sand.u32 $0x1, s5;
	s13 =	sadd.s32 $0x2F800, s0  }
0x8: {  	s14 =	sadd.s32 $0x1B800, s0;
	s23 =	smul.u32 $0x4F000, s2;
	s31 =	sshll.u32 s2, $0x6  }
0x9: {  	_ =	strace $0x8000004A;
	s7 =	smul.u32 $0x27800, s5;
	s9 =	sshll.u32 s5, $0x4  }
0xa: {  	s5 =	ssub.s32 $0x2, s5;
	s8 =	sadd.s32 s6, s0;
	s24 =	sor.u32 s2, s9  }
0xb: {  	s25 =	sshrl.u32 s5, $0x1;
	s6 =	sadd.s32 s6, s7;
	s10 =	smul.u32 $0x5000, s24  }
0xc: {  	s7 =	sshrl.u32 s23, $0x2;
	s16 =	ssub.s32 s5, s25;
	s26 =	smul.u32 $0xA00, s24  }
0xd: {  	s5 =	sadd.s32 $0x45800, s8;
	s23 =	simm.s32 $0x13C80;
	s24 =	simm.s32 $0x1A400  }
0xe: {  	s25 =	simm.s32 $0x1;
	s0 =	sadd.s32 s6, s0;
	s17 =	sadd.s32 s7, s3  }
0xf: {  	s6 =	sor.u32 $0x1C03, s31;
	s16 =	smax.u32 s16, $0x1;
	s12 =	sshrl.u32 s10, $0x3  }
0x10: {  	s7 =	sadd.s32 s13, s26;
	s8 =	sadd.s32 s14, s26;
	s17 =	sshrl.u32 s17, $0x3  }
0x11: {  	s26 =	simm.s32 $0x2;
	s10 =	sadd.s32 $0x280, s12;
	s15 =	sadd.s32 $0x500, s12  }
0x12: {  	s18 =	sadd.s32 $0x780, s12;
	s9 =	sadd.s32 s13, s10;
	s10 =	sadd.s32 s14, s10  }
0x13: {  	s11 =	sadd.s32 s13, s15;
	s12 =	sadd.s32 s14, s15;
	s13 =	sadd.s32 s13, s18  }
0x14: {  	s14 =	sadd.s32 s14, s18;
	s15 =	sadd.s32 $0xE2600, s0;
	s18 =	simm.s32 $0x3  }
.LBB2_1:
0x15: {  	[spmem:s17], [sflag:s6] =	dma.local [hbm:s5], $0x2780  }
0x16: {  	_ =	swait.ge [sflag:s18], $0x2780  }
0x17: {  	[sflag:s18] =	ssyncset.done $0x0  }
0x18: {  	[sflag:s18] =	ssyncadd.s32 $0xFFFFD880  }
0x19: {  	[bflag:$0x0] =	sbarrier.arrive $0xFFFF  }
0x1a: {  	[tilespmem:s19], [sflag:$0x3] =	stream.linear.gather [hbm4b:s7+s4], $0x1400, $0x38;
	[tilespmem:$0x1E400] =	vst v63  }
0x1b: {  	_ =	swait.ge [sflag:s18], $0x1400  }
0x1c: {  	[sflag:s18] =	ssyncset.done $0x0  }
0x1d: {  	[sflag:s18] =	ssyncadd.s32 $0xFFFFEC00  }
0x1e: {  	[tilespmem:s20], [sflag:$0x3] =	stream.linear.gather [hbm4b:s8+s4], $0x1400, $0x38;
	[tilespmem:$0x1E400] =	vst v63  }
0x1f: {  	_ =	swait.ge [sflag:s18], $0x1400  }
0x20: {  	[sflag:s18] =	ssyncset.done $0x0  }
0x21: {  	[sflag:s18] =	ssyncadd.s32 $0xFFFFEC00  }
0x22: {  	[tilespmem:s22], [sflag:$0x1] =	stream.indirect.gather [hbm4b:s1+s21], $0x80, s19, s21, $0xb8;
	[tilespmem:$0x1E400] =	vst v63  }
0x23: {  	_ = 	snop  }
0x24: {  	[tilespmem:s24], [sflag:$0x2] =	stream.indirect.gather [hbm4b:s1+s21], $0x80, s23, s21, $0xb8;
	[tilespmem:$0x1E400] =	vst v63  }
0x25: {  	_ =	swait.ge [sflag:s25], $0x4000  }
0x26: {  	[sflag:s25] =	ssyncset.done $0x0  }
0x27: {  	s0 =	simm.s32 $0x15000;
	[sflag:s25] =	ssyncadd.s32 $0xFFFFC000  }
0x28: {  	[spmem:s3] =	stream.indirect.scatter.add.f32 [tilespmem:s22], [sflag:$0x3], $0x80, s0, s21, $0xb8;
	[tilespmem:$0x1E400] =	vst v63  }
0x29: {  	_ =	swait.ge [sflag:s18], $0x4000  }
0x2a: {  	[sflag:s18] =	ssyncset.done $0x0  }
0x2b: {  	s2 =	simm.s32 $0x13D00;
	[sflag:s18] =	ssyncadd.s32 $0xFFFFC000  }
0x2c: {  	[tilespmem:s22], [sflag:$0x1] =	stream.indirect.gather [hbm4b:s1+s21], $0x80, s2, s21, $0xb8;
	[tilespmem:$0x1E400] =	vst v63  }
0x2d: {  	_ =	swait.ge [sflag:s26], $0x4000  }
0x2e: {  	[sflag:s26] =	ssyncset.done $0x0  }
0x2f: {  	s2 =	simm.s32 $0x15080;
	[sflag:s26] =	ssyncadd.s32 $0xFFFFC000  }
0x30: {  	[spmem:s3] =	stream.indirect.scatter.add.f32 [tilespmem:s24], [sflag:$0x3], $0x80, s2, s21, $0xb8;
	[tilespmem:$0x1E400] =	vst v63  }
0x31: {  	_ =	swait.ge [sflag:s18], $0x4000  }
0x32: {  	[sflag:s18] =	ssyncset.done $0x0  }
0x33: {  	s31 =	simm.s32 $0x400;
	s0 =	simm.s32 $0x13D80;
	[sflag:s18] =	ssyncadd.s32 $0xFFFFC000  }
.LBB2_2:
0x34: {  	[tilespmem:s24], [sflag:$0x2] =	stream.indirect.gather [hbm4b:s1+s21], $0x80, s0, s21, $0xb8;
	[tilespmem:$0x1E400] =	vst v63  }
0x35: {  	s0 =	smov.u32 s31  }
0x36: {  	p0 =	sne.s32 s31, $0x4800;
	s31 =	sadd.s32 $0x400, s31;
	_ =	swait.ge [sflag:s25], $0x4000  }
0x37: {  	s0 =	sshra.s32 s0, $0x2;
	[sflag:s25] =	ssyncset.done $0x0  }
0x38: {  	s2 =	sadd.s32 $0x15000, s0;
	[sflag:s25] =	ssyncadd.s32 $0xFFFFC000  }
0x39: {  	[spmem:s3] =	stream.indirect.scatter.add.f32 [tilespmem:s22], [sflag:$0x3], $0x80, s2, s21, $0xb8;
	[tilespmem:$0x1E400] =	vst v63  }
0x3a: {  	_ =	swait.ge [sflag:s18], $0x4000  }
0x3b: {  	[sflag:s18] =	ssyncset.done $0x0  }
0x3c: {  	s2 =	sadd.s32 $0x13D00, s0;
	[sflag:s18] =	ssyncadd.s32 $0xFFFFC000  }
0x3d: {  	[tilespmem:s22], [sflag:$0x1] =	stream.indirect.gather [hbm4b:s1+s21], $0x80, s2, s21, $0xb8;
	[tilespmem:$0x1E400] =	vst v63  }
0x3e: {  	_ =	swait.ge [sflag:s26], $0x4000  }
0x3f: {  	[sflag:s26] =	ssyncset.done $0x0  }
.Ltmp0:
0x40: {  	s2 =	sadd.s32 $0x15080, s0;
	[sflag:s26] =	ssyncadd.s32 $0xFFFFC000;
	(pc) =	sbr.rel @p0 .LBB2_2-.Ltmp0, $4  }
0x41: {  	[spmem:s3] =	stream.indirect.scatter.add.f32 [tilespmem:s24], [sflag:$0x3], $0x80, s2, s21, $0xb8;
	[tilespmem:$0x1E400] =	vst v63  }
0x42: {  	_ =	swait.ge [sflag:s18], $0x4000  }
0x43: {  	[sflag:s18] =	ssyncset.done $0x0  }
0x44: {  	s0 =	sadd.s32 $0x13D80, s0;
	[sflag:s18] =	ssyncadd.s32 $0xFFFFC000  }
0x45: {  	[tilespmem:s24], [sflag:$0x2] =	stream.indirect.gather [hbm4b:s1+s21], $0x80, s0, s21, $0xb8;
	[tilespmem:$0x1E400] =	vst v63  }
0x46: {  	_ =	swait.ge [sflag:s25], $0x4000  }
0x47: {  	[sflag:s25] =	ssyncset.done $0x0  }
0x48: {  	[sflag:s25] =	ssyncadd.s32 $0xFFFFC000  }
0x49: {  	[spmem:s3] =	stream.indirect.scatter.add.f32 [tilespmem:s22], [sflag:$0x3], $0x80, s28, s21, $0xb8;
	[tilespmem:$0x1E400] =	vst v63  }
0x4a: {  	_ =	swait.ge [sflag:s18], $0x4000  }
0x4b: {  	[sflag:s18] =	ssyncset.done $0x0  }
0x4c: {  	[sflag:s18] =	ssyncadd.s32 $0xFFFFC000  }
0x4d: {  	_ =	swait.ge [sflag:s26], $0x4000  }
0x4e: {  	[sflag:s26] =	ssyncset.done $0x0  }
0x4f: {  	[sflag:s26] =	ssyncadd.s32 $0xFFFFC000  }
0x50: {  	[spmem:s3] =	stream.indirect.scatter.add.f32 [tilespmem:s24], [sflag:$0x3], $0x80, s29, s21, $0xb8;
	[tilespmem:$0x1E400] =	vst v63  }
0x51: {  	_ =	swait.ge [sflag:s18], $0x4000  }
0x52: {  	[sflag:s18] =	ssyncset.done $0x0  }
0x53: {  	s2 =	simm.s32 $0x0;
	[sflag:s18] =	ssyncadd.s32 $0xFFFFC000  }
0x54: {  	[tilespmem:s19], [sflag:$0x3] =	stream.linear.gather [hbm4b:s9+s2], $0x1400, $0x38;
	[tilespmem:$0x1E400] =	vst v63  }
0x55: {  	_ =	swait.ge [sflag:s18], $0x1400  }
0x56: {  	[sflag:s18] =	ssyncset.done $0x0  }
0x57: {  	[sflag:s18] =	ssyncadd.s32 $0xFFFFEC00  }
0x58: {  	[tilespmem:s20], [sflag:$0x3] =	stream.linear.gather [hbm4b:s10+s2], $0x1400, $0x38;
	[tilespmem:$0x1E400] =	vst v63  }
0x59: {  	_ =	swait.ge [sflag:s18], $0x1400  }
0x5a: {  	[sflag:s18] =	ssyncset.done $0x0  }
0x5b: {  	[sflag:s18] =	ssyncadd.s32 $0xFFFFEC00  }
0x5c: {  	[tilespmem:s22], [sflag:$0x1] =	stream.indirect.gather [hbm4b:s1+s21], $0x80, s19, s21, $0xb8;
	[tilespmem:$0x1E400] =	vst v63  }
0x5d: {  	_ = 	snop  }
0x5e: {  	[tilespmem:s24], [sflag:$0x2] =	stream.indirect.gather [hbm4b:s1+s21], $0x80, s23, s21, $0xb8;
	[tilespmem:$0x1E400] =	vst v63  }
0x5f: {  	_ =	swait.ge [sflag:s25], $0x4000  }
0x60: {  	[sflag:s25] =	ssyncset.done $0x0  }
0x61: {  	s2 =	simm.s32 $0x15000;
	[sflag:s25] =	ssyncadd.s32 $0xFFFFC000  }
0x62: {  	[spmem:s3] =	stream.indirect.scatter.add.f32 [tilespmem:s22], [sflag:$0x3], $0x80, s2, s21, $0xb8;
	[tilespmem:$0x1E400] =	vst v63  }
0x63: {  	_ =	swait.ge [sflag:s18], $0x4000  }
0x64: {  	[sflag:s18] =	ssyncset.done $0x0  }
0x65: {  	s2 =	simm.s32 $0x13D00;
	[sflag:s18] =	ssyncadd.s32 $0xFFFFC000  }
0x66: {  	[tilespmem:s22], [sflag:$0x1] =	stream.indirect.gather [hbm4b:s1+s21], $0x80, s2, s21, $0xb8;
	[tilespmem:$0x1E400] =	vst v63  }
0x67: {  	_ =	swait.ge [sflag:s26], $0x4000  }
0x68: {  	[sflag:s26] =	ssyncset.done $0x0  }
0x69: {  	s2 =	simm.s32 $0x15080;
	[sflag:s26] =	ssyncadd.s32 $0xFFFFC000  }
0x6a: {  	[spmem:s3] =	stream.indirect.scatter.add.f32 [tilespmem:s24], [sflag:$0x3], $0x80, s2, s21, $0xb8;
	[tilespmem:$0x1E400] =	vst v63  }
0x6b: {  	_ =	swait.ge [sflag:s18], $0x4000  }
0x6c: {  	[sflag:s18] =	ssyncset.done $0x0  }
0x6d: {  	s31 =	simm.s32 $0x400;
	s0 =	simm.s32 $0x13D80;
	[sflag:s18] =	ssyncadd.s32 $0xFFFFC000  }
.LBB2_4:
0x6e: {  	[tilespmem:s24], [sflag:$0x2] =	stream.indirect.gather [hbm4b:s1+s21], $0x80, s0, s21, $0xb8;
	[tilespmem:$0x1E400] =	vst v63  }
0x6f: {  	s0 =	smov.u32 s31  }
0x70: {  	p0 =	sne.s32 s31, $0x4800;
	s31 =	sadd.s32 $0x400, s31;
	_ =	swait.ge [sflag:s25], $0x4000  }
0x71: {  	s0 =	sshra.s32 s0, $0x2;
	[sflag:s25] =	ssyncset.done $0x0  }
0x72: {  	s2 =	sadd.s32 $0x15000, s0;
	[sflag:s25] =	ssyncadd.s32 $0xFFFFC000  }
0x73: {  	[spmem:s3] =	stream.indirect.scatter.add.f32 [tilespmem:s22], [sflag:$0x3], $0x80, s2, s21, $0xb8;
	[tilespmem:$0x1E400] =	vst v63  }
0x74: {  	_ =	swait.ge [sflag:s18], $0x4000  }
0x75: {  	[sflag:s18] =	ssyncset.done $0x0  }
0x76: {  	s2 =	sadd.s32 $0x13D00, s0;
	[sflag:s18] =	ssyncadd.s32 $0xFFFFC000  }
0x77: {  	[tilespmem:s22], [sflag:$0x1] =	stream.indirect.gather [hbm4b:s1+s21], $0x80, s2, s21, $0xb8;
	[tilespmem:$0x1E400] =	vst v63  }
0x78: {  	_ =	swait.ge [sflag:s26], $0x4000  }
0x79: {  	[sflag:s26] =	ssyncset.done $0x0  }
.Ltmp1:
0x7a: {  	s2 =	sadd.s32 $0x15080, s0;
	[sflag:s26] =	ssyncadd.s32 $0xFFFFC000;
	(pc) =	sbr.rel @p0 .LBB2_4-.Ltmp1, $4  }
0x7b: {  	[spmem:s3] =	stream.indirect.scatter.add.f32 [tilespmem:s24], [sflag:$0x3], $0x80, s2, s21, $0xb8;
	[tilespmem:$0x1E400] =	vst v63  }
0x7c: {  	_ =	swait.ge [sflag:s18], $0x4000  }
0x7d: {  	[sflag:s18] =	ssyncset.done $0x0  }
0x7e: {  	s0 =	sadd.s32 $0x13D80, s0;
	[sflag:s18] =	ssyncadd.s32 $0xFFFFC000  }
0x7f: {  	[tilespmem:s24], [sflag:$0x2] =	stream.indirect.gather [hbm4b:s1+s21], $0x80, s0, s21, $0xb8;
	[tilespmem:$0x1E400] =	vst v63  }
0x80: {  	_ =	swait.ge [sflag:s25], $0x4000  }
0x81: {  	[sflag:s25] =	ssyncset.done $0x0  }
0x82: {  	[sflag:s25] =	ssyncadd.s32 $0xFFFFC000  }
0x83: {  	[spmem:s3] =	stream.indirect.scatter.add.f32 [tilespmem:s22], [sflag:$0x3], $0x80, s28, s21, $0xb8;
	[tilespmem:$0x1E400] =	vst v63  }
0x84: {  	_ =	swait.ge [sflag:s18], $0x4000  }
0x85: {  	[sflag:s18] =	ssyncset.done $0x0  }
0x86: {  	[sflag:s18] =	ssyncadd.s32 $0xFFFFC000  }
0x87: {  	_ =	swait.ge [sflag:s26], $0x4000  }
0x88: {  	[sflag:s26] =	ssyncset.done $0x0  }
0x89: {  	[sflag:s26] =	ssyncadd.s32 $0xFFFFC000  }
0x8a: {  	[spmem:s3] =	stream.indirect.scatter.add.f32 [tilespmem:s24], [sflag:$0x3], $0x80, s29, s21, $0xb8;
	[tilespmem:$0x1E400] =	vst v63  }
0x8b: {  	_ =	swait.ge [sflag:s18], $0x4000  }
0x8c: {  	[sflag:s18] =	ssyncset.done $0x0  }
0x8d: {  	s2 =	simm.s32 $0x0;
	[sflag:s18] =	ssyncadd.s32 $0xFFFFC000  }
0x8e: {  	[tilespmem:s19], [sflag:$0x3] =	stream.linear.gather [hbm4b:s11+s2], $0x1400, $0x38;
	[tilespmem:$0x1E400] =	vst v63  }
0x8f: {  	_ =	swait.ge [sflag:s18], $0x1400  }
0x90: {  	[sflag:s18] =	ssyncset.done $0x0  }
0x91: {  	[sflag:s18] =	ssyncadd.s32 $0xFFFFEC00  }
0x92: {  	[tilespmem:s20], [sflag:$0x3] =	stream.linear.gather [hbm4b:s12+s2], $0x1400, $0x38;
	[tilespmem:$0x1E400] =	vst v63  }
0x93: {  	_ =	swait.ge [sflag:s18], $0x1400  }
0x94: {  	[sflag:s18] =	ssyncset.done $0x0  }
0x95: {  	[sflag:s18] =	ssyncadd.s32 $0xFFFFEC00  }
0x96: {  	[tilespmem:s22], [sflag:$0x1] =	stream.indirect.gather [hbm4b:s1+s21], $0x80, s19, s21, $0xb8;
	[tilespmem:$0x1E400] =	vst v63  }
0x97: {  	_ = 	snop  }
0x98: {  	[tilespmem:s24], [sflag:$0x2] =	stream.indirect.gather [hbm4b:s1+s21], $0x80, s23, s21, $0xb8;
	[tilespmem:$0x1E400] =	vst v63  }
0x99: {  	_ =	swait.ge [sflag:s25], $0x4000  }
0x9a: {  	[sflag:s25] =	ssyncset.done $0x0  }
0x9b: {  	s2 =	simm.s32 $0x15000;
	[sflag:s25] =	ssyncadd.s32 $0xFFFFC000  }
0x9c: {  	[spmem:s3] =	stream.indirect.scatter.add.f32 [tilespmem:s22], [sflag:$0x3], $0x80, s2, s21, $0xb8;
	[tilespmem:$0x1E400] =	vst v63  }
0x9d: {  	_ =	swait.ge [sflag:s18], $0x4000  }
0x9e: {  	[sflag:s18] =	ssyncset.done $0x0  }
0x9f: {  	s2 =	simm.s32 $0x13D00;
	[sflag:s18] =	ssyncadd.s32 $0xFFFFC000  }
0xa0: {  	[tilespmem:s22], [sflag:$0x1] =	stream.indirect.gather [hbm4b:s1+s21], $0x80, s2, s21, $0xb8;
	[tilespmem:$0x1E400] =	vst v63  }
0xa1: {  	_ =	swait.ge [sflag:s26], $0x4000  }
0xa2: {  	[sflag:s26] =	ssyncset.done $0x0  }
0xa3: {  	s2 =	simm.s32 $0x15080;
	[sflag:s26] =	ssyncadd.s32 $0xFFFFC000  }
0xa4: {  	[spmem:s3] =	stream.indirect.scatter.add.f32 [tilespmem:s24], [sflag:$0x3], $0x80, s2, s21, $0xb8;
	[tilespmem:$0x1E400] =	vst v63  }
0xa5: {  	_ =	swait.ge [sflag:s18], $0x4000  }
0xa6: {  	[sflag:s18] =	ssyncset.done $0x0  }
0xa7: {  	s31 =	simm.s32 $0x400;
	s0 =	simm.s32 $0x13D80;
	[sflag:s18] =	ssyncadd.s32 $0xFFFFC000  }
.LBB2_6:
0xa8: {  	[tilespmem:s24], [sflag:$0x2] =	stream.indirect.gather [hbm4b:s1+s21], $0x80, s0, s21, $0xb8;
	[tilespmem:$0x1E400] =	vst v63  }
0xa9: {  	s0 =	smov.u32 s31  }
0xaa: {  	p0 =	sne.s32 s31, $0x4800;
	s31 =	sadd.s32 $0x400, s31;
	_ =	swait.ge [sflag:s25], $0x4000  }
0xab: {  	s0 =	sshra.s32 s0, $0x2;
	[sflag:s25] =	ssyncset.done $0x0  }
0xac: {  	s2 =	sadd.s32 $0x15000, s0;
	[sflag:s25] =	ssyncadd.s32 $0xFFFFC000  }
0xad: {  	[spmem:s3] =	stream.indirect.scatter.add.f32 [tilespmem:s22], [sflag:$0x3], $0x80, s2, s21, $0xb8;
	[tilespmem:$0x1E400] =	vst v63  }
0xae: {  	_ =	swait.ge [sflag:s18], $0x4000  }
0xaf: {  	[sflag:s18] =	ssyncset.done $0x0  }
0xb0: {  	s2 =	sadd.s32 $0x13D00, s0;
	[sflag:s18] =	ssyncadd.s32 $0xFFFFC000  }
0xb1: {  	[tilespmem:s22], [sflag:$0x1] =	stream.indirect.gather [hbm4b:s1+s21], $0x80, s2, s21, $0xb8;
	[tilespmem:$0x1E400] =	vst v63  }
0xb2: {  	_ =	swait.ge [sflag:s26], $0x4000  }
0xb3: {  	[sflag:s26] =	ssyncset.done $0x0  }
.Ltmp2:
0xb4: {  	s2 =	sadd.s32 $0x15080, s0;
	[sflag:s26] =	ssyncadd.s32 $0xFFFFC000;
	(pc) =	sbr.rel @p0 .LBB2_6-.Ltmp2, $4  }
0xb5: {  	[spmem:s3] =	stream.indirect.scatter.add.f32 [tilespmem:s24], [sflag:$0x3], $0x80, s2, s21, $0xb8;
	[tilespmem:$0x1E400] =	vst v63  }
0xb6: {  	_ =	swait.ge [sflag:s18], $0x4000  }
0xb7: {  	[sflag:s18] =	ssyncset.done $0x0  }
0xb8: {  	s0 =	sadd.s32 $0x13D80, s0;
	[sflag:s18] =	ssyncadd.s32 $0xFFFFC000  }
0xb9: {  	[tilespmem:s24], [sflag:$0x2] =	stream.indirect.gather [hbm4b:s1+s21], $0x80, s0, s21, $0xb8;
	[tilespmem:$0x1E400] =	vst v63  }
0xba: {  	_ =	swait.ge [sflag:s25], $0x4000  }
0xbb: {  	[sflag:s25] =	ssyncset.done $0x0  }
0xbc: {  	[sflag:s25] =	ssyncadd.s32 $0xFFFFC000  }
0xbd: {  	[spmem:s3] =	stream.indirect.scatter.add.f32 [tilespmem:s22], [sflag:$0x3], $0x80, s28, s21, $0xb8;
	[tilespmem:$0x1E400] =	vst v63  }
0xbe: {  	_ =	swait.ge [sflag:s18], $0x4000  }
0xbf: {  	[sflag:s18] =	ssyncset.done $0x0  }
0xc0: {  	[sflag:s18] =	ssyncadd.s32 $0xFFFFC000  }
0xc1: {  	_ =	swait.ge [sflag:s26], $0x4000  }
0xc2: {  	[sflag:s26] =	ssyncset.done $0x0  }
0xc3: {  	[sflag:s26] =	ssyncadd.s32 $0xFFFFC000  }
0xc4: {  	[spmem:s3] =	stream.indirect.scatter.add.f32 [tilespmem:s24], [sflag:$0x3], $0x80, s29, s21, $0xb8;
	[tilespmem:$0x1E400] =	vst v63  }
0xc5: {  	_ =	swait.ge [sflag:s18], $0x4000  }
0xc6: {  	[sflag:s18] =	ssyncset.done $0x0  }
0xc7: {  	s2 =	simm.s32 $0x0;
	[sflag:s18] =	ssyncadd.s32 $0xFFFFC000  }
0xc8: {  	[tilespmem:s19], [sflag:$0x3] =	stream.linear.gather [hbm4b:s13+s2], $0x1400, $0x38;
	[tilespmem:$0x1E400] =	vst v63  }
0xc9: {  	_ =	swait.ge [sflag:s18], $0x1400  }
0xca: {  	[sflag:s18] =	ssyncset.done $0x0  }
0xcb: {  	[sflag:s18] =	ssyncadd.s32 $0xFFFFEC00  }
0xcc: {  	[tilespmem:s20], [sflag:$0x3] =	stream.linear.gather [hbm4b:s14+s2], $0x1400, $0x38;
	[tilespmem:$0x1E400] =	vst v63  }
0xcd: {  	_ =	swait.ge [sflag:s18], $0x1400  }
0xce: {  	[sflag:s18] =	ssyncset.done $0x0  }
0xcf: {  	[sflag:s18] =	ssyncadd.s32 $0xFFFFEC00  }
0xd0: {  	[tilespmem:s22], [sflag:$0x1] =	stream.indirect.gather [hbm4b:s1+s21], $0x80, s19, s21, $0xb8;
	[tilespmem:$0x1E400] =	vst v63  }
0xd1: {  	_ = 	snop  }
0xd2: {  	[tilespmem:s24], [sflag:$0x2] =	stream.indirect.gather [hbm4b:s1+s21], $0x80, s23, s21, $0xb8;
	[tilespmem:$0x1E400] =	vst v63  }
0xd3: {  	_ =	swait.ge [sflag:s25], $0x4000  }
0xd4: {  	[sflag:s25] =	ssyncset.done $0x0  }
0xd5: {  	s2 =	simm.s32 $0x15000;
	[sflag:s25] =	ssyncadd.s32 $0xFFFFC000  }
0xd6: {  	[spmem:s3] =	stream.indirect.scatter.add.f32 [tilespmem:s22], [sflag:$0x3], $0x80, s2, s21, $0xb8;
	[tilespmem:$0x1E400] =	vst v63  }
0xd7: {  	_ =	swait.ge [sflag:s18], $0x4000  }
0xd8: {  	[sflag:s18] =	ssyncset.done $0x0  }
0xd9: {  	s2 =	simm.s32 $0x13D00;
	[sflag:s18] =	ssyncadd.s32 $0xFFFFC000  }
0xda: {  	[tilespmem:s22], [sflag:$0x1] =	stream.indirect.gather [hbm4b:s1+s21], $0x80, s2, s21, $0xb8;
	[tilespmem:$0x1E400] =	vst v63  }
0xdb: {  	_ =	swait.ge [sflag:s26], $0x4000  }
0xdc: {  	[sflag:s26] =	ssyncset.done $0x0  }
0xdd: {  	s2 =	simm.s32 $0x15080;
	[sflag:s26] =	ssyncadd.s32 $0xFFFFC000  }
0xde: {  	[spmem:s3] =	stream.indirect.scatter.add.f32 [tilespmem:s24], [sflag:$0x3], $0x80, s2, s21, $0xb8;
	[tilespmem:$0x1E400] =	vst v63  }
0xdf: {  	_ =	swait.ge [sflag:s18], $0x4000  }
0xe0: {  	[sflag:s18] =	ssyncset.done $0x0  }
0xe1: {  	s31 =	simm.s32 $0x400;
	s0 =	simm.s32 $0x13D80;
	[sflag:s18] =	ssyncadd.s32 $0xFFFFC000  }
.LBB2_8:
0xe2: {  	[tilespmem:s24], [sflag:$0x2] =	stream.indirect.gather [hbm4b:s1+s21], $0x80, s0, s21, $0xb8;
	[tilespmem:$0x1E400] =	vst v63  }
0xe3: {  	s0 =	smov.u32 s31  }
0xe4: {  	p0 =	sne.s32 s31, $0x4800;
	s31 =	sadd.s32 $0x400, s31;
	_ =	swait.ge [sflag:s25], $0x4000  }
0xe5: {  	s0 =	sshra.s32 s0, $0x2;
	[sflag:s25] =	ssyncset.done $0x0  }
0xe6: {  	s2 =	sadd.s32 $0x15000, s0;
	[sflag:s25] =	ssyncadd.s32 $0xFFFFC000  }
0xe7: {  	[spmem:s3] =	stream.indirect.scatter.add.f32 [tilespmem:s22], [sflag:$0x3], $0x80, s2, s21, $0xb8;
	[tilespmem:$0x1E400] =	vst v63  }
0xe8: {  	_ =	swait.ge [sflag:s18], $0x4000  }
0xe9: {  	[sflag:s18] =	ssyncset.done $0x0  }
0xea: {  	s2 =	sadd.s32 $0x13D00, s0;
	[sflag:s18] =	ssyncadd.s32 $0xFFFFC000  }
0xeb: {  	[tilespmem:s22], [sflag:$0x1] =	stream.indirect.gather [hbm4b:s1+s21], $0x80, s2, s21, $0xb8;
	[tilespmem:$0x1E400] =	vst v63  }
0xec: {  	_ =	swait.ge [sflag:s26], $0x4000  }
0xed: {  	[sflag:s26] =	ssyncset.done $0x0  }
.Ltmp3:
0xee: {  	s2 =	sadd.s32 $0x15080, s0;
	[sflag:s26] =	ssyncadd.s32 $0xFFFFC000;
	(pc) =	sbr.rel @p0 .LBB2_8-.Ltmp3, $4  }
0xef: {  	[spmem:s3] =	stream.indirect.scatter.add.f32 [tilespmem:s24], [sflag:$0x3], $0x80, s2, s21, $0xb8;
	[tilespmem:$0x1E400] =	vst v63  }
0xf0: {  	_ =	swait.ge [sflag:s18], $0x4000  }
0xf1: {  	[sflag:s18] =	ssyncset.done $0x0  }
0xf2: {  	s0 =	sadd.s32 $0x13D80, s0;
	[sflag:s18] =	ssyncadd.s32 $0xFFFFC000  }
0xf3: {  	[tilespmem:s24], [sflag:$0x2] =	stream.indirect.gather [hbm4b:s1+s21], $0x80, s0, s21, $0xb8;
	[tilespmem:$0x1E400] =	vst v63  }
0xf4: {  	_ =	swait.ge [sflag:s25], $0x4000  }
0xf5: {  	[sflag:s25] =	ssyncset.done $0x0  }
0xf6: {  	[sflag:s25] =	ssyncadd.s32 $0xFFFFC000  }
0xf7: {  	[spmem:s3] =	stream.indirect.scatter.add.f32 [tilespmem:s22], [sflag:$0x3], $0x80, s28, s21, $0xb8;
	[tilespmem:$0x1E400] =	vst v63  }
0xf8: {  	_ =	swait.ge [sflag:s18], $0x4000  }
0xf9: {  	[sflag:s18] =	ssyncset.done $0x0  }
0xfa: {  	[sflag:s18] =	ssyncadd.s32 $0xFFFFC000  }
0xfb: {  	_ =	swait.ge [sflag:s26], $0x4000  }
0xfc: {  	[sflag:s26] =	ssyncset.done $0x0  }
0xfd: {  	[sflag:s26] =	ssyncadd.s32 $0xFFFFC000  }
0xfe: {  	[spmem:s3] =	stream.indirect.scatter.add.f32 [tilespmem:s24], [sflag:$0x3], $0x80, s29, s21, $0xb8;
	[tilespmem:$0x1E400] =	vst v63  }
0xff: {  	_ =	swait.ge [sflag:s18], $0x4000  }
0x100: {  	s30 =	sadd.s32 $0x1, s30;
	[sflag:s18] =	ssyncset.done $0x0  }
0x101: {  	p0 =	sne.s32 s30, s16;
	[sflag:s18] =	ssyncadd.s32 $0xFFFFC000  }
.Ltmp4:
0x102: {  	[bflag:$0x0] =	sbarrier.arrive $0xFFFF;
	(pc) =	sbr.rel @p0 .LBB2_1-.Ltmp4, $4  }
0x103: {  	[hbm:s15], [sflag:s6] =	dma.local [spmem:s17], $0x2780  }
0x104: {  	_ =	swait.ge [sflag:s18], $0x2780  }
0x105: {  	[sflag:s18] =	ssyncset.done $0x0  }
0x106: {  	[sflag:s18] =	ssyncadd.s32 $0xFFFFD880  }
0x107: {  	_ =	sfence.sel $0x180000  }
0x108: {  	[bflag:$0x0] =	sbarrier.arrive $0xFFFF  }
0x109: {  	_ =	strace $0x9000004A  }
0x10a: {  	s0 =	stileid.u32;
	[bflag:$0x2] =	sbarrier.arrive $0xFFFF  }
0x10b: {  	p0 =	sne.s32 s0, $0x0;
	s0 =	rddreg [dreg:$0x3]  }
0x10c: {  	s0 =	sadd.s32 @!p0 $0x100000, s0  }
0x10d: {  	[sflag:s0] =	ssyncadd.tile.s32 @!p0 $0x1;
	_ =	shalt  }
.Lfunc_end2:
_tile_overlayer_lowered:
.L_overlay_start_2:
0x10e: {  	(tag) =	ssettag $0x2  }
0x10f: {  	s0 =	rddreg [dreg:$0x0];
	s2 =	stileid.u32  }
0x110: {  	s1 =	rddreg [dreg:$0x1];
	p0 =	sne.s32 s2, $0x0  }
0x111: {  	s3 =	rddreg [dreg:$0x2];
	[bflag:$0x3] =	sbarrier.arrive $0xFFFF;
	s2 =	simm.s32 @!p0 $0x1C03  }
0x112: {  	[timem:s3], [sflag:s2] =	dma.local @!p0 [hbm:s0], s1  }
0x113: {  	s0 =	simm.s32 @!p0 $0x3  }
0x114: {  	_ =	swait.ge @!p0 [sflag:s0], s1  }
0x115: {  	s1 =	ssub.s32 @!p0 $0x0, s1;
	[sflag:s0] =	ssyncset.done @!p0 $0x0  }
0x116: {  	[sflag:s0] =	ssyncadd.s32 @!p0 s1  }
0x117: {  	[bflag:$0x3] =	sbarrier.arrive $0xFFFF  }
0x118: {  	_ =	shalt  }

</sc_bundles>
